<compile_context>
chip_gen: v7x
topology: tpu7x:2x2x1
jax: 0.10.2.dev20260603
libtpu: 0.0.44.dev20260713+nightly
codegen_flags: <defaults>
</compile_context>

<pallas_src>
import functools

import jax
import jax.numpy as jnp
from jax import lax
from jax.experimental import pallas as pl
from jax.experimental.pallas import tpu as pltpu
from jax.experimental.pallas import tpu_sc as plsc

N = 10000
E = 160000
D = 256
HALF = 128
PW = 64
G = 64
C = 10

NP = 10240
EP = 163840
BR = 512
NTILES = 16
RPT = NP // NTILES
NCH_H = 40
CH = 128
NCH_A = 80
NBUF = 2

f32 = jnp.float32
u32 = jnp.uint32
i32 = jnp.int32


def _hist_body(dst_hbm, ones_hbm, zeros_hbm, out_hbm, idx_v, ones_v, hist_sp):
    c = lax.axis_index("c")
    s = lax.axis_index("s")
    wid = c * NTILES + s
    pltpu.sync_copy(ones_hbm, ones_v)
    pltpu.sync_copy(zeros_hbm.at[pl.ds(s * RPT, RPT)],
                    hist_sp.at[pl.ds(s * RPT, RPT)])
    pltpu.sync_copy(dst_hbm.at[wid], idx_v)
    plsc.subcore_barrier()

    def body(j, carry):
        pltpu.sync_copy(ones_v, hist_sp.at[idx_v.at[j]], add=True)
        return carry

    lax.fori_loop(0, NCH_H, body, 0)
    plsc.subcore_barrier()
    pltpu.sync_copy(hist_sp.at[pl.ds(s * RPT, RPT)],
                    out_hbm.at[c, pl.ds(s * RPT, RPT)])


def _agg_body(ya_hbm, yb_hbm, src_hbm, dst_hbm, zeros_hbm, outa, outb,
              srcv, dstv, rows, stag, s_sp, semg0, semg1, semg2, semg3):
    c = lax.axis_index("c")
    s = lax.axis_index("s")
    pltpu.sync_copy(zeros_hbm.at[pl.ds(s * RPT, RPT)],
                    s_sp.at[pl.ds(s * RPT, RPT)])
    plsc.subcore_barrier()
    semg = (semg0, semg1)
    stage_ch = NCH_A // 2

    def unpack_chunk(p):
        def rowbody(r, carry):
            mask_hi = jnp.full((16,), -65536, i32)
            sixteen = jnp.full((16,), 16, i32)
            for g in range(PW // 16):
                w = rows[p * CH + r, pl.ds(g * 16, 16)]
                lo = lax.bitcast_convert_type(lax.shift_left(w, sixteen), f32)
                hi = lax.bitcast_convert_type(jnp.bitwise_and(w, mask_hi), f32)
                stag[r, pl.ds(g * 16, 16)] = lo
                stag[r, pl.ds(PW + g * 16, 16)] = hi
            return carry

        lax.fori_loop(0, CH, rowbody, 0)

    def run(y_ref, out_ref):
        for h in range(2):
            pltpu.sync_copy(src_hbm.at[s, pl.ds(h * stage_ch, stage_ch)], srcv)
            pltpu.sync_copy(dst_hbm.at[s, pl.ds(h * stage_ch, stage_ch)], dstv)
            for p in range(NBUF - 1):
                pltpu.async_copy(y_ref.at[srcv.at[p]], rows.at[pl.ds(p * CH, CH)], semg[p])

            def outer(k, carry):
                for p in range(NBUF):
                    j = NBUF * k + p
                    pltpu.make_async_copy(y_ref.at[srcv.at[j]],
                                          rows.at[pl.ds(p * CH, CH)],
                                          semg[p]).wait()
                    nxt = j + NBUF - 1

                    @pl.when(nxt < stage_ch)
                    def _():
                        q = (p + NBUF - 1) % NBUF
                        pltpu.async_copy(y_ref.at[srcv.at[nxt]],
                                         rows.at[pl.ds(q * CH, CH)], semg[q])

                    unpack_chunk(p)
                    pltpu.sync_copy(stag, s_sp.at[dstv.at[j]], add=True)
                return carry

            lax.fori_loop(0, stage_ch // NBUF, outer, 0)
        plsc.subcore_barrier()
        pltpu.sync_copy(s_sp.at[pl.ds(s * RPT, RPT)],
                        out_ref.at[pl.ds(s * RPT, RPT)])

    @pl.when(c == 0)
    def _():
        run(ya_hbm, outa)

    @pl.when(c == 1)
    def _():
        run(yb_hbm, outb)


@functools.cache
def _sc_kernels():
    mesh = plsc.VectorSubcoreMesh(core_axis_name="c", subcore_axis_name="s")
    hist = pl.kernel(
        _hist_body,
        out_type=jax.ShapeDtypeStruct((2, NP, 16), f32),
        mesh=mesh,
        compiler_params=pltpu.CompilerParams(use_tc_tiling_on_sc=False),
        scratch_types=[
            pltpu.VMEM((NCH_H, 128), i32),
            pltpu.VMEM((128, 16), f32),
            pltpu.VMEM_SHARED((NP, 16), f32),
        ],
    )
    agg = pl.kernel(
        _agg_body,
        out_type=[jax.ShapeDtypeStruct((NP, HALF), f32),
                  jax.ShapeDtypeStruct((NP, HALF), f32)],
        mesh=mesh,
        compiler_params=pltpu.CompilerParams(use_tc_tiling_on_sc=False),
        scratch_types=[
            pltpu.VMEM((NCH_A // 2, CH), i32),
            pltpu.VMEM((NCH_A // 2, CH), i32),
            pltpu.VMEM((NBUF * CH, PW), i32),
            pltpu.VMEM((CH, HALF), f32),
            pltpu.VMEM_SHARED((NP, HALF), f32),
            pltpu.SemaphoreType.DMA,
            pltpu.SemaphoreType.DMA,
            pltpu.SemaphoreType.DMA,
            pltpu.SemaphoreType.DMA,
        ],
    )
    return hist, agg



def _pack_half(y_half):

    def rne(v):
        u = lax.bitcast_convert_type(v, u32)
        return (u + 0x7FFF + ((u >> 16) & 1)) >> 16

    packed = rne(y_half[:, :PW]) | (rne(y_half[:, PW:]) << 16)
    return lax.bitcast_convert_type(packed, i32)


def _unpack_half(p_ref):
    u = lax.bitcast_convert_type(p_ref[...], u32)
    lo = lax.bitcast_convert_type(u << 16, f32)
    hi = lax.bitcast_convert_type(u & u32(0xFFFF0000), f32)
    return jnp.concatenate([lo, hi], axis=1)


def _mm1_body(x_ref, w_ref, h_ref, ya_ref, yb_ref, dis_ref):
    deg = h_ref[0][:, 0:1] + h_ref[1][:, 0:1] + 1.0
    dis = lax.rsqrt(deg)
    y = jnp.dot(x_ref[...], w_ref[...], preferred_element_type=f32) * dis
    ya_ref[...] = _pack_half(y[:, :HALF])
    yb_ref[...] = _pack_half(y[:, HALF:])
    dis_ref[...] = jnp.broadcast_to(dis, (BR, HALF))


_mm1 = pl.pallas_call(
    _mm1_body,
    grid=(NP // BR,),
    in_specs=[
        pl.BlockSpec((BR, D), lambda i: (i, 0)),
        pl.BlockSpec((D, D), lambda i: (0, 0)),
        pl.BlockSpec((2, BR, 16), lambda i: (0, i, 0)),
    ],
    out_specs=[
        pl.BlockSpec((BR, PW), lambda i: (i, 0)),
        pl.BlockSpec((BR, PW), lambda i: (i, 0)),
        pl.BlockSpec((BR, HALF), lambda i: (i, 0)),
    ],
    out_shape=[
        jax.ShapeDtypeStruct((NP, PW), i32),
        jax.ShapeDtypeStruct((NP, PW), i32),
        jax.ShapeDtypeStruct((NP, HALF), f32),
    ],
)


def _mm2_body(sa_ref, sb_ref, ya_ref, yb_ref, dis_ref, b_ref, w_ref,
              oa_ref, ob_ref):
    dis = dis_ref[...]
    ha = (sa_ref[...] + _unpack_half(ya_ref)) * dis
    hb = (sb_ref[...] + _unpack_half(yb_ref)) * dis
    h = jnp.maximum(jnp.concatenate([ha, hb], axis=1) + b_ref[...], 0.0)
    y2 = jnp.dot(h, w_ref[...], preferred_element_type=f32)
    oa_ref[...] = _pack_half(y2[:, :HALF] * dis)
    ob_ref[...] = _pack_half(y2[:, HALF:] * dis)


_mm2 = pl.pallas_call(
    _mm2_body,
    grid=(NP // BR,),
    in_specs=[
        pl.BlockSpec((BR, HALF), lambda i: (i, 0)),
        pl.BlockSpec((BR, HALF), lambda i: (i, 0)),
        pl.BlockSpec((BR, PW), lambda i: (i, 0)),
        pl.BlockSpec((BR, PW), lambda i: (i, 0)),
        pl.BlockSpec((BR, HALF), lambda i: (i, 0)),
        pl.BlockSpec((1, D), lambda i: (0, 0)),
        pl.BlockSpec((D, D), lambda i: (0, 0)),
    ],
    out_specs=[
        pl.BlockSpec((BR, PW), lambda i: (i, 0)),
        pl.BlockSpec((BR, PW), lambda i: (i, 0)),
    ],
    out_shape=[
        jax.ShapeDtypeStruct((NP, PW), i32),
        jax.ShapeDtypeStruct((NP, PW), i32),
    ],
)


def _fin_body(sa_ref, sb_ref, ya_ref, yb_ref, dis_ref, b_ref, batch_ref,
              wfc_ref, bfc_ref, out_ref, acc, cnt):
    i = pl.program_id(0)

    @pl.when(i == 0)
    def _():
        acc[...] = jnp.zeros_like(acc)
        cnt[...] = jnp.zeros_like(cnt)

    dis = dis_ref[...]
    ha = (sa_ref[...] + _unpack_half(ya_ref)) * dis
    hb = (sb_ref[...] + _unpack_half(yb_ref)) * dis
    h = jnp.maximum(jnp.concatenate([ha, hb], axis=1) + b_ref[...], 0.0)
    gid = lax.broadcasted_iota(i32, (G, BR), 0)
    onehot = (gid == batch_ref[...]).astype(f32)
    acc[...] += jnp.dot(onehot, h, preferred_element_type=f32)
    cnt[...] += jnp.broadcast_to(
        jnp.sum(onehot, axis=1, keepdims=True), (G, D))

    @pl.when(i == NP // BR - 1)
    def _():
        g = acc[...] / jnp.maximum(cnt[...], 1.0)
        out_ref[...] = (jnp.dot(g, wfc_ref[...], preferred_element_type=f32)
                        + bfc_ref[...])


_fin = pl.pallas_call(
    _fin_body,
    grid=(NP // BR,),
    in_specs=[
        pl.BlockSpec((BR, HALF), lambda i: (i, 0)),
        pl.BlockSpec((BR, HALF), lambda i: (i, 0)),
        pl.BlockSpec((BR, PW), lambda i: (i, 0)),
        pl.BlockSpec((BR, PW), lambda i: (i, 0)),
        pl.BlockSpec((BR, HALF), lambda i: (i, 0)),
        pl.BlockSpec((1, D), lambda i: (0, 0)),
        pl.BlockSpec((1, BR), lambda i: (0, i)),
        pl.BlockSpec((D, HALF), lambda i: (0, 0)),
        pl.BlockSpec((1, HALF), lambda i: (0, 0)),
    ],
    out_specs=pl.BlockSpec((G, HALF), lambda i: (0, 0)),
    out_shape=jax.ShapeDtypeStruct((G, HALF), f32),
    scratch_shapes=[pltpu.VMEM((G, D), f32), pltpu.VMEM((G, D), f32)],
)



@jax.jit
def kernel(x, edge_index, batch, W1, b1, W2, b2, Wfc, bfc):
    xp = jnp.zeros((NP, D), f32).at[:N, :].set(x.astype(f32))
    src = edge_index[0].astype(i32)
    dst = edge_index[1].astype(i32)
    srcp = jnp.full((EP,), NP - 1, i32).at[:E].set(src)
    dstp = jnp.full((EP,), NP - 1, i32).at[:E].set(dst)
    dst32 = dstp.reshape(32, NCH_H, 128)
    src16 = srcp.reshape(NTILES, NCH_A, CH)
    dst16 = dstp.reshape(NTILES, NCH_A, CH)
    ones_h = jnp.ones((128, 16), f32)
    zeros16 = jnp.zeros((NP, 16), f32)
    zeros_h = jnp.zeros((NP, HALF), f32)
    batch_row = jnp.full((1, NP), G, i32).at[0, :N].set(batch.astype(i32))
    b1r = b1.reshape(1, D).astype(f32)
    b2r = b2.reshape(1, D).astype(f32)
    wfc_p = jnp.zeros((D, HALF), f32).at[:, :C].set(Wfc.astype(f32))
    bfc_p = jnp.zeros((1, HALF), f32).at[0, :C].set(bfc.astype(f32))

    hist_k, agg_k = _sc_kernels()
    hist = hist_k(dst32, ones_h, zeros16)
    ya, yb, dis = _mm1(xp, W1.astype(f32), hist)
    s1a, s1b = agg_k(ya, yb, src16, dst16, zeros_h)
    y2a, y2b = _mm2(s1a, s1b, ya, yb, dis, b1r, W2.astype(f32))
    s2a, s2b = agg_k(y2a, y2b, src16, dst16, zeros_h)
    outp = _fin(s2a, s2b, y2a, y2b, dis, b2r, batch_row, wfc_p, bfc_p)
    return outp[:, :C]

# --- scband reference (transcript-rebuilt; emitter-appended) ---
"""Pipeline reference for scband-gnnclassifier-16716012716366 (READ-ONLY COPY).

The authoritative reference and input builder live on the scoring server;
editing this copy changes nothing except your own understanding.
"""

import jax, jax.numpy as jnp
import numpy as np

N = 10000
E = 160000
IN_DIM = 256
HIDDEN = 256
NUM_CLASSES = 10
NUM_GRAPHS = 64


def setup_inputs(seed: int = 0) -> dict:
    key = jax.random.key(seed)
    ks = jax.random.split(key, 10)
    x = jax.random.normal(ks[0], (N, IN_DIM), dtype=jnp.float32)
    edge_index = jax.random.randint(ks[1], (2, E), 0, N)
    batch = jnp.sort(jax.random.randint(ks[2], (N,), 0, NUM_GRAPHS))
    W1 = jax.random.normal(ks[3], (IN_DIM, HIDDEN), dtype=jnp.float32) / np.sqrt(IN_DIM)
    b1 = jnp.zeros((HIDDEN,), dtype=jnp.float32)
    W2 = jax.random.normal(ks[4], (HIDDEN, HIDDEN), dtype=jnp.float32) / np.sqrt(HIDDEN)
    b2 = jnp.zeros((HIDDEN,), dtype=jnp.float32)
    Wfc = jax.random.normal(ks[5], (HIDDEN, NUM_CLASSES), dtype=jnp.float32) / np.sqrt(HIDDEN)
    bfc = jnp.zeros((NUM_CLASSES,), dtype=jnp.float32)
    return {"x": x, "edge_index": edge_index, "batch": batch, "W1": W1, "b1": b1, "W2": W2, "b2": b2, "Wfc": Wfc, "bfc": bfc}


def _gcn_conv(x, edge_index, W, b):
    n = x.shape[0]
    xw = x @ W
    src = edge_index[0]
    dst = edge_index[1]
    loop = jnp.arange(n, dtype=src.dtype)
    src = jnp.concatenate([src, loop])
    dst = jnp.concatenate([dst, loop])
    ones = jnp.ones(src.shape[0], dtype=x.dtype)
    deg = jax.ops.segment_sum(ones, dst, num_segments=n)
    deg_inv_sqrt = jnp.where(deg > 0, jax.lax.rsqrt(jnp.maximum(deg, 1e-12)), 0.0)
    norm = deg_inv_sqrt[src] * deg_inv_sqrt[dst]
    msg = xw[src] * norm[:, None]
    agg = jax.ops.segment_sum(msg, dst, num_segments=n)
    return agg + b


def _global_mean_pool(h, batch, num_graphs):
    sums = jax.ops.segment_sum(h, batch, num_segments=num_graphs)
    counts = jax.ops.segment_sum(jnp.ones(h.shape[0], dtype=h.dtype), batch, num_segments=num_graphs)
    return sums / jnp.maximum(counts, 1.0)[:, None]


def reference(x, edge_index, batch, W1, b1, W2, b2, Wfc, bfc):
    h = _gcn_conv(x, edge_index, W1, b1)
    h = jax.nn.relu(h)
    h = _gcn_conv(h, edge_index, W2, b2)
    h = jax.nn.relu(h)
    g = _global_mean_pool(h, batch, NUM_GRAPHS)
    out = g @ Wfc + bfc
    return out

if __name__ == "__main__":
    import jax
    _d = setup_inputs()
    print(jax.jit(kernel)(*tuple(_d.values())))

</pallas_src>

<mosaic_0001>
#map = affine_map<(d0, d1) -> (0, 0, 0)>
#map1 = affine_map<(d0, d1) -> (0, 0)>
module attributes {stable_mosaic.version = 14 : i64} {
  func.func @_hist_body(%arg0: i32, %arg1: i32, %arg2: memref<32x40x128xi32, #tpu.memory_space<hbm>>, %arg3: memref<128x16xf32, #tpu.memory_space<hbm>>, %arg4: memref<10240x16xf32, #tpu.memory_space<hbm>>, %arg5: memref<2x10240x16xf32, #tpu.memory_space<hbm>>, %arg6: memref<40x128xi32, #tpu.memory_space<vmem>>, %arg7: memref<128x16xf32, #tpu.memory_space<vmem>>, %arg8: memref<10240x16xf32, #tpu.memory_space<vmem_shared>>) attributes {dimension_semantics = [#tpu.dimension_semantics<core_parallel>, #tpu.dimension_semantics<subcore_parallel>], iteration_bounds = array<i64: 2, 16>, scalar_prefetch = 0 : i64, scratch_operands = 3 : i64, tpu.core_type = #tpu.core_type<sc_vector_subcore>, window_params = [{transform_indices = #map}, {transform_indices = #map1}, {transform_indices = #map1}, {transform_indices = #map}]} {
    %mul3A = arith.constant 16 : i32
    %mul3A_0 = arith.muli %arg0, %mul3A : i32
    %add3A = arith.addi %mul3A_0, %arg1 : i32
    "tpu.region"() ({
      %run_scoped3A = tpu.sem_alloc : memref<!tpu.dma_semaphore, #tpu.memory_space<semaphore_mem>>
      tpu.enqueue_dma source(%arg3 : memref<128x16xf32, #tpu.memory_space<hbm>>) target(%arg7 : memref<128x16xf32, #tpu.memory_space<vmem>>) target_semaphore(%run_scoped3A : memref<!tpu.dma_semaphore, #tpu.memory_space<semaphore_mem>>)
      tpu.wait_dma2 semaphore(%run_scoped3A : memref<!tpu.dma_semaphore, #tpu.memory_space<semaphore_mem>>) src(%arg3 : memref<128x16xf32, #tpu.memory_space<hbm>>) dst(%arg7 : memref<128x16xf32, #tpu.memory_space<vmem>>)
      tpu.yield
    }) : () -> ()
    %mul3A_1 = arith.constant 640 : i32
    %mul3A_2 = arith.muli %arg1, %mul3A_1 : i32
    %mul3A_3 = arith.constant 640 : i32
    %mul3A_4 = arith.muli %arg1, %mul3A_3 : i32
    "tpu.region"() ({
      %run_scoped3A = tpu.sem_alloc : memref<!tpu.dma_semaphore, #tpu.memory_space<semaphore_mem>>
      %dma_start3A = arith.constant 0 : i32
      %dma_start3A_15 = tpu.memref_slice %arg8[%mul3A_4, %dma_start3A] : memref<10240x16xf32, #tpu.memory_space<vmem_shared>> -> memref<640x16xf32, #tpu.memory_space<vmem_shared>>
      %dma_start3A_16 = arith.constant 0 : i32
      %dma_start3A_17 = tpu.memref_slice %arg4[%mul3A_2, %dma_start3A_16] : memref<10240x16xf32, #tpu.memory_space<hbm>> -> memref<640x16xf32, #tpu.memory_space<hbm>>
      tpu.enqueue_dma source(%dma_start3A_17 : memref<640x16xf32, #tpu.memory_space<hbm>>) target(%dma_start3A_15 : memref<640x16xf32, #tpu.memory_space<vmem_shared>>) target_semaphore(%run_scoped3A : memref<!tpu.dma_semaphore, #tpu.memory_space<semaphore_mem>>)
      %dma_wait3A = arith.constant 0 : i32
      %dma_wait3A_18 = tpu.memref_slice %arg8[%mul3A_4, %dma_wait3A] : memref<10240x16xf32, #tpu.memory_space<vmem_shared>> -> memref<640x16xf32, #tpu.memory_space<vmem_shared>>
      %dma_wait3A_19 = arith.constant 0 : i32
      %dma_wait3A_20 = tpu.memref_slice %arg4[%mul3A_2, %dma_wait3A_19] : memref<10240x16xf32, #tpu.memory_space<hbm>> -> memref<640x16xf32, #tpu.memory_space<hbm>>
      tpu.wait_dma2 semaphore(%run_scoped3A : memref<!tpu.dma_semaphore, #tpu.memory_space<semaphore_mem>>) src(%dma_wait3A_20 : memref<640x16xf32, #tpu.memory_space<hbm>>) dst(%dma_wait3A_18 : memref<640x16xf32, #tpu.memory_space<vmem_shared>>)
      tpu.yield
    }) : () -> ()
    "tpu.region"() ({
      %run_scoped3A = tpu.sem_alloc : memref<!tpu.dma_semaphore, #tpu.memory_space<semaphore_mem>>
      %dma_start3A = arith.constant 0 : i32
      %dma_start3A_15 = arith.constant 0 : i32
      %dma_start3A_16 = tpu.memref_slice %arg2[%add3A, %dma_start3A, %dma_start3A_15] : memref<32x40x128xi32, #tpu.memory_space<hbm>> -> memref<1x40x128xi32, #tpu.memory_space<hbm>>
      %dma_start3A_17 = tpu.memref_squeeze %dma_start3A_16 : memref<1x40x128xi32, #tpu.memory_space<hbm>> -> memref<40x128xi32, #tpu.memory_space<hbm>>
      %dma_start3A_18 = arith.constant 0 : i32
      %dma_start3A_19 = arith.constant 0 : i32
      %dma_start3A_20 = tpu.memref_slice %arg2[%add3A, %dma_start3A_18, %dma_start3A_19] : memref<32x40x128xi32, #tpu.memory_space<hbm>> -> memref<1x40x128xi32, #tpu.memory_space<hbm>>
      %dma_start3A_21 = tpu.memref_squeeze %dma_start3A_20 : memref<1x40x128xi32, #tpu.memory_space<hbm>> -> memref<40x128xi32, #tpu.memory_space<hbm>>
      tpu.enqueue_dma source(%dma_start3A_21 : memref<40x128xi32, #tpu.memory_space<hbm>>) target(%arg6 : memref<40x128xi32, #tpu.memory_space<vmem>>) target_semaphore(%run_scoped3A : memref<!tpu.dma_semaphore, #tpu.memory_space<semaphore_mem>>)
      %dma_wait3A = arith.constant 0 : i32
      %dma_wait3A_22 = arith.constant 0 : i32
      %dma_wait3A_23 = tpu.memref_slice %arg2[%add3A, %dma_wait3A, %dma_wait3A_22] : memref<32x40x128xi32, #tpu.memory_space<hbm>> -> memref<1x40x128xi32, #tpu.memory_space<hbm>>
      %dma_wait3A_24 = tpu.memref_squeeze %dma_wait3A_23 : memref<1x40x128xi32, #tpu.memory_space<hbm>> -> memref<40x128xi32, #tpu.memory_space<hbm>>
      %dma_wait3A_25 = arith.constant 0 : i32
      %dma_wait3A_26 = arith.constant 0 : i32
      %dma_wait3A_27 = tpu.memref_slice %arg2[%add3A, %dma_wait3A_25, %dma_wait3A_26] : memref<32x40x128xi32, #tpu.memory_space<hbm>> -> memref<1x40x128xi32, #tpu.memory_space<hbm>>
      %dma_wait3A_28 = tpu.memref_squeeze %dma_wait3A_27 : memref<1x40x128xi32, #tpu.memory_space<hbm>> -> memref<40x128xi32, #tpu.memory_space<hbm>>
      tpu.wait_dma2 semaphore(%run_scoped3A : memref<!tpu.dma_semaphore, #tpu.memory_space<semaphore_mem>>) src(%dma_wait3A_28 : memref<40x128xi32, #tpu.memory_space<hbm>>) dst(%arg6 : memref<40x128xi32, #tpu.memory_space<vmem>>)
      tpu.yield
    }) : () -> ()
    %barrier3A = arith.constant 0 : index
    tpu.barrier barrier_id(%barrier3A)
    %scan3A = arith.constant 0 : i32
    %scan3A_5 = arith.constant 0 : i32
    %scan3A_6 = arith.constant 40 : i32
    %scan3A_7 = arith.addi %scan3A_5, %scan3A_6 : i32
    %scan3A_8 = arith.constant 1 : i32
    scf.for %scan3A_15 = %scan3A_5 to %scan3A_7 step %scan3A_8  : i32 {
      "tpu.region"() ({
        %run_scoped3A = tpu.sem_alloc : memref<!tpu.dma_semaphore, #tpu.memory_space<semaphore_mem>>
        %dma_start3A = arith.constant 0 : i32
        %dma_start3A_16 = tpu.memref_slice %arg6[%scan3A_15, %dma_start3A] : memref<40x128xi32, #tpu.memory_space<vmem>> -> memref<1x128xi32, #tpu.memory_space<vmem>>
        %dma_start3A_17 = tpu.memref_squeeze %dma_start3A_16 : memref<1x128xi32, #tpu.memory_space<vmem>> -> memref<128xi32, #tpu.memory_space<vmem>>
        %dma_start3A_18 = arith.constant 0 : i32
        %dma_start3A_19 = arith.constant 0 : i32
        %dma_start3A_20 = tpu.memref_slice %arg8[%dma_start3A_18, %dma_start3A_19] : memref<10240x16xf32, #tpu.memory_space<vmem_shared>> -> memref<10240x16xf32, #tpu.memory_space<vmem_shared>>
        tpu.enqueue_indirect_dma source(%arg7 : memref<128x16xf32, #tpu.memory_space<vmem>>) target(%dma_start3A_20 : memref<10240x16xf32, #tpu.memory_space<vmem_shared>>) offsets(%dma_start3A_17 : memref<128xi32, #tpu.memory_space<vmem>>) semaphore(%run_scoped3A : memref<!tpu.dma_semaphore, #tpu.memory_space<semaphore_mem>>) {add = true}
        %dma_wait3A = arith.constant 0 : i32
        %dma_wait3A_21 = tpu.memref_slice %arg6[%scan3A_15, %dma_wait3A] : memref<40x128xi32, #tpu.memory_space<vmem>> -> memref<1x128xi32, #tpu.memory_space<vmem>>
        %dma_wait3A_22 = tpu.memref_squeeze %dma_wait3A_21 : memref<1x128xi32, #tpu.memory_space<vmem>> -> memref<128xi32, #tpu.memory_space<vmem>>
        %dma_wait3A_23 = arith.constant 0 : i32
        %dma_wait3A_24 = arith.constant 0 : i32
        %dma_wait3A_25 = tpu.memref_slice %arg8[%dma_wait3A_23, %dma_wait3A_24] : memref<10240x16xf32, #tpu.memory_space<vmem_shared>> -> memref<10240x16xf32, #tpu.memory_space<vmem_shared>>
        tpu.wait_indirect_dma semaphore(%run_scoped3A : memref<!tpu.dma_semaphore, #tpu.memory_space<semaphore_mem>>) src(%arg7 : memref<128x16xf32, #tpu.memory_space<vmem>>) dst(%dma_wait3A_25 : memref<10240x16xf32, #tpu.memory_space<vmem_shared>>)
        tpu.yield
      }) : () -> ()
    }
    %scan3A_9 = arith.constant 40 : i32
    %barrier3A_10 = arith.constant 0 : index
    tpu.barrier barrier_id(%barrier3A_10)
    %mul3A_11 = arith.constant 640 : i32
    %mul3A_12 = arith.muli %arg1, %mul3A_11 : i32
    %mul3A_13 = arith.constant 640 : i32
    %mul3A_14 = arith.muli %arg1, %mul3A_13 : i32
    "tpu.region"() ({
      %run_scoped3A = tpu.sem_alloc : memref<!tpu.dma_semaphore, #tpu.memory_space<semaphore_mem>>
      %dma_start3A = arith.constant 0 : i32
      %dma_start3A_15 = tpu.memref_slice %arg5[%arg0, %mul3A_14, %dma_start3A] : memref<2x10240x16xf32, #tpu.memory_space<hbm>> -> memref<1x640x16xf32, #tpu.memory_space<hbm>>
      %dma_start3A_16 = tpu.memref_squeeze %dma_start3A_15 : memref<1x640x16xf32, #tpu.memory_space<hbm>> -> memref<640x16xf32, #tpu.memory_space<hbm>>
      %dma_start3A_17 = arith.constant 0 : i32
      %dma_start3A_18 = tpu.memref_slice %arg8[%mul3A_12, %dma_start3A_17] : memref<10240x16xf32, #tpu.memory_space<vmem_shared>> -> memref<640x16xf32, #tpu.memory_space<vmem_shared>>
      tpu.enqueue_dma source(%dma_start3A_18 : memref<640x16xf32, #tpu.memory_space<vmem_shared>>) target(%dma_start3A_16 : memref<640x16xf32, #tpu.memory_space<hbm>>) target_semaphore(%run_scoped3A : memref<!tpu.dma_semaphore, #tpu.memory_space<semaphore_mem>>)
      %dma_wait3A = arith.constant 0 : i32
      %dma_wait3A_19 = tpu.memref_slice %arg5[%arg0, %mul3A_14, %dma_wait3A] : memref<2x10240x16xf32, #tpu.memory_space<hbm>> -> memref<1x640x16xf32, #tpu.memory_space<hbm>>
      %dma_wait3A_20 = tpu.memref_squeeze %dma_wait3A_19 : memref<1x640x16xf32, #tpu.memory_space<hbm>> -> memref<640x16xf32, #tpu.memory_space<hbm>>
      %dma_wait3A_21 = arith.constant 0 : i32
      %dma_wait3A_22 = tpu.memref_slice %arg8[%mul3A_12, %dma_wait3A_21] : memref<10240x16xf32, #tpu.memory_space<vmem_shared>> -> memref<640x16xf32, #tpu.memory_space<vmem_shared>>
      tpu.wait_dma2 semaphore(%run_scoped3A : memref<!tpu.dma_semaphore, #tpu.memory_space<semaphore_mem>>) src(%dma_wait3A_22 : memref<640x16xf32, #tpu.memory_space<vmem_shared>>) dst(%dma_wait3A_20 : memref<640x16xf32, #tpu.memory_space<hbm>>)
      tpu.yield
    }) : () -> ()
    return
  }
}

#map = affine_map<(d0, d1) -> (0, 0)>
#map1 = affine_map<(d0, d1) -> (0, 0, 0)>
module attributes {stable_mosaic.version = 14 : i64} {
  func.func @_agg_body(%arg0: i32, %arg1: i32, %arg2: memref<10240x64xi32, #tpu.memory_space<hbm>>, %arg3: memref<10240x64xi32, #tpu.memory_space<hbm>>, %arg4: memref<16x80x128xi32, #tpu.memory_space<hbm>>, %arg5: memref<16x80x128xi32, #tpu.memory_space<hbm>>, %arg6: memref<10240x128xf32, #tpu.memory_space<hbm>>, %arg7: memref<10240x128xf32, #tpu.memory_space<hbm>>, %arg8: memref<10240x128xf32, #tpu.memory_space<hbm>>, %arg9: memref<40x128xi32, #tpu.memory_space<vmem>>, %arg10: memref<40x128xi32, #tpu.memory_space<vmem>>, %arg11: memref<256x64xi32, #tpu.memory_space<vmem>>, %arg12: memref<128x128xf32, #tpu.memory_space<vmem>>, %arg13: memref<10240x128xf32, #tpu.memory_space<vmem_shared>>, %arg14: memref<!tpu.dma_semaphore, #tpu.memory_space<semaphore_mem>>, %arg15: memref<!tpu.dma_semaphore, #tpu.memory_space<semaphore_mem>>, %arg16: memref<!tpu.dma_semaphore, #tpu.memory_space<semaphore_mem>>, %arg17: memref<!tpu.dma_semaphore, #tpu.memory_space<semaphore_mem>>) attributes {dimension_semantics = [#tpu.dimension_semantics<core_parallel>, #tpu.dimension_semantics<subcore_parallel>], iteration_bounds = array<i64: 2, 16>, scalar_prefetch = 0 : i64, scratch_operands = 9 : i64, tpu.core_type = #tpu.core_type<sc_vector_subcore>, window_params = [{transform_indices = #map}, {transform_indices = #map}, {transform_indices = #map1}, {transform_indices = #map1}, {transform_indices = #map}, {transform_indices = #map}, {transform_indices = #map}]} {
    %mul3A = arith.constant 640 : i32
    %mul3A_0 = arith.muli %arg1, %mul3A : i32
    %mul3A_1 = arith.constant 640 : i32
    %mul3A_2 = arith.muli %arg1, %mul3A_1 : i32
    "tpu.region"() ({
      %run_scoped3A = tpu.sem_alloc : memref<!tpu.dma_semaphore, #tpu.memory_space<semaphore_mem>>
      %dma_start3A = arith.constant 0 : i32
      %dma_start3A_10 = tpu.memref_slice %arg13[%mul3A_2, %dma_start3A] : memref<10240x128xf32, #tpu.memory_space<vmem_shared>> -> memref<640x128xf32, #tpu.memory_space<vmem_shared>>
      %dma_start3A_11 = arith.constant 0 : i32
      %dma_start3A_12 = tpu.memref_slice %arg6[%mul3A_0, %dma_start3A_11] : memref<10240x128xf32, #tpu.memory_space<hbm>> -> memref<640x128xf32, #tpu.memory_space<hbm>>
      tpu.enqueue_dma source(%dma_start3A_12 : memref<640x128xf32, #tpu.memory_space<hbm>>) target(%dma_start3A_10 : memref<640x128xf32, #tpu.memory_space<vmem_shared>>) target_semaphore(%run_scoped3A : memref<!tpu.dma_semaphore, #tpu.memory_space<semaphore_mem>>)
      %dma_wait3A = arith.constant 0 : i32
      %dma_wait3A_13 = tpu.memref_slice %arg13[%mul3A_2, %dma_wait3A] : memref<10240x128xf32, #tpu.memory_space<vmem_shared>> -> memref<640x128xf32, #tpu.memory_space<vmem_shared>>
      %dma_wait3A_14 = arith.constant 0 : i32
      %dma_wait3A_15 = tpu.memref_slice %arg6[%mul3A_0, %dma_wait3A_14] : memref<10240x128xf32, #tpu.memory_space<hbm>> -> memref<640x128xf32, #tpu.memory_space<hbm>>
      tpu.wait_dma2 semaphore(%run_scoped3A : memref<!tpu.dma_semaphore, #tpu.memory_space<semaphore_mem>>) src(%dma_wait3A_15 : memref<640x128xf32, #tpu.memory_space<hbm>>) dst(%dma_wait3A_13 : memref<640x128xf32, #tpu.memory_space<vmem_shared>>)
      tpu.yield
    }) : () -> ()
    %barrier3A = arith.constant 0 : index
    tpu.barrier barrier_id(%barrier3A)
    %eq3A = arith.constant 0 : i32
    %eq3A_3 = arith.cmpi eq, %arg0, %eq3A : i32
    %convert_element_type3A = arith.extui %eq3A_3 : i1 to i32
    %cond3A = arith.constant 0 : i32
    %cond3A_4 = arith.cmpi ne, %convert_element_type3A, %cond3A : i32
    scf.if %cond3A_4 {
      "tpu.region"() ({
        %run_scoped3A = tpu.sem_alloc : memref<!tpu.dma_semaphore, #tpu.memory_space<semaphore_mem>>
        %dma_start3A_45 = arith.constant 0 : i32
        %dma_start3A_46 = arith.constant 0 : i32
        %dma_start3A_47 = tpu.memref_slice %arg4[%arg1, %dma_start3A_45, %dma_start3A_46] : memref<16x80x128xi32, #tpu.memory_space<hbm>> -> memref<1x40x128xi32, #tpu.memory_space<hbm>>
        %dma_start3A_48 = tpu.memref_squeeze %dma_start3A_47 : memref<1x40x128xi32, #tpu.memory_space<hbm>> -> memref<40x128xi32, #tpu.memory_space<hbm>>
        %dma_start3A_49 = arith.constant 0 : i32
        %dma_start3A_50 = arith.constant 0 : i32
        %dma_start3A_51 = tpu.memref_slice %arg4[%arg1, %dma_start3A_49, %dma_start3A_50] : memref<16x80x128xi32, #tpu.memory_space<hbm>> -> memref<1x40x128xi32, #tpu.memory_space<hbm>>
        %dma_start3A_52 = tpu.memref_squeeze %dma_start3A_51 : memref<1x40x128xi32, #tpu.memory_space<hbm>> -> memref<40x128xi32, #tpu.memory_space<hbm>>
        tpu.enqueue_dma source(%dma_start3A_52 : memref<40x128xi32, #tpu.memory_space<hbm>>) target(%arg9 : memref<40x128xi32, #tpu.memory_space<vmem>>) target_semaphore(%run_scoped3A : memref<!tpu.dma_semaphore, #tpu.memory_space<semaphore_mem>>)
        %dma_wait3A = arith.constant 0 : i32
        %dma_wait3A_53 = arith.constant 0 : i32
        %dma_wait3A_54 = tpu.memref_slice %arg4[%arg1, %dma_wait3A, %dma_wait3A_53] : memref<16x80x128xi32, #tpu.memory_space<hbm>> -> memref<1x40x128xi32, #tpu.memory_space<hbm>>
        %dma_wait3A_55 = tpu.memref_squeeze %dma_wait3A_54 : memref<1x40x128xi32, #tpu.memory_space<hbm>> -> memref<40x128xi32, #tpu.memory_space<hbm>>
        %dma_wait3A_56 = arith.constant 0 : i32
        %dma_wait3A_57 = arith.constant 0 : i32
        %dma_wait3A_58 = tpu.memref_slice %arg4[%arg1, %dma_wait3A_56, %dma_wait3A_57] : memref<16x80x128xi32, #tpu.memory_space<hbm>> -> memref<1x40x128xi32, #tpu.memory_space<hbm>>
        %dma_wait3A_59 = tpu.memref_squeeze %dma_wait3A_58 : memref<1x40x128xi32, #tpu.memory_space<hbm>> -> memref<40x128xi32, #tpu.memory_space<hbm>>
        tpu.wait_dma2 semaphore(%run_scoped3A : memref<!tpu.dma_semaphore, #tpu.memory_space<semaphore_mem>>) src(%dma_wait3A_59 : memref<40x128xi32, #tpu.memory_space<hbm>>) dst(%arg9 : memref<40x128xi32, #tpu.memory_space<vmem>>)
        tpu.yield
      }) : () -> ()
      "tpu.region"() ({
        %run_scoped3A = tpu.sem_alloc : memref<!tpu.dma_semaphore, #tpu.memory_space<semaphore_mem>>
        %dma_start3A_45 = arith.constant 0 : i32
        %dma_start3A_46 = arith.constant 0 : i32
        %dma_start3A_47 = tpu.memref_slice %arg5[%arg1, %dma_start3A_45, %dma_start3A_46] : memref<16x80x128xi32, #tpu.memory_space<hbm>> -> memref<1x40x128xi32, #tpu.memory_space<hbm>>
        %dma_start3A_48 = tpu.memref_squeeze %dma_start3A_47 : memref<1x40x128xi32, #tpu.memory_space<hbm>> -> memref<40x128xi32, #tpu.memory_space<hbm>>
        %dma_start3A_49 = arith.constant 0 : i32
        %dma_start3A_50 = arith.constant 0 : i32
        %dma_start3A_51 = tpu.memref_slice %arg5[%arg1, %dma_start3A_49, %dma_start3A_50] : memref<16x80x128xi32, #tpu.memory_space<hbm>> -> memref<1x40x128xi32, #tpu.memory_space<hbm>>
        %dma_start3A_52 = tpu.memref_squeeze %dma_start3A_51 : memref<1x40x128xi32, #tpu.memory_space<hbm>> -> memref<40x128xi32, #tpu.memory_space<hbm>>
        tpu.enqueue_dma source(%dma_start3A_52 : memref<40x128xi32, #tpu.memory_space<hbm>>) target(%arg10 : memref<40x128xi32, #tpu.memory_space<vmem>>) target_semaphore(%run_scoped3A : memref<!tpu.dma_semaphore, #tpu.memory_space<semaphore_mem>>)
        %dma_wait3A = arith.constant 0 : i32
        %dma_wait3A_53 = arith.constant 0 : i32
        %dma_wait3A_54 = tpu.memref_slice %arg5[%arg1, %dma_wait3A, %dma_wait3A_53] : memref<16x80x128xi32, #tpu.memory_space<hbm>> -> memref<1x40x128xi32, #tpu.memory_space<hbm>>
        %dma_wait3A_55 = tpu.memref_squeeze %dma_wait3A_54 : memref<1x40x128xi32, #tpu.memory_space<hbm>> -> memref<40x128xi32, #tpu.memory_space<hbm>>
        %dma_wait3A_56 = arith.constant 0 : i32
        %dma_wait3A_57 = arith.constant 0 : i32
        %dma_wait3A_58 = tpu.memref_slice %arg5[%arg1, %dma_wait3A_56, %dma_wait3A_57] : memref<16x80x128xi32, #tpu.memory_space<hbm>> -> memref<1x40x128xi32, #tpu.memory_space<hbm>>
        %dma_wait3A_59 = tpu.memref_squeeze %dma_wait3A_58 : memref<1x40x128xi32, #tpu.memory_space<hbm>> -> memref<40x128xi32, #tpu.memory_space<hbm>>
        tpu.wait_dma2 semaphore(%run_scoped3A : memref<!tpu.dma_semaphore, #tpu.memory_space<semaphore_mem>>) src(%dma_wait3A_59 : memref<40x128xi32, #tpu.memory_space<hbm>>) dst(%arg10 : memref<40x128xi32, #tpu.memory_space<vmem>>)
        tpu.yield
      }) : () -> ()
      %dma_start3A = arith.constant 0 : i32
      %dma_start3A_10 = arith.constant 0 : i32
      %dma_start3A_11 = arith.constant 0 : i32
      %dma_start3A_12 = tpu.memref_slice %arg11[%dma_start3A_10, %dma_start3A_11] : memref<256x64xi32, #tpu.memory_space<vmem>> -> memref<128x64xi32, #tpu.memory_space<vmem>>
      %dma_start3A_13 = arith.constant 0 : i32
      %dma_start3A_14 = tpu.memref_slice %arg9[%dma_start3A, %dma_start3A_13] : memref<40x128xi32, #tpu.memory_space<vmem>> -> memref<1x128xi32, #tpu.memory_space<vmem>>
      %dma_start3A_15 = tpu.memref_squeeze %dma_start3A_14 : memref<1x128xi32, #tpu.memory_space<vmem>> -> memref<128xi32, #tpu.memory_space<vmem>>
      %dma_start3A_16 = arith.constant 0 : i32
      %dma_start3A_17 = arith.constant 0 : i32
      %dma_start3A_18 = tpu.memref_slice %arg2[%dma_start3A_16, %dma_start3A_17] : memref<10240x64xi32, #tpu.memory_space<hbm>> -> memref<10240x64xi32, #tpu.memory_space<hbm>>
      tpu.enqueue_indirect_dma source(%dma_start3A_18 : memref<10240x64xi32, #tpu.memory_space<hbm>>) target(%dma_start3A_12 : memref<128x64xi32, #tpu.memory_space<vmem>>) offsets(%dma_start3A_15 : memref<128xi32, #tpu.memory_space<vmem>>) semaphore(%arg14 : memref<!tpu.dma_semaphore, #tpu.memory_space<semaphore_mem>>)
      %scan3A = arith.constant 0 : i32
      %scan3A_19 = arith.constant 0 : i32
      %scan3A_20 = arith.constant 20 : i32
      %scan3A_21 = arith.addi %scan3A_19, %scan3A_20 : i32
      %scan3A_22 = arith.constant 1 : i32
      scf.for %scan3A_45 = %scan3A_19 to %scan3A_21 step %scan3A_22  : i32 {
        %mul3A_46 = arith.constant 2 : i32
        %mul3A_47 = arith.muli %mul3A_46, %scan3A_45 : i32
        %add3A = arith.constant 0 : i32
        %add3A_48 = arith.addi %mul3A_47, %add3A : i32
        %dma_wait3A = arith.constant 0 : i32
        %dma_wait3A_49 = arith.constant 0 : i32
        %dma_wait3A_50 = tpu.memref_slice %arg11[%dma_wait3A, %dma_wait3A_49] : memref<256x64xi32, #tpu.memory_space<vmem>> -> memref<128x64xi32, #tpu.memory_space<vmem>>
        %dma_wait3A_51 = arith.constant 0 : i32
        %dma_wait3A_52 = tpu.memref_slice %arg9[%add3A_48, %dma_wait3A_51] : memref<40x128xi32, #tpu.memory_space<vmem>> -> memref<1x128xi32, #tpu.memory_space<vmem>>
        %dma_wait3A_53 = tpu.memref_squeeze %dma_wait3A_52 : memref<1x128xi32, #tpu.memory_space<vmem>> -> memref<128xi32, #tpu.memory_space<vmem>>
        %dma_wait3A_54 = arith.constant 0 : i32
        %dma_wait3A_55 = arith.constant 0 : i32
        %dma_wait3A_56 = tpu.memref_slice %arg2[%dma_wait3A_54, %dma_wait3A_55] : memref<10240x64xi32, #tpu.memory_space<hbm>> -> memref<10240x64xi32, #tpu.memory_space<hbm>>
        tpu.wait_indirect_dma semaphore(%arg14 : memref<!tpu.dma_semaphore, #tpu.memory_space<semaphore_mem>>) src(%dma_wait3A_56 : memref<10240x64xi32, #tpu.memory_space<hbm>>) dst(%dma_wait3A_50 : memref<128x64xi32, #tpu.memory_space<vmem>>)
        %add3A_57 = arith.constant 2 : i32
        %add3A_58 = arith.addi %add3A_48, %add3A_57 : i32
        %sub3A = arith.constant 1 : i32
        %sub3A_59 = arith.subi %add3A_58, %sub3A : i32
        %lt3A = arith.constant 40 : i32
        %lt3A_60 = arith.cmpi slt, %sub3A_59, %lt3A : i32
        %convert_element_type3A_61 = arith.extui %lt3A_60 : i1 to i32
        %cond3A_62 = arith.constant 0 : i32
        %cond3A_63 = arith.cmpi ne, %convert_element_type3A_61, %cond3A_62 : i32
        scf.if %cond3A_63 {
          %dma_start3A_98 = arith.constant 128 : i32
          %dma_start3A_99 = arith.constant 0 : i32
          %dma_start3A_100 = tpu.memref_slice %arg11[%dma_start3A_98, %dma_start3A_99] : memref<256x64xi32, #tpu.memory_space<vmem>> -> memref<128x64xi32, #tpu.memory_space<vmem>>
          %dma_start3A_101 = arith.constant 0 : i32
          %dma_start3A_102 = tpu.memref_slice %arg9[%sub3A_59, %dma_start3A_101] : memref<40x128xi32, #tpu.memory_space<vmem>> -> memref<1x128xi32, #tpu.memory_space<vmem>>
          %dma_start3A_103 = tpu.memref_squeeze %dma_start3A_102 : memref<1x128xi32, #tpu.memory_space<vmem>> -> memref<128xi32, #tpu.memory_space<vmem>>
          %dma_start3A_104 = arith.constant 0 : i32
          %dma_start3A_105 = arith.constant 0 : i32
          %dma_start3A_106 = tpu.memref_slice %arg2[%dma_start3A_104, %dma_start3A_105] : memref<10240x64xi32, #tpu.memory_space<hbm>> -> memref<10240x64xi32, #tpu.memory_space<hbm>>
          tpu.enqueue_indirect_dma source(%dma_start3A_106 : memref<10240x64xi32, #tpu.memory_space<hbm>>) target(%dma_start3A_100 : memref<128x64xi32, #tpu.memory_space<vmem>>) offsets(%dma_start3A_103 : memref<128xi32, #tpu.memory_space<vmem>>) semaphore(%arg15 : memref<!tpu.dma_semaphore, #tpu.memory_space<semaphore_mem>>)
        } else {
        }
        %scan3A_64 = arith.constant 0 : i32
        %scan3A_65 = arith.constant 0 : i32
        %scan3A_66 = arith.constant 128 : i32
        %scan3A_67 = arith.addi %scan3A_65, %scan3A_66 : i32
        %scan3A_68 = arith.constant 1 : i32
        scf.for %scan3A_98 = %scan3A_65 to %scan3A_67 step %scan3A_68  : i32 {
          %broadcast_in_dim3A = arith.constant -65536 : i32
          %broadcast_in_dim3A_99 = vector.broadcast %broadcast_in_dim3A : i32 to vector<16xi32>
          %broadcast_in_dim3A_100 = arith.constant 16 : i32
          %broadcast_in_dim3A_101 = vector.broadcast %broadcast_in_dim3A_100 : i32 to vector<16xi32>
          %add3A_102 = arith.constant 0 : i32
          %add3A_103 = arith.addi %add3A_102, %scan3A_98 : i32
          %get3A = arith.index_cast %add3A_103 : i32 to index
          %get3A_104 = arith.constant 0 : index
          %get3A_105 = tpu.vector_load %arg11[%get3A, %get3A_104] {strides = array<i32>} : memref<256x64xi32, #tpu.memory_space<vmem>>, vector<1x16xi32>,
          %get3A_106 = vector.shape_cast %get3A_105 : vector<1x16xi32> to vector<16xi32>
          %shift_left3A = arith.shli %get3A_106, %broadcast_in_dim3A_101 : vector<16xi32>
          %bitcast_convert_type3A = tpu.bitcast %shift_left3A : vector<16xi32> -> vector<16xf32>
          %and3A = arith.andi %get3A_106, %broadcast_in_dim3A_99 : vector<16xi32>
          %bitcast_convert_type3A_107 = tpu.bitcast %and3A : vector<16xi32> -> vector<16xf32>
          %swap3A = arith.index_cast %scan3A_98 : i32 to index
          %swap3A_108 = arith.constant 0 : index
          %swap3A_109 = tpu.vector_load %arg12[%swap3A, %swap3A_108] {strides = array<i32>} : memref<128x128xf32, #tpu.memory_space<vmem>>, vector<1x16xf32>,
          %swap3A_110 = vector.shape_cast %swap3A_109 : vector<1x16xf32> to vector<16xf32>
          %swap3A_111 = vector.shape_cast %bitcast_convert_type3A : vector<16xf32> to vector<1x16xf32>
          tpu.vector_store %arg12[%swap3A, %swap3A_108], %swap3A_111 {strides = array<i32>} : memref<128x128xf32, #tpu.memory_space<vmem>>, vector<1x16xf32>,
          %swap3A_112 = arith.index_cast %scan3A_98 : i32 to index
          %swap3A_113 = arith.constant 64 : index
          %swap3A_114 = tpu.vector_load %arg12[%swap3A_112, %swap3A_113] {strides = array<i32>} : memref<128x128xf32, #tpu.memory_space<vmem>>, vector<1x16xf32>,
          %swap3A_115 = vector.shape_cast %swap3A_114 : vector<1x16xf32> to vector<16xf32>
          %swap3A_116 = vector.shape_cast %bitcast_convert_type3A_107 : vector<16xf32> to vector<1x16xf32>
          tpu.vector_store %arg12[%swap3A_112, %swap3A_113], %swap3A_116 {strides = array<i32>} : memref<128x128xf32, #tpu.memory_space<vmem>>, vector<1x16xf32>,
          %add3A_117 = arith.constant 0 : i32
          %add3A_118 = arith.addi %add3A_117, %scan3A_98 : i32
          %get3A_119 = arith.index_cast %add3A_118 : i32 to index
          %get3A_120 = arith.constant 16 : index
          %get3A_121 = tpu.vector_load %arg11[%get3A_119, %get3A_120] {strides = array<i32>} : memref<256x64xi32, #tpu.memory_space<vmem>>, vector<1x16xi32>,
          %get3A_122 = vector.shape_cast %get3A_121 : vector<1x16xi32> to vector<16xi32>
          %shift_left3A_123 = arith.shli %get3A_122, %broadcast_in_dim3A_101 : vector<16xi32>
          %bitcast_convert_type3A_124 = tpu.bitcast %shift_left3A_123 : vector<16xi32> -> vector<16xf32>
          %and3A_125 = arith.andi %get3A_122, %broadcast_in_dim3A_99 : vector<16xi32>
          %bitcast_convert_type3A_126 = tpu.bitcast %and3A_125 : vector<16xi32> -> vector<16xf32>
          %swap3A_127 = arith.index_cast %scan3A_98 : i32 to index
          %swap3A_128 = arith.constant 16 : index
          %swap3A_129 = tpu.vector_load %arg12[%swap3A_127, %swap3A_128] {strides = array<i32>} : memref<128x128xf32, #tpu.memory_space<vmem>>, vector<1x16xf32>,
          %swap3A_130 = vector.shape_cast %swap3A_129 : vector<1x16xf32> to vector<16xf32>
          %swap3A_131 = vector.shape_cast %bitcast_convert_type3A_124 : vector<16xf32> to vector<1x16xf32>
          tpu.vector_store %arg12[%swap3A_127, %swap3A_128], %swap3A_131 {strides = array<i32>} : memref<128x128xf32, #tpu.memory_space<vmem>>, vector<1x16xf32>,
          %swap3A_132 = arith.index_cast %scan3A_98 : i32 to index
          %swap3A_133 = arith.constant 80 : index
          %swap3A_134 = tpu.vector_load %arg12[%swap3A_132, %swap3A_133] {strides = array<i32>} : memref<128x128xf32, #tpu.memory_space<vmem>>, vector<1x16xf32>,
          %swap3A_135 = vector.shape_cast %swap3A_134 : vector<1x16xf32> to vector<16xf32>
          %swap3A_136 = vector.shape_cast %bitcast_convert_type3A_126 : vector<16xf32> to vector<1x16xf32>
          tpu.vector_store %arg12[%swap3A_132, %swap3A_133], %swap3A_136 {strides = array<i32>} : memref<128x128xf32, #tpu.memory_space<vmem>>, vector<1x16xf32>,
          %add3A_137 = arith.constant 0 : i32
          %add3A_138 = arith.addi %add3A_137, %scan3A_98 : i32
          %get3A_139 = arith.index_cast %add3A_138 : i32 to index
          %get3A_140 = arith.constant 32 : index
          %get3A_141 = tpu.vector_load %arg11[%get3A_139, %get3A_140] {strides = array<i32>} : memref<256x64xi32, #tpu.memory_space<vmem>>, vector<1x16xi32>,
          %get3A_142 = vector.shape_cast %get3A_141 : vector<1x16xi32> to vector<16xi32>
          %shift_left3A_143 = arith.shli %get3A_142, %broadcast_in_dim3A_101 : vector<16xi32>
          %bitcast_convert_type3A_144 = tpu.bitcast %shift_left3A_143 : vector<16xi32> -> vector<16xf32>
          %and3A_145 = arith.andi %get3A_142, %broadcast_in_dim3A_99 : vector<16xi32>
          %bitcast_convert_type3A_146 = tpu.bitcast %and3A_145 : vector<16xi32> -> vector<16xf32>
          %swap3A_147 = arith.index_cast %scan3A_98 : i32 to index
          %swap3A_148 = arith.constant 32 : index
          %swap3A_149 = tpu.vector_load %arg12[%swap3A_147, %swap3A_148] {strides = array<i32>} : memref<128x128xf32, #tpu.memory_space<vmem>>, vector<1x16xf32>,
          %swap3A_150 = vector.shape_cast %swap3A_149 : vector<1x16xf32> to vector<16xf32>
          %swap3A_151 = vector.shape_cast %bitcast_convert_type3A_144 : vector<16xf32> to vector<1x16xf32>
          tpu.vector_store %arg12[%swap3A_147, %swap3A_148], %swap3A_151 {strides = array<i32>} : memref<128x128xf32, #tpu.memory_space<vmem>>, vector<1x16xf32>,
          %swap3A_152 = arith.index_cast %scan3A_98 : i32 to index
          %swap3A_153 = arith.constant 96 : index
          %swap3A_154 = tpu.vector_load %arg12[%swap3A_152, %swap3A_153] {strides = array<i32>} : memref<128x128xf32, #tpu.memory_space<vmem>>, vector<1x16xf32>,
          %swap3A_155 = vector.shape_cast %swap3A_154 : vector<1x16xf32> to vector<16xf32>
          %swap3A_156 = vector.shape_cast %bitcast_convert_type3A_146 : vector<16xf32> to vector<1x16xf32>
          tpu.vector_store %arg12[%swap3A_152, %swap3A_153], %swap3A_156 {strides = array<i32>} : memref<128x128xf32, #tpu.memory_space<vmem>>, vector<1x16xf32>,
          %add3A_157 = arith.constant 0 : i32
          %add3A_158 = arith.addi %add3A_157, %scan3A_98 : i32
          %get3A_159 = arith.index_cast %add3A_158 : i32 to index
          %get3A_160 = arith.constant 48 : index
          %get3A_161 = tpu.vector_load %arg11[%get3A_159, %get3A_160] {strides = array<i32>} : memref<256x64xi32, #tpu.memory_space<vmem>>, vector<1x16xi32>,
          %get3A_162 = vector.shape_cast %get3A_161 : vector<1x16xi32> to vector<16xi32>
          %shift_left3A_163 = arith.shli %get3A_162, %broadcast_in_dim3A_101 : vector<16xi32>
          %bitcast_convert_type3A_164 = tpu.bitcast %shift_left3A_163 : vector<16xi32> -> vector<16xf32>
          %and3A_165 = arith.andi %get3A_162, %broadcast_in_dim3A_99 : vector<16xi32>
          %bitcast_convert_type3A_166 = tpu.bitcast %and3A_165 : vector<16xi32> -> vector<16xf32>
          %swap3A_167 = arith.index_cast %scan3A_98 : i32 to index
          %swap3A_168 = arith.constant 48 : index
          %swap3A_169 = tpu.vector_load %arg12[%swap3A_167, %swap3A_168] {strides = array<i32>} : memref<128x128xf32, #tpu.memory_space<vmem>>, vector<1x16xf32>,
          %swap3A_170 = vector.shape_cast %swap3A_169 : vector<1x16xf32> to vector<16xf32>
          %swap3A_171 = vector.shape_cast %bitcast_convert_type3A_164 : vector<16xf32> to vector<1x16xf32>
          tpu.vector_store %arg12[%swap3A_167, %swap3A_168], %swap3A_171 {strides = array<i32>} : memref<128x128xf32, #tpu.memory_space<vmem>>, vector<1x16xf32>,
          %swap3A_172 = arith.index_cast %scan3A_98 : i32 to index
          %swap3A_173 = arith.constant 112 : index
          %swap3A_174 = tpu.vector_load %arg12[%swap3A_172, %swap3A_173] {strides = array<i32>} : memref<128x128xf32, #tpu.memory_space<vmem>>, vector<1x16xf32>,
          %swap3A_175 = vector.shape_cast %swap3A_174 : vector<1x16xf32> to vector<16xf32>
          %swap3A_176 = vector.shape_cast %bitcast_convert_type3A_166 : vector<16xf32> to vector<1x16xf32>
          tpu.vector_store %arg12[%swap3A_172, %swap3A_173], %swap3A_176 {strides = array<i32>} : memref<128x128xf32, #tpu.memory_space<vmem>>, vector<1x16xf32>,
        }
        %scan3A_69 = arith.constant 128 : i32
        "tpu.region"() ({
          %run_scoped3A = tpu.sem_alloc : memref<!tpu.dma_semaphore, #tpu.memory_space<semaphore_mem>>
          %dma_start3A_98 = arith.constant 0 : i32
          %dma_start3A_99 = tpu.memref_slice %arg10[%add3A_48, %dma_start3A_98] : memref<40x128xi32, #tpu.memory_space<vmem>> -> memref<1x128xi32, #tpu.memory_space<vmem>>
          %dma_start3A_100 = tpu.memref_squeeze %dma_start3A_99 : memref<1x128xi32, #tpu.memory_space<vmem>> -> memref<128xi32, #tpu.memory_space<vmem>>
          %dma_start3A_101 = arith.constant 0 : i32
          %dma_start3A_102 = arith.constant 0 : i32
          %dma_start3A_103 = tpu.memref_slice %arg13[%dma_start3A_101, %dma_start3A_102] : memref<10240x128xf32, #tpu.memory_space<vmem_shared>> -> memref<10240x128xf32, #tpu.memory_space<vmem_shared>>
          tpu.enqueue_indirect_dma source(%arg12 : memref<128x128xf32, #tpu.memory_space<vmem>>) target(%dma_start3A_103 : memref<10240x128xf32, #tpu.memory_space<vmem_shared>>) offsets(%dma_start3A_100 : memref<128xi32, #tpu.memory_space<vmem>>) semaphore(%run_scoped3A : memref<!tpu.dma_semaphore, #tpu.memory_space<semaphore_mem>>) {add = true}
          %dma_wait3A_104 = arith.constant 0 : i32
          %dma_wait3A_105 = tpu.memref_slice %arg10[%add3A_48, %dma_wait3A_104] : memref<40x128xi32, #tpu.memory_space<vmem>> -> memref<1x128xi32, #tpu.memory_space<vmem>>
          %dma_wait3A_106 = tpu.memref_squeeze %dma_wait3A_105 : memref<1x128xi32, #tpu.memory_space<vmem>> -> memref<128xi32, #tpu.memory_space<vmem>>
          %dma_wait3A_107 = arith.constant 0 : i32
          %dma_wait3A_108 = arith.constant 0 : i32
          %dma_wait3A_109 = tpu.memref_slice %arg13[%dma_wait3A_107, %dma_wait3A_108] : memref<10240x128xf32, #tpu.memory_space<vmem_shared>> -> memref<10240x128xf32, #tpu.memory_space<vmem_shared>>
          tpu.wait_indirect_dma semaphore(%run_scoped3A : memref<!tpu.dma_semaphore, #tpu.memory_space<semaphore_mem>>) src(%arg12 : memref<128x128xf32, #tpu.memory_space<vmem>>) dst(%dma_wait3A_109 : memref<10240x128xf32, #tpu.memory_space<vmem_shared>>)
          tpu.yield
        }) : () -> ()
        %mul3A_70 = arith.constant 2 : i32
        %mul3A_71 = arith.muli %mul3A_70, %scan3A_45 : i32
        %add3A_72 = arith.constant 1 : i32
        %add3A_73 = arith.addi %mul3A_71, %add3A_72 : i32
        %dma_wait3A_74 = arith.constant 128 : i32
        %dma_wait3A_75 = arith.constant 0 : i32
        %dma_wait3A_76 = tpu.memref_slice %arg11[%dma_wait3A_74, %dma_wait3A_75] : memref<256x64xi32, #tpu.memory_space<vmem>> -> memref<128x64xi32, #tpu.memory_space<vmem>>
        %dma_wait3A_77 = arith.constant 0 : i32
        %dma_wait3A_78 = tpu.memref_slice %arg9[%add3A_73, %dma_wait3A_77] : memref<40x128xi32, #tpu.memory_space<vmem>> -> memref<1x128xi32, #tpu.memory_space<vmem>>
        %dma_wait3A_79 = tpu.memref_squeeze %dma_wait3A_78 : memref<1x128xi32, #tpu.memory_space<vmem>> -> memref<128xi32, #tpu.memory_space<vmem>>
        %dma_wait3A_80 = arith.constant 0 : i32
        %dma_wait3A_81 = arith.constant 0 : i32
        %dma_wait3A_82 = tpu.memref_slice %arg2[%dma_wait3A_80, %dma_wait3A_81] : memref<10240x64xi32, #tpu.memory_space<hbm>> -> memref<10240x64xi32, #tpu.memory_space<hbm>>
        tpu.wait_indirect_dma semaphore(%arg15 : memref<!tpu.dma_semaphore, #tpu.memory_space<semaphore_mem>>) src(%dma_wait3A_82 : memref<10240x64xi32, #tpu.memory_space<hbm>>) dst(%dma_wait3A_76 : memref<128x64xi32, #tpu.memory_space<vmem>>)
        %add3A_83 = arith.constant 2 : i32
        %add3A_84 = arith.addi %add3A_73, %add3A_83 : i32
        %sub3A_85 = arith.constant 1 : i32
        %sub3A_86 = arith.subi %add3A_84, %sub3A_85 : i32
        %lt3A_87 = arith.constant 40 : i32
        %lt3A_88 = arith.cmpi slt, %sub3A_86, %lt3A_87 : i32
        %convert_element_type3A_89 = arith.extui %lt3A_88 : i1 to i32
        %cond3A_90 = arith.constant 0 : i32
        %cond3A_91 = arith.cmpi ne, %convert_element_type3A_89, %cond3A_90 : i32
        scf.if %cond3A_91 {
          %dma_start3A_98 = arith.constant 0 : i32
          %dma_start3A_99 = arith.constant 0 : i32
          %dma_start3A_100 = tpu.memref_slice %arg11[%dma_start3A_98, %dma_start3A_99] : memref<256x64xi32, #tpu.memory_space<vmem>> -> memref<128x64xi32, #tpu.memory_space<vmem>>
          %dma_start3A_101 = arith.constant 0 : i32
          %dma_start3A_102 = tpu.memref_slice %arg9[%sub3A_86, %dma_start3A_101] : memref<40x128xi32, #tpu.memory_space<vmem>> -> memref<1x128xi32, #tpu.memory_space<vmem>>
          %dma_start3A_103 = tpu.memref_squeeze %dma_start3A_102 : memref<1x128xi32, #tpu.memory_space<vmem>> -> memref<128xi32, #tpu.memory_space<vmem>>
          %dma_start3A_104 = arith.constant 0 : i32
          %dma_start3A_105 = arith.constant 0 : i32
          %dma_start3A_106 = tpu.memref_slice %arg2[%dma_start3A_104, %dma_start3A_105] : memref<10240x64xi32, #tpu.memory_space<hbm>> -> memref<10240x64xi32, #tpu.memory_space<hbm>>
          tpu.enqueue_indirect_dma source(%dma_start3A_106 : memref<10240x64xi32, #tpu.memory_space<hbm>>) target(%dma_start3A_100 : memref<128x64xi32, #tpu.memory_space<vmem>>) offsets(%dma_start3A_103 : memref<128xi32, #tpu.memory_space<vmem>>) semaphore(%arg14 : memref<!tpu.dma_semaphore, #tpu.memory_space<semaphore_mem>>)
        } else {
        }
        %scan3A_92 = arith.constant 0 : i32
        %scan3A_93 = arith.constant 0 : i32
        %scan3A_94 = arith.constant 128 : i32
        %scan3A_95 = arith.addi %scan3A_93, %scan3A_94 : i32
        %scan3A_96 = arith.constant 1 : i32
        scf.for %scan3A_98 = %scan3A_93 to %scan3A_95 step %scan3A_96  : i32 {
          %broadcast_in_dim3A = arith.constant -65536 : i32
          %broadcast_in_dim3A_99 = vector.broadcast %broadcast_in_dim3A : i32 to vector<16xi32>
          %broadcast_in_dim3A_100 = arith.constant 16 : i32
          %broadcast_in_dim3A_101 = vector.broadcast %broadcast_in_dim3A_100 : i32 to vector<16xi32>
          %add3A_102 = arith.constant 128 : i32
          %add3A_103 = arith.addi %add3A_102, %scan3A_98 : i32
          %get3A = arith.index_cast %add3A_103 : i32 to index
          %get3A_104 = arith.constant 0 : index
          %get3A_105 = tpu.vector_load %arg11[%get3A, %get3A_104] {strides = array<i32>} : memref<256x64xi32, #tpu.memory_space<vmem>>, vector<1x16xi32>,
          %get3A_106 = vector.shape_cast %get3A_105 : vector<1x16xi32> to vector<16xi32>
          %shift_left3A = arith.shli %get3A_106, %broadcast_in_dim3A_101 : vector<16xi32>
          %bitcast_convert_type3A = tpu.bitcast %shift_left3A : vector<16xi32> -> vector<16xf32>
          %and3A = arith.andi %get3A_106, %broadcast_in_dim3A_99 : vector<16xi32>
          %bitcast_convert_type3A_107 = tpu.bitcast %and3A : vector<16xi32> -> vector<16xf32>
          %swap3A = arith.index_cast %scan3A_98 : i32 to index
          %swap3A_108 = arith.constant 0 : index
          %swap3A_109 = tpu.vector_load %arg12[%swap3A, %swap3A_108] {strides = array<i32>} : memref<128x128xf32, #tpu.memory_space<vmem>>, vector<1x16xf32>,
          %swap3A_110 = vector.shape_cast %swap3A_109 : vector<1x16xf32> to vector<16xf32>
          %swap3A_111 = vector.shape_cast %bitcast_convert_type3A : vector<16xf32> to vector<1x16xf32>
          tpu.vector_store %arg12[%swap3A, %swap3A_108], %swap3A_111 {strides = array<i32>} : memref<128x128xf32, #tpu.memory_space<vmem>>, vector<1x16xf32>,
          %swap3A_112 = arith.index_cast %scan3A_98 : i32 to index
          %swap3A_113 = arith.constant 64 : index
          %swap3A_114 = tpu.vector_load %arg12[%swap3A_112, %swap3A_113] {strides = array<i32>} : memref<128x128xf32, #tpu.memory_space<vmem>>, vector<1x16xf32>,
          %swap3A_115 = vector.shape_cast %swap3A_114 : vector<1x16xf32> to vector<16xf32>
          %swap3A_116 = vector.shape_cast %bitcast_convert_type3A_107 : vector<16xf32> to vector<1x16xf32>
          tpu.vector_store %arg12[%swap3A_112, %swap3A_113], %swap3A_116 {strides = array<i32>} : memref<128x128xf32, #tpu.memory_space<vmem>>, vector<1x16xf32>,
          %add3A_117 = arith.constant 128 : i32
          %add3A_118 = arith.addi %add3A_117, %scan3A_98 : i32
          %get3A_119 = arith.index_cast %add3A_118 : i32 to index
          %get3A_120 = arith.constant 16 : index
          %get3A_121 = tpu.vector_load %arg11[%get3A_119, %get3A_120] {strides = array<i32>} : memref<256x64xi32, #tpu.memory_space<vmem>>, vector<1x16xi32>,
          %get3A_122 = vector.shape_cast %get3A_121 : vector<1x16xi32> to vector<16xi32>
          %shift_left3A_123 = arith.shli %get3A_122, %broadcast_in_dim3A_101 : vector<16xi32>
          %bitcast_convert_type3A_124 = tpu.bitcast %shift_left3A_123 : vector<16xi32> -> vector<16xf32>
          %and3A_125 = arith.andi %get3A_122, %broadcast_in_dim3A_99 : vector<16xi32>
          %bitcast_convert_type3A_126 = tpu.bitcast %and3A_125 : vector<16xi32> -> vector<16xf32>
          %swap3A_127 = arith.index_cast %scan3A_98 : i32 to index
          %swap3A_128 = arith.constant 16 : index
          %swap3A_129 = tpu.vector_load %arg12[%swap3A_127, %swap3A_128] {strides = array<i32>} : memref<128x128xf32, #tpu.memory_space<vmem>>, vector<1x16xf32>,
          %swap3A_130 = vector.shape_cast %swap3A_129 : vector<1x16xf32> to vector<16xf32>
          %swap3A_131 = vector.shape_cast %bitcast_convert_type3A_124 : vector<16xf32> to vector<1x16xf32>
          tpu.vector_store %arg12[%swap3A_127, %swap3A_128], %swap3A_131 {strides = array<i32>} : memref<128x128xf32, #tpu.memory_space<vmem>>, vector<1x16xf32>,
          %swap3A_132 = arith.index_cast %scan3A_98 : i32 to index
          %swap3A_133 = arith.constant 80 : index
          %swap3A_134 = tpu.vector_load %arg12[%swap3A_132, %swap3A_133] {strides = array<i32>} : memref<128x128xf32, #tpu.memory_space<vmem>>, vector<1x16xf32>,
          %swap3A_135 = vector.shape_cast %swap3A_134 : vector<1x16xf32> to vector<16xf32>
          %swap3A_136 = vector.shape_cast %bitcast_convert_type3A_126 : vector<16xf32> to vector<1x16xf32>
          tpu.vector_store %arg12[%swap3A_132, %swap3A_133], %swap3A_136 {strides = array<i32>} : memref<128x128xf32, #tpu.memory_space<vmem>>, vector<1x16xf32>,
          %add3A_137 = arith.constant 128 : i32
          %add3A_138 = arith.addi %add3A_137, %scan3A_98 : i32
          %get3A_139 = arith.index_cast %add3A_138 : i32 to index
          %get3A_140 = arith.constant 32 : index
          %get3A_141 = tpu.vector_load %arg11[%get3A_139, %get3A_140] {strides = array<i32>} : memref<256x64xi32, #tpu.memory_space<vmem>>, vector<1x16xi32>,
          %get3A_142 = vector.shape_cast %get3A_141 : vector<1x16xi32> to vector<16xi32>
          %shift_left3A_143 = arith.shli %get3A_142, %broadcast_in_dim3A_101 : vector<16xi32>
          %bitcast_convert_type3A_144 = tpu.bitcast %shift_left3A_143 : vector<16xi32> -> vector<16xf32>
          %and3A_145 = arith.andi %get3A_142, %broadcast_in_dim3A_99 : vector<16xi32>
          %bitcast_convert_type3A_146 = tpu.bitcast %and3A_145 : vector<16xi32> -> vector<16xf32>
          %swap3A_147 = arith.index_cast %scan3A_98 : i32 to index
          %swap3A_148 = arith.constant 32 : index
          %swap3A_149 = tpu.vector_load %arg12[%swap3A_147, %swap3A_148] {strides = array<i32>} : memref<128x128xf32, #tpu.memory_space<vmem>>, vector<1x16xf32>,
          %swap3A_150 = vector.shape_cast %swap3A_149 : vector<1x16xf32> to vector<16xf32>
          %swap3A_151 = vector.shape_cast %bitcast_convert_type3A_144 : vector<16xf32> to vector<1x16xf32>
          tpu.vector_store %arg12[%swap3A_147, %swap3A_148], %swap3A_151 {strides = array<i32>} : memref<128x128xf32, #tpu.memory_space<vmem>>, vector<1x16xf32>,
          %swap3A_152 = arith.index_cast %scan3A_98 : i32 to index
          %swap3A_153 = arith.constant 96 : index
          %swap3A_154 = tpu.vector_load %arg12[%swap3A_152, %swap3A_153] {strides = array<i32>} : memref<128x128xf32, #tpu.memory_space<vmem>>, vector<1x16xf32>,
          %swap3A_155 = vector.shape_cast %swap3A_154 : vector<1x16xf32> to vector<16xf32>
          %swap3A_156 = vector.shape_cast %bitcast_convert_type3A_146 : vector<16xf32> to vector<1x16xf32>
          tpu.vector_store %arg12[%swap3A_152, %swap3A_153], %swap3A_156 {strides = array<i32>} : memref<128x128xf32, #tpu.memory_space<vmem>>, vector<1x16xf32>,
          %add3A_157 = arith.constant 128 : i32
          %add3A_158 = arith.addi %add3A_157, %scan3A_98 : i32
          %get3A_159 = arith.index_cast %add3A_158 : i32 to index
          %get3A_160 = arith.constant 48 : index
          %get3A_161 = tpu.vector_load %arg11[%get3A_159, %get3A_160] {strides = array<i32>} : memref<256x64xi32, #tpu.memory_space<vmem>>, vector<1x16xi32>,
          %get3A_162 = vector.shape_cast %get3A_161 : vector<1x16xi32> to vector<16xi32>
          %shift_left3A_163 = arith.shli %get3A_162, %broadcast_in_dim3A_101 : vector<16xi32>
          %bitcast_convert_type3A_164 = tpu.bitcast %shift_left3A_163 : vector<16xi32> -> vector<16xf32>
          %and3A_165 = arith.andi %get3A_162, %broadcast_in_dim3A_99 : vector<16xi32>
          %bitcast_convert_type3A_166 = tpu.bitcast %and3A_165 : vector<16xi32> -> vector<16xf32>
          %swap3A_167 = arith.index_cast %scan3A_98 : i32 to index
          %swap3A_168 = arith.constant 48 : index
          %swap3A_169 = tpu.vector_load %arg12[%swap3A_167, %swap3A_168] {strides = array<i32>} : memref<128x128xf32, #tpu.memory_space<vmem>>, vector<1x16xf32>,
          %swap3A_170 = vector.shape_cast %swap3A_169 : vector<1x16xf32> to vector<16xf32>
          %swap3A_171 = vector.shape_cast %bitcast_convert_type3A_164 : vector<16xf32> to vector<1x16xf32>
          tpu.vector_store %arg12[%swap3A_167, %swap3A_168], %swap3A_171 {strides = array<i32>} : memref<128x128xf32, #tpu.memory_space<vmem>>, vector<1x16xf32>,
          %swap3A_172 = arith.index_cast %scan3A_98 : i32 to index
          %swap3A_173 = arith.constant 112 : index
          %swap3A_174 = tpu.vector_load %arg12[%swap3A_172, %swap3A_173] {strides = array<i32>} : memref<128x128xf32, #tpu.memory_space<vmem>>, vector<1x16xf32>,
          %swap3A_175 = vector.shape_cast %swap3A_174 : vector<1x16xf32> to vector<16xf32>
          %swap3A_176 = vector.shape_cast %bitcast_convert_type3A_166 : vector<16xf32> to vector<1x16xf32>
          tpu.vector_store %arg12[%swap3A_172, %swap3A_173], %swap3A_176 {strides = array<i32>} : memref<128x128xf32, #tpu.memory_space<vmem>>, vector<1x16xf32>,
        }
        %scan3A_97 = arith.constant 128 : i32
        "tpu.region"() ({
          %run_scoped3A = tpu.sem_alloc : memref<!tpu.dma_semaphore, #tpu.memory_space<semaphore_mem>>
          %dma_start3A_98 = arith.constant 0 : i32
          %dma_start3A_99 = tpu.memref_slice %arg10[%add3A_73, %dma_start3A_98] : memref<40x128xi32, #tpu.memory_space<vmem>> -> memref<1x128xi32, #tpu.memory_space<vmem>>
          %dma_start3A_100 = tpu.memref_squeeze %dma_start3A_99 : memref<1x128xi32, #tpu.memory_space<vmem>> -> memref<128xi32, #tpu.memory_space<vmem>>
          %dma_start3A_101 = arith.constant 0 : i32
          %dma_start3A_102 = arith.constant 0 : i32
          %dma_start3A_103 = tpu.memref_slice %arg13[%dma_start3A_101, %dma_start3A_102] : memref<10240x128xf32, #tpu.memory_space<vmem_shared>> -> memref<10240x128xf32, #tpu.memory_space<vmem_shared>>
          tpu.enqueue_indirect_dma source(%arg12 : memref<128x128xf32, #tpu.memory_space<vmem>>) target(%dma_start3A_103 : memref<10240x128xf32, #tpu.memory_space<vmem_shared>>) offsets(%dma_start3A_100 : memref<128xi32, #tpu.memory_space<vmem>>) semaphore(%run_scoped3A : memref<!tpu.dma_semaphore, #tpu.memory_space<semaphore_mem>>) {add = true}
          %dma_wait3A_104 = arith.constant 0 : i32
          %dma_wait3A_105 = tpu.memref_slice %arg10[%add3A_73, %dma_wait3A_104] : memref<40x128xi32, #tpu.memory_space<vmem>> -> memref<1x128xi32, #tpu.memory_space<vmem>>
          %dma_wait3A_106 = tpu.memref_squeeze %dma_wait3A_105 : memref<1x128xi32, #tpu.memory_space<vmem>> -> memref<128xi32, #tpu.memory_space<vmem>>
          %dma_wait3A_107 = arith.constant 0 : i32
          %dma_wait3A_108 = arith.constant 0 : i32
          %dma_wait3A_109 = tpu.memref_slice %arg13[%dma_wait3A_107, %dma_wait3A_108] : memref<10240x128xf32, #tpu.memory_space<vmem_shared>> -> memref<10240x128xf32, #tpu.memory_space<vmem_shared>>
          tpu.wait_indirect_dma semaphore(%run_scoped3A : memref<!tpu.dma_semaphore, #tpu.memory_space<semaphore_mem>>) src(%arg12 : memref<128x128xf32, #tpu.memory_space<vmem>>) dst(%dma_wait3A_109 : memref<10240x128xf32, #tpu.memory_space<vmem_shared>>)
          tpu.yield
        }) : () -> ()
      }
      %scan3A_23 = arith.constant 20 : i32
      "tpu.region"() ({
        %run_scoped3A = tpu.sem_alloc : memref<!tpu.dma_semaphore, #tpu.memory_space<semaphore_mem>>
        %dma_start3A_45 = arith.constant 40 : i32
        %dma_start3A_46 = arith.constant 0 : i32
        %dma_start3A_47 = tpu.memref_slice %arg4[%arg1, %dma_start3A_45, %dma_start3A_46] : memref<16x80x128xi32, #tpu.memory_space<hbm>> -> memref<1x40x128xi32, #tpu.memory_space<hbm>>
        %dma_start3A_48 = tpu.memref_squeeze %dma_start3A_47 : memref<1x40x128xi32, #tpu.memory_space<hbm>> -> memref<40x128xi32, #tpu.memory_space<hbm>>
        %dma_start3A_49 = arith.constant 40 : i32
        %dma_start3A_50 = arith.constant 0 : i32
        %dma_start3A_51 = tpu.memref_slice %arg4[%arg1, %dma_start3A_49, %dma_start3A_50] : memref<16x80x128xi32, #tpu.memory_space<hbm>> -> memref<1x40x128xi32, #tpu.memory_space<hbm>>
        %dma_start3A_52 = tpu.memref_squeeze %dma_start3A_51 : memref<1x40x128xi32, #tpu.memory_space<hbm>> -> memref<40x128xi32, #tpu.memory_space<hbm>>
        tpu.enqueue_dma source(%dma_start3A_52 : memref<40x128xi32, #tpu.memory_space<hbm>>) target(%arg9 : memref<40x128xi32, #tpu.memory_space<vmem>>) target_semaphore(%run_scoped3A : memref<!tpu.dma_semaphore, #tpu.memory_space<semaphore_mem>>)
        %dma_wait3A = arith.constant 40 : i32
        %dma_wait3A_53 = arith.constant 0 : i32
        %dma_wait3A_54 = tpu.memref_slice %arg4[%arg1, %dma_wait3A, %dma_wait3A_53] : memref<16x80x128xi32, #tpu.memory_space<hbm>> -> memref<1x40x128xi32, #tpu.memory_space<hbm>>
        %dma_wait3A_55 = tpu.memref_squeeze %dma_wait3A_54 : memref<1x40x128xi32, #tpu.memory_space<hbm>> -> memref<40x128xi32, #tpu.memory_space<hbm>>
        %dma_wait3A_56 = arith.constant 40 : i32
        %dma_wait3A_57 = arith.constant 0 : i32
        %dma_wait3A_58 = tpu.memref_slice %arg4[%arg1, %dma_wait3A_56, %dma_wait3A_57] : memref<16x80x128xi32, #tpu.memory_space<hbm>> -> memref<1x40x128xi32, #tpu.memory_space<hbm>>
        %dma_wait3A_59 = tpu.memref_squeeze %dma_wait3A_58 : memref<1x40x128xi32, #tpu.memory_space<hbm>> -> memref<40x128xi32, #tpu.memory_space<hbm>>
        tpu.wait_dma2 semaphore(%run_scoped3A : memref<!tpu.dma_semaphore, #tpu.memory_space<semaphore_mem>>) src(%dma_wait3A_59 : memref<40x128xi32, #tpu.memory_space<hbm>>) dst(%arg9 : memref<40x128xi32, #tpu.memory_space<vmem>>)
        tpu.yield
      }) : () -> ()
      "tpu.region"() ({
        %run_scoped3A = tpu.sem_alloc : memref<!tpu.dma_semaphore, #tpu.memory_space<semaphore_mem>>
        %dma_start3A_45 = arith.constant 40 : i32
        %dma_start3A_46 = arith.constant 0 : i32
        %dma_start3A_47 = tpu.memref_slice %arg5[%arg1, %dma_start3A_45, %dma_start3A_46] : memref<16x80x128xi32, #tpu.memory_space<hbm>> -> memref<1x40x128xi32, #tpu.memory_space<hbm>>
        %dma_start3A_48 = tpu.memref_squeeze %dma_start3A_47 : memref<1x40x128xi32, #tpu.memory_space<hbm>> -> memref<40x128xi32, #tpu.memory_space<hbm>>
        %dma_start3A_49 = arith.constant 40 : i32
        %dma_start3A_50 = arith.constant 0 : i32
        %dma_start3A_51 = tpu.memref_slice %arg5[%arg1, %dma_start3A_49, %dma_start3A_50] : memref<16x80x128xi32, #tpu.memory_space<hbm>> -> memref<1x40x128xi32, #tpu.memory_space<hbm>>
        %dma_start3A_52 = tpu.memref_squeeze %dma_start3A_51 : memref<1x40x128xi32, #tpu.memory_space<hbm>> -> memref<40x128xi32, #tpu.memory_space<hbm>>
        tpu.enqueue_dma source(%dma_start3A_52 : memref<40x128xi32, #tpu.memory_space<hbm>>) target(%arg10 : memref<40x128xi32, #tpu.memory_space<vmem>>) target_semaphore(%run_scoped3A : memref<!tpu.dma_semaphore, #tpu.memory_space<semaphore_mem>>)
        %dma_wait3A = arith.constant 40 : i32
        %dma_wait3A_53 = arith.constant 0 : i32
        %dma_wait3A_54 = tpu.memref_slice %arg5[%arg1, %dma_wait3A, %dma_wait3A_53] : memref<16x80x128xi32, #tpu.memory_space<hbm>> -> memref<1x40x128xi32, #tpu.memory_space<hbm>>
        %dma_wait3A_55 = tpu.memref_squeeze %dma_wait3A_54 : memref<1x40x128xi32, #tpu.memory_space<hbm>> -> memref<40x128xi32, #tpu.memory_space<hbm>>
        %dma_wait3A_56 = arith.constant 40 : i32
        %dma_wait3A_57 = arith.constant 0 : i32
        %dma_wait3A_58 = tpu.memref_slice %arg5[%arg1, %dma_wait3A_56, %dma_wait3A_57] : memref<16x80x128xi32, #tpu.memory_space<hbm>> -> memref<1x40x128xi32, #tpu.memory_space<hbm>>
        %dma_wait3A_59 = tpu.memref_squeeze %dma_wait3A_58 : memref<1x40x128xi32, #tpu.memory_space<hbm>> -> memref<40x128xi32, #tpu.memory_space<hbm>>
        tpu.wait_dma2 semaphore(%run_scoped3A : memref<!tpu.dma_semaphore, #tpu.memory_space<semaphore_mem>>) src(%dma_wait3A_59 : memref<40x128xi32, #tpu.memory_space<hbm>>) dst(%arg10 : memref<40x128xi32, #tpu.memory_space<vmem>>)
        tpu.yield
      }) : () -> ()
      %dma_start3A_24 = arith.constant 0 : i32
      %dma_start3A_25 = arith.constant 0 : i32
      %dma_start3A_26 = arith.constant 0 : i32
      %dma_start3A_27 = tpu.memref_slice %arg11[%dma_start3A_25, %dma_start3A_26] : memref<256x64xi32, #tpu.memory_space<vmem>> -> memref<128x64xi32, #tpu.memory_space<vmem>>
      %dma_start3A_28 = arith.constant 0 : i32
      %dma_start3A_29 = tpu.memref_slice %arg9[%dma_start3A_24, %dma_start3A_28] : memref<40x128xi32, #tpu.memory_space<vmem>> -> memref<1x128xi32, #tpu.memory_space<vmem>>
      %dma_start3A_30 = tpu.memref_squeeze %dma_start3A_29 : memref<1x128xi32, #tpu.memory_space<vmem>> -> memref<128xi32, #tpu.memory_space<vmem>>
      %dma_start3A_31 = arith.constant 0 : i32
      %dma_start3A_32 = arith.constant 0 : i32
      %dma_start3A_33 = tpu.memref_slice %arg2[%dma_start3A_31, %dma_start3A_32] : memref<10240x64xi32, #tpu.memory_space<hbm>> -> memref<10240x64xi32, #tpu.memory_space<hbm>>
      tpu.enqueue_indirect_dma source(%dma_start3A_33 : memref<10240x64xi32, #tpu.memory_space<hbm>>) target(%dma_start3A_27 : memref<128x64xi32, #tpu.memory_space<vmem>>) offsets(%dma_start3A_30 : memref<128xi32, #tpu.memory_space<vmem>>) semaphore(%arg14 : memref<!tpu.dma_semaphore, #tpu.memory_space<semaphore_mem>>)
      %scan3A_34 = arith.constant 0 : i32
      %scan3A_35 = arith.constant 0 : i32
      %scan3A_36 = arith.constant 20 : i32
      %scan3A_37 = arith.addi %scan3A_35, %scan3A_36 : i32
      %scan3A_38 = arith.constant 1 : i32
      scf.for %scan3A_45 = %scan3A_35 to %scan3A_37 step %scan3A_38  : i32 {
        %mul3A_46 = arith.constant 2 : i32
        %mul3A_47 = arith.muli %mul3A_46, %scan3A_45 : i32
        %add3A = arith.constant 0 : i32
        %add3A_48 = arith.addi %mul3A_47, %add3A : i32
        %dma_wait3A = arith.constant 0 : i32
        %dma_wait3A_49 = arith.constant 0 : i32
        %dma_wait3A_50 = tpu.memref_slice %arg11[%dma_wait3A, %dma_wait3A_49] : memref<256x64xi32, #tpu.memory_space<vmem>> -> memref<128x64xi32, #tpu.memory_space<vmem>>
        %dma_wait3A_51 = arith.constant 0 : i32
        %dma_wait3A_52 = tpu.memref_slice %arg9[%add3A_48, %dma_wait3A_51] : memref<40x128xi32, #tpu.memory_space<vmem>> -> memref<1x128xi32, #tpu.memory_space<vmem>>
        %dma_wait3A_53 = tpu.memref_squeeze %dma_wait3A_52 : memref<1x128xi32, #tpu.memory_space<vmem>> -> memref<128xi32, #tpu.memory_space<vmem>>
        %dma_wait3A_54 = arith.constant 0 : i32
        %dma_wait3A_55 = arith.constant 0 : i32
        %dma_wait3A_56 = tpu.memref_slice %arg2[%dma_wait3A_54, %dma_wait3A_55] : memref<10240x64xi32, #tpu.memory_space<hbm>> -> memref<10240x64xi32, #tpu.memory_space<hbm>>
        tpu.wait_indirect_dma semaphore(%arg14 : memref<!tpu.dma_semaphore, #tpu.memory_space<semaphore_mem>>) src(%dma_wait3A_56 : memref<10240x64xi32, #tpu.memory_space<hbm>>) dst(%dma_wait3A_50 : memref<128x64xi32, #tpu.memory_space<vmem>>)
        %add3A_57 = arith.constant 2 : i32
        %add3A_58 = arith.addi %add3A_48, %add3A_57 : i32
        %sub3A = arith.constant 1 : i32
        %sub3A_59 = arith.subi %add3A_58, %sub3A : i32
        %lt3A = arith.constant 40 : i32
        %lt3A_60 = arith.cmpi slt, %sub3A_59, %lt3A : i32
        %convert_element_type3A_61 = arith.extui %lt3A_60 : i1 to i32
        %cond3A_62 = arith.constant 0 : i32
        %cond3A_63 = arith.cmpi ne, %convert_element_type3A_61, %cond3A_62 : i32
        scf.if %cond3A_63 {
          %dma_start3A_98 = arith.constant 128 : i32
          %dma_start3A_99 = arith.constant 0 : i32
          %dma_start3A_100 = tpu.memref_slice %arg11[%dma_start3A_98, %dma_start3A_99] : memref<256x64xi32, #tpu.memory_space<vmem>> -> memref<128x64xi32, #tpu.memory_space<vmem>>
          %dma_start3A_101 = arith.constant 0 : i32
          %dma_start3A_102 = tpu.memref_slice %arg9[%sub3A_59, %dma_start3A_101] : memref<40x128xi32, #tpu.memory_space<vmem>> -> memref<1x128xi32, #tpu.memory_space<vmem>>
          %dma_start3A_103 = tpu.memref_squeeze %dma_start3A_102 : memref<1x128xi32, #tpu.memory_space<vmem>> -> memref<128xi32, #tpu.memory_space<vmem>>
          %dma_start3A_104 = arith.constant 0 : i32
          %dma_start3A_105 = arith.constant 0 : i32
          %dma_start3A_106 = tpu.memref_slice %arg2[%dma_start3A_104, %dma_start3A_105] : memref<10240x64xi32, #tpu.memory_space<hbm>> -> memref<10240x64xi32, #tpu.memory_space<hbm>>
          tpu.enqueue_indirect_dma source(%dma_start3A_106 : memref<10240x64xi32, #tpu.memory_space<hbm>>) target(%dma_start3A_100 : memref<128x64xi32, #tpu.memory_space<vmem>>) offsets(%dma_start3A_103 : memref<128xi32, #tpu.memory_space<vmem>>) semaphore(%arg15 : memref<!tpu.dma_semaphore, #tpu.memory_space<semaphore_mem>>)
        } else {
        }
        %scan3A_64 = arith.constant 0 : i32
        %scan3A_65 = arith.constant 0 : i32
        %scan3A_66 = arith.constant 128 : i32
        %scan3A_67 = arith.addi %scan3A_65, %scan3A_66 : i32
        %scan3A_68 = arith.constant 1 : i32
        scf.for %scan3A_98 = %scan3A_65 to %scan3A_67 step %scan3A_68  : i32 {
          %broadcast_in_dim3A = arith.constant -65536 : i32
          %broadcast_in_dim3A_99 = vector.broadcast %broadcast_in_dim3A : i32 to vector<16xi32>
          %broadcast_in_dim3A_100 = arith.constant 16 : i32
          %broadcast_in_dim3A_101 = vector.broadcast %broadcast_in_dim3A_100 : i32 to vector<16xi32>
          %add3A_102 = arith.constant 0 : i32
          %add3A_103 = arith.addi %add3A_102, %scan3A_98 : i32
          %get3A = arith.index_cast %add3A_103 : i32 to index
          %get3A_104 = arith.constant 0 : index
          %get3A_105 = tpu.vector_load %arg11[%get3A, %get3A_104] {strides = array<i32>} : memref<256x64xi32, #tpu.memory_space<vmem>>, vector<1x16xi32>,
          %get3A_106 = vector.shape_cast %get3A_105 : vector<1x16xi32> to vector<16xi32>
          %shift_left3A = arith.shli %get3A_106, %broadcast_in_dim3A_101 : vector<16xi32>
          %bitcast_convert_type3A = tpu.bitcast %shift_left3A : vector<16xi32> -> vector<16xf32>
          %and3A = arith.andi %get3A_106, %broadcast_in_dim3A_99 : vector<16xi32>
          %bitcast_convert_type3A_107 = tpu.bitcast %and3A : vector<16xi32> -> vector<16xf32>
          %swap3A = arith.index_cast %scan3A_98 : i32 to index
          %swap3A_108 = arith.constant 0 : index
          %swap3A_109 = tpu.vector_load %arg12[%swap3A, %swap3A_108] {strides = array<i32>} : memref<128x128xf32, #tpu.memory_space<vmem>>, vector<1x16xf32>,
          %swap3A_110 = vector.shape_cast %swap3A_109 : vector<1x16xf32> to vector<16xf32>
          %swap3A_111 = vector.shape_cast %bitcast_convert_type3A : vector<16xf32> to vector<1x16xf32>
          tpu.vector_store %arg12[%swap3A, %swap3A_108], %swap3A_111 {strides = array<i32>} : memref<128x128xf32, #tpu.memory_space<vmem>>, vector<1x16xf32>,
          %swap3A_112 = arith.index_cast %scan3A_98 : i32 to index
          %swap3A_113 = arith.constant 64 : index
          %swap3A_114 = tpu.vector_load %arg12[%swap3A_112, %swap3A_113] {strides = array<i32>} : memref<128x128xf32, #tpu.memory_space<vmem>>, vector<1x16xf32>,
          %swap3A_115 = vector.shape_cast %swap3A_114 : vector<1x16xf32> to vector<16xf32>
          %swap3A_116 = vector.shape_cast %bitcast_convert_type3A_107 : vector<16xf32> to vector<1x16xf32>
          tpu.vector_store %arg12[%swap3A_112, %swap3A_113], %swap3A_116 {strides = array<i32>} : memref<128x128xf32, #tpu.memory_space<vmem>>, vector<1x16xf32>,
          %add3A_117 = arith.constant 0 : i32
          %add3A_118 = arith.addi %add3A_117, %scan3A_98 : i32
          %get3A_119 = arith.index_cast %add3A_118 : i32 to index
          %get3A_120 = arith.constant 16 : index
          %get3A_121 = tpu.vector_load %arg11[%get3A_119, %get3A_120] {strides = array<i32>} : memref<256x64xi32, #tpu.memory_space<vmem>>, vector<1x16xi32>,
          %get3A_122 = vector.shape_cast %get3A_121 : vector<1x16xi32> to vector<16xi32>
          %shift_left3A_123 = arith.shli %get3A_122, %broadcast_in_dim3A_101 : vector<16xi32>
          %bitcast_convert_type3A_124 = tpu.bitcast %shift_left3A_123 : vector<16xi32> -> vector<16xf32>
          %and3A_125 = arith.andi %get3A_122, %broadcast_in_dim3A_99 : vector<16xi32>
          %bitcast_convert_type3A_126 = tpu.bitcast %and3A_125 : vector<16xi32> -> vector<16xf32>
          %swap3A_127 = arith.index_cast %scan3A_98 : i32 to index
          %swap3A_128 = arith.constant 16 : index
          %swap3A_129 = tpu.vector_load %arg12[%swap3A_127, %swap3A_128] {strides = array<i32>} : memref<128x128xf32, #tpu.memory_space<vmem>>, vector<1x16xf32>,
          %swap3A_130 = vector.shape_cast %swap3A_129 : vector<1x16xf32> to vector<16xf32>
          %swap3A_131 = vector.shape_cast %bitcast_convert_type3A_124 : vector<16xf32> to vector<1x16xf32>
          tpu.vector_store %arg12[%swap3A_127, %swap3A_128], %swap3A_131 {strides = array<i32>} : memref<128x128xf32, #tpu.memory_space<vmem>>, vector<1x16xf32>,
          %swap3A_132 = arith.index_cast %scan3A_98 : i32 to index
          %swap3A_133 = arith.constant 80 : index
          %swap3A_134 = tpu.vector_load %arg12[%swap3A_132, %swap3A_133] {strides = array<i32>} : memref<128x128xf32, #tpu.memory_space<vmem>>, vector<1x16xf32>,
          %swap3A_135 = vector.shape_cast %swap3A_134 : vector<1x16xf32> to vector<16xf32>
          %swap3A_136 = vector.shape_cast %bitcast_convert_type3A_126 : vector<16xf32> to vector<1x16xf32>
          tpu.vector_store %arg12[%swap3A_132, %swap3A_133], %swap3A_136 {strides = array<i32>} : memref<128x128xf32, #tpu.memory_space<vmem>>, vector<1x16xf32>,
          %add3A_137 = arith.constant 0 : i32
          %add3A_138 = arith.addi %add3A_137, %scan3A_98 : i32
          %get3A_139 = arith.index_cast %add3A_138 : i32 to index
          %get3A_140 = arith.constant 32 : index
          %get3A_141 = tpu.vector_load %arg11[%get3A_139, %get3A_140] {strides = array<i32>} : memref<256x64xi32, #tpu.memory_space<vmem>>, vector<1x16xi32>,
          %get3A_142 = vector.shape_cast %get3A_141 : vector<1x16xi32> to vector<16xi32>
          %shift_left3A_143 = arith.shli %get3A_142, %broadcast_in_dim3A_101 : vector<16xi32>
          %bitcast_convert_type3A_144 = tpu.bitcast %shift_left3A_143 : vector<16xi32> -> vector<16xf32>
          %and3A_145 = arith.andi %get3A_142, %broadcast_in_dim3A_99 : vector<16xi32>
          %bitcast_convert_type3A_146 = tpu.bitcast %and3A_145 : vector<16xi32> -> vector<16xf32>
          %swap3A_147 = arith.index_cast %scan3A_98 : i32 to index
          %swap3A_148 = arith.constant 32 : index
          %swap3A_149 = tpu.vector_load %arg12[%swap3A_147, %swap3A_148] {strides = array<i32>} : memref<128x128xf32, #tpu.memory_space<vmem>>, vector<1x16xf32>,
          %swap3A_150 = vector.shape_cast %swap3A_149 : vector<1x16xf32> to vector<16xf32>
          %swap3A_151 = vector.shape_cast %bitcast_convert_type3A_144 : vector<16xf32> to vector<1x16xf32>
          tpu.vector_store %arg12[%swap3A_147, %swap3A_148], %swap3A_151 {strides = array<i32>} : memref<128x128xf32, #tpu.memory_space<vmem>>, vector<1x16xf32>,
          %swap3A_152 = arith.index_cast %scan3A_98 : i32 to index
          %swap3A_153 = arith.constant 96 : index
          %swap3A_154 = tpu.vector_load %arg12[%swap3A_152, %swap3A_153] {strides = array<i32>} : memref<128x128xf32, #tpu.memory_space<vmem>>, vector<1x16xf32>,
          %swap3A_155 = vector.shape_cast %swap3A_154 : vector<1x16xf32> to vector<16xf32>
          %swap3A_156 = vector.shape_cast %bitcast_convert_type3A_146 : vector<16xf32> to vector<1x16xf32>
          tpu.vector_store %arg12[%swap3A_152, %swap3A_153], %swap3A_156 {strides = array<i32>} : memref<128x128xf32, #tpu.memory_space<vmem>>, vector<1x16xf32>,
          %add3A_157 = arith.constant 0 : i32
          %add3A_158 = arith.addi %add3A_157, %scan3A_98 : i32
          %get3A_159 = arith.index_cast %add3A_158 : i32 to index
          %get3A_160 = arith.constant 48 : index
          %get3A_161 = tpu.vector_load %arg11[%get3A_159, %get3A_160] {strides = array<i32>} : memref<256x64xi32, #tpu.memory_space<vmem>>, vector<1x16xi32>,
          %get3A_162 = vector.shape_cast %get3A_161 : vector<1x16xi32> to vector<16xi32>
          %shift_left3A_163 = arith.shli %get3A_162, %broadcast_in_dim3A_101 : vector<16xi32>
          %bitcast_convert_type3A_164 = tpu.bitcast %shift_left3A_163 : vector<16xi32> -> vector<16xf32>
          %and3A_165 = arith.andi %get3A_162, %broadcast_in_dim3A_99 : vector<16xi32>
          %bitcast_convert_type3A_166 = tpu.bitcast %and3A_165 : vector<16xi32> -> vector<16xf32>
          %swap3A_167 = arith.index_cast %scan3A_98 : i32 to index
          %swap3A_168 = arith.constant 48 : index
          %swap3A_169 = tpu.vector_load %arg12[%swap3A_167, %swap3A_168] {strides = array<i32>} : memref<128x128xf32, #tpu.memory_space<vmem>>, vector<1x16xf32>,
          %swap3A_170 = vector.shape_cast %swap3A_169 : vector<1x16xf32> to vector<16xf32>
          %swap3A_171 = vector.shape_cast %bitcast_convert_type3A_164 : vector<16xf32> to vector<1x16xf32>
          tpu.vector_store %arg12[%swap3A_167, %swap3A_168], %swap3A_171 {strides = array<i32>} : memref<128x128xf32, #tpu.memory_space<vmem>>, vector<1x16xf32>,
          %swap3A_172 = arith.index_cast %scan3A_98 : i32 to index
          %swap3A_173 = arith.constant 112 : index
          %swap3A_174 = tpu.vector_load %arg12[%swap3A_172, %swap3A_173] {strides = array<i32>} : memref<128x128xf32, #tpu.memory_space<vmem>>, vector<1x16xf32>,
          %swap3A_175 = vector.shape_cast %swap3A_174 : vector<1x16xf32> to vector<16xf32>
          %swap3A_176 = vector.shape_cast %bitcast_convert_type3A_166 : vector<16xf32> to vector<1x16xf32>
          tpu.vector_store %arg12[%swap3A_172, %swap3A_173], %swap3A_176 {strides = array<i32>} : memref<128x128xf32, #tpu.memory_space<vmem>>, vector<1x16xf32>,
        }
        %scan3A_69 = arith.constant 128 : i32
        "tpu.region"() ({
          %run_scoped3A = tpu.sem_alloc : memref<!tpu.dma_semaphore, #tpu.memory_space<semaphore_mem>>
          %dma_start3A_98 = arith.constant 0 : i32
          %dma_start3A_99 = tpu.memref_slice %arg10[%add3A_48, %dma_start3A_98] : memref<40x128xi32, #tpu.memory_space<vmem>> -> memref<1x128xi32, #tpu.memory_space<vmem>>
          %dma_start3A_100 = tpu.memref_squeeze %dma_start3A_99 : memref<1x128xi32, #tpu.memory_space<vmem>> -> memref<128xi32, #tpu.memory_space<vmem>>
          %dma_start3A_101 = arith.constant 0 : i32
          %dma_start3A_102 = arith.constant 0 : i32
          %dma_start3A_103 = tpu.memref_slice %arg13[%dma_start3A_101, %dma_start3A_102] : memref<10240x128xf32, #tpu.memory_space<vmem_shared>> -> memref<10240x128xf32, #tpu.memory_space<vmem_shared>>
          tpu.enqueue_indirect_dma source(%arg12 : memref<128x128xf32, #tpu.memory_space<vmem>>) target(%dma_start3A_103 : memref<10240x128xf32, #tpu.memory_space<vmem_shared>>) offsets(%dma_start3A_100 : memref<128xi32, #tpu.memory_space<vmem>>) semaphore(%run_scoped3A : memref<!tpu.dma_semaphore, #tpu.memory_space<semaphore_mem>>) {add = true}
          %dma_wait3A_104 = arith.constant 0 : i32
          %dma_wait3A_105 = tpu.memref_slice %arg10[%add3A_48, %dma_wait3A_104] : memref<40x128xi32, #tpu.memory_space<vmem>> -> memref<1x128xi32, #tpu.memory_space<vmem>>
          %dma_wait3A_106 = tpu.memref_squeeze %dma_wait3A_105 : memref<1x128xi32, #tpu.memory_space<vmem>> -> memref<128xi32, #tpu.memory_space<vmem>>
          %dma_wait3A_107 = arith.constant 0 : i32
          %dma_wait3A_108 = arith.constant 0 : i32
          %dma_wait3A_109 = tpu.memref_slice %arg13[%dma_wait3A_107, %dma_wait3A_108] : memref<10240x128xf32, #tpu.memory_space<vmem_shared>> -> memref<10240x128xf32, #tpu.memory_space<vmem_shared>>
          tpu.wait_indirect_dma semaphore(%run_scoped3A : memref<!tpu.dma_semaphore, #tpu.memory_space<semaphore_mem>>) src(%arg12 : memref<128x128xf32, #tpu.memory_space<vmem>>) dst(%dma_wait3A_109 : memref<10240x128xf32, #tpu.memory_space<vmem_shared>>)
          tpu.yield
        }) : () -> ()
        %mul3A_70 = arith.constant 2 : i32
        %mul3A_71 = arith.muli %mul3A_70, %scan3A_45 : i32
        %add3A_72 = arith.constant 1 : i32
        %add3A_73 = arith.addi %mul3A_71, %add3A_72 : i32
        %dma_wait3A_74 = arith.constant 128 : i32
        %dma_wait3A_75 = arith.constant 0 : i32
        %dma_wait3A_76 = tpu.memref_slice %arg11[%dma_wait3A_74, %dma_wait3A_75] : memref<256x64xi32, #tpu.memory_space<vmem>> -> memref<128x64xi32, #tpu.memory_space<vmem>>
        %dma_wait3A_77 = arith.constant 0 : i32
        %dma_wait3A_78 = tpu.memref_slice %arg9[%add3A_73, %dma_wait3A_77] : memref<40x128xi32, #tpu.memory_space<vmem>> -> memref<1x128xi32, #tpu.memory_space<vmem>>
        %dma_wait3A_79 = tpu.memref_squeeze %dma_wait3A_78 : memref<1x128xi32, #tpu.memory_space<vmem>> -> memref<128xi32, #tpu.memory_space<vmem>>
        %dma_wait3A_80 = arith.constant 0 : i32
        %dma_wait3A_81 = arith.constant 0 : i32
        %dma_wait3A_82 = tpu.memref_slice %arg2[%dma_wait3A_80, %dma_wait3A_81] : memref<10240x64xi32, #tpu.memory_space<hbm>> -> memref<10240x64xi32, #tpu.memory_space<hbm>>
        tpu.wait_indirect_dma semaphore(%arg15 : memref<!tpu.dma_semaphore, #tpu.memory_space<semaphore_mem>>) src(%dma_wait3A_82 : memref<10240x64xi32, #tpu.memory_space<hbm>>) dst(%dma_wait3A_76 : memref<128x64xi32, #tpu.memory_space<vmem>>)
        %add3A_83 = arith.constant 2 : i32
        %add3A_84 = arith.addi %add3A_73, %add3A_83 : i32
        %sub3A_85 = arith.constant 1 : i32
        %sub3A_86 = arith.subi %add3A_84, %sub3A_85 : i32
        %lt3A_87 = arith.constant 40 : i32
        %lt3A_88 = arith.cmpi slt, %sub3A_86, %lt3A_87 : i32
        %convert_element_type3A_89 = arith.extui %lt3A_88 : i1 to i32
        %cond3A_90 = arith.constant 0 : i32
        %cond3A_91 = arith.cmpi ne, %convert_element_type3A_89, %cond3A_90 : i32
        scf.if %cond3A_91 {
          %dma_start3A_98 = arith.constant 0 : i32
          %dma_start3A_99 = arith.constant 0 : i32
          %dma_start3A_100 = tpu.memref_slice %arg11[%dma_start3A_98, %dma_start3A_99] : memref<256x64xi32, #tpu.memory_space<vmem>> -> memref<128x64xi32, #tpu.memory_space<vmem>>
          %dma_start3A_101 = arith.constant 0 : i32
          %dma_start3A_102 = tpu.memref_slice %arg9[%sub3A_86, %dma_start3A_101] : memref<40x128xi32, #tpu.memory_space<vmem>> -> memref<1x128xi32, #tpu.memory_space<vmem>>
          %dma_start3A_103 = tpu.memref_squeeze %dma_start3A_102 : memref<1x128xi32, #tpu.memory_space<vmem>> -> memref<128xi32, #tpu.memory_space<vmem>>
          %dma_start3A_104 = arith.constant 0 : i32
          %dma_start3A_105 = arith.constant 0 : i32
          %dma_start3A_106 = tpu.memref_slice %arg2[%dma_start3A_104, %dma_start3A_105] : memref<10240x64xi32, #tpu.memory_space<hbm>> -> memref<10240x64xi32, #tpu.memory_space<hbm>>
          tpu.enqueue_indirect_dma source(%dma_start3A_106 : memref<10240x64xi32, #tpu.memory_space<hbm>>) target(%dma_start3A_100 : memref<128x64xi32, #tpu.memory_space<vmem>>) offsets(%dma_start3A_103 : memref<128xi32, #tpu.memory_space<vmem>>) semaphore(%arg14 : memref<!tpu.dma_semaphore, #tpu.memory_space<semaphore_mem>>)
        } else {
        }
        %scan3A_92 = arith.constant 0 : i32
        %scan3A_93 = arith.constant 0 : i32
        %scan3A_94 = arith.constant 128 : i32
        %scan3A_95 = arith.addi %scan3A_93, %scan3A_94 : i32
        %scan3A_96 = arith.constant 1 : i32
        scf.for %scan3A_98 = %scan3A_93 to %scan3A_95 step %scan3A_96  : i32 {
          %broadcast_in_dim3A = arith.constant -65536 : i32
          %broadcast_in_dim3A_99 = vector.broadcast %broadcast_in_dim3A : i32 to vector<16xi32>
          %broadcast_in_dim3A_100 = arith.constant 16 : i32
          %broadcast_in_dim3A_101 = vector.broadcast %broadcast_in_dim3A_100 : i32 to vector<16xi32>
          %add3A_102 = arith.constant 128 : i32
          %add3A_103 = arith.addi %add3A_102, %scan3A_98 : i32
          %get3A = arith.index_cast %add3A_103 : i32 to index
          %get3A_104 = arith.constant 0 : index
          %get3A_105 = tpu.vector_load %arg11[%get3A, %get3A_104] {strides = array<i32>} : memref<256x64xi32, #tpu.memory_space<vmem>>, vector<1x16xi32>,
          %get3A_106 = vector.shape_cast %get3A_105 : vector<1x16xi32> to vector<16xi32>
          %shift_left3A = arith.shli %get3A_106, %broadcast_in_dim3A_101 : vector<16xi32>
          %bitcast_convert_type3A = tpu.bitcast %shift_left3A : vector<16xi32> -> vector<16xf32>
          %and3A = arith.andi %get3A_106, %broadcast_in_dim3A_99 : vector<16xi32>
          %bitcast_convert_type3A_107 = tpu.bitcast %and3A : vector<16xi32> -> vector<16xf32>
          %swap3A = arith.index_cast %scan3A_98 : i32 to index
          %swap3A_108 = arith.constant 0 : index
          %swap3A_109 = tpu.vector_load %arg12[%swap3A, %swap3A_108] {strides = array<i32>} : memref<128x128xf32, #tpu.memory_space<vmem>>, vector<1x16xf32>,
          %swap3A_110 = vector.shape_cast %swap3A_109 : vector<1x16xf32> to vector<16xf32>
          %swap3A_111 = vector.shape_cast %bitcast_convert_type3A : vector<16xf32> to vector<1x16xf32>
          tpu.vector_store %arg12[%swap3A, %swap3A_108], %swap3A_111 {strides = array<i32>} : memref<128x128xf32, #tpu.memory_space<vmem>>, vector<1x16xf32>,
          %swap3A_112 = arith.index_cast %scan3A_98 : i32 to index
          %swap3A_113 = arith.constant 64 : index
          %swap3A_114 = tpu.vector_load %arg12[%swap3A_112, %swap3A_113] {strides = array<i32>} : memref<128x128xf32, #tpu.memory_space<vmem>>, vector<1x16xf32>,
          %swap3A_115 = vector.shape_cast %swap3A_114 : vector<1x16xf32> to vector<16xf32>
          %swap3A_116 = vector.shape_cast %bitcast_convert_type3A_107 : vector<16xf32> to vector<1x16xf32>
          tpu.vector_store %arg12[%swap3A_112, %swap3A_113], %swap3A_116 {strides = array<i32>} : memref<128x128xf32, #tpu.memory_space<vmem>>, vector<1x16xf32>,
          %add3A_117 = arith.constant 128 : i32
          %add3A_118 = arith.addi %add3A_117, %scan3A_98 : i32
          %get3A_119 = arith.index_cast %add3A_118 : i32 to index
          %get3A_120 = arith.constant 16 : index
          %get3A_121 = tpu.vector_load %arg11[%get3A_119, %get3A_120] {strides = array<i32>} : memref<256x64xi32, #tpu.memory_space<vmem>>, vector<1x16xi32>,
          %get3A_122 = vector.shape_cast %get3A_121 : vector<1x16xi32> to vector<16xi32>
          %shift_left3A_123 = arith.shli %get3A_122, %broadcast_in_dim3A_101 : vector<16xi32>
          %bitcast_convert_type3A_124 = tpu.bitcast %shift_left3A_123 : vector<16xi32> -> vector<16xf32>
          %and3A_125 = arith.andi %get3A_122, %broadcast_in_dim3A_99 : vector<16xi32>
          %bitcast_convert_type3A_126 = tpu.bitcast %and3A_125 : vector<16xi32> -> vector<16xf32>
          %swap3A_127 = arith.index_cast %scan3A_98 : i32 to index
          %swap3A_128 = arith.constant 16 : index
          %swap3A_129 = tpu.vector_load %arg12[%swap3A_127, %swap3A_128] {strides = array<i32>} : memref<128x128xf32, #tpu.memory_space<vmem>>, vector<1x16xf32>,
          %swap3A_130 = vector.shape_cast %swap3A_129 : vector<1x16xf32> to vector<16xf32>
          %swap3A_131 = vector.shape_cast %bitcast_convert_type3A_124 : vector<16xf32> to vector<1x16xf32>
          tpu.vector_store %arg12[%swap3A_127, %swap3A_128], %swap3A_131 {strides = array<i32>} : memref<128x128xf32, #tpu.memory_space<vmem>>, vector<1x16xf32>,
          %swap3A_132 = arith.index_cast %scan3A_98 : i32 to index
          %swap3A_133 = arith.constant 80 : index
          %swap3A_134 = tpu.vector_load %arg12[%swap3A_132, %swap3A_133] {strides = array<i32>} : memref<128x128xf32, #tpu.memory_space<vmem>>, vector<1x16xf32>,
          %swap3A_135 = vector.shape_cast %swap3A_134 : vector<1x16xf32> to vector<16xf32>
          %swap3A_136 = vector.shape_cast %bitcast_convert_type3A_126 : vector<16xf32> to vector<1x16xf32>
          tpu.vector_store %arg12[%swap3A_132, %swap3A_133], %swap3A_136 {strides = array<i32>} : memref<128x128xf32, #tpu.memory_space<vmem>>, vector<1x16xf32>,
          %add3A_137 = arith.constant 128 : i32
          %add3A_138 = arith.addi %add3A_137, %scan3A_98 : i32
          %get3A_139 = arith.index_cast %add3A_138 : i32 to index
          %get3A_140 = arith.constant 32 : index
          %get3A_141 = tpu.vector_load %arg11[%get3A_139, %get3A_140] {strides = array<i32>} : memref<256x64xi32, #tpu.memory_space<vmem>>, vector<1x16xi32>,
          %get3A_142 = vector.shape_cast %get3A_141 : vector<1x16xi32> to vector<16xi32>
          %shift_left3A_143 = arith.shli %get3A_142, %broadcast_in_dim3A_101 : vector<16xi32>
          %bitcast_convert_type3A_144 = tpu.bitcast %shift_left3A_143 : vector<16xi32> -> vector<16xf32>
          %and3A_145 = arith.andi %get3A_142, %broadcast_in_dim3A_99 : vector<16xi32>
          %bitcast_convert_type3A_146 = tpu.bitcast %and3A_145 : vector<16xi32> -> vector<16xf32>
          %swap3A_147 = arith.index_cast %scan3A_98 : i32 to index
          %swap3A_148 = arith.constant 32 : index
          %swap3A_149 = tpu.vector_load %arg12[%swap3A_147, %swap3A_148] {strides = array<i32>} : memref<128x128xf32, #tpu.memory_space<vmem>>, vector<1x16xf32>,
          %swap3A_150 = vector.shape_cast %swap3A_149 : vector<1x16xf32> to vector<16xf32>
          %swap3A_151 = vector.shape_cast %bitcast_convert_type3A_144 : vector<16xf32> to vector<1x16xf32>
          tpu.vector_store %arg12[%swap3A_147, %swap3A_148], %swap3A_151 {strides = array<i32>} : memref<128x128xf32, #tpu.memory_space<vmem>>, vector<1x16xf32>,
          %swap3A_152 = arith.index_cast %scan3A_98 : i32 to index
          %swap3A_153 = arith.constant 96 : index
          %swap3A_154 = tpu.vector_load %arg12[%swap3A_152, %swap3A_153] {strides = array<i32>} : memref<128x128xf32, #tpu.memory_space<vmem>>, vector<1x16xf32>,
          %swap3A_155 = vector.shape_cast %swap3A_154 : vector<1x16xf32> to vector<16xf32>
          %swap3A_156 = vector.shape_cast %bitcast_convert_type3A_146 : vector<16xf32> to vector<1x16xf32>
          tpu.vector_store %arg12[%swap3A_152, %swap3A_153], %swap3A_156 {strides = array<i32>} : memref<128x128xf32, #tpu.memory_space<vmem>>, vector<1x16xf32>,
          %add3A_157 = arith.constant 128 : i32
          %add3A_158 = arith.addi %add3A_157, %scan3A_98 : i32
          %get3A_159 = arith.index_cast %add3A_158 : i32 to index
          %get3A_160 = arith.constant 48 : index
          %get3A_161 = tpu.vector_load %arg11[%get3A_159, %get3A_160] {strides = array<i32>} : memref<256x64xi32, #tpu.memory_space<vmem>>, vector<1x16xi32>,
          %get3A_162 = vector.shape_cast %get3A_161 : vector<1x16xi32> to vector<16xi32>
          %shift_left3A_163 = arith.shli %get3A_162, %broadcast_in_dim3A_101 : vector<16xi32>
          %bitcast_convert_type3A_164 = tpu.bitcast %shift_left3A_163 : vector<16xi32> -> vector<16xf32>
          %and3A_165 = arith.andi %get3A_162, %broadcast_in_dim3A_99 : vector<16xi32>
          %bitcast_convert_type3A_166 = tpu.bitcast %and3A_165 : vector<16xi32> -> vector<16xf32>
          %swap3A_167 = arith.index_cast %scan3A_98 : i32 to index
          %swap3A_168 = arith.constant 48 : index
          %swap3A_169 = tpu.vector_load %arg12[%swap3A_167, %swap3A_168] {strides = array<i32>} : memref<128x128xf32, #tpu.memory_space<vmem>>, vector<1x16xf32>,
          %swap3A_170 = vector.shape_cast %swap3A_169 : vector<1x16xf32> to vector<16xf32>
          %swap3A_171 = vector.shape_cast %bitcast_convert_type3A_164 : vector<16xf32> to vector<1x16xf32>
          tpu.vector_store %arg12[%swap3A_167, %swap3A_168], %swap3A_171 {strides = array<i32>} : memref<128x128xf32, #tpu.memory_space<vmem>>, vector<1x16xf32>,
          %swap3A_172 = arith.index_cast %scan3A_98 : i32 to index
          %swap3A_173 = arith.constant 112 : index
          %swap3A_174 = tpu.vector_load %arg12[%swap3A_172, %swap3A_173] {strides = array<i32>} : memref<128x128xf32, #tpu.memory_space<vmem>>, vector<1x16xf32>,
          %swap3A_175 = vector.shape_cast %swap3A_174 : vector<1x16xf32> to vector<16xf32>
          %swap3A_176 = vector.shape_cast %bitcast_convert_type3A_166 : vector<16xf32> to vector<1x16xf32>
          tpu.vector_store %arg12[%swap3A_172, %swap3A_173], %swap3A_176 {strides = array<i32>} : memref<128x128xf32, #tpu.memory_space<vmem>>, vector<1x16xf32>,
        }
        %scan3A_97 = arith.constant 128 : i32
        "tpu.region"() ({
          %run_scoped3A = tpu.sem_alloc : memref<!tpu.dma_semaphore, #tpu.memory_space<semaphore_mem>>
          %dma_start3A_98 = arith.constant 0 : i32
          %dma_start3A_99 = tpu.memref_slice %arg10[%add3A_73, %dma_start3A_98] : memref<40x128xi32, #tpu.memory_space<vmem>> -> memref<1x128xi32, #tpu.memory_space<vmem>>
          %dma_start3A_100 = tpu.memref_squeeze %dma_start3A_99 : memref<1x128xi32, #tpu.memory_space<vmem>> -> memref<128xi32, #tpu.memory_space<vmem>>
          %dma_start3A_101 = arith.constant 0 : i32
          %dma_start3A_102 = arith.constant 0 : i32
          %dma_start3A_103 = tpu.memref_slice %arg13[%dma_start3A_101, %dma_start3A_102] : memref<10240x128xf32, #tpu.memory_space<vmem_shared>> -> memref<10240x128xf32, #tpu.memory_space<vmem_shared>>
          tpu.enqueue_indirect_dma source(%arg12 : memref<128x128xf32, #tpu.memory_space<vmem>>) target(%dma_start3A_103 : memref<10240x128xf32, #tpu.memory_space<vmem_shared>>) offsets(%dma_start3A_100 : memref<128xi32, #tpu.memory_space<vmem>>) semaphore(%run_scoped3A : memref<!tpu.dma_semaphore, #tpu.memory_space<semaphore_mem>>) {add = true}
          %dma_wait3A_104 = arith.constant 0 : i32
          %dma_wait3A_105 = tpu.memref_slice %arg10[%add3A_73, %dma_wait3A_104] : memref<40x128xi32, #tpu.memory_space<vmem>> -> memref<1x128xi32, #tpu.memory_space<vmem>>
          %dma_wait3A_106 = tpu.memref_squeeze %dma_wait3A_105 : memref<1x128xi32, #tpu.memory_space<vmem>> -> memref<128xi32, #tpu.memory_space<vmem>>
          %dma_wait3A_107 = arith.constant 0 : i32
          %dma_wait3A_108 = arith.constant 0 : i32
          %dma_wait3A_109 = tpu.memref_slice %arg13[%dma_wait3A_107, %dma_wait3A_108] : memref<10240x128xf32, #tpu.memory_space<vmem_shared>> -> memref<10240x128xf32, #tpu.memory_space<vmem_shared>>
          tpu.wait_indirect_dma semaphore(%run_scoped3A : memref<!tpu.dma_semaphore, #tpu.memory_space<semaphore_mem>>) src(%arg12 : memref<128x128xf32, #tpu.memory_space<vmem>>) dst(%dma_wait3A_109 : memref<10240x128xf32, #tpu.memory_space<vmem_shared>>)
          tpu.yield
        }) : () -> ()
      }
      %scan3A_39 = arith.constant 20 : i32
      %barrier3A_40 = arith.constant 0 : index
      tpu.barrier barrier_id(%barrier3A_40)
      %mul3A_41 = arith.constant 640 : i32
      %mul3A_42 = arith.muli %arg1, %mul3A_41 : i32
      %mul3A_43 = arith.constant 640 : i32
      %mul3A_44 = arith.muli %arg1, %mul3A_43 : i32
      "tpu.region"() ({
        %run_scoped3A = tpu.sem_alloc : memref<!tpu.dma_semaphore, #tpu.memory_space<semaphore_mem>>
        %dma_start3A_45 = arith.constant 0 : i32
        %dma_start3A_46 = tpu.memref_slice %arg7[%mul3A_44, %dma_start3A_45] : memref<10240x128xf32, #tpu.memory_space<hbm>> -> memref<640x128xf32, #tpu.memory_space<hbm>>
        %dma_start3A_47 = arith.constant 0 : i32
        %dma_start3A_48 = tpu.memref_slice %arg13[%mul3A_42, %dma_start3A_47] : memref<10240x128xf32, #tpu.memory_space<vmem_shared>> -> memref<640x128xf32, #tpu.memory_space<vmem_shared>>
        tpu.enqueue_dma source(%dma_start3A_48 : memref<640x128xf32, #tpu.memory_space<vmem_shared>>) target(%dma_start3A_46 : memref<640x128xf32, #tpu.memory_space<hbm>>) target_semaphore(%run_scoped3A : memref<!tpu.dma_semaphore, #tpu.memory_space<semaphore_mem>>)
        %dma_wait3A = arith.constant 0 : i32
        %dma_wait3A_49 = tpu.memref_slice %arg7[%mul3A_44, %dma_wait3A] : memref<10240x128xf32, #tpu.memory_space<hbm>> -> memref<640x128xf32, #tpu.memory_space<hbm>>
        %dma_wait3A_50 = arith.constant 0 : i32
        %dma_wait3A_51 = tpu.memref_slice %arg13[%mul3A_42, %dma_wait3A_50] : memref<10240x128xf32, #tpu.memory_space<vmem_shared>> -> memref<640x128xf32, #tpu.memory_space<vmem_shared>>
        tpu.wait_dma2 semaphore(%run_scoped3A : memref<!tpu.dma_semaphore, #tpu.memory_space<semaphore_mem>>) src(%dma_wait3A_51 : memref<640x128xf32, #tpu.memory_space<vmem_shared>>) dst(%dma_wait3A_49 : memref<640x128xf32, #tpu.memory_space<hbm>>)
        tpu.yield
      }) : () -> ()
    } else {
    }
    %eq3A_5 = arith.constant 1 : i32
    %eq3A_6 = arith.cmpi eq, %arg0, %eq3A_5 : i32
    %convert_element_type3A_7 = arith.extui %eq3A_6 : i1 to i32
    %cond3A_8 = arith.constant 0 : i32
    %cond3A_9 = arith.cmpi ne, %convert_element_type3A_7, %cond3A_8 : i32
    scf.if %cond3A_9 {
      "tpu.region"() ({
        %run_scoped3A = tpu.sem_alloc : memref<!tpu.dma_semaphore, #tpu.memory_space<semaphore_mem>>
        %dma_start3A_45 = arith.constant 0 : i32
        %dma_start3A_46 = arith.constant 0 : i32
        %dma_start3A_47 = tpu.memref_slice %arg4[%arg1, %dma_start3A_45, %dma_start3A_46] : memref<16x80x128xi32, #tpu.memory_space<hbm>> -> memref<1x40x128xi32, #tpu.memory_space<hbm>>
        %dma_start3A_48 = tpu.memref_squeeze %dma_start3A_47 : memref<1x40x128xi32, #tpu.memory_space<hbm>> -> memref<40x128xi32, #tpu.memory_space<hbm>>
        %dma_start3A_49 = arith.constant 0 : i32
        %dma_start3A_50 = arith.constant 0 : i32
        %dma_start3A_51 = tpu.memref_slice %arg4[%arg1, %dma_start3A_49, %dma_start3A_50] : memref<16x80x128xi32, #tpu.memory_space<hbm>> -> memref<1x40x128xi32, #tpu.memory_space<hbm>>
        %dma_start3A_52 = tpu.memref_squeeze %dma_start3A_51 : memref<1x40x128xi32, #tpu.memory_space<hbm>> -> memref<40x128xi32, #tpu.memory_space<hbm>>
        tpu.enqueue_dma source(%dma_start3A_52 : memref<40x128xi32, #tpu.memory_space<hbm>>) target(%arg9 : memref<40x128xi32, #tpu.memory_space<vmem>>) target_semaphore(%run_scoped3A : memref<!tpu.dma_semaphore, #tpu.memory_space<semaphore_mem>>)
        %dma_wait3A = arith.constant 0 : i32
        %dma_wait3A_53 = arith.constant 0 : i32
        %dma_wait3A_54 = tpu.memref_slice %arg4[%arg1, %dma_wait3A, %dma_wait3A_53] : memref<16x80x128xi32, #tpu.memory_space<hbm>> -> memref<1x40x128xi32, #tpu.memory_space<hbm>>
        %dma_wait3A_55 = tpu.memref_squeeze %dma_wait3A_54 : memref<1x40x128xi32, #tpu.memory_space<hbm>> -> memref<40x128xi32, #tpu.memory_space<hbm>>
        %dma_wait3A_56 = arith.constant 0 : i32
        %dma_wait3A_57 = arith.constant 0 : i32
        %dma_wait3A_58 = tpu.memref_slice %arg4[%arg1, %dma_wait3A_56, %dma_wait3A_57] : memref<16x80x128xi32, #tpu.memory_space<hbm>> -> memref<1x40x128xi32, #tpu.memory_space<hbm>>
        %dma_wait3A_59 = tpu.memref_squeeze %dma_wait3A_58 : memref<1x40x128xi32, #tpu.memory_space<hbm>> -> memref<40x128xi32, #tpu.memory_space<hbm>>
        tpu.wait_dma2 semaphore(%run_scoped3A : memref<!tpu.dma_semaphore, #tpu.memory_space<semaphore_mem>>) src(%dma_wait3A_59 : memref<40x128xi32, #tpu.memory_space<hbm>>) dst(%arg9 : memref<40x128xi32, #tpu.memory_space<vmem>>)
        tpu.yield
      }) : () -> ()
      "tpu.region"() ({
        %run_scoped3A = tpu.sem_alloc : memref<!tpu.dma_semaphore, #tpu.memory_space<semaphore_mem>>
        %dma_start3A_45 = arith.constant 0 : i32
        %dma_start3A_46 = arith.constant 0 : i32
        %dma_start3A_47 = tpu.memref_slice %arg5[%arg1, %dma_start3A_45, %dma_start3A_46] : memref<16x80x128xi32, #tpu.memory_space<hbm>> -> memref<1x40x128xi32, #tpu.memory_space<hbm>>
        %dma_start3A_48 = tpu.memref_squeeze %dma_start3A_47 : memref<1x40x128xi32, #tpu.memory_space<hbm>> -> memref<40x128xi32, #tpu.memory_space<hbm>>
        %dma_start3A_49 = arith.constant 0 : i32
        %dma_start3A_50 = arith.constant 0 : i32
        %dma_start3A_51 = tpu.memref_slice %arg5[%arg1, %dma_start3A_49, %dma_start3A_50] : memref<16x80x128xi32, #tpu.memory_space<hbm>> -> memref<1x40x128xi32, #tpu.memory_space<hbm>>
        %dma_start3A_52 = tpu.memref_squeeze %dma_start3A_51 : memref<1x40x128xi32, #tpu.memory_space<hbm>> -> memref<40x128xi32, #tpu.memory_space<hbm>>
        tpu.enqueue_dma source(%dma_start3A_52 : memref<40x128xi32, #tpu.memory_space<hbm>>) target(%arg10 : memref<40x128xi32, #tpu.memory_space<vmem>>) target_semaphore(%run_scoped3A : memref<!tpu.dma_semaphore, #tpu.memory_space<semaphore_mem>>)
        %dma_wait3A = arith.constant 0 : i32
        %dma_wait3A_53 = arith.constant 0 : i32
        %dma_wait3A_54 = tpu.memref_slice %arg5[%arg1, %dma_wait3A, %dma_wait3A_53] : memref<16x80x128xi32, #tpu.memory_space<hbm>> -> memref<1x40x128xi32, #tpu.memory_space<hbm>>
        %dma_wait3A_55 = tpu.memref_squeeze %dma_wait3A_54 : memref<1x40x128xi32, #tpu.memory_space<hbm>> -> memref<40x128xi32, #tpu.memory_space<hbm>>
        %dma_wait3A_56 = arith.constant 0 : i32
        %dma_wait3A_57 = arith.constant 0 : i32
        %dma_wait3A_58 = tpu.memref_slice %arg5[%arg1, %dma_wait3A_56, %dma_wait3A_57] : memref<16x80x128xi32, #tpu.memory_space<hbm>> -> memref<1x40x128xi32, #tpu.memory_space<hbm>>
        %dma_wait3A_59 = tpu.memref_squeeze %dma_wait3A_58 : memref<1x40x128xi32, #tpu.memory_space<hbm>> -> memref<40x128xi32, #tpu.memory_space<hbm>>
        tpu.wait_dma2 semaphore(%run_scoped3A : memref<!tpu.dma_semaphore, #tpu.memory_space<semaphore_mem>>) src(%dma_wait3A_59 : memref<40x128xi32, #tpu.memory_space<hbm>>) dst(%arg10 : memref<40x128xi32, #tpu.memory_space<vmem>>)
        tpu.yield
      }) : () -> ()
      %dma_start3A = arith.constant 0 : i32
      %dma_start3A_10 = arith.constant 0 : i32
      %dma_start3A_11 = arith.constant 0 : i32
      %dma_start3A_12 = tpu.memref_slice %arg11[%dma_start3A_10, %dma_start3A_11] : memref<256x64xi32, #tpu.memory_space<vmem>> -> memref<128x64xi32, #tpu.memory_space<vmem>>
      %dma_start3A_13 = arith.constant 0 : i32
      %dma_start3A_14 = tpu.memref_slice %arg9[%dma_start3A, %dma_start3A_13] : memref<40x128xi32, #tpu.memory_space<vmem>> -> memref<1x128xi32, #tpu.memory_space<vmem>>
      %dma_start3A_15 = tpu.memref_squeeze %dma_start3A_14 : memref<1x128xi32, #tpu.memory_space<vmem>> -> memref<128xi32, #tpu.memory_space<vmem>>
      %dma_start3A_16 = arith.constant 0 : i32
      %dma_start3A_17 = arith.constant 0 : i32
      %dma_start3A_18 = tpu.memref_slice %arg3[%dma_start3A_16, %dma_start3A_17] : memref<10240x64xi32, #tpu.memory_space<hbm>> -> memref<10240x64xi32, #tpu.memory_space<hbm>>
      tpu.enqueue_indirect_dma source(%dma_start3A_18 : memref<10240x64xi32, #tpu.memory_space<hbm>>) target(%dma_start3A_12 : memref<128x64xi32, #tpu.memory_space<vmem>>) offsets(%dma_start3A_15 : memref<128xi32, #tpu.memory_space<vmem>>) semaphore(%arg14 : memref<!tpu.dma_semaphore, #tpu.memory_space<semaphore_mem>>)
      %scan3A = arith.constant 0 : i32
      %scan3A_19 = arith.constant 0 : i32
      %scan3A_20 = arith.constant 20 : i32
      %scan3A_21 = arith.addi %scan3A_19, %scan3A_20 : i32
      %scan3A_22 = arith.constant 1 : i32
      scf.for %scan3A_45 = %scan3A_19 to %scan3A_21 step %scan3A_22  : i32 {
        %mul3A_46 = arith.constant 2 : i32
        %mul3A_47 = arith.muli %mul3A_46, %scan3A_45 : i32
        %add3A = arith.constant 0 : i32
        %add3A_48 = arith.addi %mul3A_47, %add3A : i32
        %dma_wait3A = arith.constant 0 : i32
        %dma_wait3A_49 = arith.constant 0 : i32
        %dma_wait3A_50 = tpu.memref_slice %arg11[%dma_wait3A, %dma_wait3A_49] : memref<256x64xi32, #tpu.memory_space<vmem>> -> memref<128x64xi32, #tpu.memory_space<vmem>>
        %dma_wait3A_51 = arith.constant 0 : i32
        %dma_wait3A_52 = tpu.memref_slice %arg9[%add3A_48, %dma_wait3A_51] : memref<40x128xi32, #tpu.memory_space<vmem>> -> memref<1x128xi32, #tpu.memory_space<vmem>>
        %dma_wait3A_53 = tpu.memref_squeeze %dma_wait3A_52 : memref<1x128xi32, #tpu.memory_space<vmem>> -> memref<128xi32, #tpu.memory_space<vmem>>
        %dma_wait3A_54 = arith.constant 0 : i32
        %dma_wait3A_55 = arith.constant 0 : i32
        %dma_wait3A_56 = tpu.memref_slice %arg3[%dma_wait3A_54, %dma_wait3A_55] : memref<10240x64xi32, #tpu.memory_space<hbm>> -> memref<10240x64xi32, #tpu.memory_space<hbm>>
        tpu.wait_indirect_dma semaphore(%arg14 : memref<!tpu.dma_semaphore, #tpu.memory_space<semaphore_mem>>) src(%dma_wait3A_56 : memref<10240x64xi32, #tpu.memory_space<hbm>>) dst(%dma_wait3A_50 : memref<128x64xi32, #tpu.memory_space<vmem>>)
        %add3A_57 = arith.constant 2 : i32
        %add3A_58 = arith.addi %add3A_48, %add3A_57 : i32
        %sub3A = arith.constant 1 : i32
        %sub3A_59 = arith.subi %add3A_58, %sub3A : i32
        %lt3A = arith.constant 40 : i32
        %lt3A_60 = arith.cmpi slt, %sub3A_59, %lt3A : i32
        %convert_element_type3A_61 = arith.extui %lt3A_60 : i1 to i32
        %cond3A_62 = arith.constant 0 : i32
        %cond3A_63 = arith.cmpi ne, %convert_element_type3A_61, %cond3A_62 : i32
        scf.if %cond3A_63 {
          %dma_start3A_98 = arith.constant 128 : i32
          %dma_start3A_99 = arith.constant 0 : i32
          %dma_start3A_100 = tpu.memref_slice %arg11[%dma_start3A_98, %dma_start3A_99] : memref<256x64xi32, #tpu.memory_space<vmem>> -> memref<128x64xi32, #tpu.memory_space<vmem>>
          %dma_start3A_101 = arith.constant 0 : i32
          %dma_start3A_102 = tpu.memref_slice %arg9[%sub3A_59, %dma_start3A_101] : memref<40x128xi32, #tpu.memory_space<vmem>> -> memref<1x128xi32, #tpu.memory_space<vmem>>
          %dma_start3A_103 = tpu.memref_squeeze %dma_start3A_102 : memref<1x128xi32, #tpu.memory_space<vmem>> -> memref<128xi32, #tpu.memory_space<vmem>>
          %dma_start3A_104 = arith.constant 0 : i32
          %dma_start3A_105 = arith.constant 0 : i32
          %dma_start3A_106 = tpu.memref_slice %arg3[%dma_start3A_104, %dma_start3A_105] : memref<10240x64xi32, #tpu.memory_space<hbm>> -> memref<10240x64xi32, #tpu.memory_space<hbm>>
          tpu.enqueue_indirect_dma source(%dma_start3A_106 : memref<10240x64xi32, #tpu.memory_space<hbm>>) target(%dma_start3A_100 : memref<128x64xi32, #tpu.memory_space<vmem>>) offsets(%dma_start3A_103 : memref<128xi32, #tpu.memory_space<vmem>>) semaphore(%arg15 : memref<!tpu.dma_semaphore, #tpu.memory_space<semaphore_mem>>)
        } else {
        }
        %scan3A_64 = arith.constant 0 : i32
        %scan3A_65 = arith.constant 0 : i32
        %scan3A_66 = arith.constant 128 : i32
        %scan3A_67 = arith.addi %scan3A_65, %scan3A_66 : i32
        %scan3A_68 = arith.constant 1 : i32
        scf.for %scan3A_98 = %scan3A_65 to %scan3A_67 step %scan3A_68  : i32 {
          %broadcast_in_dim3A = arith.constant -65536 : i32
          %broadcast_in_dim3A_99 = vector.broadcast %broadcast_in_dim3A : i32 to vector<16xi32>
          %broadcast_in_dim3A_100 = arith.constant 16 : i32
          %broadcast_in_dim3A_101 = vector.broadcast %broadcast_in_dim3A_100 : i32 to vector<16xi32>
          %add3A_102 = arith.constant 0 : i32
          %add3A_103 = arith.addi %add3A_102, %scan3A_98 : i32
          %get3A = arith.index_cast %add3A_103 : i32 to index
          %get3A_104 = arith.constant 0 : index
          %get3A_105 = tpu.vector_load %arg11[%get3A, %get3A_104] {strides = array<i32>} : memref<256x64xi32, #tpu.memory_space<vmem>>, vector<1x16xi32>,
          %get3A_106 = vector.shape_cast %get3A_105 : vector<1x16xi32> to vector<16xi32>
          %shift_left3A = arith.shli %get3A_106, %broadcast_in_dim3A_101 : vector<16xi32>
          %bitcast_convert_type3A = tpu.bitcast %shift_left3A : vector<16xi32> -> vector<16xf32>
          %and3A = arith.andi %get3A_106, %broadcast_in_dim3A_99 : vector<16xi32>
          %bitcast_convert_type3A_107 = tpu.bitcast %and3A : vector<16xi32> -> vector<16xf32>
          %swap3A = arith.index_cast %scan3A_98 : i32 to index
          %swap3A_108 = arith.constant 0 : index
          %swap3A_109 = tpu.vector_load %arg12[%swap3A, %swap3A_108] {strides = array<i32>} : memref<128x128xf32, #tpu.memory_space<vmem>>, vector<1x16xf32>,
          %swap3A_110 = vector.shape_cast %swap3A_109 : vector<1x16xf32> to vector<16xf32>
          %swap3A_111 = vector.shape_cast %bitcast_convert_type3A : vector<16xf32> to vector<1x16xf32>
          tpu.vector_store %arg12[%swap3A, %swap3A_108], %swap3A_111 {strides = array<i32>} : memref<128x128xf32, #tpu.memory_space<vmem>>, vector<1x16xf32>,
          %swap3A_112 = arith.index_cast %scan3A_98 : i32 to index
          %swap3A_113 = arith.constant 64 : index
          %swap3A_114 = tpu.vector_load %arg12[%swap3A_112, %swap3A_113] {strides = array<i32>} : memref<128x128xf32, #tpu.memory_space<vmem>>, vector<1x16xf32>,
          %swap3A_115 = vector.shape_cast %swap3A_114 : vector<1x16xf32> to vector<16xf32>
          %swap3A_116 = vector.shape_cast %bitcast_convert_type3A_107 : vector<16xf32> to vector<1x16xf32>
          tpu.vector_store %arg12[%swap3A_112, %swap3A_113], %swap3A_116 {strides = array<i32>} : memref<128x128xf32, #tpu.memory_space<vmem>>, vector<1x16xf32>,
          %add3A_117 = arith.constant 0 : i32
          %add3A_118 = arith.addi %add3A_117, %scan3A_98 : i32
          %get3A_119 = arith.index_cast %add3A_118 : i32 to index
          %get3A_120 = arith.constant 16 : index
          %get3A_121 = tpu.vector_load %arg11[%get3A_119, %get3A_120] {strides = array<i32>} : memref<256x64xi32, #tpu.memory_space<vmem>>, vector<1x16xi32>,
          %get3A_122 = vector.shape_cast %get3A_121 : vector<1x16xi32> to vector<16xi32>
          %shift_left3A_123 = arith.shli %get3A_122, %broadcast_in_dim3A_101 : vector<16xi32>
          %bitcast_convert_type3A_124 = tpu.bitcast %shift_left3A_123 : vector<16xi32> -> vector<16xf32>
          %and3A_125 = arith.andi %get3A_122, %broadcast_in_dim3A_99 : vector<16xi32>
          %bitcast_convert_type3A_126 = tpu.bitcast %and3A_125 : vector<16xi32> -> vector<16xf32>
          %swap3A_127 = arith.index_cast %scan3A_98 : i32 to index
          %swap3A_128 = arith.constant 16 : index
          %swap3A_129 = tpu.vector_load %arg12[%swap3A_127, %swap3A_128] {strides = array<i32>} : memref<128x128xf32, #tpu.memory_space<vmem>>, vector<1x16xf32>,
          %swap3A_130 = vector.shape_cast %swap3A_129 : vector<1x16xf32> to vector<16xf32>
          %swap3A_131 = vector.shape_cast %bitcast_convert_type3A_124 : vector<16xf32> to vector<1x16xf32>
          tpu.vector_store %arg12[%swap3A_127, %swap3A_128], %swap3A_131 {strides = array<i32>} : memref<128x128xf32, #tpu.memory_space<vmem>>, vector<1x16xf32>,
          %swap3A_132 = arith.index_cast %scan3A_98 : i32 to index
          %swap3A_133 = arith.constant 80 : index
          %swap3A_134 = tpu.vector_load %arg12[%swap3A_132, %swap3A_133] {strides = array<i32>} : memref<128x128xf32, #tpu.memory_space<vmem>>, vector<1x16xf32>,
          %swap3A_135 = vector.shape_cast %swap3A_134 : vector<1x16xf32> to vector<16xf32>
          %swap3A_136 = vector.shape_cast %bitcast_convert_type3A_126 : vector<16xf32> to vector<1x16xf32>
          tpu.vector_store %arg12[%swap3A_132, %swap3A_133], %swap3A_136 {strides = array<i32>} : memref<128x128xf32, #tpu.memory_space<vmem>>, vector<1x16xf32>,
          %add3A_137 = arith.constant 0 : i32
          %add3A_138 = arith.addi %add3A_137, %scan3A_98 : i32
          %get3A_139 = arith.index_cast %add3A_138 : i32 to index
          %get3A_140 = arith.constant 32 : index
          %get3A_141 = tpu.vector_load %arg11[%get3A_139, %get3A_140] {strides = array<i32>} : memref<256x64xi32, #tpu.memory_space<vmem>>, vector<1x16xi32>,
          %get3A_142 = vector.shape_cast %get3A_141 : vector<1x16xi32> to vector<16xi32>
          %shift_left3A_143 = arith.shli %get3A_142, %broadcast_in_dim3A_101 : vector<16xi32>
          %bitcast_convert_type3A_144 = tpu.bitcast %shift_left3A_143 : vector<16xi32> -> vector<16xf32>
          %and3A_145 = arith.andi %get3A_142, %broadcast_in_dim3A_99 : vector<16xi32>
          %bitcast_convert_type3A_146 = tpu.bitcast %and3A_145 : vector<16xi32> -> vector<16xf32>
          %swap3A_147 = arith.index_cast %scan3A_98 : i32 to index
          %swap3A_148 = arith.constant 32 : index
          %swap3A_149 = tpu.vector_load %arg12[%swap3A_147, %swap3A_148] {strides = array<i32>} : memref<128x128xf32, #tpu.memory_space<vmem>>, vector<1x16xf32>,
          %swap3A_150 = vector.shape_cast %swap3A_149 : vector<1x16xf32> to vector<16xf32>
          %swap3A_151 = vector.shape_cast %bitcast_convert_type3A_144 : vector<16xf32> to vector<1x16xf32>
          tpu.vector_store %arg12[%swap3A_147, %swap3A_148], %swap3A_151 {strides = array<i32>} : memref<128x128xf32, #tpu.memory_space<vmem>>, vector<1x16xf32>,
          %swap3A_152 = arith.index_cast %scan3A_98 : i32 to index
          %swap3A_153 = arith.constant 96 : index
          %swap3A_154 = tpu.vector_load %arg12[%swap3A_152, %swap3A_153] {strides = array<i32>} : memref<128x128xf32, #tpu.memory_space<vmem>>, vector<1x16xf32>,
          %swap3A_155 = vector.shape_cast %swap3A_154 : vector<1x16xf32> to vector<16xf32>
          %swap3A_156 = vector.shape_cast %bitcast_convert_type3A_146 : vector<16xf32> to vector<1x16xf32>
          tpu.vector_store %arg12[%swap3A_152, %swap3A_153], %swap3A_156 {strides = array<i32>} : memref<128x128xf32, #tpu.memory_space<vmem>>, vector<1x16xf32>,
          %add3A_157 = arith.constant 0 : i32
          %add3A_158 = arith.addi %add3A_157, %scan3A_98 : i32
          %get3A_159 = arith.index_cast %add3A_158 : i32 to index
          %get3A_160 = arith.constant 48 : index
          %get3A_161 = tpu.vector_load %arg11[%get3A_159, %get3A_160] {strides = array<i32>} : memref<256x64xi32, #tpu.memory_space<vmem>>, vector<1x16xi32>,
          %get3A_162 = vector.shape_cast %get3A_161 : vector<1x16xi32> to vector<16xi32>
          %shift_left3A_163 = arith.shli %get3A_162, %broadcast_in_dim3A_101 : vector<16xi32>
          %bitcast_convert_type3A_164 = tpu.bitcast %shift_left3A_163 : vector<16xi32> -> vector<16xf32>
          %and3A_165 = arith.andi %get3A_162, %broadcast_in_dim3A_99 : vector<16xi32>
          %bitcast_convert_type3A_166 = tpu.bitcast %and3A_165 : vector<16xi32> -> vector<16xf32>
          %swap3A_167 = arith.index_cast %scan3A_98 : i32 to index
          %swap3A_168 = arith.constant 48 : index
          %swap3A_169 = tpu.vector_load %arg12[%swap3A_167, %swap3A_168] {strides = array<i32>} : memref<128x128xf32, #tpu.memory_space<vmem>>, vector<1x16xf32>,
          %swap3A_170 = vector.shape_cast %swap3A_169 : vector<1x16xf32> to vector<16xf32>
          %swap3A_171 = vector.shape_cast %bitcast_convert_type3A_164 : vector<16xf32> to vector<1x16xf32>
          tpu.vector_store %arg12[%swap3A_167, %swap3A_168], %swap3A_171 {strides = array<i32>} : memref<128x128xf32, #tpu.memory_space<vmem>>, vector<1x16xf32>,
          %swap3A_172 = arith.index_cast %scan3A_98 : i32 to index
          %swap3A_173 = arith.constant 112 : index
          %swap3A_174 = tpu.vector_load %arg12[%swap3A_172, %swap3A_173] {strides = array<i32>} : memref<128x128xf32, #tpu.memory_space<vmem>>, vector<1x16xf32>,
          %swap3A_175 = vector.shape_cast %swap3A_174 : vector<1x16xf32> to vector<16xf32>
          %swap3A_176 = vector.shape_cast %bitcast_convert_type3A_166 : vector<16xf32> to vector<1x16xf32>
          tpu.vector_store %arg12[%swap3A_172, %swap3A_173], %swap3A_176 {strides = array<i32>} : memref<128x128xf32, #tpu.memory_space<vmem>>, vector<1x16xf32>,
        }
        %scan3A_69 = arith.constant 128 : i32
        "tpu.region"() ({
          %run_scoped3A = tpu.sem_alloc : memref<!tpu.dma_semaphore, #tpu.memory_space<semaphore_mem>>
          %dma_start3A_98 = arith.constant 0 : i32
          %dma_start3A_99 = tpu.memref_slice %arg10[%add3A_48, %dma_start3A_98] : memref<40x128xi32, #tpu.memory_space<vmem>> -> memref<1x128xi32, #tpu.memory_space<vmem>>
          %dma_start3A_100 = tpu.memref_squeeze %dma_start3A_99 : memref<1x128xi32, #tpu.memory_space<vmem>> -> memref<128xi32, #tpu.memory_space<vmem>>
          %dma_start3A_101 = arith.constant 0 : i32
          %dma_start3A_102 = arith.constant 0 : i32
          %dma_start3A_103 = tpu.memref_slice %arg13[%dma_start3A_101, %dma_start3A_102] : memref<10240x128xf32, #tpu.memory_space<vmem_shared>> -> memref<10240x128xf32, #tpu.memory_space<vmem_shared>>
          tpu.enqueue_indirect_dma source(%arg12 : memref<128x128xf32, #tpu.memory_space<vmem>>) target(%dma_start3A_103 : memref<10240x128xf32, #tpu.memory_space<vmem_shared>>) offsets(%dma_start3A_100 : memref<128xi32, #tpu.memory_space<vmem>>) semaphore(%run_scoped3A : memref<!tpu.dma_semaphore, #tpu.memory_space<semaphore_mem>>) {add = true}
          %dma_wait3A_104 = arith.constant 0 : i32
          %dma_wait3A_105 = tpu.memref_slice %arg10[%add3A_48, %dma_wait3A_104] : memref<40x128xi32, #tpu.memory_space<vmem>> -> memref<1x128xi32, #tpu.memory_space<vmem>>
          %dma_wait3A_106 = tpu.memref_squeeze %dma_wait3A_105 : memref<1x128xi32, #tpu.memory_space<vmem>> -> memref<128xi32, #tpu.memory_space<vmem>>
          %dma_wait3A_107 = arith.constant 0 : i32
          %dma_wait3A_108 = arith.constant 0 : i32
          %dma_wait3A_109 = tpu.memref_slice %arg13[%dma_wait3A_107, %dma_wait3A_108] : memref<10240x128xf32, #tpu.memory_space<vmem_shared>> -> memref<10240x128xf32, #tpu.memory_space<vmem_shared>>
          tpu.wait_indirect_dma semaphore(%run_scoped3A : memref<!tpu.dma_semaphore, #tpu.memory_space<semaphore_mem>>) src(%arg12 : memref<128x128xf32, #tpu.memory_space<vmem>>) dst(%dma_wait3A_109 : memref<10240x128xf32, #tpu.memory_space<vmem_shared>>)
          tpu.yield
        }) : () -> ()
        %mul3A_70 = arith.constant 2 : i32
        %mul3A_71 = arith.muli %mul3A_70, %scan3A_45 : i32
        %add3A_72 = arith.constant 1 : i32
        %add3A_73 = arith.addi %mul3A_71, %add3A_72 : i32
        %dma_wait3A_74 = arith.constant 128 : i32
        %dma_wait3A_75 = arith.constant 0 : i32
        %dma_wait3A_76 = tpu.memref_slice %arg11[%dma_wait3A_74, %dma_wait3A_75] : memref<256x64xi32, #tpu.memory_space<vmem>> -> memref<128x64xi32, #tpu.memory_space<vmem>>
        %dma_wait3A_77 = arith.constant 0 : i32
        %dma_wait3A_78 = tpu.memref_slice %arg9[%add3A_73, %dma_wait3A_77] : memref<40x128xi32, #tpu.memory_space<vmem>> -> memref<1x128xi32, #tpu.memory_space<vmem>>
        %dma_wait3A_79 = tpu.memref_squeeze %dma_wait3A_78 : memref<1x128xi32, #tpu.memory_space<vmem>> -> memref<128xi32, #tpu.memory_space<vmem>>
        %dma_wait3A_80 = arith.constant 0 : i32
        %dma_wait3A_81 = arith.constant 0 : i32
        %dma_wait3A_82 = tpu.memref_slice %arg3[%dma_wait3A_80, %dma_wait3A_81] : memref<10240x64xi32, #tpu.memory_space<hbm>> -> memref<10240x64xi32, #tpu.memory_space<hbm>>
        tpu.wait_indirect_dma semaphore(%arg15 : memref<!tpu.dma_semaphore, #tpu.memory_space<semaphore_mem>>) src(%dma_wait3A_82 : memref<10240x64xi32, #tpu.memory_space<hbm>>) dst(%dma_wait3A_76 : memref<128x64xi32, #tpu.memory_space<vmem>>)
        %add3A_83 = arith.constant 2 : i32
        %add3A_84 = arith.addi %add3A_73, %add3A_83 : i32
        %sub3A_85 = arith.constant 1 : i32
        %sub3A_86 = arith.subi %add3A_84, %sub3A_85 : i32
        %lt3A_87 = arith.constant 40 : i32
        %lt3A_88 = arith.cmpi slt, %sub3A_86, %lt3A_87 : i32
        %convert_element_type3A_89 = arith.extui %lt3A_88 : i1 to i32
        %cond3A_90 = arith.constant 0 : i32
        %cond3A_91 = arith.cmpi ne, %convert_element_type3A_89, %cond3A_90 : i32
        scf.if %cond3A_91 {
          %dma_start3A_98 = arith.constant 0 : i32
          %dma_start3A_99 = arith.constant 0 : i32
          %dma_start3A_100 = tpu.memref_slice %arg11[%dma_start3A_98, %dma_start3A_99] : memref<256x64xi32, #tpu.memory_space<vmem>> -> memref<128x64xi32, #tpu.memory_space<vmem>>
          %dma_start3A_101 = arith.constant 0 : i32
          %dma_start3A_102 = tpu.memref_slice %arg9[%sub3A_86, %dma_start3A_101] : memref<40x128xi32, #tpu.memory_space<vmem>> -> memref<1x128xi32, #tpu.memory_space<vmem>>
          %dma_start3A_103 = tpu.memref_squeeze %dma_start3A_102 : memref<1x128xi32, #tpu.memory_space<vmem>> -> memref<128xi32, #tpu.memory_space<vmem>>
          %dma_start3A_104 = arith.constant 0 : i32
          %dma_start3A_105 = arith.constant 0 : i32
          %dma_start3A_106 = tpu.memref_slice %arg3[%dma_start3A_104, %dma_start3A_105] : memref<10240x64xi32, #tpu.memory_space<hbm>> -> memref<10240x64xi32, #tpu.memory_space<hbm>>
          tpu.enqueue_indirect_dma source(%dma_start3A_106 : memref<10240x64xi32, #tpu.memory_space<hbm>>) target(%dma_start3A_100 : memref<128x64xi32, #tpu.memory_space<vmem>>) offsets(%dma_start3A_103 : memref<128xi32, #tpu.memory_space<vmem>>) semaphore(%arg14 : memref<!tpu.dma_semaphore, #tpu.memory_space<semaphore_mem>>)
        } else {
        }
        %scan3A_92 = arith.constant 0 : i32
        %scan3A_93 = arith.constant 0 : i32
        %scan3A_94 = arith.constant 128 : i32
        %scan3A_95 = arith.addi %scan3A_93, %scan3A_94 : i32
        %scan3A_96 = arith.constant 1 : i32
        scf.for %scan3A_98 = %scan3A_93 to %scan3A_95 step %scan3A_96  : i32 {
          %broadcast_in_dim3A = arith.constant -65536 : i32
          %broadcast_in_dim3A_99 = vector.broadcast %broadcast_in_dim3A : i32 to vector<16xi32>
          %broadcast_in_dim3A_100 = arith.constant 16 : i32
          %broadcast_in_dim3A_101 = vector.broadcast %broadcast_in_dim3A_100 : i32 to vector<16xi32>
          %add3A_102 = arith.constant 128 : i32
          %add3A_103 = arith.addi %add3A_102, %scan3A_98 : i32
          %get3A = arith.index_cast %add3A_103 : i32 to index
          %get3A_104 = arith.constant 0 : index
          %get3A_105 = tpu.vector_load %arg11[%get3A, %get3A_104] {strides = array<i32>} : memref<256x64xi32, #tpu.memory_space<vmem>>, vector<1x16xi32>,
          %get3A_106 = vector.shape_cast %get3A_105 : vector<1x16xi32> to vector<16xi32>
          %shift_left3A = arith.shli %get3A_106, %broadcast_in_dim3A_101 : vector<16xi32>
          %bitcast_convert_type3A = tpu.bitcast %shift_left3A : vector<16xi32> -> vector<16xf32>
          %and3A = arith.andi %get3A_106, %broadcast_in_dim3A_99 : vector<16xi32>
          %bitcast_convert_type3A_107 = tpu.bitcast %and3A : vector<16xi32> -> vector<16xf32>
          %swap3A = arith.index_cast %scan3A_98 : i32 to index
          %swap3A_108 = arith.constant 0 : index
          %swap3A_109 = tpu.vector_load %arg12[%swap3A, %swap3A_108] {strides = array<i32>} : memref<128x128xf32, #tpu.memory_space<vmem>>, vector<1x16xf32>,
          %swap3A_110 = vector.shape_cast %swap3A_109 : vector<1x16xf32> to vector<16xf32>
          %swap3A_111 = vector.shape_cast %bitcast_convert_type3A : vector<16xf32> to vector<1x16xf32>
          tpu.vector_store %arg12[%swap3A, %swap3A_108], %swap3A_111 {strides = array<i32>} : memref<128x128xf32, #tpu.memory_space<vmem>>, vector<1x16xf32>,
          %swap3A_112 = arith.index_cast %scan3A_98 : i32 to index
          %swap3A_113 = arith.constant 64 : index
          %swap3A_114 = tpu.vector_load %arg12[%swap3A_112, %swap3A_113] {strides = array<i32>} : memref<128x128xf32, #tpu.memory_space<vmem>>, vector<1x16xf32>,
          %swap3A_115 = vector.shape_cast %swap3A_114 : vector<1x16xf32> to vector<16xf32>
          %swap3A_116 = vector.shape_cast %bitcast_convert_type3A_107 : vector<16xf32> to vector<1x16xf32>
          tpu.vector_store %arg12[%swap3A_112, %swap3A_113], %swap3A_116 {strides = array<i32>} : memref<128x128xf32, #tpu.memory_space<vmem>>, vector<1x16xf32>,
          %add3A_117 = arith.constant 128 : i32
          %add3A_118 = arith.addi %add3A_117, %scan3A_98 : i32
          %get3A_119 = arith.index_cast %add3A_118 : i32 to index
          %get3A_120 = arith.constant 16 : index
          %get3A_121 = tpu.vector_load %arg11[%get3A_119, %get3A_120] {strides = array<i32>} : memref<256x64xi32, #tpu.memory_space<vmem>>, vector<1x16xi32>,
          %get3A_122 = vector.shape_cast %get3A_121 : vector<1x16xi32> to vector<16xi32>
          %shift_left3A_123 = arith.shli %get3A_122, %broadcast_in_dim3A_101 : vector<16xi32>
          %bitcast_convert_type3A_124 = tpu.bitcast %shift_left3A_123 : vector<16xi32> -> vector<16xf32>
          %and3A_125 = arith.andi %get3A_122, %broadcast_in_dim3A_99 : vector<16xi32>
          %bitcast_convert_type3A_126 = tpu.bitcast %and3A_125 : vector<16xi32> -> vector<16xf32>
          %swap3A_127 = arith.index_cast %scan3A_98 : i32 to index
          %swap3A_128 = arith.constant 16 : index
          %swap3A_129 = tpu.vector_load %arg12[%swap3A_127, %swap3A_128] {strides = array<i32>} : memref<128x128xf32, #tpu.memory_space<vmem>>, vector<1x16xf32>,
          %swap3A_130 = vector.shape_cast %swap3A_129 : vector<1x16xf32> to vector<16xf32>
          %swap3A_131 = vector.shape_cast %bitcast_convert_type3A_124 : vector<16xf32> to vector<1x16xf32>
          tpu.vector_store %arg12[%swap3A_127, %swap3A_128], %swap3A_131 {strides = array<i32>} : memref<128x128xf32, #tpu.memory_space<vmem>>, vector<1x16xf32>,
          %swap3A_132 = arith.index_cast %scan3A_98 : i32 to index
          %swap3A_133 = arith.constant 80 : index
          %swap3A_134 = tpu.vector_load %arg12[%swap3A_132, %swap3A_133] {strides = array<i32>} : memref<128x128xf32, #tpu.memory_space<vmem>>, vector<1x16xf32>,
          %swap3A_135 = vector.shape_cast %swap3A_134 : vector<1x16xf32> to vector<16xf32>
          %swap3A_136 = vector.shape_cast %bitcast_convert_type3A_126 : vector<16xf32> to vector<1x16xf32>
          tpu.vector_store %arg12[%swap3A_132, %swap3A_133], %swap3A_136 {strides = array<i32>} : memref<128x128xf32, #tpu.memory_space<vmem>>, vector<1x16xf32>,
          %add3A_137 = arith.constant 128 : i32
          %add3A_138 = arith.addi %add3A_137, %scan3A_98 : i32
          %get3A_139 = arith.index_cast %add3A_138 : i32 to index
          %get3A_140 = arith.constant 32 : index
          %get3A_141 = tpu.vector_load %arg11[%get3A_139, %get3A_140] {strides = array<i32>} : memref<256x64xi32, #tpu.memory_space<vmem>>, vector<1x16xi32>,
          %get3A_142 = vector.shape_cast %get3A_141 : vector<1x16xi32> to vector<16xi32>
          %shift_left3A_143 = arith.shli %get3A_142, %broadcast_in_dim3A_101 : vector<16xi32>
          %bitcast_convert_type3A_144 = tpu.bitcast %shift_left3A_143 : vector<16xi32> -> vector<16xf32>
          %and3A_145 = arith.andi %get3A_142, %broadcast_in_dim3A_99 : vector<16xi32>
          %bitcast_convert_type3A_146 = tpu.bitcast %and3A_145 : vector<16xi32> -> vector<16xf32>
          %swap3A_147 = arith.index_cast %scan3A_98 : i32 to index
          %swap3A_148 = arith.constant 32 : index
          %swap3A_149 = tpu.vector_load %arg12[%swap3A_147, %swap3A_148] {strides = array<i32>} : memref<128x128xf32, #tpu.memory_space<vmem>>, vector<1x16xf32>,
          %swap3A_150 = vector.shape_cast %swap3A_149 : vector<1x16xf32> to vector<16xf32>
          %swap3A_151 = vector.shape_cast %bitcast_convert_type3A_144 : vector<16xf32> to vector<1x16xf32>
          tpu.vector_store %arg12[%swap3A_147, %swap3A_148], %swap3A_151 {strides = array<i32>} : memref<128x128xf32, #tpu.memory_space<vmem>>, vector<1x16xf32>,
          %swap3A_152 = arith.index_cast %scan3A_98 : i32 to index
          %swap3A_153 = arith.constant 96 : index
          %swap3A_154 = tpu.vector_load %arg12[%swap3A_152, %swap3A_153] {strides = array<i32>} : memref<128x128xf32, #tpu.memory_space<vmem>>, vector<1x16xf32>,
          %swap3A_155 = vector.shape_cast %swap3A_154 : vector<1x16xf32> to vector<16xf32>
          %swap3A_156 = vector.shape_cast %bitcast_convert_type3A_146 : vector<16xf32> to vector<1x16xf32>
          tpu.vector_store %arg12[%swap3A_152, %swap3A_153], %swap3A_156 {strides = array<i32>} : memref<128x128xf32, #tpu.memory_space<vmem>>, vector<1x16xf32>,
          %add3A_157 = arith.constant 128 : i32
          %add3A_158 = arith.addi %add3A_157, %scan3A_98 : i32
          %get3A_159 = arith.index_cast %add3A_158 : i32 to index
          %get3A_160 = arith.constant 48 : index
          %get3A_161 = tpu.vector_load %arg11[%get3A_159, %get3A_160] {strides = array<i32>} : memref<256x64xi32, #tpu.memory_space<vmem>>, vector<1x16xi32>,
          %get3A_162 = vector.shape_cast %get3A_161 : vector<1x16xi32> to vector<16xi32>
          %shift_left3A_163 = arith.shli %get3A_162, %broadcast_in_dim3A_101 : vector<16xi32>
          %bitcast_convert_type3A_164 = tpu.bitcast %shift_left3A_163 : vector<16xi32> -> vector<16xf32>
          %and3A_165 = arith.andi %get3A_162, %broadcast_in_dim3A_99 : vector<16xi32>
          %bitcast_convert_type3A_166 = tpu.bitcast %and3A_165 : vector<16xi32> -> vector<16xf32>
          %swap3A_167 = arith.index_cast %scan3A_98 : i32 to index
          %swap3A_168 = arith.constant 48 : index
          %swap3A_169 = tpu.vector_load %arg12[%swap3A_167, %swap3A_168] {strides = array<i32>} : memref<128x128xf32, #tpu.memory_space<vmem>>, vector<1x16xf32>,
          %swap3A_170 = vector.shape_cast %swap3A_169 : vector<1x16xf32> to vector<16xf32>
          %swap3A_171 = vector.shape_cast %bitcast_convert_type3A_164 : vector<16xf32> to vector<1x16xf32>
          tpu.vector_store %arg12[%swap3A_167, %swap3A_168], %swap3A_171 {strides = array<i32>} : memref<128x128xf32, #tpu.memory_space<vmem>>, vector<1x16xf32>,
          %swap3A_172 = arith.index_cast %scan3A_98 : i32 to index
          %swap3A_173 = arith.constant 112 : index
          %swap3A_174 = tpu.vector_load %arg12[%swap3A_172, %swap3A_173] {strides = array<i32>} : memref<128x128xf32, #tpu.memory_space<vmem>>, vector<1x16xf32>,
          %swap3A_175 = vector.shape_cast %swap3A_174 : vector<1x16xf32> to vector<16xf32>
          %swap3A_176 = vector.shape_cast %bitcast_convert_type3A_166 : vector<16xf32> to vector<1x16xf32>
          tpu.vector_store %arg12[%swap3A_172, %swap3A_173], %swap3A_176 {strides = array<i32>} : memref<128x128xf32, #tpu.memory_space<vmem>>, vector<1x16xf32>,
        }
        %scan3A_97 = arith.constant 128 : i32
        "tpu.region"() ({
          %run_scoped3A = tpu.sem_alloc : memref<!tpu.dma_semaphore, #tpu.memory_space<semaphore_mem>>
          %dma_start3A_98 = arith.constant 0 : i32
          %dma_start3A_99 = tpu.memref_slice %arg10[%add3A_73, %dma_start3A_98] : memref<40x128xi32, #tpu.memory_space<vmem>> -> memref<1x128xi32, #tpu.memory_space<vmem>>
          %dma_start3A_100 = tpu.memref_squeeze %dma_start3A_99 : memref<1x128xi32, #tpu.memory_space<vmem>> -> memref<128xi32, #tpu.memory_space<vmem>>
          %dma_start3A_101 = arith.constant 0 : i32
          %dma_start3A_102 = arith.constant 0 : i32
          %dma_start3A_103 = tpu.memref_slice %arg13[%dma_start3A_101, %dma_start3A_102] : memref<10240x128xf32, #tpu.memory_space<vmem_shared>> -> memref<10240x128xf32, #tpu.memory_space<vmem_shared>>
          tpu.enqueue_indirect_dma source(%arg12 : memref<128x128xf32, #tpu.memory_space<vmem>>) target(%dma_start3A_103 : memref<10240x128xf32, #tpu.memory_space<vmem_shared>>) offsets(%dma_start3A_100 : memref<128xi32, #tpu.memory_space<vmem>>) semaphore(%run_scoped3A : memref<!tpu.dma_semaphore, #tpu.memory_space<semaphore_mem>>) {add = true}
          %dma_wait3A_104 = arith.constant 0 : i32
          %dma_wait3A_105 = tpu.memref_slice %arg10[%add3A_73, %dma_wait3A_104] : memref<40x128xi32, #tpu.memory_space<vmem>> -> memref<1x128xi32, #tpu.memory_space<vmem>>
          %dma_wait3A_106 = tpu.memref_squeeze %dma_wait3A_105 : memref<1x128xi32, #tpu.memory_space<vmem>> -> memref<128xi32, #tpu.memory_space<vmem>>
          %dma_wait3A_107 = arith.constant 0 : i32
          %dma_wait3A_108 = arith.constant 0 : i32
          %dma_wait3A_109 = tpu.memref_slice %arg13[%dma_wait3A_107, %dma_wait3A_108] : memref<10240x128xf32, #tpu.memory_space<vmem_shared>> -> memref<10240x128xf32, #tpu.memory_space<vmem_shared>>
          tpu.wait_indirect_dma semaphore(%run_scoped3A : memref<!tpu.dma_semaphore, #tpu.memory_space<semaphore_mem>>) src(%arg12 : memref<128x128xf32, #tpu.memory_space<vmem>>) dst(%dma_wait3A_109 : memref<10240x128xf32, #tpu.memory_space<vmem_shared>>)
          tpu.yield
        }) : () -> ()
      }
      %scan3A_23 = arith.constant 20 : i32
      "tpu.region"() ({
        %run_scoped3A = tpu.sem_alloc : memref<!tpu.dma_semaphore, #tpu.memory_space<semaphore_mem>>
        %dma_start3A_45 = arith.constant 40 : i32
        %dma_start3A_46 = arith.constant 0 : i32
        %dma_start3A_47 = tpu.memref_slice %arg4[%arg1, %dma_start3A_45, %dma_start3A_46] : memref<16x80x128xi32, #tpu.memory_space<hbm>> -> memref<1x40x128xi32, #tpu.memory_space<hbm>>
        %dma_start3A_48 = tpu.memref_squeeze %dma_start3A_47 : memref<1x40x128xi32, #tpu.memory_space<hbm>> -> memref<40x128xi32, #tpu.memory_space<hbm>>
        %dma_start3A_49 = arith.constant 40 : i32
        %dma_start3A_50 = arith.constant 0 : i32
        %dma_start3A_51 = tpu.memref_slice %arg4[%arg1, %dma_start3A_49, %dma_start3A_50] : memref<16x80x128xi32, #tpu.memory_space<hbm>> -> memref<1x40x128xi32, #tpu.memory_space<hbm>>
        %dma_start3A_52 = tpu.memref_squeeze %dma_start3A_51 : memref<1x40x128xi32, #tpu.memory_space<hbm>> -> memref<40x128xi32, #tpu.memory_space<hbm>>
        tpu.enqueue_dma source(%dma_start3A_52 : memref<40x128xi32, #tpu.memory_space<hbm>>) target(%arg9 : memref<40x128xi32, #tpu.memory_space<vmem>>) target_semaphore(%run_scoped3A : memref<!tpu.dma_semaphore, #tpu.memory_space<semaphore_mem>>)
        %dma_wait3A = arith.constant 40 : i32
        %dma_wait3A_53 = arith.constant 0 : i32
        %dma_wait3A_54 = tpu.memref_slice %arg4[%arg1, %dma_wait3A, %dma_wait3A_53] : memref<16x80x128xi32, #tpu.memory_space<hbm>> -> memref<1x40x128xi32, #tpu.memory_space<hbm>>
        %dma_wait3A_55 = tpu.memref_squeeze %dma_wait3A_54 : memref<1x40x128xi32, #tpu.memory_space<hbm>> -> memref<40x128xi32, #tpu.memory_space<hbm>>
        %dma_wait3A_56 = arith.constant 40 : i32
        %dma_wait3A_57 = arith.constant 0 : i32
        %dma_wait3A_58 = tpu.memref_slice %arg4[%arg1, %dma_wait3A_56, %dma_wait3A_57] : memref<16x80x128xi32, #tpu.memory_space<hbm>> -> memref<1x40x128xi32, #tpu.memory_space<hbm>>
        %dma_wait3A_59 = tpu.memref_squeeze %dma_wait3A_58 : memref<1x40x128xi32, #tpu.memory_space<hbm>> -> memref<40x128xi32, #tpu.memory_space<hbm>>
        tpu.wait_dma2 semaphore(%run_scoped3A : memref<!tpu.dma_semaphore, #tpu.memory_space<semaphore_mem>>) src(%dma_wait3A_59 : memref<40x128xi32, #tpu.memory_space<hbm>>) dst(%arg9 : memref<40x128xi32, #tpu.memory_space<vmem>>)
        tpu.yield
      }) : () -> ()
      "tpu.region"() ({
        %run_scoped3A = tpu.sem_alloc : memref<!tpu.dma_semaphore, #tpu.memory_space<semaphore_mem>>
        %dma_start3A_45 = arith.constant 40 : i32
        %dma_start3A_46 = arith.constant 0 : i32
        %dma_start3A_47 = tpu.memref_slice %arg5[%arg1, %dma_start3A_45, %dma_start3A_46] : memref<16x80x128xi32, #tpu.memory_space<hbm>> -> memref<1x40x128xi32, #tpu.memory_space<hbm>>
        %dma_start3A_48 = tpu.memref_squeeze %dma_start3A_47 : memref<1x40x128xi32, #tpu.memory_space<hbm>> -> memref<40x128xi32, #tpu.memory_space<hbm>>
        %dma_start3A_49 = arith.constant 40 : i32
        %dma_start3A_50 = arith.constant 0 : i32
        %dma_start3A_51 = tpu.memref_slice %arg5[%arg1, %dma_start3A_49, %dma_start3A_50] : memref<16x80x128xi32, #tpu.memory_space<hbm>> -> memref<1x40x128xi32, #tpu.memory_space<hbm>>
        %dma_start3A_52 = tpu.memref_squeeze %dma_start3A_51 : memref<1x40x128xi32, #tpu.memory_space<hbm>> -> memref<40x128xi32, #tpu.memory_space<hbm>>
        tpu.enqueue_dma source(%dma_start3A_52 : memref<40x128xi32, #tpu.memory_space<hbm>>) target(%arg10 : memref<40x128xi32, #tpu.memory_space<vmem>>) target_semaphore(%run_scoped3A : memref<!tpu.dma_semaphore, #tpu.memory_space<semaphore_mem>>)
        %dma_wait3A = arith.constant 40 : i32
        %dma_wait3A_53 = arith.constant 0 : i32
        %dma_wait3A_54 = tpu.memref_slice %arg5[%arg1, %dma_wait3A, %dma_wait3A_53] : memref<16x80x128xi32, #tpu.memory_space<hbm>> -> memref<1x40x128xi32, #tpu.memory_space<hbm>>
        %dma_wait3A_55 = tpu.memref_squeeze %dma_wait3A_54 : memref<1x40x128xi32, #tpu.memory_space<hbm>> -> memref<40x128xi32, #tpu.memory_space<hbm>>
        %dma_wait3A_56 = arith.constant 40 : i32
        %dma_wait3A_57 = arith.constant 0 : i32
        %dma_wait3A_58 = tpu.memref_slice %arg5[%arg1, %dma_wait3A_56, %dma_wait3A_57] : memref<16x80x128xi32, #tpu.memory_space<hbm>> -> memref<1x40x128xi32, #tpu.memory_space<hbm>>
        %dma_wait3A_59 = tpu.memref_squeeze %dma_wait3A_58 : memref<1x40x128xi32, #tpu.memory_space<hbm>> -> memref<40x128xi32, #tpu.memory_space<hbm>>
        tpu.wait_dma2 semaphore(%run_scoped3A : memref<!tpu.dma_semaphore, #tpu.memory_space<semaphore_mem>>) src(%dma_wait3A_59 : memref<40x128xi32, #tpu.memory_space<hbm>>) dst(%arg10 : memref<40x128xi32, #tpu.memory_space<vmem>>)
        tpu.yield
      }) : () -> ()
      %dma_start3A_24 = arith.constant 0 : i32
      %dma_start3A_25 = arith.constant 0 : i32
      %dma_start3A_26 = arith.constant 0 : i32
      %dma_start3A_27 = tpu.memref_slice %arg11[%dma_start3A_25, %dma_start3A_26] : memref<256x64xi32, #tpu.memory_space<vmem>> -> memref<128x64xi32, #tpu.memory_space<vmem>>
      %dma_start3A_28 = arith.constant 0 : i32
      %dma_start3A_29 = tpu.memref_slice %arg9[%dma_start3A_24, %dma_start3A_28] : memref<40x128xi32, #tpu.memory_space<vmem>> -> memref<1x128xi32, #tpu.memory_space<vmem>>
      %dma_start3A_30 = tpu.memref_squeeze %dma_start3A_29 : memref<1x128xi32, #tpu.memory_space<vmem>> -> memref<128xi32, #tpu.memory_space<vmem>>
      %dma_start3A_31 = arith.constant 0 : i32
      %dma_start3A_32 = arith.constant 0 : i32
      %dma_start3A_33 = tpu.memref_slice %arg3[%dma_start3A_31, %dma_start3A_32] : memref<10240x64xi32, #tpu.memory_space<hbm>> -> memref<10240x64xi32, #tpu.memory_space<hbm>>
      tpu.enqueue_indirect_dma source(%dma_start3A_33 : memref<10240x64xi32, #tpu.memory_space<hbm>>) target(%dma_start3A_27 : memref<128x64xi32, #tpu.memory_space<vmem>>) offsets(%dma_start3A_30 : memref<128xi32, #tpu.memory_space<vmem>>) semaphore(%arg14 : memref<!tpu.dma_semaphore, #tpu.memory_space<semaphore_mem>>)
      %scan3A_34 = arith.constant 0 : i32
      %scan3A_35 = arith.constant 0 : i32
      %scan3A_36 = arith.constant 20 : i32
      %scan3A_37 = arith.addi %scan3A_35, %scan3A_36 : i32
      %scan3A_38 = arith.constant 1 : i32
      scf.for %scan3A_45 = %scan3A_35 to %scan3A_37 step %scan3A_38  : i32 {
        %mul3A_46 = arith.constant 2 : i32
        %mul3A_47 = arith.muli %mul3A_46, %scan3A_45 : i32
        %add3A = arith.constant 0 : i32
        %add3A_48 = arith.addi %mul3A_47, %add3A : i32
        %dma_wait3A = arith.constant 0 : i32
        %dma_wait3A_49 = arith.constant 0 : i32
        %dma_wait3A_50 = tpu.memref_slice %arg11[%dma_wait3A, %dma_wait3A_49] : memref<256x64xi32, #tpu.memory_space<vmem>> -> memref<128x64xi32, #tpu.memory_space<vmem>>
        %dma_wait3A_51 = arith.constant 0 : i32
        %dma_wait3A_52 = tpu.memref_slice %arg9[%add3A_48, %dma_wait3A_51] : memref<40x128xi32, #tpu.memory_space<vmem>> -> memref<1x128xi32, #tpu.memory_space<vmem>>
        %dma_wait3A_53 = tpu.memref_squeeze %dma_wait3A_52 : memref<1x128xi32, #tpu.memory_space<vmem>> -> memref<128xi32, #tpu.memory_space<vmem>>
        %dma_wait3A_54 = arith.constant 0 : i32
        %dma_wait3A_55 = arith.constant 0 : i32
        %dma_wait3A_56 = tpu.memref_slice %arg3[%dma_wait3A_54, %dma_wait3A_55] : memref<10240x64xi32, #tpu.memory_space<hbm>> -> memref<10240x64xi32, #tpu.memory_space<hbm>>
        tpu.wait_indirect_dma semaphore(%arg14 : memref<!tpu.dma_semaphore, #tpu.memory_space<semaphore_mem>>) src(%dma_wait3A_56 : memref<10240x64xi32, #tpu.memory_space<hbm>>) dst(%dma_wait3A_50 : memref<128x64xi32, #tpu.memory_space<vmem>>)
        %add3A_57 = arith.constant 2 : i32
        %add3A_58 = arith.addi %add3A_48, %add3A_57 : i32
        %sub3A = arith.constant 1 : i32
        %sub3A_59 = arith.subi %add3A_58, %sub3A : i32
        %lt3A = arith.constant 40 : i32
        %lt3A_60 = arith.cmpi slt, %sub3A_59, %lt3A : i32
        %convert_element_type3A_61 = arith.extui %lt3A_60 : i1 to i32
        %cond3A_62 = arith.constant 0 : i32
        %cond3A_63 = arith.cmpi ne, %convert_element_type3A_61, %cond3A_62 : i32
        scf.if %cond3A_63 {
          %dma_start3A_98 = arith.constant 128 : i32
          %dma_start3A_99 = arith.constant 0 : i32
          %dma_start3A_100 = tpu.memref_slice %arg11[%dma_start3A_98, %dma_start3A_99] : memref<256x64xi32, #tpu.memory_space<vmem>> -> memref<128x64xi32, #tpu.memory_space<vmem>>
          %dma_start3A_101 = arith.constant 0 : i32
          %dma_start3A_102 = tpu.memref_slice %arg9[%sub3A_59, %dma_start3A_101] : memref<40x128xi32, #tpu.memory_space<vmem>> -> memref<1x128xi32, #tpu.memory_space<vmem>>
          %dma_start3A_103 = tpu.memref_squeeze %dma_start3A_102 : memref<1x128xi32, #tpu.memory_space<vmem>> -> memref<128xi32, #tpu.memory_space<vmem>>
          %dma_start3A_104 = arith.constant 0 : i32
          %dma_start3A_105 = arith.constant 0 : i32
          %dma_start3A_106 = tpu.memref_slice %arg3[%dma_start3A_104, %dma_start3A_105] : memref<10240x64xi32, #tpu.memory_space<hbm>> -> memref<10240x64xi32, #tpu.memory_space<hbm>>
          tpu.enqueue_indirect_dma source(%dma_start3A_106 : memref<10240x64xi32, #tpu.memory_space<hbm>>) target(%dma_start3A_100 : memref<128x64xi32, #tpu.memory_space<vmem>>) offsets(%dma_start3A_103 : memref<128xi32, #tpu.memory_space<vmem>>) semaphore(%arg15 : memref<!tpu.dma_semaphore, #tpu.memory_space<semaphore_mem>>)
        } else {
        }
        %scan3A_64 = arith.constant 0 : i32
        %scan3A_65 = arith.constant 0 : i32
        %scan3A_66 = arith.constant 128 : i32
        %scan3A_67 = arith.addi %scan3A_65, %scan3A_66 : i32
        %scan3A_68 = arith.constant 1 : i32
        scf.for %scan3A_98 = %scan3A_65 to %scan3A_67 step %scan3A_68  : i32 {
          %broadcast_in_dim3A = arith.constant -65536 : i32
          %broadcast_in_dim3A_99 = vector.broadcast %broadcast_in_dim3A : i32 to vector<16xi32>
          %broadcast_in_dim3A_100 = arith.constant 16 : i32
          %broadcast_in_dim3A_101 = vector.broadcast %broadcast_in_dim3A_100 : i32 to vector<16xi32>
          %add3A_102 = arith.constant 0 : i32
          %add3A_103 = arith.addi %add3A_102, %scan3A_98 : i32
          %get3A = arith.index_cast %add3A_103 : i32 to index
          %get3A_104 = arith.constant 0 : index
          %get3A_105 = tpu.vector_load %arg11[%get3A, %get3A_104] {strides = array<i32>} : memref<256x64xi32, #tpu.memory_space<vmem>>, vector<1x16xi32>,
          %get3A_106 = vector.shape_cast %get3A_105 : vector<1x16xi32> to vector<16xi32>
          %shift_left3A = arith.shli %get3A_106, %broadcast_in_dim3A_101 : vector<16xi32>
          %bitcast_convert_type3A = tpu.bitcast %shift_left3A : vector<16xi32> -> vector<16xf32>
          %and3A = arith.andi %get3A_106, %broadcast_in_dim3A_99 : vector<16xi32>
          %bitcast_convert_type3A_107 = tpu.bitcast %and3A : vector<16xi32> -> vector<16xf32>
          %swap3A = arith.index_cast %scan3A_98 : i32 to index
          %swap3A_108 = arith.constant 0 : index
          %swap3A_109 = tpu.vector_load %arg12[%swap3A, %swap3A_108] {strides = array<i32>} : memref<128x128xf32, #tpu.memory_space<vmem>>, vector<1x16xf32>,
          %swap3A_110 = vector.shape_cast %swap3A_109 : vector<1x16xf32> to vector<16xf32>
          %swap3A_111 = vector.shape_cast %bitcast_convert_type3A : vector<16xf32> to vector<1x16xf32>
          tpu.vector_store %arg12[%swap3A, %swap3A_108], %swap3A_111 {strides = array<i32>} : memref<128x128xf32, #tpu.memory_space<vmem>>, vector<1x16xf32>,
          %swap3A_112 = arith.index_cast %scan3A_98 : i32 to index
          %swap3A_113 = arith.constant 64 : index
          %swap3A_114 = tpu.vector_load %arg12[%swap3A_112, %swap3A_113] {strides = array<i32>} : memref<128x128xf32, #tpu.memory_space<vmem>>, vector<1x16xf32>,
          %swap3A_115 = vector.shape_cast %swap3A_114 : vector<1x16xf32> to vector<16xf32>
          %swap3A_116 = vector.shape_cast %bitcast_convert_type3A_107 : vector<16xf32> to vector<1x16xf32>
          tpu.vector_store %arg12[%swap3A_112, %swap3A_113], %swap3A_116 {strides = array<i32>} : memref<128x128xf32, #tpu.memory_space<vmem>>, vector<1x16xf32>,
          %add3A_117 = arith.constant 0 : i32
          %add3A_118 = arith.addi %add3A_117, %scan3A_98 : i32
          %get3A_119 = arith.index_cast %add3A_118 : i32 to index
          %get3A_120 = arith.constant 16 : index
          %get3A_121 = tpu.vector_load %arg11[%get3A_119, %get3A_120] {strides = array<i32>} : memref<256x64xi32, #tpu.memory_space<vmem>>, vector<1x16xi32>,
          %get3A_122 = vector.shape_cast %get3A_121 : vector<1x16xi32> to vector<16xi32>
          %shift_left3A_123 = arith.shli %get3A_122, %broadcast_in_dim3A_101 : vector<16xi32>
          %bitcast_convert_type3A_124 = tpu.bitcast %shift_left3A_123 : vector<16xi32> -> vector<16xf32>
          %and3A_125 = arith.andi %get3A_122, %broadcast_in_dim3A_99 : vector<16xi32>
          %bitcast_convert_type3A_126 = tpu.bitcast %and3A_125 : vector<16xi32> -> vector<16xf32>
          %swap3A_127 = arith.index_cast %scan3A_98 : i32 to index
          %swap3A_128 = arith.constant 16 : index
          %swap3A_129 = tpu.vector_load %arg12[%swap3A_127, %swap3A_128] {strides = array<i32>} : memref<128x128xf32, #tpu.memory_space<vmem>>, vector<1x16xf32>,
          %swap3A_130 = vector.shape_cast %swap3A_129 : vector<1x16xf32> to vector<16xf32>
          %swap3A_131 = vector.shape_cast %bitcast_convert_type3A_124 : vector<16xf32> to vector<1x16xf32>
          tpu.vector_store %arg12[%swap3A_127, %swap3A_128], %swap3A_131 {strides = array<i32>} : memref<128x128xf32, #tpu.memory_space<vmem>>, vector<1x16xf32>,
          %swap3A_132 = arith.index_cast %scan3A_98 : i32 to index
          %swap3A_133 = arith.constant 80 : index
          %swap3A_134 = tpu.vector_load %arg12[%swap3A_132, %swap3A_133] {strides = array<i32>} : memref<128x128xf32, #tpu.memory_space<vmem>>, vector<1x16xf32>,
          %swap3A_135 = vector.shape_cast %swap3A_134 : vector<1x16xf32> to vector<16xf32>
          %swap3A_136 = vector.shape_cast %bitcast_convert_type3A_126 : vector<16xf32> to vector<1x16xf32>
          tpu.vector_store %arg12[%swap3A_132, %swap3A_133], %swap3A_136 {strides = array<i32>} : memref<128x128xf32, #tpu.memory_space<vmem>>, vector<1x16xf32>,
          %add3A_137 = arith.constant 0 : i32
          %add3A_138 = arith.addi %add3A_137, %scan3A_98 : i32
          %get3A_139 = arith.index_cast %add3A_138 : i32 to index
          %get3A_140 = arith.constant 32 : index
          %get3A_141 = tpu.vector_load %arg11[%get3A_139, %get3A_140] {strides = array<i32>} : memref<256x64xi32, #tpu.memory_space<vmem>>, vector<1x16xi32>,
          %get3A_142 = vector.shape_cast %get3A_141 : vector<1x16xi32> to vector<16xi32>
          %shift_left3A_143 = arith.shli %get3A_142, %broadcast_in_dim3A_101 : vector<16xi32>
          %bitcast_convert_type3A_144 = tpu.bitcast %shift_left3A_143 : vector<16xi32> -> vector<16xf32>
          %and3A_145 = arith.andi %get3A_142, %broadcast_in_dim3A_99 : vector<16xi32>
          %bitcast_convert_type3A_146 = tpu.bitcast %and3A_145 : vector<16xi32> -> vector<16xf32>
          %swap3A_147 = arith.index_cast %scan3A_98 : i32 to index
          %swap3A_148 = arith.constant 32 : index
          %swap3A_149 = tpu.vector_load %arg12[%swap3A_147, %swap3A_148] {strides = array<i32>} : memref<128x128xf32, #tpu.memory_space<vmem>>, vector<1x16xf32>,
          %swap3A_150 = vector.shape_cast %swap3A_149 : vector<1x16xf32> to vector<16xf32>
          %swap3A_151 = vector.shape_cast %bitcast_convert_type3A_144 : vector<16xf32> to vector<1x16xf32>
          tpu.vector_store %arg12[%swap3A_147, %swap3A_148], %swap3A_151 {strides = array<i32>} : memref<128x128xf32, #tpu.memory_space<vmem>>, vector<1x16xf32>,
          %swap3A_152 = arith.index_cast %scan3A_98 : i32 to index
          %swap3A_153 = arith.constant 96 : index
          %swap3A_154 = tpu.vector_load %arg12[%swap3A_152, %swap3A_153] {strides = array<i32>} : memref<128x128xf32, #tpu.memory_space<vmem>>, vector<1x16xf32>,
          %swap3A_155 = vector.shape_cast %swap3A_154 : vector<1x16xf32> to vector<16xf32>
          %swap3A_156 = vector.shape_cast %bitcast_convert_type3A_146 : vector<16xf32> to vector<1x16xf32>
          tpu.vector_store %arg12[%swap3A_152, %swap3A_153], %swap3A_156 {strides = array<i32>} : memref<128x128xf32, #tpu.memory_space<vmem>>, vector<1x16xf32>,
          %add3A_157 = arith.constant 0 : i32
          %add3A_158 = arith.addi %add3A_157, %scan3A_98 : i32
          %get3A_159 = arith.index_cast %add3A_158 : i32 to index
          %get3A_160 = arith.constant 48 : index
          %get3A_161 = tpu.vector_load %arg11[%get3A_159, %get3A_160] {strides = array<i32>} : memref<256x64xi32, #tpu.memory_space<vmem>>, vector<1x16xi32>,
          %get3A_162 = vector.shape_cast %get3A_161 : vector<1x16xi32> to vector<16xi32>
          %shift_left3A_163 = arith.shli %get3A_162, %broadcast_in_dim3A_101 : vector<16xi32>
          %bitcast_convert_type3A_164 = tpu.bitcast %shift_left3A_163 : vector<16xi32> -> vector<16xf32>
          %and3A_165 = arith.andi %get3A_162, %broadcast_in_dim3A_99 : vector<16xi32>
          %bitcast_convert_type3A_166 = tpu.bitcast %and3A_165 : vector<16xi32> -> vector<16xf32>
          %swap3A_167 = arith.index_cast %scan3A_98 : i32 to index
          %swap3A_168 = arith.constant 48 : index
          %swap3A_169 = tpu.vector_load %arg12[%swap3A_167, %swap3A_168] {strides = array<i32>} : memref<128x128xf32, #tpu.memory_space<vmem>>, vector<1x16xf32>,
          %swap3A_170 = vector.shape_cast %swap3A_169 : vector<1x16xf32> to vector<16xf32>
          %swap3A_171 = vector.shape_cast %bitcast_convert_type3A_164 : vector<16xf32> to vector<1x16xf32>
          tpu.vector_store %arg12[%swap3A_167, %swap3A_168], %swap3A_171 {strides = array<i32>} : memref<128x128xf32, #tpu.memory_space<vmem>>, vector<1x16xf32>,
          %swap3A_172 = arith.index_cast %scan3A_98 : i32 to index
          %swap3A_173 = arith.constant 112 : index
          %swap3A_174 = tpu.vector_load %arg12[%swap3A_172, %swap3A_173] {strides = array<i32>} : memref<128x128xf32, #tpu.memory_space<vmem>>, vector<1x16xf32>,
          %swap3A_175 = vector.shape_cast %swap3A_174 : vector<1x16xf32> to vector<16xf32>
          %swap3A_176 = vector.shape_cast %bitcast_convert_type3A_166 : vector<16xf32> to vector<1x16xf32>
          tpu.vector_store %arg12[%swap3A_172, %swap3A_173], %swap3A_176 {strides = array<i32>} : memref<128x128xf32, #tpu.memory_space<vmem>>, vector<1x16xf32>,
        }
        %scan3A_69 = arith.constant 128 : i32
        "tpu.region"() ({
          %run_scoped3A = tpu.sem_alloc : memref<!tpu.dma_semaphore, #tpu.memory_space<semaphore_mem>>
          %dma_start3A_98 = arith.constant 0 : i32
          %dma_start3A_99 = tpu.memref_slice %arg10[%add3A_48, %dma_start3A_98] : memref<40x128xi32, #tpu.memory_space<vmem>> -> memref<1x128xi32, #tpu.memory_space<vmem>>
          %dma_start3A_100 = tpu.memref_squeeze %dma_start3A_99 : memref<1x128xi32, #tpu.memory_space<vmem>> -> memref<128xi32, #tpu.memory_space<vmem>>
          %dma_start3A_101 = arith.constant 0 : i32
          %dma_start3A_102 = arith.constant 0 : i32
          %dma_start3A_103 = tpu.memref_slice %arg13[%dma_start3A_101, %dma_start3A_102] : memref<10240x128xf32, #tpu.memory_space<vmem_shared>> -> memref<10240x128xf32, #tpu.memory_space<vmem_shared>>
          tpu.enqueue_indirect_dma source(%arg12 : memref<128x128xf32, #tpu.memory_space<vmem>>) target(%dma_start3A_103 : memref<10240x128xf32, #tpu.memory_space<vmem_shared>>) offsets(%dma_start3A_100 : memref<128xi32, #tpu.memory_space<vmem>>) semaphore(%run_scoped3A : memref<!tpu.dma_semaphore, #tpu.memory_space<semaphore_mem>>) {add = true}
          %dma_wait3A_104 = arith.constant 0 : i32
          %dma_wait3A_105 = tpu.memref_slice %arg10[%add3A_48, %dma_wait3A_104] : memref<40x128xi32, #tpu.memory_space<vmem>> -> memref<1x128xi32, #tpu.memory_space<vmem>>
          %dma_wait3A_106 = tpu.memref_squeeze %dma_wait3A_105 : memref<1x128xi32, #tpu.memory_space<vmem>> -> memref<128xi32, #tpu.memory_space<vmem>>
          %dma_wait3A_107 = arith.constant 0 : i32
          %dma_wait3A_108 = arith.constant 0 : i32
          %dma_wait3A_109 = tpu.memref_slice %arg13[%dma_wait3A_107, %dma_wait3A_108] : memref<10240x128xf32, #tpu.memory_space<vmem_shared>> -> memref<10240x128xf32, #tpu.memory_space<vmem_shared>>
          tpu.wait_indirect_dma semaphore(%run_scoped3A : memref<!tpu.dma_semaphore, #tpu.memory_space<semaphore_mem>>) src(%arg12 : memref<128x128xf32, #tpu.memory_space<vmem>>) dst(%dma_wait3A_109 : memref<10240x128xf32, #tpu.memory_space<vmem_shared>>)
          tpu.yield
        }) : () -> ()
        %mul3A_70 = arith.constant 2 : i32
        %mul3A_71 = arith.muli %mul3A_70, %scan3A_45 : i32
        %add3A_72 = arith.constant 1 : i32
        %add3A_73 = arith.addi %mul3A_71, %add3A_72 : i32
        %dma_wait3A_74 = arith.constant 128 : i32
        %dma_wait3A_75 = arith.constant 0 : i32
        %dma_wait3A_76 = tpu.memref_slice %arg11[%dma_wait3A_74, %dma_wait3A_75] : memref<256x64xi32, #tpu.memory_space<vmem>> -> memref<128x64xi32, #tpu.memory_space<vmem>>
        %dma_wait3A_77 = arith.constant 0 : i32
        %dma_wait3A_78 = tpu.memref_slice %arg9[%add3A_73, %dma_wait3A_77] : memref<40x128xi32, #tpu.memory_space<vmem>> -> memref<1x128xi32, #tpu.memory_space<vmem>>
        %dma_wait3A_79 = tpu.memref_squeeze %dma_wait3A_78 : memref<1x128xi32, #tpu.memory_space<vmem>> -> memref<128xi32, #tpu.memory_space<vmem>>
        %dma_wait3A_80 = arith.constant 0 : i32
        %dma_wait3A_81 = arith.constant 0 : i32
        %dma_wait3A_82 = tpu.memref_slice %arg3[%dma_wait3A_80, %dma_wait3A_81] : memref<10240x64xi32, #tpu.memory_space<hbm>> -> memref<10240x64xi32, #tpu.memory_space<hbm>>
        tpu.wait_indirect_dma semaphore(%arg15 : memref<!tpu.dma_semaphore, #tpu.memory_space<semaphore_mem>>) src(%dma_wait3A_82 : memref<10240x64xi32, #tpu.memory_space<hbm>>) dst(%dma_wait3A_76 : memref<128x64xi32, #tpu.memory_space<vmem>>)
        %add3A_83 = arith.constant 2 : i32
        %add3A_84 = arith.addi %add3A_73, %add3A_83 : i32
        %sub3A_85 = arith.constant 1 : i32
        %sub3A_86 = arith.subi %add3A_84, %sub3A_85 : i32
        %lt3A_87 = arith.constant 40 : i32
        %lt3A_88 = arith.cmpi slt, %sub3A_86, %lt3A_87 : i32
        %convert_element_type3A_89 = arith.extui %lt3A_88 : i1 to i32
        %cond3A_90 = arith.constant 0 : i32
        %cond3A_91 = arith.cmpi ne, %convert_element_type3A_89, %cond3A_90 : i32
        scf.if %cond3A_91 {
          %dma_start3A_98 = arith.constant 0 : i32
          %dma_start3A_99 = arith.constant 0 : i32
          %dma_start3A_100 = tpu.memref_slice %arg11[%dma_start3A_98, %dma_start3A_99] : memref<256x64xi32, #tpu.memory_space<vmem>> -> memref<128x64xi32, #tpu.memory_space<vmem>>
          %dma_start3A_101 = arith.constant 0 : i32
          %dma_start3A_102 = tpu.memref_slice %arg9[%sub3A_86, %dma_start3A_101] : memref<40x128xi32, #tpu.memory_space<vmem>> -> memref<1x128xi32, #tpu.memory_space<vmem>>
          %dma_start3A_103 = tpu.memref_squeeze %dma_start3A_102 : memref<1x128xi32, #tpu.memory_space<vmem>> -> memref<128xi32, #tpu.memory_space<vmem>>
          %dma_start3A_104 = arith.constant 0 : i32
          %dma_start3A_105 = arith.constant 0 : i32
          %dma_start3A_106 = tpu.memref_slice %arg3[%dma_start3A_104, %dma_start3A_105] : memref<10240x64xi32, #tpu.memory_space<hbm>> -> memref<10240x64xi32, #tpu.memory_space<hbm>>
          tpu.enqueue_indirect_dma source(%dma_start3A_106 : memref<10240x64xi32, #tpu.memory_space<hbm>>) target(%dma_start3A_100 : memref<128x64xi32, #tpu.memory_space<vmem>>) offsets(%dma_start3A_103 : memref<128xi32, #tpu.memory_space<vmem>>) semaphore(%arg14 : memref<!tpu.dma_semaphore, #tpu.memory_space<semaphore_mem>>)
        } else {
        }
        %scan3A_92 = arith.constant 0 : i32
        %scan3A_93 = arith.constant 0 : i32
        %scan3A_94 = arith.constant 128 : i32
        %scan3A_95 = arith.addi %scan3A_93, %scan3A_94 : i32
        %scan3A_96 = arith.constant 1 : i32
        scf.for %scan3A_98 = %scan3A_93 to %scan3A_95 step %scan3A_96  : i32 {
          %broadcast_in_dim3A = arith.constant -65536 : i32
          %broadcast_in_dim3A_99 = vector.broadcast %broadcast_in_dim3A : i32 to vector<16xi32>
          %broadcast_in_dim3A_100 = arith.constant 16 : i32
          %broadcast_in_dim3A_101 = vector.broadcast %broadcast_in_dim3A_100 : i32 to vector<16xi32>
          %add3A_102 = arith.constant 128 : i32
          %add3A_103 = arith.addi %add3A_102, %scan3A_98 : i32
          %get3A = arith.index_cast %add3A_103 : i32 to index
          %get3A_104 = arith.constant 0 : index
          %get3A_105 = tpu.vector_load %arg11[%get3A, %get3A_104] {strides = array<i32>} : memref<256x64xi32, #tpu.memory_space<vmem>>, vector<1x16xi32>,
          %get3A_106 = vector.shape_cast %get3A_105 : vector<1x16xi32> to vector<16xi32>
          %shift_left3A = arith.shli %get3A_106, %broadcast_in_dim3A_101 : vector<16xi32>
          %bitcast_convert_type3A = tpu.bitcast %shift_left3A : vector<16xi32> -> vector<16xf32>
          %and3A = arith.andi %get3A_106, %broadcast_in_dim3A_99 : vector<16xi32>
          %bitcast_convert_type3A_107 = tpu.bitcast %and3A : vector<16xi32> -> vector<16xf32>
          %swap3A = arith.index_cast %scan3A_98 : i32 to index
          %swap3A_108 = arith.constant 0 : index
          %swap3A_109 = tpu.vector_load %arg12[%swap3A, %swap3A_108] {strides = array<i32>} : memref<128x128xf32, #tpu.memory_space<vmem>>, vector<1x16xf32>,
          %swap3A_110 = vector.shape_cast %swap3A_109 : vector<1x16xf32> to vector<16xf32>
          %swap3A_111 = vector.shape_cast %bitcast_convert_type3A : vector<16xf32> to vector<1x16xf32>
          tpu.vector_store %arg12[%swap3A, %swap3A_108], %swap3A_111 {strides = array<i32>} : memref<128x128xf32, #tpu.memory_space<vmem>>, vector<1x16xf32>,
          %swap3A_112 = arith.index_cast %scan3A_98 : i32 to index
          %swap3A_113 = arith.constant 64 : index
          %swap3A_114 = tpu.vector_load %arg12[%swap3A_112, %swap3A_113] {strides = array<i32>} : memref<128x128xf32, #tpu.memory_space<vmem>>, vector<1x16xf32>,
          %swap3A_115 = vector.shape_cast %swap3A_114 : vector<1x16xf32> to vector<16xf32>
          %swap3A_116 = vector.shape_cast %bitcast_convert_type3A_107 : vector<16xf32> to vector<1x16xf32>
          tpu.vector_store %arg12[%swap3A_112, %swap3A_113], %swap3A_116 {strides = array<i32>} : memref<128x128xf32, #tpu.memory_space<vmem>>, vector<1x16xf32>,
          %add3A_117 = arith.constant 128 : i32
          %add3A_118 = arith.addi %add3A_117, %scan3A_98 : i32
          %get3A_119 = arith.index_cast %add3A_118 : i32 to index
          %get3A_120 = arith.constant 16 : index
          %get3A_121 = tpu.vector_load %arg11[%get3A_119, %get3A_120] {strides = array<i32>} : memref<256x64xi32, #tpu.memory_space<vmem>>, vector<1x16xi32>,
          %get3A_122 = vector.shape_cast %get3A_121 : vector<1x16xi32> to vector<16xi32>
          %shift_left3A_123 = arith.shli %get3A_122, %broadcast_in_dim3A_101 : vector<16xi32>
          %bitcast_convert_type3A_124 = tpu.bitcast %shift_left3A_123 : vector<16xi32> -> vector<16xf32>
          %and3A_125 = arith.andi %get3A_122, %broadcast_in_dim3A_99 : vector<16xi32>
          %bitcast_convert_type3A_126 = tpu.bitcast %and3A_125 : vector<16xi32> -> vector<16xf32>
          %swap3A_127 = arith.index_cast %scan3A_98 : i32 to index
          %swap3A_128 = arith.constant 16 : index
          %swap3A_129 = tpu.vector_load %arg12[%swap3A_127, %swap3A_128] {strides = array<i32>} : memref<128x128xf32, #tpu.memory_space<vmem>>, vector<1x16xf32>,
          %swap3A_130 = vector.shape_cast %swap3A_129 : vector<1x16xf32> to vector<16xf32>
          %swap3A_131 = vector.shape_cast %bitcast_convert_type3A_124 : vector<16xf32> to vector<1x16xf32>
          tpu.vector_store %arg12[%swap3A_127, %swap3A_128], %swap3A_131 {strides = array<i32>} : memref<128x128xf32, #tpu.memory_space<vmem>>, vector<1x16xf32>,
          %swap3A_132 = arith.index_cast %scan3A_98 : i32 to index
          %swap3A_133 = arith.constant 80 : index
          %swap3A_134 = tpu.vector_load %arg12[%swap3A_132, %swap3A_133] {strides = array<i32>} : memref<128x128xf32, #tpu.memory_space<vmem>>, vector<1x16xf32>,
          %swap3A_135 = vector.shape_cast %swap3A_134 : vector<1x16xf32> to vector<16xf32>
          %swap3A_136 = vector.shape_cast %bitcast_convert_type3A_126 : vector<16xf32> to vector<1x16xf32>
          tpu.vector_store %arg12[%swap3A_132, %swap3A_133], %swap3A_136 {strides = array<i32>} : memref<128x128xf32, #tpu.memory_space<vmem>>, vector<1x16xf32>,
          %add3A_137 = arith.constant 128 : i32
          %add3A_138 = arith.addi %add3A_137, %scan3A_98 : i32
          %get3A_139 = arith.index_cast %add3A_138 : i32 to index
          %get3A_140 = arith.constant 32 : index
          %get3A_141 = tpu.vector_load %arg11[%get3A_139, %get3A_140] {strides = array<i32>} : memref<256x64xi32, #tpu.memory_space<vmem>>, vector<1x16xi32>,
          %get3A_142 = vector.shape_cast %get3A_141 : vector<1x16xi32> to vector<16xi32>
          %shift_left3A_143 = arith.shli %get3A_142, %broadcast_in_dim3A_101 : vector<16xi32>
          %bitcast_convert_type3A_144 = tpu.bitcast %shift_left3A_143 : vector<16xi32> -> vector<16xf32>
          %and3A_145 = arith.andi %get3A_142, %broadcast_in_dim3A_99 : vector<16xi32>
          %bitcast_convert_type3A_146 = tpu.bitcast %and3A_145 : vector<16xi32> -> vector<16xf32>
          %swap3A_147 = arith.index_cast %scan3A_98 : i32 to index
          %swap3A_148 = arith.constant 32 : index
          %swap3A_149 = tpu.vector_load %arg12[%swap3A_147, %swap3A_148] {strides = array<i32>} : memref<128x128xf32, #tpu.memory_space<vmem>>, vector<1x16xf32>,
          %swap3A_150 = vector.shape_cast %swap3A_149 : vector<1x16xf32> to vector<16xf32>
          %swap3A_151 = vector.shape_cast %bitcast_convert_type3A_144 : vector<16xf32> to vector<1x16xf32>
          tpu.vector_store %arg12[%swap3A_147, %swap3A_148], %swap3A_151 {strides = array<i32>} : memref<128x128xf32, #tpu.memory_space<vmem>>, vector<1x16xf32>,
          %swap3A_152 = arith.index_cast %scan3A_98 : i32 to index
          %swap3A_153 = arith.constant 96 : index
          %swap3A_154 = tpu.vector_load %arg12[%swap3A_152, %swap3A_153] {strides = array<i32>} : memref<128x128xf32, #tpu.memory_space<vmem>>, vector<1x16xf32>,
          %swap3A_155 = vector.shape_cast %swap3A_154 : vector<1x16xf32> to vector<16xf32>
          %swap3A_156 = vector.shape_cast %bitcast_convert_type3A_146 : vector<16xf32> to vector<1x16xf32>
          tpu.vector_store %arg12[%swap3A_152, %swap3A_153], %swap3A_156 {strides = array<i32>} : memref<128x128xf32, #tpu.memory_space<vmem>>, vector<1x16xf32>,
          %add3A_157 = arith.constant 128 : i32
          %add3A_158 = arith.addi %add3A_157, %scan3A_98 : i32
          %get3A_159 = arith.index_cast %add3A_158 : i32 to index
          %get3A_160 = arith.constant 48 : index
          %get3A_161 = tpu.vector_load %arg11[%get3A_159, %get3A_160] {strides = array<i32>} : memref<256x64xi32, #tpu.memory_space<vmem>>, vector<1x16xi32>,
          %get3A_162 = vector.shape_cast %get3A_161 : vector<1x16xi32> to vector<16xi32>
          %shift_left3A_163 = arith.shli %get3A_162, %broadcast_in_dim3A_101 : vector<16xi32>
          %bitcast_convert_type3A_164 = tpu.bitcast %shift_left3A_163 : vector<16xi32> -> vector<16xf32>
          %and3A_165 = arith.andi %get3A_162, %broadcast_in_dim3A_99 : vector<16xi32>
          %bitcast_convert_type3A_166 = tpu.bitcast %and3A_165 : vector<16xi32> -> vector<16xf32>
          %swap3A_167 = arith.index_cast %scan3A_98 : i32 to index
          %swap3A_168 = arith.constant 48 : index
          %swap3A_169 = tpu.vector_load %arg12[%swap3A_167, %swap3A_168] {strides = array<i32>} : memref<128x128xf32, #tpu.memory_space<vmem>>, vector<1x16xf32>,
          %swap3A_170 = vector.shape_cast %swap3A_169 : vector<1x16xf32> to vector<16xf32>
          %swap3A_171 = vector.shape_cast %bitcast_convert_type3A_164 : vector<16xf32> to vector<1x16xf32>
          tpu.vector_store %arg12[%swap3A_167, %swap3A_168], %swap3A_171 {strides = array<i32>} : memref<128x128xf32, #tpu.memory_space<vmem>>, vector<1x16xf32>,
          %swap3A_172 = arith.index_cast %scan3A_98 : i32 to index
          %swap3A_173 = arith.constant 112 : index
          %swap3A_174 = tpu.vector_load %arg12[%swap3A_172, %swap3A_173] {strides = array<i32>} : memref<128x128xf32, #tpu.memory_space<vmem>>, vector<1x16xf32>,
          %swap3A_175 = vector.shape_cast %swap3A_174 : vector<1x16xf32> to vector<16xf32>
          %swap3A_176 = vector.shape_cast %bitcast_convert_type3A_166 : vector<16xf32> to vector<1x16xf32>
          tpu.vector_store %arg12[%swap3A_172, %swap3A_173], %swap3A_176 {strides = array<i32>} : memref<128x128xf32, #tpu.memory_space<vmem>>, vector<1x16xf32>,
        }
        %scan3A_97 = arith.constant 128 : i32
        "tpu.region"() ({
          %run_scoped3A = tpu.sem_alloc : memref<!tpu.dma_semaphore, #tpu.memory_space<semaphore_mem>>
          %dma_start3A_98 = arith.constant 0 : i32
          %dma_start3A_99 = tpu.memref_slice %arg10[%add3A_73, %dma_start3A_98] : memref<40x128xi32, #tpu.memory_space<vmem>> -> memref<1x128xi32, #tpu.memory_space<vmem>>
          %dma_start3A_100 = tpu.memref_squeeze %dma_start3A_99 : memref<1x128xi32, #tpu.memory_space<vmem>> -> memref<128xi32, #tpu.memory_space<vmem>>
          %dma_start3A_101 = arith.constant 0 : i32
          %dma_start3A_102 = arith.constant 0 : i32
          %dma_start3A_103 = tpu.memref_slice %arg13[%dma_start3A_101, %dma_start3A_102] : memref<10240x128xf32, #tpu.memory_space<vmem_shared>> -> memref<10240x128xf32, #tpu.memory_space<vmem_shared>>
          tpu.enqueue_indirect_dma source(%arg12 : memref<128x128xf32, #tpu.memory_space<vmem>>) target(%dma_start3A_103 : memref<10240x128xf32, #tpu.memory_space<vmem_shared>>) offsets(%dma_start3A_100 : memref<128xi32, #tpu.memory_space<vmem>>) semaphore(%run_scoped3A : memref<!tpu.dma_semaphore, #tpu.memory_space<semaphore_mem>>) {add = true}
          %dma_wait3A_104 = arith.constant 0 : i32
          %dma_wait3A_105 = tpu.memref_slice %arg10[%add3A_73, %dma_wait3A_104] : memref<40x128xi32, #tpu.memory_space<vmem>> -> memref<1x128xi32, #tpu.memory_space<vmem>>
          %dma_wait3A_106 = tpu.memref_squeeze %dma_wait3A_105 : memref<1x128xi32, #tpu.memory_space<vmem>> -> memref<128xi32, #tpu.memory_space<vmem>>
          %dma_wait3A_107 = arith.constant 0 : i32
          %dma_wait3A_108 = arith.constant 0 : i32
          %dma_wait3A_109 = tpu.memref_slice %arg13[%dma_wait3A_107, %dma_wait3A_108] : memref<10240x128xf32, #tpu.memory_space<vmem_shared>> -> memref<10240x128xf32, #tpu.memory_space<vmem_shared>>
          tpu.wait_indirect_dma semaphore(%run_scoped3A : memref<!tpu.dma_semaphore, #tpu.memory_space<semaphore_mem>>) src(%arg12 : memref<128x128xf32, #tpu.memory_space<vmem>>) dst(%dma_wait3A_109 : memref<10240x128xf32, #tpu.memory_space<vmem_shared>>)
          tpu.yield
        }) : () -> ()
      }
      %scan3A_39 = arith.constant 20 : i32
      %barrier3A_40 = arith.constant 0 : index
      tpu.barrier barrier_id(%barrier3A_40)
      %mul3A_41 = arith.constant 640 : i32
      %mul3A_42 = arith.muli %arg1, %mul3A_41 : i32
      %mul3A_43 = arith.constant 640 : i32
      %mul3A_44 = arith.muli %arg1, %mul3A_43 : i32
      "tpu.region"() ({
        %run_scoped3A = tpu.sem_alloc : memref<!tpu.dma_semaphore, #tpu.memory_space<semaphore_mem>>
        %dma_start3A_45 = arith.constant 0 : i32
        %dma_start3A_46 = tpu.memref_slice %arg8[%mul3A_44, %dma_start3A_45] : memref<10240x128xf32, #tpu.memory_space<hbm>> -> memref<640x128xf32, #tpu.memory_space<hbm>>
        %dma_start3A_47 = arith.constant 0 : i32
        %dma_start3A_48 = tpu.memref_slice %arg13[%mul3A_42, %dma_start3A_47] : memref<10240x128xf32, #tpu.memory_space<vmem_shared>> -> memref<640x128xf32, #tpu.memory_space<vmem_shared>>
        tpu.enqueue_dma source(%dma_start3A_48 : memref<640x128xf32, #tpu.memory_space<vmem_shared>>) target(%dma_start3A_46 : memref<640x128xf32, #tpu.memory_space<hbm>>) target_semaphore(%run_scoped3A : memref<!tpu.dma_semaphore, #tpu.memory_space<semaphore_mem>>)
        %dma_wait3A = arith.constant 0 : i32
        %dma_wait3A_49 = tpu.memref_slice %arg8[%mul3A_44, %dma_wait3A] : memref<10240x128xf32, #tpu.memory_space<hbm>> -> memref<640x128xf32, #tpu.memory_space<hbm>>
        %dma_wait3A_50 = arith.constant 0 : i32
        %dma_wait3A_51 = tpu.memref_slice %arg13[%mul3A_42, %dma_wait3A_50] : memref<10240x128xf32, #tpu.memory_space<vmem_shared>> -> memref<640x128xf32, #tpu.memory_space<vmem_shared>>
        tpu.wait_dma2 semaphore(%run_scoped3A : memref<!tpu.dma_semaphore, #tpu.memory_space<semaphore_mem>>) src(%dma_wait3A_51 : memref<640x128xf32, #tpu.memory_space<vmem_shared>>) dst(%dma_wait3A_49 : memref<640x128xf32, #tpu.memory_space<hbm>>)
        tpu.yield
      }) : () -> ()
    } else {
    }
    return
  }
}

#map = affine_map<(d0, d1) -> (0, 0)>
#map1 = affine_map<(d0, d1) -> (0, 0, 0)>
module attributes {stable_mosaic.version = 14 : i64} {
  func.func @_agg_body(%arg0: i32, %arg1: i32, %arg2: memref<10240x64xi32, #tpu.memory_space<hbm>>, %arg3: memref<10240x64xi32, #tpu.memory_space<hbm>>, %arg4: memref<16x80x128xi32, #tpu.memory_space<hbm>>, %arg5: memref<16x80x128xi32, #tpu.memory_space<hbm>>, %arg6: memref<10240x128xf32, #tpu.memory_space<hbm>>, %arg7: memref<10240x128xf32, #tpu.memory_space<hbm>>, %arg8: memref<10240x128xf32, #tpu.memory_space<hbm>>, %arg9: memref<40x128xi32, #tpu.memory_space<vmem>>, %arg10: memref<40x128xi32, #tpu.memory_space<vmem>>, %arg11: memref<256x64xi32, #tpu.memory_space<vmem>>, %arg12: memref<128x128xf32, #tpu.memory_space<vmem>>, %arg13: memref<10240x128xf32, #tpu.memory_space<vmem_shared>>, %arg14: memref<!tpu.dma_semaphore, #tpu.memory_space<semaphore_mem>>, %arg15: memref<!tpu.dma_semaphore, #tpu.memory_space<semaphore_mem>>, %arg16: memref<!tpu.dma_semaphore, #tpu.memory_space<semaphore_mem>>, %arg17: memref<!tpu.dma_semaphore, #tpu.memory_space<semaphore_mem>>) attributes {dimension_semantics = [#tpu.dimension_semantics<core_parallel>, #tpu.dimension_semantics<subcore_parallel>], iteration_bounds = array<i64: 2, 16>, scalar_prefetch = 0 : i64, scratch_operands = 9 : i64, tpu.core_type = #tpu.core_type<sc_vector_subcore>, window_params = [{transform_indices = #map}, {transform_indices = #map}, {transform_indices = #map1}, {transform_indices = #map1}, {transform_indices = #map}, {transform_indices = #map}, {transform_indices = #map}]} {
    %mul3A = arith.constant 640 : i32
    %mul3A_0 = arith.muli %arg1, %mul3A : i32
    %mul3A_1 = arith.constant 640 : i32
    %mul3A_2 = arith.muli %arg1, %mul3A_1 : i32
    "tpu.region"() ({
      %run_scoped3A = tpu.sem_alloc : memref<!tpu.dma_semaphore, #tpu.memory_space<semaphore_mem>>
      %dma_start3A = arith.constant 0 : i32
      %dma_start3A_10 = tpu.memref_slice %arg13[%mul3A_2, %dma_start3A] : memref<10240x128xf32, #tpu.memory_space<vmem_shared>> -> memref<640x128xf32, #tpu.memory_space<vmem_shared>>
      %dma_start3A_11 = arith.constant 0 : i32
      %dma_start3A_12 = tpu.memref_slice %arg6[%mul3A_0, %dma_start3A_11] : memref<10240x128xf32, #tpu.memory_space<hbm>> -> memref<640x128xf32, #tpu.memory_space<hbm>>
      tpu.enqueue_dma source(%dma_start3A_12 : memref<640x128xf32, #tpu.memory_space<hbm>>) target(%dma_start3A_10 : memref<640x128xf32, #tpu.memory_space<vmem_shared>>) target_semaphore(%run_scoped3A : memref<!tpu.dma_semaphore, #tpu.memory_space<semaphore_mem>>)
      %dma_wait3A = arith.constant 0 : i32
      %dma_wait3A_13 = tpu.memref_slice %arg13[%mul3A_2, %dma_wait3A] : memref<10240x128xf32, #tpu.memory_space<vmem_shared>> -> memref<640x128xf32, #tpu.memory_space<vmem_shared>>
      %dma_wait3A_14 = arith.constant 0 : i32
      %dma_wait3A_15 = tpu.memref_slice %arg6[%mul3A_0, %dma_wait3A_14] : memref<10240x128xf32, #tpu.memory_space<hbm>> -> memref<640x128xf32, #tpu.memory_space<hbm>>
      tpu.wait_dma2 semaphore(%run_scoped3A : memref<!tpu.dma_semaphore, #tpu.memory_space<semaphore_mem>>) src(%dma_wait3A_15 : memref<640x128xf32, #tpu.memory_space<hbm>>) dst(%dma_wait3A_13 : memref<640x128xf32, #tpu.memory_space<vmem_shared>>)
      tpu.yield
    }) : () -> ()
    %barrier3A = arith.constant 0 : index
    tpu.barrier barrier_id(%barrier3A)
    %eq3A = arith.constant 0 : i32
    %eq3A_3 = arith.cmpi eq, %arg0, %eq3A : i32
    %convert_element_type3A = arith.extui %eq3A_3 : i1 to i32
    %cond3A = arith.constant 0 : i32
    %cond3A_4 = arith.cmpi ne, %convert_element_type3A, %cond3A : i32
    scf.if %cond3A_4 {
      "tpu.region"() ({
        %run_scoped3A = tpu.sem_alloc : memref<!tpu.dma_semaphore, #tpu.memory_space<semaphore_mem>>
        %dma_start3A_45 = arith.constant 0 : i32
        %dma_start3A_46 = arith.constant 0 : i32
        %dma_start3A_47 = tpu.memref_slice %arg4[%arg1, %dma_start3A_45, %dma_start3A_46] : memref<16x80x128xi32, #tpu.memory_space<hbm>> -> memref<1x40x128xi32, #tpu.memory_space<hbm>>
        %dma_start3A_48 = tpu.memref_squeeze %dma_start3A_47 : memref<1x40x128xi32, #tpu.memory_space<hbm>> -> memref<40x128xi32, #tpu.memory_space<hbm>>
        %dma_start3A_49 = arith.constant 0 : i32
        %dma_start3A_50 = arith.constant 0 : i32
        %dma_start3A_51 = tpu.memref_slice %arg4[%arg1, %dma_start3A_49, %dma_start3A_50] : memref<16x80x128xi32, #tpu.memory_space<hbm>> -> memref<1x40x128xi32, #tpu.memory_space<hbm>>
        %dma_start3A_52 = tpu.memref_squeeze %dma_start3A_51 : memref<1x40x128xi32, #tpu.memory_space<hbm>> -> memref<40x128xi32, #tpu.memory_space<hbm>>
        tpu.enqueue_dma source(%dma_start3A_52 : memref<40x128xi32, #tpu.memory_space<hbm>>) target(%arg9 : memref<40x128xi32, #tpu.memory_space<vmem>>) target_semaphore(%run_scoped3A : memref<!tpu.dma_semaphore, #tpu.memory_space<semaphore_mem>>)
        %dma_wait3A = arith.constant 0 : i32
        %dma_wait3A_53 = arith.constant 0 : i32
        %dma_wait3A_54 = tpu.memref_slice %arg4[%arg1, %dma_wait3A, %dma_wait3A_53] : memref<16x80x128xi32, #tpu.memory_space<hbm>> -> memref<1x40x128xi32, #tpu.memory_space<hbm>>
        %dma_wait3A_55 = tpu.memref_squeeze %dma_wait3A_54 : memref<1x40x128xi32, #tpu.memory_space<hbm>> -> memref<40x128xi32, #tpu.memory_space<hbm>>
        %dma_wait3A_56 = arith.constant 0 : i32
        %dma_wait3A_57 = arith.constant 0 : i32
        %dma_wait3A_58 = tpu.memref_slice %arg4[%arg1, %dma_wait3A_56, %dma_wait3A_57] : memref<16x80x128xi32, #tpu.memory_space<hbm>> -> memref<1x40x128xi32, #tpu.memory_space<hbm>>
        %dma_wait3A_59 = tpu.memref_squeeze %dma_wait3A_58 : memref<1x40x128xi32, #tpu.memory_space<hbm>> -> memref<40x128xi32, #tpu.memory_space<hbm>>
        tpu.wait_dma2 semaphore(%run_scoped3A : memref<!tpu.dma_semaphore, #tpu.memory_space<semaphore_mem>>) src(%dma_wait3A_59 : memref<40x128xi32, #tpu.memory_space<hbm>>) dst(%arg9 : memref<40x128xi32, #tpu.memory_space<vmem>>)
        tpu.yield
      }) : () -> ()
      "tpu.region"() ({
        %run_scoped3A = tpu.sem_alloc : memref<!tpu.dma_semaphore, #tpu.memory_space<semaphore_mem>>
        %dma_start3A_45 = arith.constant 0 : i32
        %dma_start3A_46 = arith.constant 0 : i32
        %dma_start3A_47 = tpu.memref_slice %arg5[%arg1, %dma_start3A_45, %dma_start3A_46] : memref<16x80x128xi32, #tpu.memory_space<hbm>> -> memref<1x40x128xi32, #tpu.memory_space<hbm>>
        %dma_start3A_48 = tpu.memref_squeeze %dma_start3A_47 : memref<1x40x128xi32, #tpu.memory_space<hbm>> -> memref<40x128xi32, #tpu.memory_space<hbm>>
        %dma_start3A_49 = arith.constant 0 : i32
        %dma_start3A_50 = arith.constant 0 : i32
        %dma_start3A_51 = tpu.memref_slice %arg5[%arg1, %dma_start3A_49, %dma_start3A_50] : memref<16x80x128xi32, #tpu.memory_space<hbm>> -> memref<1x40x128xi32, #tpu.memory_space<hbm>>
        %dma_start3A_52 = tpu.memref_squeeze %dma_start3A_51 : memref<1x40x128xi32, #tpu.memory_space<hbm>> -> memref<40x128xi32, #tpu.memory_space<hbm>>
        tpu.enqueue_dma source(%dma_start3A_52 : memref<40x128xi32, #tpu.memory_space<hbm>>) target(%arg10 : memref<40x128xi32, #tpu.memory_space<vmem>>) target_semaphore(%run_scoped3A : memref<!tpu.dma_semaphore, #tpu.memory_space<semaphore_mem>>)
        %dma_wait3A = arith.constant 0 : i32
        %dma_wait3A_53 = arith.constant 0 : i32
        %dma_wait3A_54 = tpu.memref_slice %arg5[%arg1, %dma_wait3A, %dma_wait3A_53] : memref<16x80x128xi32, #tpu.memory_space<hbm>> -> memref<1x40x128xi32, #tpu.memory_space<hbm>>
        %dma_wait3A_55 = tpu.memref_squeeze %dma_wait3A_54 : memref<1x40x128xi32, #tpu.memory_space<hbm>> -> memref<40x128xi32, #tpu.memory_space<hbm>>
        %dma_wait3A_56 = arith.constant 0 : i32
        %dma_wait3A_57 = arith.constant 0 : i32
        %dma_wait3A_58 = tpu.memref_slice %arg5[%arg1, %dma_wait3A_56, %dma_wait3A_57] : memref<16x80x128xi32, #tpu.memory_space<hbm>> -> memref<1x40x128xi32, #tpu.memory_space<hbm>>
        %dma_wait3A_59 = tpu.memref_squeeze %dma_wait3A_58 : memref<1x40x128xi32, #tpu.memory_space<hbm>> -> memref<40x128xi32, #tpu.memory_space<hbm>>
        tpu.wait_dma2 semaphore(%run_scoped3A : memref<!tpu.dma_semaphore, #tpu.memory_space<semaphore_mem>>) src(%dma_wait3A_59 : memref<40x128xi32, #tpu.memory_space<hbm>>) dst(%arg10 : memref<40x128xi32, #tpu.memory_space<vmem>>)
        tpu.yield
      }) : () -> ()
      %dma_start3A = arith.constant 0 : i32
      %dma_start3A_10 = arith.constant 0 : i32
      %dma_start3A_11 = arith.constant 0 : i32
      %dma_start3A_12 = tpu.memref_slice %arg11[%dma_start3A_10, %dma_start3A_11] : memref<256x64xi32, #tpu.memory_space<vmem>> -> memref<128x64xi32, #tpu.memory_space<vmem>>
      %dma_start3A_13 = arith.constant 0 : i32
      %dma_start3A_14 = tpu.memref_slice %arg9[%dma_start3A, %dma_start3A_13] : memref<40x128xi32, #tpu.memory_space<vmem>> -> memref<1x128xi32, #tpu.memory_space<vmem>>
      %dma_start3A_15 = tpu.memref_squeeze %dma_start3A_14 : memref<1x128xi32, #tpu.memory_space<vmem>> -> memref<128xi32, #tpu.memory_space<vmem>>
      %dma_start3A_16 = arith.constant 0 : i32
      %dma_start3A_17 = arith.constant 0 : i32
      %dma_start3A_18 = tpu.memref_slice %arg2[%dma_start3A_16, %dma_start3A_17] : memref<10240x64xi32, #tpu.memory_space<hbm>> -> memref<10240x64xi32, #tpu.memory_space<hbm>>
      tpu.enqueue_indirect_dma source(%dma_start3A_18 : memref<10240x64xi32, #tpu.memory_space<hbm>>) target(%dma_start3A_12 : memref<128x64xi32, #tpu.memory_space<vmem>>) offsets(%dma_start3A_15 : memref<128xi32, #tpu.memory_space<vmem>>) semaphore(%arg14 : memref<!tpu.dma_semaphore, #tpu.memory_space<semaphore_mem>>)
      %scan3A = arith.constant 0 : i32
      %scan3A_19 = arith.constant 0 : i32
      %scan3A_20 = arith.constant 20 : i32
      %scan3A_21 = arith.addi %scan3A_19, %scan3A_20 : i32
      %scan3A_22 = arith.constant 1 : i32
      scf.for %scan3A_45 = %scan3A_19 to %scan3A_21 step %scan3A_22  : i32 {
        %mul3A_46 = arith.constant 2 : i32
        %mul3A_47 = arith.muli %mul3A_46, %scan3A_45 : i32
        %add3A = arith.constant 0 : i32
        %add3A_48 = arith.addi %mul3A_47, %add3A : i32
        %dma_wait3A = arith.constant 0 : i32
        %dma_wait3A_49 = arith.constant 0 : i32
        %dma_wait3A_50 = tpu.memref_slice %arg11[%dma_wait3A, %dma_wait3A_49] : memref<256x64xi32, #tpu.memory_space<vmem>> -> memref<128x64xi32, #tpu.memory_space<vmem>>
        %dma_wait3A_51 = arith.constant 0 : i32
        %dma_wait3A_52 = tpu.memref_slice %arg9[%add3A_48, %dma_wait3A_51] : memref<40x128xi32, #tpu.memory_space<vmem>> -> memref<1x128xi32, #tpu.memory_space<vmem>>
        %dma_wait3A_53 = tpu.memref_squeeze %dma_wait3A_52 : memref<1x128xi32, #tpu.memory_space<vmem>> -> memref<128xi32, #tpu.memory_space<vmem>>
        %dma_wait3A_54 = arith.constant 0 : i32
        %dma_wait3A_55 = arith.constant 0 : i32
        %dma_wait3A_56 = tpu.memref_slice %arg2[%dma_wait3A_54, %dma_wait3A_55] : memref<10240x64xi32, #tpu.memory_space<hbm>> -> memref<10240x64xi32, #tpu.memory_space<hbm>>
        tpu.wait_indirect_dma semaphore(%arg14 : memref<!tpu.dma_semaphore, #tpu.memory_space<semaphore_mem>>) src(%dma_wait3A_56 : memref<10240x64xi32, #tpu.memory_space<hbm>>) dst(%dma_wait3A_50 : memref<128x64xi32, #tpu.memory_space<vmem>>)
        %add3A_57 = arith.constant 2 : i32
        %add3A_58 = arith.addi %add3A_48, %add3A_57 : i32
        %sub3A = arith.constant 1 : i32
        %sub3A_59 = arith.subi %add3A_58, %sub3A : i32
        %lt3A = arith.constant 40 : i32
        %lt3A_60 = arith.cmpi slt, %sub3A_59, %lt3A : i32
        %convert_element_type3A_61 = arith.extui %lt3A_60 : i1 to i32
        %cond3A_62 = arith.constant 0 : i32
        %cond3A_63 = arith.cmpi ne, %convert_element_type3A_61, %cond3A_62 : i32
        scf.if %cond3A_63 {
          %dma_start3A_98 = arith.constant 128 : i32
          %dma_start3A_99 = arith.constant 0 : i32
          %dma_start3A_100 = tpu.memref_slice %arg11[%dma_start3A_98, %dma_start3A_99] : memref<256x64xi32, #tpu.memory_space<vmem>> -> memref<128x64xi32, #tpu.memory_space<vmem>>
          %dma_start3A_101 = arith.constant 0 : i32
          %dma_start3A_102 = tpu.memref_slice %arg9[%sub3A_59, %dma_start3A_101] : memref<40x128xi32, #tpu.memory_space<vmem>> -> memref<1x128xi32, #tpu.memory_space<vmem>>
          %dma_start3A_103 = tpu.memref_squeeze %dma_start3A_102 : memref<1x128xi32, #tpu.memory_space<vmem>> -> memref<128xi32, #tpu.memory_space<vmem>>
          %dma_start3A_104 = arith.constant 0 : i32
          %dma_start3A_105 = arith.constant 0 : i32
          %dma_start3A_106 = tpu.memref_slice %arg2[%dma_start3A_104, %dma_start3A_105] : memref<10240x64xi32, #tpu.memory_space<hbm>> -> memref<10240x64xi32, #tpu.memory_space<hbm>>
          tpu.enqueue_indirect_dma source(%dma_start3A_106 : memref<10240x64xi32, #tpu.memory_space<hbm>>) target(%dma_start3A_100 : memref<128x64xi32, #tpu.memory_space<vmem>>) offsets(%dma_start3A_103 : memref<128xi32, #tpu.memory_space<vmem>>) semaphore(%arg15 : memref<!tpu.dma_semaphore, #tpu.memory_space<semaphore_mem>>)
        } else {
        }
        %scan3A_64 = arith.constant 0 : i32
        %scan3A_65 = arith.constant 0 : i32
        %scan3A_66 = arith.constant 128 : i32
        %scan3A_67 = arith.addi %scan3A_65, %scan3A_66 : i32
        %scan3A_68 = arith.constant 1 : i32
        scf.for %scan3A_98 = %scan3A_65 to %scan3A_67 step %scan3A_68  : i32 {
          %broadcast_in_dim3A = arith.constant -65536 : i32
          %broadcast_in_dim3A_99 = vector.broadcast %broadcast_in_dim3A : i32 to vector<16xi32>
          %broadcast_in_dim3A_100 = arith.constant 16 : i32
          %broadcast_in_dim3A_101 = vector.broadcast %broadcast_in_dim3A_100 : i32 to vector<16xi32>
          %add3A_102 = arith.constant 0 : i32
          %add3A_103 = arith.addi %add3A_102, %scan3A_98 : i32
          %get3A = arith.index_cast %add3A_103 : i32 to index
          %get3A_104 = arith.constant 0 : index
          %get3A_105 = tpu.vector_load %arg11[%get3A, %get3A_104] {strides = array<i32>} : memref<256x64xi32, #tpu.memory_space<vmem>>, vector<1x16xi32>,
          %get3A_106 = vector.shape_cast %get3A_105 : vector<1x16xi32> to vector<16xi32>
          %shift_left3A = arith.shli %get3A_106, %broadcast_in_dim3A_101 : vector<16xi32>
          %bitcast_convert_type3A = tpu.bitcast %shift_left3A : vector<16xi32> -> vector<16xf32>
          %and3A = arith.andi %get3A_106, %broadcast_in_dim3A_99 : vector<16xi32>
          %bitcast_convert_type3A_107 = tpu.bitcast %and3A : vector<16xi32> -> vector<16xf32>
          %swap3A = arith.index_cast %scan3A_98 : i32 to index
          %swap3A_108 = arith.constant 0 : index
          %swap3A_109 = tpu.vector_load %arg12[%swap3A, %swap3A_108] {strides = array<i32>} : memref<128x128xf32, #tpu.memory_space<vmem>>, vector<1x16xf32>,
          %swap3A_110 = vector.shape_cast %swap3A_109 : vector<1x16xf32> to vector<16xf32>
          %swap3A_111 = vector.shape_cast %bitcast_convert_type3A : vector<16xf32> to vector<1x16xf32>
          tpu.vector_store %arg12[%swap3A, %swap3A_108], %swap3A_111 {strides = array<i32>} : memref<128x128xf32, #tpu.memory_space<vmem>>, vector<1x16xf32>,
          %swap3A_112 = arith.index_cast %scan3A_98 : i32 to index
          %swap3A_113 = arith.constant 64 : index
          %swap3A_114 = tpu.vector_load %arg12[%swap3A_112, %swap3A_113] {strides = array<i32>} : memref<128x128xf32, #tpu.memory_space<vmem>>, vector<1x16xf32>,
          %swap3A_115 = vector.shape_cast %swap3A_114 : vector<1x16xf32> to vector<16xf32>
          %swap3A_116 = vector.shape_cast %bitcast_convert_type3A_107 : vector<16xf32> to vector<1x16xf32>
          tpu.vector_store %arg12[%swap3A_112, %swap3A_113], %swap3A_116 {strides = array<i32>} : memref<128x128xf32, #tpu.memory_space<vmem>>, vector<1x16xf32>,
          %add3A_117 = arith.constant 0 : i32
          %add3A_118 = arith.addi %add3A_117, %scan3A_98 : i32
          %get3A_119 = arith.index_cast %add3A_118 : i32 to index
          %get3A_120 = arith.constant 16 : index
          %get3A_121 = tpu.vector_load %arg11[%get3A_119, %get3A_120] {strides = array<i32>} : memref<256x64xi32, #tpu.memory_space<vmem>>, vector<1x16xi32>,
          %get3A_122 = vector.shape_cast %get3A_121 : vector<1x16xi32> to vector<16xi32>
          %shift_left3A_123 = arith.shli %get3A_122, %broadcast_in_dim3A_101 : vector<16xi32>
          %bitcast_convert_type3A_124 = tpu.bitcast %shift_left3A_123 : vector<16xi32> -> vector<16xf32>
          %and3A_125 = arith.andi %get3A_122, %broadcast_in_dim3A_99 : vector<16xi32>
          %bitcast_convert_type3A_126 = tpu.bitcast %and3A_125 : vector<16xi32> -> vector<16xf32>
          %swap3A_127 = arith.index_cast %scan3A_98 : i32 to index
          %swap3A_128 = arith.constant 16 : index
          %swap3A_129 = tpu.vector_load %arg12[%swap3A_127, %swap3A_128] {strides = array<i32>} : memref<128x128xf32, #tpu.memory_space<vmem>>, vector<1x16xf32>,
          %swap3A_130 = vector.shape_cast %swap3A_129 : vector<1x16xf32> to vector<16xf32>
          %swap3A_131 = vector.shape_cast %bitcast_convert_type3A_124 : vector<16xf32> to vector<1x16xf32>
          tpu.vector_store %arg12[%swap3A_127, %swap3A_128], %swap3A_131 {strides = array<i32>} : memref<128x128xf32, #tpu.memory_space<vmem>>, vector<1x16xf32>,
          %swap3A_132 = arith.index_cast %scan3A_98 : i32 to index
          %swap3A_133 = arith.constant 80 : index
          %swap3A_134 = tpu.vector_load %arg12[%swap3A_132, %swap3A_133] {strides = array<i32>} : memref<128x128xf32, #tpu.memory_space<vmem>>, vector<1x16xf32>,
          %swap3A_135 = vector.shape_cast %swap3A_134 : vector<1x16xf32> to vector<16xf32>
          %swap3A_136 = vector.shape_cast %bitcast_convert_type3A_126 : vector<16xf32> to vector<1x16xf32>
          tpu.vector_store %arg12[%swap3A_132, %swap3A_133], %swap3A_136 {strides = array<i32>} : memref<128x128xf32, #tpu.memory_space<vmem>>, vector<1x16xf32>,
          %add3A_137 = arith.constant 0 : i32
          %add3A_138 = arith.addi %add3A_137, %scan3A_98 : i32
          %get3A_139 = arith.index_cast %add3A_138 : i32 to index
          %get3A_140 = arith.constant 32 : index
          %get3A_141 = tpu.vector_load %arg11[%get3A_139, %get3A_140] {strides = array<i32>} : memref<256x64xi32, #tpu.memory_space<vmem>>, vector<1x16xi32>,
          %get3A_142 = vector.shape_cast %get3A_141 : vector<1x16xi32> to vector<16xi32>
          %shift_left3A_143 = arith.shli %get3A_142, %broadcast_in_dim3A_101 : vector<16xi32>
          %bitcast_convert_type3A_144 = tpu.bitcast %shift_left3A_143 : vector<16xi32> -> vector<16xf32>
          %and3A_145 = arith.andi %get3A_142, %broadcast_in_dim3A_99 : vector<16xi32>
          %bitcast_convert_type3A_146 = tpu.bitcast %and3A_145 : vector<16xi32> -> vector<16xf32>
          %swap3A_147 = arith.index_cast %scan3A_98 : i32 to index
          %swap3A_148 = arith.constant 32 : index
          %swap3A_149 = tpu.vector_load %arg12[%swap3A_147, %swap3A_148] {strides = array<i32>} : memref<128x128xf32, #tpu.memory_space<vmem>>, vector<1x16xf32>,
          %swap3A_150 = vector.shape_cast %swap3A_149 : vector<1x16xf32> to vector<16xf32>
          %swap3A_151 = vector.shape_cast %bitcast_convert_type3A_144 : vector<16xf32> to vector<1x16xf32>
          tpu.vector_store %arg12[%swap3A_147, %swap3A_148], %swap3A_151 {strides = array<i32>} : memref<128x128xf32, #tpu.memory_space<vmem>>, vector<1x16xf32>,
          %swap3A_152 = arith.index_cast %scan3A_98 : i32 to index
          %swap3A_153 = arith.constant 96 : index
          %swap3A_154 = tpu.vector_load %arg12[%swap3A_152, %swap3A_153] {strides = array<i32>} : memref<128x128xf32, #tpu.memory_space<vmem>>, vector<1x16xf32>,
          %swap3A_155 = vector.shape_cast %swap3A_154 : vector<1x16xf32> to vector<16xf32>
          %swap3A_156 = vector.shape_cast %bitcast_convert_type3A_146 : vector<16xf32> to vector<1x16xf32>
          tpu.vector_store %arg12[%swap3A_152, %swap3A_153], %swap3A_156 {strides = array<i32>} : memref<128x128xf32, #tpu.memory_space<vmem>>, vector<1x16xf32>,
          %add3A_157 = arith.constant 0 : i32
          %add3A_158 = arith.addi %add3A_157, %scan3A_98 : i32
          %get3A_159 = arith.index_cast %add3A_158 : i32 to index
          %get3A_160 = arith.constant 48 : index
          %get3A_161 = tpu.vector_load %arg11[%get3A_159, %get3A_160] {strides = array<i32>} : memref<256x64xi32, #tpu.memory_space<vmem>>, vector<1x16xi32>,
          %get3A_162 = vector.shape_cast %get3A_161 : vector<1x16xi32> to vector<16xi32>
          %shift_left3A_163 = arith.shli %get3A_162, %broadcast_in_dim3A_101 : vector<16xi32>
          %bitcast_convert_type3A_164 = tpu.bitcast %shift_left3A_163 : vector<16xi32> -> vector<16xf32>
          %and3A_165 = arith.andi %get3A_162, %broadcast_in_dim3A_99 : vector<16xi32>
          %bitcast_convert_type3A_166 = tpu.bitcast %and3A_165 : vector<16xi32> -> vector<16xf32>
          %swap3A_167 = arith.index_cast %scan3A_98 : i32 to index
          %swap3A_168 = arith.constant 48 : index
          %swap3A_169 = tpu.vector_load %arg12[%swap3A_167, %swap3A_168] {strides = array<i32>} : memref<128x128xf32, #tpu.memory_space<vmem>>, vector<1x16xf32>,
          %swap3A_170 = vector.shape_cast %swap3A_169 : vector<1x16xf32> to vector<16xf32>
          %swap3A_171 = vector.shape_cast %bitcast_convert_type3A_164 : vector<16xf32> to vector<1x16xf32>
          tpu.vector_store %arg12[%swap3A_167, %swap3A_168], %swap3A_171 {strides = array<i32>} : memref<128x128xf32, #tpu.memory_space<vmem>>, vector<1x16xf32>,
          %swap3A_172 = arith.index_cast %scan3A_98 : i32 to index
          %swap3A_173 = arith.constant 112 : index
          %swap3A_174 = tpu.vector_load %arg12[%swap3A_172, %swap3A_173] {strides = array<i32>} : memref<128x128xf32, #tpu.memory_space<vmem>>, vector<1x16xf32>,
          %swap3A_175 = vector.shape_cast %swap3A_174 : vector<1x16xf32> to vector<16xf32>
          %swap3A_176 = vector.shape_cast %bitcast_convert_type3A_166 : vector<16xf32> to vector<1x16xf32>
          tpu.vector_store %arg12[%swap3A_172, %swap3A_173], %swap3A_176 {strides = array<i32>} : memref<128x128xf32, #tpu.memory_space<vmem>>, vector<1x16xf32>,
        }
        %scan3A_69 = arith.constant 128 : i32
        "tpu.region"() ({
          %run_scoped3A = tpu.sem_alloc : memref<!tpu.dma_semaphore, #tpu.memory_space<semaphore_mem>>
          %dma_start3A_98 = arith.constant 0 : i32
          %dma_start3A_99 = tpu.memref_slice %arg10[%add3A_48, %dma_start3A_98] : memref<40x128xi32, #tpu.memory_space<vmem>> -> memref<1x128xi32, #tpu.memory_space<vmem>>
          %dma_start3A_100 = tpu.memref_squeeze %dma_start3A_99 : memref<1x128xi32, #tpu.memory_space<vmem>> -> memref<128xi32, #tpu.memory_space<vmem>>
          %dma_start3A_101 = arith.constant 0 : i32
          %dma_start3A_102 = arith.constant 0 : i32
          %dma_start3A_103 = tpu.memref_slice %arg13[%dma_start3A_101, %dma_start3A_102] : memref<10240x128xf32, #tpu.memory_space<vmem_shared>> -> memref<10240x128xf32, #tpu.memory_space<vmem_shared>>
          tpu.enqueue_indirect_dma source(%arg12 : memref<128x128xf32, #tpu.memory_space<vmem>>) target(%dma_start3A_103 : memref<10240x128xf32, #tpu.memory_space<vmem_shared>>) offsets(%dma_start3A_100 : memref<128xi32, #tpu.memory_space<vmem>>) semaphore(%run_scoped3A : memref<!tpu.dma_semaphore, #tpu.memory_space<semaphore_mem>>) {add = true}
          %dma_wait3A_104 = arith.constant 0 : i32
          %dma_wait3A_105 = tpu.memref_slice %arg10[%add3A_48, %dma_wait3A_104] : memref<40x128xi32, #tpu.memory_space<vmem>> -> memref<1x128xi32, #tpu.memory_space<vmem>>
          %dma_wait3A_106 = tpu.memref_squeeze %dma_wait3A_105 : memref<1x128xi32, #tpu.memory_space<vmem>> -> memref<128xi32, #tpu.memory_space<vmem>>
          %dma_wait3A_107 = arith.constant 0 : i32
          %dma_wait3A_108 = arith.constant 0 : i32
          %dma_wait3A_109 = tpu.memref_slice %arg13[%dma_wait3A_107, %dma_wait3A_108] : memref<10240x128xf32, #tpu.memory_space<vmem_shared>> -> memref<10240x128xf32, #tpu.memory_space<vmem_shared>>
          tpu.wait_indirect_dma semaphore(%run_scoped3A : memref<!tpu.dma_semaphore, #tpu.memory_space<semaphore_mem>>) src(%arg12 : memref<128x128xf32, #tpu.memory_space<vmem>>) dst(%dma_wait3A_109 : memref<10240x128xf32, #tpu.memory_space<vmem_shared>>)
          tpu.yield
        }) : () -> ()
        %mul3A_70 = arith.constant 2 : i32
        %mul3A_71 = arith.muli %mul3A_70, %scan3A_45 : i32
        %add3A_72 = arith.constant 1 : i32
        %add3A_73 = arith.addi %mul3A_71, %add3A_72 : i32
        %dma_wait3A_74 = arith.constant 128 : i32
        %dma_wait3A_75 = arith.constant 0 : i32
        %dma_wait3A_76 = tpu.memref_slice %arg11[%dma_wait3A_74, %dma_wait3A_75] : memref<256x64xi32, #tpu.memory_space<vmem>> -> memref<128x64xi32, #tpu.memory_space<vmem>>
        %dma_wait3A_77 = arith.constant 0 : i32
        %dma_wait3A_78 = tpu.memref_slice %arg9[%add3A_73, %dma_wait3A_77] : memref<40x128xi32, #tpu.memory_space<vmem>> -> memref<1x128xi32, #tpu.memory_space<vmem>>
        %dma_wait3A_79 = tpu.memref_squeeze %dma_wait3A_78 : memref<1x128xi32, #tpu.memory_space<vmem>> -> memref<128xi32, #tpu.memory_space<vmem>>
        %dma_wait3A_80 = arith.constant 0 : i32
        %dma_wait3A_81 = arith.constant 0 : i32
        %dma_wait3A_82 = tpu.memref_slice %arg2[%dma_wait3A_80, %dma_wait3A_81] : memref<10240x64xi32, #tpu.memory_space<hbm>> -> memref<10240x64xi32, #tpu.memory_space<hbm>>
        tpu.wait_indirect_dma semaphore(%arg15 : memref<!tpu.dma_semaphore, #tpu.memory_space<semaphore_mem>>) src(%dma_wait3A_82 : memref<10240x64xi32, #tpu.memory_space<hbm>>) dst(%dma_wait3A_76 : memref<128x64xi32, #tpu.memory_space<vmem>>)
        %add3A_83 = arith.constant 2 : i32
        %add3A_84 = arith.addi %add3A_73, %add3A_83 : i32
        %sub3A_85 = arith.constant 1 : i32
        %sub3A_86 = arith.subi %add3A_84, %sub3A_85 : i32
        %lt3A_87 = arith.constant 40 : i32
        %lt3A_88 = arith.cmpi slt, %sub3A_86, %lt3A_87 : i32
        %convert_element_type3A_89 = arith.extui %lt3A_88 : i1 to i32
        %cond3A_90 = arith.constant 0 : i32
        %cond3A_91 = arith.cmpi ne, %convert_element_type3A_89, %cond3A_90 : i32
        scf.if %cond3A_91 {
          %dma_start3A_98 = arith.constant 0 : i32
          %dma_start3A_99 = arith.constant 0 : i32
          %dma_start3A_100 = tpu.memref_slice %arg11[%dma_start3A_98, %dma_start3A_99] : memref<256x64xi32, #tpu.memory_space<vmem>> -> memref<128x64xi32, #tpu.memory_space<vmem>>
          %dma_start3A_101 = arith.constant 0 : i32
          %dma_start3A_102 = tpu.memref_slice %arg9[%sub3A_86, %dma_start3A_101] : memref<40x128xi32, #tpu.memory_space<vmem>> -> memref<1x128xi32, #tpu.memory_space<vmem>>
          %dma_start3A_103 = tpu.memref_squeeze %dma_start3A_102 : memref<1x128xi32, #tpu.memory_space<vmem>> -> memref<128xi32, #tpu.memory_space<vmem>>
          %dma_start3A_104 = arith.constant 0 : i32
          %dma_start3A_105 = arith.constant 0 : i32
          %dma_start3A_106 = tpu.memref_slice %arg2[%dma_start3A_104, %dma_start3A_105] : memref<10240x64xi32, #tpu.memory_space<hbm>> -> memref<10240x64xi32, #tpu.memory_space<hbm>>
          tpu.enqueue_indirect_dma source(%dma_start3A_106 : memref<10240x64xi32, #tpu.memory_space<hbm>>) target(%dma_start3A_100 : memref<128x64xi32, #tpu.memory_space<vmem>>) offsets(%dma_start3A_103 : memref<128xi32, #tpu.memory_space<vmem>>) semaphore(%arg14 : memref<!tpu.dma_semaphore, #tpu.memory_space<semaphore_mem>>)
        } else {
        }
        %scan3A_92 = arith.constant 0 : i32
        %scan3A_93 = arith.constant 0 : i32
        %scan3A_94 = arith.constant 128 : i32
        %scan3A_95 = arith.addi %scan3A_93, %scan3A_94 : i32
        %scan3A_96 = arith.constant 1 : i32
        scf.for %scan3A_98 = %scan3A_93 to %scan3A_95 step %scan3A_96  : i32 {
          %broadcast_in_dim3A = arith.constant -65536 : i32
          %broadcast_in_dim3A_99 = vector.broadcast %broadcast_in_dim3A : i32 to vector<16xi32>
          %broadcast_in_dim3A_100 = arith.constant 16 : i32
          %broadcast_in_dim3A_101 = vector.broadcast %broadcast_in_dim3A_100 : i32 to vector<16xi32>
          %add3A_102 = arith.constant 128 : i32
          %add3A_103 = arith.addi %add3A_102, %scan3A_98 : i32
          %get3A = arith.index_cast %add3A_103 : i32 to index
          %get3A_104 = arith.constant 0 : index
          %get3A_105 = tpu.vector_load %arg11[%get3A, %get3A_104] {strides = array<i32>} : memref<256x64xi32, #tpu.memory_space<vmem>>, vector<1x16xi32>,
          %get3A_106 = vector.shape_cast %get3A_105 : vector<1x16xi32> to vector<16xi32>
          %shift_left3A = arith.shli %get3A_106, %broadcast_in_dim3A_101 : vector<16xi32>
          %bitcast_convert_type3A = tpu.bitcast %shift_left3A : vector<16xi32> -> vector<16xf32>
          %and3A = arith.andi %get3A_106, %broadcast_in_dim3A_99 : vector<16xi32>
          %bitcast_convert_type3A_107 = tpu.bitcast %and3A : vector<16xi32> -> vector<16xf32>
          %swap3A = arith.index_cast %scan3A_98 : i32 to index
          %swap3A_108 = arith.constant 0 : index
          %swap3A_109 = tpu.vector_load %arg12[%swap3A, %swap3A_108] {strides = array<i32>} : memref<128x128xf32, #tpu.memory_space<vmem>>, vector<1x16xf32>,
          %swap3A_110 = vector.shape_cast %swap3A_109 : vector<1x16xf32> to vector<16xf32>
          %swap3A_111 = vector.shape_cast %bitcast_convert_type3A : vector<16xf32> to vector<1x16xf32>
          tpu.vector_store %arg12[%swap3A, %swap3A_108], %swap3A_111 {strides = array<i32>} : memref<128x128xf32, #tpu.memory_space<vmem>>, vector<1x16xf32>,
          %swap3A_112 = arith.index_cast %scan3A_98 : i32 to index
          %swap3A_113 = arith.constant 64 : index
          %swap3A_114 = tpu.vector_load %arg12[%swap3A_112, %swap3A_113] {strides = array<i32>} : memref<128x128xf32, #tpu.memory_space<vmem>>, vector<1x16xf32>,
          %swap3A_115 = vector.shape_cast %swap3A_114 : vector<1x16xf32> to vector<16xf32>
          %swap3A_116 = vector.shape_cast %bitcast_convert_type3A_107 : vector<16xf32> to vector<1x16xf32>
          tpu.vector_store %arg12[%swap3A_112, %swap3A_113], %swap3A_116 {strides = array<i32>} : memref<128x128xf32, #tpu.memory_space<vmem>>, vector<1x16xf32>,
          %add3A_117 = arith.constant 128 : i32
          %add3A_118 = arith.addi %add3A_117, %scan3A_98 : i32
          %get3A_119 = arith.index_cast %add3A_118 : i32 to index
          %get3A_120 = arith.constant 16 : index
          %get3A_121 = tpu.vector_load %arg11[%get3A_119, %get3A_120] {strides = array<i32>} : memref<256x64xi32, #tpu.memory_space<vmem>>, vector<1x16xi32>,
          %get3A_122 = vector.shape_cast %get3A_121 : vector<1x16xi32> to vector<16xi32>
          %shift_left3A_123 = arith.shli %get3A_122, %broadcast_in_dim3A_101 : vector<16xi32>
          %bitcast_convert_type3A_124 = tpu.bitcast %shift_left3A_123 : vector<16xi32> -> vector<16xf32>
          %and3A_125 = arith.andi %get3A_122, %broadcast_in_dim3A_99 : vector<16xi32>
          %bitcast_convert_type3A_126 = tpu.bitcast %and3A_125 : vector<16xi32> -> vector<16xf32>
          %swap3A_127 = arith.index_cast %scan3A_98 : i32 to index
          %swap3A_128 = arith.constant 16 : index
          %swap3A_129 = tpu.vector_load %arg12[%swap3A_127, %swap3A_128] {strides = array<i32>} : memref<128x128xf32, #tpu.memory_space<vmem>>, vector<1x16xf32>,
          %swap3A_130 = vector.shape_cast %swap3A_129 : vector<1x16xf32> to vector<16xf32>
          %swap3A_131 = vector.shape_cast %bitcast_convert_type3A_124 : vector<16xf32> to vector<1x16xf32>
          tpu.vector_store %arg12[%swap3A_127, %swap3A_128], %swap3A_131 {strides = array<i32>} : memref<128x128xf32, #tpu.memory_space<vmem>>, vector<1x16xf32>,
          %swap3A_132 = arith.index_cast %scan3A_98 : i32 to index
          %swap3A_133 = arith.constant 80 : index
          %swap3A_134 = tpu.vector_load %arg12[%swap3A_132, %swap3A_133] {strides = array<i32>} : memref<128x128xf32, #tpu.memory_space<vmem>>, vector<1x16xf32>,
          %swap3A_135 = vector.shape_cast %swap3A_134 : vector<1x16xf32> to vector<16xf32>
          %swap3A_136 = vector.shape_cast %bitcast_convert_type3A_126 : vector<16xf32> to vector<1x16xf32>
          tpu.vector_store %arg12[%swap3A_132, %swap3A_133], %swap3A_136 {strides = array<i32>} : memref<128x128xf32, #tpu.memory_space<vmem>>, vector<1x16xf32>,
          %add3A_137 = arith.constant 128 : i32
          %add3A_138 = arith.addi %add3A_137, %scan3A_98 : i32
          %get3A_139 = arith.index_cast %add3A_138 : i32 to index
          %get3A_140 = arith.constant 32 : index
          %get3A_141 = tpu.vector_load %arg11[%get3A_139, %get3A_140] {strides = array<i32>} : memref<256x64xi32, #tpu.memory_space<vmem>>, vector<1x16xi32>,
          %get3A_142 = vector.shape_cast %get3A_141 : vector<1x16xi32> to vector<16xi32>
          %shift_left3A_143 = arith.shli %get3A_142, %broadcast_in_dim3A_101 : vector<16xi32>
          %bitcast_convert_type3A_144 = tpu.bitcast %shift_left3A_143 : vector<16xi32> -> vector<16xf32>
          %and3A_145 = arith.andi %get3A_142, %broadcast_in_dim3A_99 : vector<16xi32>
          %bitcast_convert_type3A_146 = tpu.bitcast %and3A_145 : vector<16xi32> -> vector<16xf32>
          %swap3A_147 = arith.index_cast %scan3A_98 : i32 to index
          %swap3A_148 = arith.constant 32 : index
          %swap3A_149 = tpu.vector_load %arg12[%swap3A_147, %swap3A_148] {strides = array<i32>} : memref<128x128xf32, #tpu.memory_space<vmem>>, vector<1x16xf32>,
          %swap3A_150 = vector.shape_cast %swap3A_149 : vector<1x16xf32> to vector<16xf32>
          %swap3A_151 = vector.shape_cast %bitcast_convert_type3A_144 : vector<16xf32> to vector<1x16xf32>
          tpu.vector_store %arg12[%swap3A_147, %swap3A_148], %swap3A_151 {strides = array<i32>} : memref<128x128xf32, #tpu.memory_space<vmem>>, vector<1x16xf32>,
          %swap3A_152 = arith.index_cast %scan3A_98 : i32 to index
          %swap3A_153 = arith.constant 96 : index
          %swap3A_154 = tpu.vector_load %arg12[%swap3A_152, %swap3A_153] {strides = array<i32>} : memref<128x128xf32, #tpu.memory_space<vmem>>, vector<1x16xf32>,
          %swap3A_155 = vector.shape_cast %swap3A_154 : vector<1x16xf32> to vector<16xf32>
          %swap3A_156 = vector.shape_cast %bitcast_convert_type3A_146 : vector<16xf32> to vector<1x16xf32>
          tpu.vector_store %arg12[%swap3A_152, %swap3A_153], %swap3A_156 {strides = array<i32>} : memref<128x128xf32, #tpu.memory_space<vmem>>, vector<1x16xf32>,
          %add3A_157 = arith.constant 128 : i32
          %add3A_158 = arith.addi %add3A_157, %scan3A_98 : i32
          %get3A_159 = arith.index_cast %add3A_158 : i32 to index
          %get3A_160 = arith.constant 48 : index
          %get3A_161 = tpu.vector_load %arg11[%get3A_159, %get3A_160] {strides = array<i32>} : memref<256x64xi32, #tpu.memory_space<vmem>>, vector<1x16xi32>,
          %get3A_162 = vector.shape_cast %get3A_161 : vector<1x16xi32> to vector<16xi32>
          %shift_left3A_163 = arith.shli %get3A_162, %broadcast_in_dim3A_101 : vector<16xi32>
          %bitcast_convert_type3A_164 = tpu.bitcast %shift_left3A_163 : vector<16xi32> -> vector<16xf32>
          %and3A_165 = arith.andi %get3A_162, %broadcast_in_dim3A_99 : vector<16xi32>
          %bitcast_convert_type3A_166 = tpu.bitcast %and3A_165 : vector<16xi32> -> vector<16xf32>
          %swap3A_167 = arith.index_cast %scan3A_98 : i32 to index
          %swap3A_168 = arith.constant 48 : index
          %swap3A_169 = tpu.vector_load %arg12[%swap3A_167, %swap3A_168] {strides = array<i32>} : memref<128x128xf32, #tpu.memory_space<vmem>>, vector<1x16xf32>,
          %swap3A_170 = vector.shape_cast %swap3A_169 : vector<1x16xf32> to vector<16xf32>
          %swap3A_171 = vector.shape_cast %bitcast_convert_type3A_164 : vector<16xf32> to vector<1x16xf32>
          tpu.vector_store %arg12[%swap3A_167, %swap3A_168], %swap3A_171 {strides = array<i32>} : memref<128x128xf32, #tpu.memory_space<vmem>>, vector<1x16xf32>,
          %swap3A_172 = arith.index_cast %scan3A_98 : i32 to index
          %swap3A_173 = arith.constant 112 : index
          %swap3A_174 = tpu.vector_load %arg12[%swap3A_172, %swap3A_173] {strides = array<i32>} : memref<128x128xf32, #tpu.memory_space<vmem>>, vector<1x16xf32>,
          %swap3A_175 = vector.shape_cast %swap3A_174 : vector<1x16xf32> to vector<16xf32>
          %swap3A_176 = vector.shape_cast %bitcast_convert_type3A_166 : vector<16xf32> to vector<1x16xf32>
          tpu.vector_store %arg12[%swap3A_172, %swap3A_173], %swap3A_176 {strides = array<i32>} : memref<128x128xf32, #tpu.memory_space<vmem>>, vector<1x16xf32>,
        }
        %scan3A_97 = arith.constant 128 : i32
        "tpu.region"() ({
          %run_scoped3A = tpu.sem_alloc : memref<!tpu.dma_semaphore, #tpu.memory_space<semaphore_mem>>
          %dma_start3A_98 = arith.constant 0 : i32
          %dma_start3A_99 = tpu.memref_slice %arg10[%add3A_73, %dma_start3A_98] : memref<40x128xi32, #tpu.memory_space<vmem>> -> memref<1x128xi32, #tpu.memory_space<vmem>>
          %dma_start3A_100 = tpu.memref_squeeze %dma_start3A_99 : memref<1x128xi32, #tpu.memory_space<vmem>> -> memref<128xi32, #tpu.memory_space<vmem>>
          %dma_start3A_101 = arith.constant 0 : i32
          %dma_start3A_102 = arith.constant 0 : i32
          %dma_start3A_103 = tpu.memref_slice %arg13[%dma_start3A_101, %dma_start3A_102] : memref<10240x128xf32, #tpu.memory_space<vmem_shared>> -> memref<10240x128xf32, #tpu.memory_space<vmem_shared>>
          tpu.enqueue_indirect_dma source(%arg12 : memref<128x128xf32, #tpu.memory_space<vmem>>) target(%dma_start3A_103 : memref<10240x128xf32, #tpu.memory_space<vmem_shared>>) offsets(%dma_start3A_100 : memref<128xi32, #tpu.memory_space<vmem>>) semaphore(%run_scoped3A : memref<!tpu.dma_semaphore, #tpu.memory_space<semaphore_mem>>) {add = true}
          %dma_wait3A_104 = arith.constant 0 : i32
          %dma_wait3A_105 = tpu.memref_slice %arg10[%add3A_73, %dma_wait3A_104] : memref<40x128xi32, #tpu.memory_space<vmem>> -> memref<1x128xi32, #tpu.memory_space<vmem>>
          %dma_wait3A_106 = tpu.memref_squeeze %dma_wait3A_105 : memref<1x128xi32, #tpu.memory_space<vmem>> -> memref<128xi32, #tpu.memory_space<vmem>>
          %dma_wait3A_107 = arith.constant 0 : i32
          %dma_wait3A_108 = arith.constant 0 : i32
          %dma_wait3A_109 = tpu.memref_slice %arg13[%dma_wait3A_107, %dma_wait3A_108] : memref<10240x128xf32, #tpu.memory_space<vmem_shared>> -> memref<10240x128xf32, #tpu.memory_space<vmem_shared>>
          tpu.wait_indirect_dma semaphore(%run_scoped3A : memref<!tpu.dma_semaphore, #tpu.memory_space<semaphore_mem>>) src(%arg12 : memref<128x128xf32, #tpu.memory_space<vmem>>) dst(%dma_wait3A_109 : memref<10240x128xf32, #tpu.memory_space<vmem_shared>>)
          tpu.yield
        }) : () -> ()
      }
      %scan3A_23 = arith.constant 20 : i32
      "tpu.region"() ({
        %run_scoped3A = tpu.sem_alloc : memref<!tpu.dma_semaphore, #tpu.memory_space<semaphore_mem>>
        %dma_start3A_45 = arith.constant 40 : i32
        %dma_start3A_46 = arith.constant 0 : i32
        %dma_start3A_47 = tpu.memref_slice %arg4[%arg1, %dma_start3A_45, %dma_start3A_46] : memref<16x80x128xi32, #tpu.memory_space<hbm>> -> memref<1x40x128xi32, #tpu.memory_space<hbm>>
        %dma_start3A_48 = tpu.memref_squeeze %dma_start3A_47 : memref<1x40x128xi32, #tpu.memory_space<hbm>> -> memref<40x128xi32, #tpu.memory_space<hbm>>
        %dma_start3A_49 = arith.constant 40 : i32
        %dma_start3A_50 = arith.constant 0 : i32
        %dma_start3A_51 = tpu.memref_slice %arg4[%arg1, %dma_start3A_49, %dma_start3A_50] : memref<16x80x128xi32, #tpu.memory_space<hbm>> -> memref<1x40x128xi32, #tpu.memory_space<hbm>>
        %dma_start3A_52 = tpu.memref_squeeze %dma_start3A_51 : memref<1x40x128xi32, #tpu.memory_space<hbm>> -> memref<40x128xi32, #tpu.memory_space<hbm>>
        tpu.enqueue_dma source(%dma_start3A_52 : memref<40x128xi32, #tpu.memory_space<hbm>>) target(%arg9 : memref<40x128xi32, #tpu.memory_space<vmem>>) target_semaphore(%run_scoped3A : memref<!tpu.dma_semaphore, #tpu.memory_space<semaphore_mem>>)
        %dma_wait3A = arith.constant 40 : i32
        %dma_wait3A_53 = arith.constant 0 : i32
        %dma_wait3A_54 = tpu.memref_slice %arg4[%arg1, %dma_wait3A, %dma_wait3A_53] : memref<16x80x128xi32, #tpu.memory_space<hbm>> -> memref<1x40x128xi32, #tpu.memory_space<hbm>>
        %dma_wait3A_55 = tpu.memref_squeeze %dma_wait3A_54 : memref<1x40x128xi32, #tpu.memory_space<hbm>> -> memref<40x128xi32, #tpu.memory_space<hbm>>
        %dma_wait3A_56 = arith.constant 40 : i32
        %dma_wait3A_57 = arith.constant 0 : i32
        %dma_wait3A_58 = tpu.memref_slice %arg4[%arg1, %dma_wait3A_56, %dma_wait3A_57] : memref<16x80x128xi32, #tpu.memory_space<hbm>> -> memref<1x40x128xi32, #tpu.memory_space<hbm>>
        %dma_wait3A_59 = tpu.memref_squeeze %dma_wait3A_58 : memref<1x40x128xi32, #tpu.memory_space<hbm>> -> memref<40x128xi32, #tpu.memory_space<hbm>>
        tpu.wait_dma2 semaphore(%run_scoped3A : memref<!tpu.dma_semaphore, #tpu.memory_space<semaphore_mem>>) src(%dma_wait3A_59 : memref<40x128xi32, #tpu.memory_space<hbm>>) dst(%arg9 : memref<40x128xi32, #tpu.memory_space<vmem>>)
        tpu.yield
      }) : () -> ()
      "tpu.region"() ({
        %run_scoped3A = tpu.sem_alloc : memref<!tpu.dma_semaphore, #tpu.memory_space<semaphore_mem>>
        %dma_start3A_45 = arith.constant 40 : i32
        %dma_start3A_46 = arith.constant 0 : i32
        %dma_start3A_47 = tpu.memref_slice %arg5[%arg1, %dma_start3A_45, %dma_start3A_46] : memref<16x80x128xi32, #tpu.memory_space<hbm>> -> memref<1x40x128xi32, #tpu.memory_space<hbm>>
        %dma_start3A_48 = tpu.memref_squeeze %dma_start3A_47 : memref<1x40x128xi32, #tpu.memory_space<hbm>> -> memref<40x128xi32, #tpu.memory_space<hbm>>
        %dma_start3A_49 = arith.constant 40 : i32
        %dma_start3A_50 = arith.constant 0 : i32
        %dma_start3A_51 = tpu.memref_slice %arg5[%arg1, %dma_start3A_49, %dma_start3A_50] : memref<16x80x128xi32, #tpu.memory_space<hbm>> -> memref<1x40x128xi32, #tpu.memory_space<hbm>>
        %dma_start3A_52 = tpu.memref_squeeze %dma_start3A_51 : memref<1x40x128xi32, #tpu.memory_space<hbm>> -> memref<40x128xi32, #tpu.memory_space<hbm>>
        tpu.enqueue_dma source(%dma_start3A_52 : memref<40x128xi32, #tpu.memory_space<hbm>>) target(%arg10 : memref<40x128xi32, #tpu.memory_space<vmem>>) target_semaphore(%run_scoped3A : memref<!tpu.dma_semaphore, #tpu.memory_space<semaphore_mem>>)
        %dma_wait3A = arith.constant 40 : i32
        %dma_wait3A_53 = arith.constant 0 : i32
        %dma_wait3A_54 = tpu.memref_slice %arg5[%arg1, %dma_wait3A, %dma_wait3A_53] : memref<16x80x128xi32, #tpu.memory_space<hbm>> -> memref<1x40x128xi32, #tpu.memory_space<hbm>>
        %dma_wait3A_55 = tpu.memref_squeeze %dma_wait3A_54 : memref<1x40x128xi32, #tpu.memory_space<hbm>> -> memref<40x128xi32, #tpu.memory_space<hbm>>
        %dma_wait3A_56 = arith.constant 40 : i32
        %dma_wait3A_57 = arith.constant 0 : i32
        %dma_wait3A_58 = tpu.memref_slice %arg5[%arg1, %dma_wait3A_56, %dma_wait3A_57] : memref<16x80x128xi32, #tpu.memory_space<hbm>> -> memref<1x40x128xi32, #tpu.memory_space<hbm>>
        %dma_wait3A_59 = tpu.memref_squeeze %dma_wait3A_58 : memref<1x40x128xi32, #tpu.memory_space<hbm>> -> memref<40x128xi32, #tpu.memory_space<hbm>>
        tpu.wait_dma2 semaphore(%run_scoped3A : memref<!tpu.dma_semaphore, #tpu.memory_space<semaphore_mem>>) src(%dma_wait3A_59 : memref<40x128xi32, #tpu.memory_space<hbm>>) dst(%arg10 : memref<40x128xi32, #tpu.memory_space<vmem>>)
        tpu.yield
      }) : () -> ()
      %dma_start3A_24 = arith.constant 0 : i32
      %dma_start3A_25 = arith.constant 0 : i32
      %dma_start3A_26 = arith.constant 0 : i32
      %dma_start3A_27 = tpu.memref_slice %arg11[%dma_start3A_25, %dma_start3A_26] : memref<256x64xi32, #tpu.memory_space<vmem>> -> memref<128x64xi32, #tpu.memory_space<vmem>>
      %dma_start3A_28 = arith.constant 0 : i32
      %dma_start3A_29 = tpu.memref_slice %arg9[%dma_start3A_24, %dma_start3A_28] : memref<40x128xi32, #tpu.memory_space<vmem>> -> memref<1x128xi32, #tpu.memory_space<vmem>>
      %dma_start3A_30 = tpu.memref_squeeze %dma_start3A_29 : memref<1x128xi32, #tpu.memory_space<vmem>> -> memref<128xi32, #tpu.memory_space<vmem>>
      %dma_start3A_31 = arith.constant 0 : i32
      %dma_start3A_32 = arith.constant 0 : i32
      %dma_start3A_33 = tpu.memref_slice %arg2[%dma_start3A_31, %dma_start3A_32] : memref<10240x64xi32, #tpu.memory_space<hbm>> -> memref<10240x64xi32, #tpu.memory_space<hbm>>
      tpu.enqueue_indirect_dma source(%dma_start3A_33 : memref<10240x64xi32, #tpu.memory_space<hbm>>) target(%dma_start3A_27 : memref<128x64xi32, #tpu.memory_space<vmem>>) offsets(%dma_start3A_30 : memref<128xi32, #tpu.memory_space<vmem>>) semaphore(%arg14 : memref<!tpu.dma_semaphore, #tpu.memory_space<semaphore_mem>>)
      %scan3A_34 = arith.constant 0 : i32
      %scan3A_35 = arith.constant 0 : i32
      %scan3A_36 = arith.constant 20 : i32
      %scan3A_37 = arith.addi %scan3A_35, %scan3A_36 : i32
      %scan3A_38 = arith.constant 1 : i32
      scf.for %scan3A_45 = %scan3A_35 to %scan3A_37 step %scan3A_38  : i32 {
        %mul3A_46 = arith.constant 2 : i32
        %mul3A_47 = arith.muli %mul3A_46, %scan3A_45 : i32
        %add3A = arith.constant 0 : i32
        %add3A_48 = arith.addi %mul3A_47, %add3A : i32
        %dma_wait3A = arith.constant 0 : i32
        %dma_wait3A_49 = arith.constant 0 : i32
        %dma_wait3A_50 = tpu.memref_slice %arg11[%dma_wait3A, %dma_wait3A_49] : memref<256x64xi32, #tpu.memory_space<vmem>> -> memref<128x64xi32, #tpu.memory_space<vmem>>
        %dma_wait3A_51 = arith.constant 0 : i32
        %dma_wait3A_52 = tpu.memref_slice %arg9[%add3A_48, %dma_wait3A_51] : memref<40x128xi32, #tpu.memory_space<vmem>> -> memref<1x128xi32, #tpu.memory_space<vmem>>
        %dma_wait3A_53 = tpu.memref_squeeze %dma_wait3A_52 : memref<1x128xi32, #tpu.memory_space<vmem>> -> memref<128xi32, #tpu.memory_space<vmem>>
        %dma_wait3A_54 = arith.constant 0 : i32
        %dma_wait3A_55 = arith.constant 0 : i32
        %dma_wait3A_56 = tpu.memref_slice %arg2[%dma_wait3A_54, %dma_wait3A_55] : memref<10240x64xi32, #tpu.memory_space<hbm>> -> memref<10240x64xi32, #tpu.memory_space<hbm>>
        tpu.wait_indirect_dma semaphore(%arg14 : memref<!tpu.dma_semaphore, #tpu.memory_space<semaphore_mem>>) src(%dma_wait3A_56 : memref<10240x64xi32, #tpu.memory_space<hbm>>) dst(%dma_wait3A_50 : memref<128x64xi32, #tpu.memory_space<vmem>>)
        %add3A_57 = arith.constant 2 : i32
        %add3A_58 = arith.addi %add3A_48, %add3A_57 : i32
        %sub3A = arith.constant 1 : i32
        %sub3A_59 = arith.subi %add3A_58, %sub3A : i32
        %lt3A = arith.constant 40 : i32
        %lt3A_60 = arith.cmpi slt, %sub3A_59, %lt3A : i32
        %convert_element_type3A_61 = arith.extui %lt3A_60 : i1 to i32
        %cond3A_62 = arith.constant 0 : i32
        %cond3A_63 = arith.cmpi ne, %convert_element_type3A_61, %cond3A_62 : i32
        scf.if %cond3A_63 {
          %dma_start3A_98 = arith.constant 128 : i32
          %dma_start3A_99 = arith.constant 0 : i32
          %dma_start3A_100 = tpu.memref_slice %arg11[%dma_start3A_98, %dma_start3A_99] : memref<256x64xi32, #tpu.memory_space<vmem>> -> memref<128x64xi32, #tpu.memory_space<vmem>>
          %dma_start3A_101 = arith.constant 0 : i32
          %dma_start3A_102 = tpu.memref_slice %arg9[%sub3A_59, %dma_start3A_101] : memref<40x128xi32, #tpu.memory_space<vmem>> -> memref<1x128xi32, #tpu.memory_space<vmem>>
          %dma_start3A_103 = tpu.memref_squeeze %dma_start3A_102 : memref<1x128xi32, #tpu.memory_space<vmem>> -> memref<128xi32, #tpu.memory_space<vmem>>
          %dma_start3A_104 = arith.constant 0 : i32
          %dma_start3A_105 = arith.constant 0 : i32
          %dma_start3A_106 = tpu.memref_slice %arg2[%dma_start3A_104, %dma_start3A_105] : memref<10240x64xi32, #tpu.memory_space<hbm>> -> memref<10240x64xi32, #tpu.memory_space<hbm>>
          tpu.enqueue_indirect_dma source(%dma_start3A_106 : memref<10240x64xi32, #tpu.memory_space<hbm>>) target(%dma_start3A_100 : memref<128x64xi32, #tpu.memory_space<vmem>>) offsets(%dma_start3A_103 : memref<128xi32, #tpu.memory_space<vmem>>) semaphore(%arg15 : memref<!tpu.dma_semaphore, #tpu.memory_space<semaphore_mem>>)
        } else {
        }
        %scan3A_64 = arith.constant 0 : i32
        %scan3A_65 = arith.constant 0 : i32
        %scan3A_66 = arith.constant 128 : i32
        %scan3A_67 = arith.addi %scan3A_65, %scan3A_66 : i32
        %scan3A_68 = arith.constant 1 : i32
        scf.for %scan3A_98 = %scan3A_65 to %scan3A_67 step %scan3A_68  : i32 {
          %broadcast_in_dim3A = arith.constant -65536 : i32
          %broadcast_in_dim3A_99 = vector.broadcast %broadcast_in_dim3A : i32 to vector<16xi32>
          %broadcast_in_dim3A_100 = arith.constant 16 : i32
          %broadcast_in_dim3A_101 = vector.broadcast %broadcast_in_dim3A_100 : i32 to vector<16xi32>
          %add3A_102 = arith.constant 0 : i32
          %add3A_103 = arith.addi %add3A_102, %scan3A_98 : i32
          %get3A = arith.index_cast %add3A_103 : i32 to index
          %get3A_104 = arith.constant 0 : index
          %get3A_105 = tpu.vector_load %arg11[%get3A, %get3A_104] {strides = array<i32>} : memref<256x64xi32, #tpu.memory_space<vmem>>, vector<1x16xi32>,
          %get3A_106 = vector.shape_cast %get3A_105 : vector<1x16xi32> to vector<16xi32>
          %shift_left3A = arith.shli %get3A_106, %broadcast_in_dim3A_101 : vector<16xi32>
          %bitcast_convert_type3A = tpu.bitcast %shift_left3A : vector<16xi32> -> vector<16xf32>
          %and3A = arith.andi %get3A_106, %broadcast_in_dim3A_99 : vector<16xi32>
          %bitcast_convert_type3A_107 = tpu.bitcast %and3A : vector<16xi32> -> vector<16xf32>
          %swap3A = arith.index_cast %scan3A_98 : i32 to index
          %swap3A_108 = arith.constant 0 : index
          %swap3A_109 = tpu.vector_load %arg12[%swap3A, %swap3A_108] {strides = array<i32>} : memref<128x128xf32, #tpu.memory_space<vmem>>, vector<1x16xf32>,
          %swap3A_110 = vector.shape_cast %swap3A_109 : vector<1x16xf32> to vector<16xf32>
          %swap3A_111 = vector.shape_cast %bitcast_convert_type3A : vector<16xf32> to vector<1x16xf32>
          tpu.vector_store %arg12[%swap3A, %swap3A_108], %swap3A_111 {strides = array<i32>} : memref<128x128xf32, #tpu.memory_space<vmem>>, vector<1x16xf32>,
          %swap3A_112 = arith.index_cast %scan3A_98 : i32 to index
          %swap3A_113 = arith.constant 64 : index
          %swap3A_114 = tpu.vector_load %arg12[%swap3A_112, %swap3A_113] {strides = array<i32>} : memref<128x128xf32, #tpu.memory_space<vmem>>, vector<1x16xf32>,
          %swap3A_115 = vector.shape_cast %swap3A_114 : vector<1x16xf32> to vector<16xf32>
          %swap3A_116 = vector.shape_cast %bitcast_convert_type3A_107 : vector<16xf32> to vector<1x16xf32>
          tpu.vector_store %arg12[%swap3A_112, %swap3A_113], %swap3A_116 {strides = array<i32>} : memref<128x128xf32, #tpu.memory_space<vmem>>, vector<1x16xf32>,
          %add3A_117 = arith.constant 0 : i32
          %add3A_118 = arith.addi %add3A_117, %scan3A_98 : i32
          %get3A_119 = arith.index_cast %add3A_118 : i32 to index
          %get3A_120 = arith.constant 16 : index
          %get3A_121 = tpu.vector_load %arg11[%get3A_119, %get3A_120] {strides = array<i32>} : memref<256x64xi32, #tpu.memory_space<vmem>>, vector<1x16xi32>,
          %get3A_122 = vector.shape_cast %get3A_121 : vector<1x16xi32> to vector<16xi32>
          %shift_left3A_123 = arith.shli %get3A_122, %broadcast_in_dim3A_101 : vector<16xi32>
          %bitcast_convert_type3A_124 = tpu.bitcast %shift_left3A_123 : vector<16xi32> -> vector<16xf32>
          %and3A_125 = arith.andi %get3A_122, %broadcast_in_dim3A_99 : vector<16xi32>
          %bitcast_convert_type3A_126 = tpu.bitcast %and3A_125 : vector<16xi32> -> vector<16xf32>
          %swap3A_127 = arith.index_cast %scan3A_98 : i32 to index
          %swap3A_128 = arith.constant 16 : index
          %swap3A_129 = tpu.vector_load %arg12[%swap3A_127, %swap3A_128] {strides = array<i32>} : memref<128x128xf32, #tpu.memory_space<vmem>>, vector<1x16xf32>,
          %swap3A_130 = vector.shape_cast %swap3A_129 : vector<1x16xf32> to vector<16xf32>
          %swap3A_131 = vector.shape_cast %bitcast_convert_type3A_124 : vector<16xf32> to vector<1x16xf32>
          tpu.vector_store %arg12[%swap3A_127, %swap3A_128], %swap3A_131 {strides = array<i32>} : memref<128x128xf32, #tpu.memory_space<vmem>>, vector<1x16xf32>,
          %swap3A_132 = arith.index_cast %scan3A_98 : i32 to index
          %swap3A_133 = arith.constant 80 : index
          %swap3A_134 = tpu.vector_load %arg12[%swap3A_132, %swap3A_133] {strides = array<i32>} : memref<128x128xf32, #tpu.memory_space<vmem>>, vector<1x16xf32>,
          %swap3A_135 = vector.shape_cast %swap3A_134 : vector<1x16xf32> to vector<16xf32>
          %swap3A_136 = vector.shape_cast %bitcast_convert_type3A_126 : vector<16xf32> to vector<1x16xf32>
          tpu.vector_store %arg12[%swap3A_132, %swap3A_133], %swap3A_136 {strides = array<i32>} : memref<128x128xf32, #tpu.memory_space<vmem>>, vector<1x16xf32>,
          %add3A_137 = arith.constant 0 : i32
          %add3A_138 = arith.addi %add3A_137, %scan3A_98 : i32
          %get3A_139 = arith.index_cast %add3A_138 : i32 to index
          %get3A_140 = arith.constant 32 : index
          %get3A_141 = tpu.vector_load %arg11[%get3A_139, %get3A_140] {strides = array<i32>} : memref<256x64xi32, #tpu.memory_space<vmem>>, vector<1x16xi32>,
          %get3A_142 = vector.shape_cast %get3A_141 : vector<1x16xi32> to vector<16xi32>
          %shift_left3A_143 = arith.shli %get3A_142, %broadcast_in_dim3A_101 : vector<16xi32>
          %bitcast_convert_type3A_144 = tpu.bitcast %shift_left3A_143 : vector<16xi32> -> vector<16xf32>
          %and3A_145 = arith.andi %get3A_142, %broadcast_in_dim3A_99 : vector<16xi32>
          %bitcast_convert_type3A_146 = tpu.bitcast %and3A_145 : vector<16xi32> -> vector<16xf32>
          %swap3A_147 = arith.index_cast %scan3A_98 : i32 to index
          %swap3A_148 = arith.constant 32 : index
          %swap3A_149 = tpu.vector_load %arg12[%swap3A_147, %swap3A_148] {strides = array<i32>} : memref<128x128xf32, #tpu.memory_space<vmem>>, vector<1x16xf32>,
          %swap3A_150 = vector.shape_cast %swap3A_149 : vector<1x16xf32> to vector<16xf32>
          %swap3A_151 = vector.shape_cast %bitcast_convert_type3A_144 : vector<16xf32> to vector<1x16xf32>
          tpu.vector_store %arg12[%swap3A_147, %swap3A_148], %swap3A_151 {strides = array<i32>} : memref<128x128xf32, #tpu.memory_space<vmem>>, vector<1x16xf32>,
          %swap3A_152 = arith.index_cast %scan3A_98 : i32 to index
          %swap3A_153 = arith.constant 96 : index
          %swap3A_154 = tpu.vector_load %arg12[%swap3A_152, %swap3A_153] {strides = array<i32>} : memref<128x128xf32, #tpu.memory_space<vmem>>, vector<1x16xf32>,
          %swap3A_155 = vector.shape_cast %swap3A_154 : vector<1x16xf32> to vector<16xf32>
          %swap3A_156 = vector.shape_cast %bitcast_convert_type3A_146 : vector<16xf32> to vector<1x16xf32>
          tpu.vector_store %arg12[%swap3A_152, %swap3A_153], %swap3A_156 {strides = array<i32>} : memref<128x128xf32, #tpu.memory_space<vmem>>, vector<1x16xf32>,
          %add3A_157 = arith.constant 0 : i32
          %add3A_158 = arith.addi %add3A_157, %scan3A_98 : i32
          %get3A_159 = arith.index_cast %add3A_158 : i32 to index
          %get3A_160 = arith.constant 48 : index
          %get3A_161 = tpu.vector_load %arg11[%get3A_159, %get3A_160] {strides = array<i32>} : memref<256x64xi32, #tpu.memory_space<vmem>>, vector<1x16xi32>,
          %get3A_162 = vector.shape_cast %get3A_161 : vector<1x16xi32> to vector<16xi32>
          %shift_left3A_163 = arith.shli %get3A_162, %broadcast_in_dim3A_101 : vector<16xi32>
          %bitcast_convert_type3A_164 = tpu.bitcast %shift_left3A_163 : vector<16xi32> -> vector<16xf32>
          %and3A_165 = arith.andi %get3A_162, %broadcast_in_dim3A_99 : vector<16xi32>
          %bitcast_convert_type3A_166 = tpu.bitcast %and3A_165 : vector<16xi32> -> vector<16xf32>
          %swap3A_167 = arith.index_cast %scan3A_98 : i32 to index
          %swap3A_168 = arith.constant 48 : index
          %swap3A_169 = tpu.vector_load %arg12[%swap3A_167, %swap3A_168] {strides = array<i32>} : memref<128x128xf32, #tpu.memory_space<vmem>>, vector<1x16xf32>,
          %swap3A_170 = vector.shape_cast %swap3A_169 : vector<1x16xf32> to vector<16xf32>
          %swap3A_171 = vector.shape_cast %bitcast_convert_type3A_164 : vector<16xf32> to vector<1x16xf32>
          tpu.vector_store %arg12[%swap3A_167, %swap3A_168], %swap3A_171 {strides = array<i32>} : memref<128x128xf32, #tpu.memory_space<vmem>>, vector<1x16xf32>,
          %swap3A_172 = arith.index_cast %scan3A_98 : i32 to index
          %swap3A_173 = arith.constant 112 : index
          %swap3A_174 = tpu.vector_load %arg12[%swap3A_172, %swap3A_173] {strides = array<i32>} : memref<128x128xf32, #tpu.memory_space<vmem>>, vector<1x16xf32>,
          %swap3A_175 = vector.shape_cast %swap3A_174 : vector<1x16xf32> to vector<16xf32>
          %swap3A_176 = vector.shape_cast %bitcast_convert_type3A_166 : vector<16xf32> to vector<1x16xf32>
          tpu.vector_store %arg12[%swap3A_172, %swap3A_173], %swap3A_176 {strides = array<i32>} : memref<128x128xf32, #tpu.memory_space<vmem>>, vector<1x16xf32>,
        }
        %scan3A_69 = arith.constant 128 : i32
        "tpu.region"() ({
          %run_scoped3A = tpu.sem_alloc : memref<!tpu.dma_semaphore, #tpu.memory_space<semaphore_mem>>
          %dma_start3A_98 = arith.constant 0 : i32
          %dma_start3A_99 = tpu.memref_slice %arg10[%add3A_48, %dma_start3A_98] : memref<40x128xi32, #tpu.memory_space<vmem>> -> memref<1x128xi32, #tpu.memory_space<vmem>>
          %dma_start3A_100 = tpu.memref_squeeze %dma_start3A_99 : memref<1x128xi32, #tpu.memory_space<vmem>> -> memref<128xi32, #tpu.memory_space<vmem>>
          %dma_start3A_101 = arith.constant 0 : i32
          %dma_start3A_102 = arith.constant 0 : i32
          %dma_start3A_103 = tpu.memref_slice %arg13[%dma_start3A_101, %dma_start3A_102] : memref<10240x128xf32, #tpu.memory_space<vmem_shared>> -> memref<10240x128xf32, #tpu.memory_space<vmem_shared>>
          tpu.enqueue_indirect_dma source(%arg12 : memref<128x128xf32, #tpu.memory_space<vmem>>) target(%dma_start3A_103 : memref<10240x128xf32, #tpu.memory_space<vmem_shared>>) offsets(%dma_start3A_100 : memref<128xi32, #tpu.memory_space<vmem>>) semaphore(%run_scoped3A : memref<!tpu.dma_semaphore, #tpu.memory_space<semaphore_mem>>) {add = true}
          %dma_wait3A_104 = arith.constant 0 : i32
          %dma_wait3A_105 = tpu.memref_slice %arg10[%add3A_48, %dma_wait3A_104] : memref<40x128xi32, #tpu.memory_space<vmem>> -> memref<1x128xi32, #tpu.memory_space<vmem>>
          %dma_wait3A_106 = tpu.memref_squeeze %dma_wait3A_105 : memref<1x128xi32, #tpu.memory_space<vmem>> -> memref<128xi32, #tpu.memory_space<vmem>>
          %dma_wait3A_107 = arith.constant 0 : i32
          %dma_wait3A_108 = arith.constant 0 : i32
          %dma_wait3A_109 = tpu.memref_slice %arg13[%dma_wait3A_107, %dma_wait3A_108] : memref<10240x128xf32, #tpu.memory_space<vmem_shared>> -> memref<10240x128xf32, #tpu.memory_space<vmem_shared>>
          tpu.wait_indirect_dma semaphore(%run_scoped3A : memref<!tpu.dma_semaphore, #tpu.memory_space<semaphore_mem>>) src(%arg12 : memref<128x128xf32, #tpu.memory_space<vmem>>) dst(%dma_wait3A_109 : memref<10240x128xf32, #tpu.memory_space<vmem_shared>>)
          tpu.yield
        }) : () -> ()
        %mul3A_70 = arith.constant 2 : i32
        %mul3A_71 = arith.muli %mul3A_70, %scan3A_45 : i32
        %add3A_72 = arith.constant 1 : i32
        %add3A_73 = arith.addi %mul3A_71, %add3A_72 : i32
        %dma_wait3A_74 = arith.constant 128 : i32
        %dma_wait3A_75 = arith.constant 0 : i32
        %dma_wait3A_76 = tpu.memref_slice %arg11[%dma_wait3A_74, %dma_wait3A_75] : memref<256x64xi32, #tpu.memory_space<vmem>> -> memref<128x64xi32, #tpu.memory_space<vmem>>
        %dma_wait3A_77 = arith.constant 0 : i32
        %dma_wait3A_78 = tpu.memref_slice %arg9[%add3A_73, %dma_wait3A_77] : memref<40x128xi32, #tpu.memory_space<vmem>> -> memref<1x128xi32, #tpu.memory_space<vmem>>
        %dma_wait3A_79 = tpu.memref_squeeze %dma_wait3A_78 : memref<1x128xi32, #tpu.memory_space<vmem>> -> memref<128xi32, #tpu.memory_space<vmem>>
        %dma_wait3A_80 = arith.constant 0 : i32
        %dma_wait3A_81 = arith.constant 0 : i32
        %dma_wait3A_82 = tpu.memref_slice %arg2[%dma_wait3A_80, %dma_wait3A_81] : memref<10240x64xi32, #tpu.memory_space<hbm>> -> memref<10240x64xi32, #tpu.memory_space<hbm>>
        tpu.wait_indirect_dma semaphore(%arg15 : memref<!tpu.dma_semaphore, #tpu.memory_space<semaphore_mem>>) src(%dma_wait3A_82 : memref<10240x64xi32, #tpu.memory_space<hbm>>) dst(%dma_wait3A_76 : memref<128x64xi32, #tpu.memory_space<vmem>>)
        %add3A_83 = arith.constant 2 : i32
        %add3A_84 = arith.addi %add3A_73, %add3A_83 : i32
        %sub3A_85 = arith.constant 1 : i32
        %sub3A_86 = arith.subi %add3A_84, %sub3A_85 : i32
        %lt3A_87 = arith.constant 40 : i32
        %lt3A_88 = arith.cmpi slt, %sub3A_86, %lt3A_87 : i32
        %convert_element_type3A_89 = arith.extui %lt3A_88 : i1 to i32
        %cond3A_90 = arith.constant 0 : i32
        %cond3A_91 = arith.cmpi ne, %convert_element_type3A_89, %cond3A_90 : i32
        scf.if %cond3A_91 {
          %dma_start3A_98 = arith.constant 0 : i32
          %dma_start3A_99 = arith.constant 0 : i32
          %dma_start3A_100 = tpu.memref_slice %arg11[%dma_start3A_98, %dma_start3A_99] : memref<256x64xi32, #tpu.memory_space<vmem>> -> memref<128x64xi32, #tpu.memory_space<vmem>>
          %dma_start3A_101 = arith.constant 0 : i32
          %dma_start3A_102 = tpu.memref_slice %arg9[%sub3A_86, %dma_start3A_101] : memref<40x128xi32, #tpu.memory_space<vmem>> -> memref<1x128xi32, #tpu.memory_space<vmem>>
          %dma_start3A_103 = tpu.memref_squeeze %dma_start3A_102 : memref<1x128xi32, #tpu.memory_space<vmem>> -> memref<128xi32, #tpu.memory_space<vmem>>
          %dma_start3A_104 = arith.constant 0 : i32
          %dma_start3A_105 = arith.constant 0 : i32
          %dma_start3A_106 = tpu.memref_slice %arg2[%dma_start3A_104, %dma_start3A_105] : memref<10240x64xi32, #tpu.memory_space<hbm>> -> memref<10240x64xi32, #tpu.memory_space<hbm>>
          tpu.enqueue_indirect_dma source(%dma_start3A_106 : memref<10240x64xi32, #tpu.memory_space<hbm>>) target(%dma_start3A_100 : memref<128x64xi32, #tpu.memory_space<vmem>>) offsets(%dma_start3A_103 : memref<128xi32, #tpu.memory_space<vmem>>) semaphore(%arg14 : memref<!tpu.dma_semaphore, #tpu.memory_space<semaphore_mem>>)
        } else {
        }
        %scan3A_92 = arith.constant 0 : i32
        %scan3A_93 = arith.constant 0 : i32
        %scan3A_94 = arith.constant 128 : i32
        %scan3A_95 = arith.addi %scan3A_93, %scan3A_94 : i32
        %scan3A_96 = arith.constant 1 : i32
        scf.for %scan3A_98 = %scan3A_93 to %scan3A_95 step %scan3A_96  : i32 {
          %broadcast_in_dim3A = arith.constant -65536 : i32
          %broadcast_in_dim3A_99 = vector.broadcast %broadcast_in_dim3A : i32 to vector<16xi32>
          %broadcast_in_dim3A_100 = arith.constant 16 : i32
          %broadcast_in_dim3A_101 = vector.broadcast %broadcast_in_dim3A_100 : i32 to vector<16xi32>
          %add3A_102 = arith.constant 128 : i32
          %add3A_103 = arith.addi %add3A_102, %scan3A_98 : i32
          %get3A = arith.index_cast %add3A_103 : i32 to index
          %get3A_104 = arith.constant 0 : index
          %get3A_105 = tpu.vector_load %arg11[%get3A, %get3A_104] {strides = array<i32>} : memref<256x64xi32, #tpu.memory_space<vmem>>, vector<1x16xi32>,
          %get3A_106 = vector.shape_cast %get3A_105 : vector<1x16xi32> to vector<16xi32>
          %shift_left3A = arith.shli %get3A_106, %broadcast_in_dim3A_101 : vector<16xi32>
          %bitcast_convert_type3A = tpu.bitcast %shift_left3A : vector<16xi32> -> vector<16xf32>
          %and3A = arith.andi %get3A_106, %broadcast_in_dim3A_99 : vector<16xi32>
          %bitcast_convert_type3A_107 = tpu.bitcast %and3A : vector<16xi32> -> vector<16xf32>
          %swap3A = arith.index_cast %scan3A_98 : i32 to index
          %swap3A_108 = arith.constant 0 : index
          %swap3A_109 = tpu.vector_load %arg12[%swap3A, %swap3A_108] {strides = array<i32>} : memref<128x128xf32, #tpu.memory_space<vmem>>, vector<1x16xf32>,
          %swap3A_110 = vector.shape_cast %swap3A_109 : vector<1x16xf32> to vector<16xf32>
          %swap3A_111 = vector.shape_cast %bitcast_convert_type3A : vector<16xf32> to vector<1x16xf32>
          tpu.vector_store %arg12[%swap3A, %swap3A_108], %swap3A_111 {strides = array<i32>} : memref<128x128xf32, #tpu.memory_space<vmem>>, vector<1x16xf32>,
          %swap3A_112 = arith.index_cast %scan3A_98 : i32 to index
          %swap3A_113 = arith.constant 64 : index
          %swap3A_114 = tpu.vector_load %arg12[%swap3A_112, %swap3A_113] {strides = array<i32>} : memref<128x128xf32, #tpu.memory_space<vmem>>, vector<1x16xf32>,
          %swap3A_115 = vector.shape_cast %swap3A_114 : vector<1x16xf32> to vector<16xf32>
          %swap3A_116 = vector.shape_cast %bitcast_convert_type3A_107 : vector<16xf32> to vector<1x16xf32>
          tpu.vector_store %arg12[%swap3A_112, %swap3A_113], %swap3A_116 {strides = array<i32>} : memref<128x128xf32, #tpu.memory_space<vmem>>, vector<1x16xf32>,
          %add3A_117 = arith.constant 128 : i32
          %add3A_118 = arith.addi %add3A_117, %scan3A_98 : i32
          %get3A_119 = arith.index_cast %add3A_118 : i32 to index
          %get3A_120 = arith.constant 16 : index
          %get3A_121 = tpu.vector_load %arg11[%get3A_119, %get3A_120] {strides = array<i32>} : memref<256x64xi32, #tpu.memory_space<vmem>>, vector<1x16xi32>,
          %get3A_122 = vector.shape_cast %get3A_121 : vector<1x16xi32> to vector<16xi32>
          %shift_left3A_123 = arith.shli %get3A_122, %broadcast_in_dim3A_101 : vector<16xi32>
          %bitcast_convert_type3A_124 = tpu.bitcast %shift_left3A_123 : vector<16xi32> -> vector<16xf32>
          %and3A_125 = arith.andi %get3A_122, %broadcast_in_dim3A_99 : vector<16xi32>
          %bitcast_convert_type3A_126 = tpu.bitcast %and3A_125 : vector<16xi32> -> vector<16xf32>
          %swap3A_127 = arith.index_cast %scan3A_98 : i32 to index
          %swap3A_128 = arith.constant 16 : index
          %swap3A_129 = tpu.vector_load %arg12[%swap3A_127, %swap3A_128] {strides = array<i32>} : memref<128x128xf32, #tpu.memory_space<vmem>>, vector<1x16xf32>,
          %swap3A_130 = vector.shape_cast %swap3A_129 : vector<1x16xf32> to vector<16xf32>
          %swap3A_131 = vector.shape_cast %bitcast_convert_type3A_124 : vector<16xf32> to vector<1x16xf32>
          tpu.vector_store %arg12[%swap3A_127, %swap3A_128], %swap3A_131 {strides = array<i32>} : memref<128x128xf32, #tpu.memory_space<vmem>>, vector<1x16xf32>,
          %swap3A_132 = arith.index_cast %scan3A_98 : i32 to index
          %swap3A_133 = arith.constant 80 : index
          %swap3A_134 = tpu.vector_load %arg12[%swap3A_132, %swap3A_133] {strides = array<i32>} : memref<128x128xf32, #tpu.memory_space<vmem>>, vector<1x16xf32>,
          %swap3A_135 = vector.shape_cast %swap3A_134 : vector<1x16xf32> to vector<16xf32>
          %swap3A_136 = vector.shape_cast %bitcast_convert_type3A_126 : vector<16xf32> to vector<1x16xf32>
          tpu.vector_store %arg12[%swap3A_132, %swap3A_133], %swap3A_136 {strides = array<i32>} : memref<128x128xf32, #tpu.memory_space<vmem>>, vector<1x16xf32>,
          %add3A_137 = arith.constant 128 : i32
          %add3A_138 = arith.addi %add3A_137, %scan3A_98 : i32
          %get3A_139 = arith.index_cast %add3A_138 : i32 to index
          %get3A_140 = arith.constant 32 : index
          %get3A_141 = tpu.vector_load %arg11[%get3A_139, %get3A_140] {strides = array<i32>} : memref<256x64xi32, #tpu.memory_space<vmem>>, vector<1x16xi32>,
          %get3A_142 = vector.shape_cast %get3A_141 : vector<1x16xi32> to vector<16xi32>
          %shift_left3A_143 = arith.shli %get3A_142, %broadcast_in_dim3A_101 : vector<16xi32>
          %bitcast_convert_type3A_144 = tpu.bitcast %shift_left3A_143 : vector<16xi32> -> vector<16xf32>
          %and3A_145 = arith.andi %get3A_142, %broadcast_in_dim3A_99 : vector<16xi32>
          %bitcast_convert_type3A_146 = tpu.bitcast %and3A_145 : vector<16xi32> -> vector<16xf32>
          %swap3A_147 = arith.index_cast %scan3A_98 : i32 to index
          %swap3A_148 = arith.constant 32 : index
          %swap3A_149 = tpu.vector_load %arg12[%swap3A_147, %swap3A_148] {strides = array<i32>} : memref<128x128xf32, #tpu.memory_space<vmem>>, vector<1x16xf32>,
          %swap3A_150 = vector.shape_cast %swap3A_149 : vector<1x16xf32> to vector<16xf32>
          %swap3A_151 = vector.shape_cast %bitcast_convert_type3A_144 : vector<16xf32> to vector<1x16xf32>
          tpu.vector_store %arg12[%swap3A_147, %swap3A_148], %swap3A_151 {strides = array<i32>} : memref<128x128xf32, #tpu.memory_space<vmem>>, vector<1x16xf32>,
          %swap3A_152 = arith.index_cast %scan3A_98 : i32 to index
          %swap3A_153 = arith.constant 96 : index
          %swap3A_154 = tpu.vector_load %arg12[%swap3A_152, %swap3A_153] {strides = array<i32>} : memref<128x128xf32, #tpu.memory_space<vmem>>, vector<1x16xf32>,
          %swap3A_155 = vector.shape_cast %swap3A_154 : vector<1x16xf32> to vector<16xf32>
          %swap3A_156 = vector.shape_cast %bitcast_convert_type3A_146 : vector<16xf32> to vector<1x16xf32>
          tpu.vector_store %arg12[%swap3A_152, %swap3A_153], %swap3A_156 {strides = array<i32>} : memref<128x128xf32, #tpu.memory_space<vmem>>, vector<1x16xf32>,
          %add3A_157 = arith.constant 128 : i32
          %add3A_158 = arith.addi %add3A_157, %scan3A_98 : i32
          %get3A_159 = arith.index_cast %add3A_158 : i32 to index
          %get3A_160 = arith.constant 48 : index
          %get3A_161 = tpu.vector_load %arg11[%get3A_159, %get3A_160] {strides = array<i32>} : memref<256x64xi32, #tpu.memory_space<vmem>>, vector<1x16xi32>,
          %get3A_162 = vector.shape_cast %get3A_161 : vector<1x16xi32> to vector<16xi32>
          %shift_left3A_163 = arith.shli %get3A_162, %broadcast_in_dim3A_101 : vector<16xi32>
          %bitcast_convert_type3A_164 = tpu.bitcast %shift_left3A_163 : vector<16xi32> -> vector<16xf32>
          %and3A_165 = arith.andi %get3A_162, %broadcast_in_dim3A_99 : vector<16xi32>
          %bitcast_convert_type3A_166 = tpu.bitcast %and3A_165 : vector<16xi32> -> vector<16xf32>
          %swap3A_167 = arith.index_cast %scan3A_98 : i32 to index
          %swap3A_168 = arith.constant 48 : index
          %swap3A_169 = tpu.vector_load %arg12[%swap3A_167, %swap3A_168] {strides = array<i32>} : memref<128x128xf32, #tpu.memory_space<vmem>>, vector<1x16xf32>,
          %swap3A_170 = vector.shape_cast %swap3A_169 : vector<1x16xf32> to vector<16xf32>
          %swap3A_171 = vector.shape_cast %bitcast_convert_type3A_164 : vector<16xf32> to vector<1x16xf32>
          tpu.vector_store %arg12[%swap3A_167, %swap3A_168], %swap3A_171 {strides = array<i32>} : memref<128x128xf32, #tpu.memory_space<vmem>>, vector<1x16xf32>,
          %swap3A_172 = arith.index_cast %scan3A_98 : i32 to index
          %swap3A_173 = arith.constant 112 : index
          %swap3A_174 = tpu.vector_load %arg12[%swap3A_172, %swap3A_173] {strides = array<i32>} : memref<128x128xf32, #tpu.memory_space<vmem>>, vector<1x16xf32>,
          %swap3A_175 = vector.shape_cast %swap3A_174 : vector<1x16xf32> to vector<16xf32>
          %swap3A_176 = vector.shape_cast %bitcast_convert_type3A_166 : vector<16xf32> to vector<1x16xf32>
          tpu.vector_store %arg12[%swap3A_172, %swap3A_173], %swap3A_176 {strides = array<i32>} : memref<128x128xf32, #tpu.memory_space<vmem>>, vector<1x16xf32>,
        }
        %scan3A_97 = arith.constant 128 : i32
        "tpu.region"() ({
          %run_scoped3A = tpu.sem_alloc : memref<!tpu.dma_semaphore, #tpu.memory_space<semaphore_mem>>
          %dma_start3A_98 = arith.constant 0 : i32
          %dma_start3A_99 = tpu.memref_slice %arg10[%add3A_73, %dma_start3A_98] : memref<40x128xi32, #tpu.memory_space<vmem>> -> memref<1x128xi32, #tpu.memory_space<vmem>>
          %dma_start3A_100 = tpu.memref_squeeze %dma_start3A_99 : memref<1x128xi32, #tpu.memory_space<vmem>> -> memref<128xi32, #tpu.memory_space<vmem>>
          %dma_start3A_101 = arith.constant 0 : i32
          %dma_start3A_102 = arith.constant 0 : i32
          %dma_start3A_103 = tpu.memref_slice %arg13[%dma_start3A_101, %dma_start3A_102] : memref<10240x128xf32, #tpu.memory_space<vmem_shared>> -> memref<10240x128xf32, #tpu.memory_space<vmem_shared>>
          tpu.enqueue_indirect_dma source(%arg12 : memref<128x128xf32, #tpu.memory_space<vmem>>) target(%dma_start3A_103 : memref<10240x128xf32, #tpu.memory_space<vmem_shared>>) offsets(%dma_start3A_100 : memref<128xi32, #tpu.memory_space<vmem>>) semaphore(%run_scoped3A : memref<!tpu.dma_semaphore, #tpu.memory_space<semaphore_mem>>) {add = true}
          %dma_wait3A_104 = arith.constant 0 : i32
          %dma_wait3A_105 = tpu.memref_slice %arg10[%add3A_73, %dma_wait3A_104] : memref<40x128xi32, #tpu.memory_space<vmem>> -> memref<1x128xi32, #tpu.memory_space<vmem>>
          %dma_wait3A_106 = tpu.memref_squeeze %dma_wait3A_105 : memref<1x128xi32, #tpu.memory_space<vmem>> -> memref<128xi32, #tpu.memory_space<vmem>>
          %dma_wait3A_107 = arith.constant 0 : i32
          %dma_wait3A_108 = arith.constant 0 : i32
          %dma_wait3A_109 = tpu.memref_slice %arg13[%dma_wait3A_107, %dma_wait3A_108] : memref<10240x128xf32, #tpu.memory_space<vmem_shared>> -> memref<10240x128xf32, #tpu.memory_space<vmem_shared>>
          tpu.wait_indirect_dma semaphore(%run_scoped3A : memref<!tpu.dma_semaphore, #tpu.memory_space<semaphore_mem>>) src(%arg12 : memref<128x128xf32, #tpu.memory_space<vmem>>) dst(%dma_wait3A_109 : memref<10240x128xf32, #tpu.memory_space<vmem_shared>>)
          tpu.yield
        }) : () -> ()
      }
      %scan3A_39 = arith.constant 20 : i32
      %barrier3A_40 = arith.constant 0 : index
      tpu.barrier barrier_id(%barrier3A_40)
      %mul3A_41 = arith.constant 640 : i32
      %mul3A_42 = arith.muli %arg1, %mul3A_41 : i32
      %mul3A_43 = arith.constant 640 : i32
      %mul3A_44 = arith.muli %arg1, %mul3A_43 : i32
      "tpu.region"() ({
        %run_scoped3A = tpu.sem_alloc : memref<!tpu.dma_semaphore, #tpu.memory_space<semaphore_mem>>
        %dma_start3A_45 = arith.constant 0 : i32
        %dma_start3A_46 = tpu.memref_slice %arg7[%mul3A_44, %dma_start3A_45] : memref<10240x128xf32, #tpu.memory_space<hbm>> -> memref<640x128xf32, #tpu.memory_space<hbm>>
        %dma_start3A_47 = arith.constant 0 : i32
        %dma_start3A_48 = tpu.memref_slice %arg13[%mul3A_42, %dma_start3A_47] : memref<10240x128xf32, #tpu.memory_space<vmem_shared>> -> memref<640x128xf32, #tpu.memory_space<vmem_shared>>
        tpu.enqueue_dma source(%dma_start3A_48 : memref<640x128xf32, #tpu.memory_space<vmem_shared>>) target(%dma_start3A_46 : memref<640x128xf32, #tpu.memory_space<hbm>>) target_semaphore(%run_scoped3A : memref<!tpu.dma_semaphore, #tpu.memory_space<semaphore_mem>>)
        %dma_wait3A = arith.constant 0 : i32
        %dma_wait3A_49 = tpu.memref_slice %arg7[%mul3A_44, %dma_wait3A] : memref<10240x128xf32, #tpu.memory_space<hbm>> -> memref<640x128xf32, #tpu.memory_space<hbm>>
        %dma_wait3A_50 = arith.constant 0 : i32
        %dma_wait3A_51 = tpu.memref_slice %arg13[%mul3A_42, %dma_wait3A_50] : memref<10240x128xf32, #tpu.memory_space<vmem_shared>> -> memref<640x128xf32, #tpu.memory_space<vmem_shared>>
        tpu.wait_dma2 semaphore(%run_scoped3A : memref<!tpu.dma_semaphore, #tpu.memory_space<semaphore_mem>>) src(%dma_wait3A_51 : memref<640x128xf32, #tpu.memory_space<vmem_shared>>) dst(%dma_wait3A_49 : memref<640x128xf32, #tpu.memory_space<hbm>>)
        tpu.yield
      }) : () -> ()
    } else {
    }
    %eq3A_5 = arith.constant 1 : i32
    %eq3A_6 = arith.cmpi eq, %arg0, %eq3A_5 : i32
    %convert_element_type3A_7 = arith.extui %eq3A_6 : i1 to i32
    %cond3A_8 = arith.constant 0 : i32
    %cond3A_9 = arith.cmpi ne, %convert_element_type3A_7, %cond3A_8 : i32
    scf.if %cond3A_9 {
      "tpu.region"() ({
        %run_scoped3A = tpu.sem_alloc : memref<!tpu.dma_semaphore, #tpu.memory_space<semaphore_mem>>
        %dma_start3A_45 = arith.constant 0 : i32
        %dma_start3A_46 = arith.constant 0 : i32
        %dma_start3A_47 = tpu.memref_slice %arg4[%arg1, %dma_start3A_45, %dma_start3A_46] : memref<16x80x128xi32, #tpu.memory_space<hbm>> -> memref<1x40x128xi32, #tpu.memory_space<hbm>>
        %dma_start3A_48 = tpu.memref_squeeze %dma_start3A_47 : memref<1x40x128xi32, #tpu.memory_space<hbm>> -> memref<40x128xi32, #tpu.memory_space<hbm>>
        %dma_start3A_49 = arith.constant 0 : i32
        %dma_start3A_50 = arith.constant 0 : i32
        %dma_start3A_51 = tpu.memref_slice %arg4[%arg1, %dma_start3A_49, %dma_start3A_50] : memref<16x80x128xi32, #tpu.memory_space<hbm>> -> memref<1x40x128xi32, #tpu.memory_space<hbm>>
        %dma_start3A_52 = tpu.memref_squeeze %dma_start3A_51 : memref<1x40x128xi32, #tpu.memory_space<hbm>> -> memref<40x128xi32, #tpu.memory_space<hbm>>
        tpu.enqueue_dma source(%dma_start3A_52 : memref<40x128xi32, #tpu.memory_space<hbm>>) target(%arg9 : memref<40x128xi32, #tpu.memory_space<vmem>>) target_semaphore(%run_scoped3A : memref<!tpu.dma_semaphore, #tpu.memory_space<semaphore_mem>>)
        %dma_wait3A = arith.constant 0 : i32
        %dma_wait3A_53 = arith.constant 0 : i32
        %dma_wait3A_54 = tpu.memref_slice %arg4[%arg1, %dma_wait3A, %dma_wait3A_53] : memref<16x80x128xi32, #tpu.memory_space<hbm>> -> memref<1x40x128xi32, #tpu.memory_space<hbm>>
        %dma_wait3A_55 = tpu.memref_squeeze %dma_wait3A_54 : memref<1x40x128xi32, #tpu.memory_space<hbm>> -> memref<40x128xi32, #tpu.memory_space<hbm>>
        %dma_wait3A_56 = arith.constant 0 : i32
        %dma_wait3A_57 = arith.constant 0 : i32
        %dma_wait3A_58 = tpu.memref_slice %arg4[%arg1, %dma_wait3A_56, %dma_wait3A_57] : memref<16x80x128xi32, #tpu.memory_space<hbm>> -> memref<1x40x128xi32, #tpu.memory_space<hbm>>
        %dma_wait3A_59 = tpu.memref_squeeze %dma_wait3A_58 : memref<1x40x128xi32, #tpu.memory_space<hbm>> -> memref<40x128xi32, #tpu.memory_space<hbm>>
        tpu.wait_dma2 semaphore(%run_scoped3A : memref<!tpu.dma_semaphore, #tpu.memory_space<semaphore_mem>>) src(%dma_wait3A_59 : memref<40x128xi32, #tpu.memory_space<hbm>>) dst(%arg9 : memref<40x128xi32, #tpu.memory_space<vmem>>)
        tpu.yield
      }) : () -> ()
      "tpu.region"() ({
        %run_scoped3A = tpu.sem_alloc : memref<!tpu.dma_semaphore, #tpu.memory_space<semaphore_mem>>
        %dma_start3A_45 = arith.constant 0 : i32
        %dma_start3A_46 = arith.constant 0 : i32
        %dma_start3A_47 = tpu.memref_slice %arg5[%arg1, %dma_start3A_45, %dma_start3A_46] : memref<16x80x128xi32, #tpu.memory_space<hbm>> -> memref<1x40x128xi32, #tpu.memory_space<hbm>>
        %dma_start3A_48 = tpu.memref_squeeze %dma_start3A_47 : memref<1x40x128xi32, #tpu.memory_space<hbm>> -> memref<40x128xi32, #tpu.memory_space<hbm>>
        %dma_start3A_49 = arith.constant 0 : i32
        %dma_start3A_50 = arith.constant 0 : i32
        %dma_start3A_51 = tpu.memref_slice %arg5[%arg1, %dma_start3A_49, %dma_start3A_50] : memref<16x80x128xi32, #tpu.memory_space<hbm>> -> memref<1x40x128xi32, #tpu.memory_space<hbm>>
        %dma_start3A_52 = tpu.memref_squeeze %dma_start3A_51 : memref<1x40x128xi32, #tpu.memory_space<hbm>> -> memref<40x128xi32, #tpu.memory_space<hbm>>
        tpu.enqueue_dma source(%dma_start3A_52 : memref<40x128xi32, #tpu.memory_space<hbm>>) target(%arg10 : memref<40x128xi32, #tpu.memory_space<vmem>>) target_semaphore(%run_scoped3A : memref<!tpu.dma_semaphore, #tpu.memory_space<semaphore_mem>>)
        %dma_wait3A = arith.constant 0 : i32
        %dma_wait3A_53 = arith.constant 0 : i32
        %dma_wait3A_54 = tpu.memref_slice %arg5[%arg1, %dma_wait3A, %dma_wait3A_53] : memref<16x80x128xi32, #tpu.memory_space<hbm>> -> memref<1x40x128xi32, #tpu.memory_space<hbm>>
        %dma_wait3A_55 = tpu.memref_squeeze %dma_wait3A_54 : memref<1x40x128xi32, #tpu.memory_space<hbm>> -> memref<40x128xi32, #tpu.memory_space<hbm>>
        %dma_wait3A_56 = arith.constant 0 : i32
        %dma_wait3A_57 = arith.constant 0 : i32
        %dma_wait3A_58 = tpu.memref_slice %arg5[%arg1, %dma_wait3A_56, %dma_wait3A_57] : memref<16x80x128xi32, #tpu.memory_space<hbm>> -> memref<1x40x128xi32, #tpu.memory_space<hbm>>
        %dma_wait3A_59 = tpu.memref_squeeze %dma_wait3A_58 : memref<1x40x128xi32, #tpu.memory_space<hbm>> -> memref<40x128xi32, #tpu.memory_space<hbm>>
        tpu.wait_dma2 semaphore(%run_scoped3A : memref<!tpu.dma_semaphore, #tpu.memory_space<semaphore_mem>>) src(%dma_wait3A_59 : memref<40x128xi32, #tpu.memory_space<hbm>>) dst(%arg10 : memref<40x128xi32, #tpu.memory_space<vmem>>)
        tpu.yield
      }) : () -> ()
      %dma_start3A = arith.constant 0 : i32
      %dma_start3A_10 = arith.constant 0 : i32
      %dma_start3A_11 = arith.constant 0 : i32
      %dma_start3A_12 = tpu.memref_slice %arg11[%dma_start3A_10, %dma_start3A_11] : memref<256x64xi32, #tpu.memory_space<vmem>> -> memref<128x64xi32, #tpu.memory_space<vmem>>
      %dma_start3A_13 = arith.constant 0 : i32
      %dma_start3A_14 = tpu.memref_slice %arg9[%dma_start3A, %dma_start3A_13] : memref<40x128xi32, #tpu.memory_space<vmem>> -> memref<1x128xi32, #tpu.memory_space<vmem>>
      %dma_start3A_15 = tpu.memref_squeeze %dma_start3A_14 : memref<1x128xi32, #tpu.memory_space<vmem>> -> memref<128xi32, #tpu.memory_space<vmem>>
      %dma_start3A_16 = arith.constant 0 : i32
      %dma_start3A_17 = arith.constant 0 : i32
      %dma_start3A_18 = tpu.memref_slice %arg3[%dma_start3A_16, %dma_start3A_17] : memref<10240x64xi32, #tpu.memory_space<hbm>> -> memref<10240x64xi32, #tpu.memory_space<hbm>>
      tpu.enqueue_indirect_dma source(%dma_start3A_18 : memref<10240x64xi32, #tpu.memory_space<hbm>>) target(%dma_start3A_12 : memref<128x64xi32, #tpu.memory_space<vmem>>) offsets(%dma_start3A_15 : memref<128xi32, #tpu.memory_space<vmem>>) semaphore(%arg14 : memref<!tpu.dma_semaphore, #tpu.memory_space<semaphore_mem>>)
      %scan3A = arith.constant 0 : i32
      %scan3A_19 = arith.constant 0 : i32
      %scan3A_20 = arith.constant 20 : i32
      %scan3A_21 = arith.addi %scan3A_19, %scan3A_20 : i32
      %scan3A_22 = arith.constant 1 : i32
      scf.for %scan3A_45 = %scan3A_19 to %scan3A_21 step %scan3A_22  : i32 {
        %mul3A_46 = arith.constant 2 : i32
        %mul3A_47 = arith.muli %mul3A_46, %scan3A_45 : i32
        %add3A = arith.constant 0 : i32
        %add3A_48 = arith.addi %mul3A_47, %add3A : i32
        %dma_wait3A = arith.constant 0 : i32
        %dma_wait3A_49 = arith.constant 0 : i32
        %dma_wait3A_50 = tpu.memref_slice %arg11[%dma_wait3A, %dma_wait3A_49] : memref<256x64xi32, #tpu.memory_space<vmem>> -> memref<128x64xi32, #tpu.memory_space<vmem>>
        %dma_wait3A_51 = arith.constant 0 : i32
        %dma_wait3A_52 = tpu.memref_slice %arg9[%add3A_48, %dma_wait3A_51] : memref<40x128xi32, #tpu.memory_space<vmem>> -> memref<1x128xi32, #tpu.memory_space<vmem>>
        %dma_wait3A_53 = tpu.memref_squeeze %dma_wait3A_52 : memref<1x128xi32, #tpu.memory_space<vmem>> -> memref<128xi32, #tpu.memory_space<vmem>>
        %dma_wait3A_54 = arith.constant 0 : i32
        %dma_wait3A_55 = arith.constant 0 : i32
        %dma_wait3A_56 = tpu.memref_slice %arg3[%dma_wait3A_54, %dma_wait3A_55] : memref<10240x64xi32, #tpu.memory_space<hbm>> -> memref<10240x64xi32, #tpu.memory_space<hbm>>
        tpu.wait_indirect_dma semaphore(%arg14 : memref<!tpu.dma_semaphore, #tpu.memory_space<semaphore_mem>>) src(%dma_wait3A_56 : memref<10240x64xi32, #tpu.memory_space<hbm>>) dst(%dma_wait3A_50 : memref<128x64xi32, #tpu.memory_space<vmem>>)
        %add3A_57 = arith.constant 2 : i32
        %add3A_58 = arith.addi %add3A_48, %add3A_57 : i32
        %sub3A = arith.constant 1 : i32
        %sub3A_59 = arith.subi %add3A_58, %sub3A : i32
        %lt3A = arith.constant 40 : i32
        %lt3A_60 = arith.cmpi slt, %sub3A_59, %lt3A : i32
        %convert_element_type3A_61 = arith.extui %lt3A_60 : i1 to i32
        %cond3A_62 = arith.constant 0 : i32
        %cond3A_63 = arith.cmpi ne, %convert_element_type3A_61, %cond3A_62 : i32
        scf.if %cond3A_63 {
          %dma_start3A_98 = arith.constant 128 : i32
          %dma_start3A_99 = arith.constant 0 : i32
          %dma_start3A_100 = tpu.memref_slice %arg11[%dma_start3A_98, %dma_start3A_99] : memref<256x64xi32, #tpu.memory_space<vmem>> -> memref<128x64xi32, #tpu.memory_space<vmem>>
          %dma_start3A_101 = arith.constant 0 : i32
          %dma_start3A_102 = tpu.memref_slice %arg9[%sub3A_59, %dma_start3A_101] : memref<40x128xi32, #tpu.memory_space<vmem>> -> memref<1x128xi32, #tpu.memory_space<vmem>>
          %dma_start3A_103 = tpu.memref_squeeze %dma_start3A_102 : memref<1x128xi32, #tpu.memory_space<vmem>> -> memref<128xi32, #tpu.memory_space<vmem>>
          %dma_start3A_104 = arith.constant 0 : i32
          %dma_start3A_105 = arith.constant 0 : i32
          %dma_start3A_106 = tpu.memref_slice %arg3[%dma_start3A_104, %dma_start3A_105] : memref<10240x64xi32, #tpu.memory_space<hbm>> -> memref<10240x64xi32, #tpu.memory_space<hbm>>
          tpu.enqueue_indirect_dma source(%dma_start3A_106 : memref<10240x64xi32, #tpu.memory_space<hbm>>) target(%dma_start3A_100 : memref<128x64xi32, #tpu.memory_space<vmem>>) offsets(%dma_start3A_103 : memref<128xi32, #tpu.memory_space<vmem>>) semaphore(%arg15 : memref<!tpu.dma_semaphore, #tpu.memory_space<semaphore_mem>>)
        } else {
        }
        %scan3A_64 = arith.constant 0 : i32
        %scan3A_65 = arith.constant 0 : i32
        %scan3A_66 = arith.constant 128 : i32
        %scan3A_67 = arith.addi %scan3A_65, %scan3A_66 : i32
        %scan3A_68 = arith.constant 1 : i32
        scf.for %scan3A_98 = %scan3A_65 to %scan3A_67 step %scan3A_68  : i32 {
          %broadcast_in_dim3A = arith.constant -65536 : i32
          %broadcast_in_dim3A_99 = vector.broadcast %broadcast_in_dim3A : i32 to vector<16xi32>
          %broadcast_in_dim3A_100 = arith.constant 16 : i32
          %broadcast_in_dim3A_101 = vector.broadcast %broadcast_in_dim3A_100 : i32 to vector<16xi32>
          %add3A_102 = arith.constant 0 : i32
          %add3A_103 = arith.addi %add3A_102, %scan3A_98 : i32
          %get3A = arith.index_cast %add3A_103 : i32 to index
          %get3A_104 = arith.constant 0 : index
          %get3A_105 = tpu.vector_load %arg11[%get3A, %get3A_104] {strides = array<i32>} : memref<256x64xi32, #tpu.memory_space<vmem>>, vector<1x16xi32>,
          %get3A_106 = vector.shape_cast %get3A_105 : vector<1x16xi32> to vector<16xi32>
          %shift_left3A = arith.shli %get3A_106, %broadcast_in_dim3A_101 : vector<16xi32>
          %bitcast_convert_type3A = tpu.bitcast %shift_left3A : vector<16xi32> -> vector<16xf32>
          %and3A = arith.andi %get3A_106, %broadcast_in_dim3A_99 : vector<16xi32>
          %bitcast_convert_type3A_107 = tpu.bitcast %and3A : vector<16xi32> -> vector<16xf32>
          %swap3A = arith.index_cast %scan3A_98 : i32 to index
          %swap3A_108 = arith.constant 0 : index
          %swap3A_109 = tpu.vector_load %arg12[%swap3A, %swap3A_108] {strides = array<i32>} : memref<128x128xf32, #tpu.memory_space<vmem>>, vector<1x16xf32>,
          %swap3A_110 = vector.shape_cast %swap3A_109 : vector<1x16xf32> to vector<16xf32>
          %swap3A_111 = vector.shape_cast %bitcast_convert_type3A : vector<16xf32> to vector<1x16xf32>
          tpu.vector_store %arg12[%swap3A, %swap3A_108], %swap3A_111 {strides = array<i32>} : memref<128x128xf32, #tpu.memory_space<vmem>>, vector<1x16xf32>,
          %swap3A_112 = arith.index_cast %scan3A_98 : i32 to index
          %swap3A_113 = arith.constant 64 : index
          %swap3A_114 = tpu.vector_load %arg12[%swap3A_112, %swap3A_113] {strides = array<i32>} : memref<128x128xf32, #tpu.memory_space<vmem>>, vector<1x16xf32>,
          %swap3A_115 = vector.shape_cast %swap3A_114 : vector<1x16xf32> to vector<16xf32>
          %swap3A_116 = vector.shape_cast %bitcast_convert_type3A_107 : vector<16xf32> to vector<1x16xf32>
          tpu.vector_store %arg12[%swap3A_112, %swap3A_113], %swap3A_116 {strides = array<i32>} : memref<128x128xf32, #tpu.memory_space<vmem>>, vector<1x16xf32>,
          %add3A_117 = arith.constant 0 : i32
          %add3A_118 = arith.addi %add3A_117, %scan3A_98 : i32
          %get3A_119 = arith.index_cast %add3A_118 : i32 to index
          %get3A_120 = arith.constant 16 : index
          %get3A_121 = tpu.vector_load %arg11[%get3A_119, %get3A_120] {strides = array<i32>} : memref<256x64xi32, #tpu.memory_space<vmem>>, vector<1x16xi32>,
          %get3A_122 = vector.shape_cast %get3A_121 : vector<1x16xi32> to vector<16xi32>
          %shift_left3A_123 = arith.shli %get3A_122, %broadcast_in_dim3A_101 : vector<16xi32>
          %bitcast_convert_type3A_124 = tpu.bitcast %shift_left3A_123 : vector<16xi32> -> vector<16xf32>
          %and3A_125 = arith.andi %get3A_122, %broadcast_in_dim3A_99 : vector<16xi32>
          %bitcast_convert_type3A_126 = tpu.bitcast %and3A_125 : vector<16xi32> -> vector<16xf32>
          %swap3A_127 = arith.index_cast %scan3A_98 : i32 to index
          %swap3A_128 = arith.constant 16 : index
          %swap3A_129 = tpu.vector_load %arg12[%swap3A_127, %swap3A_128] {strides = array<i32>} : memref<128x128xf32, #tpu.memory_space<vmem>>, vector<1x16xf32>,
          %swap3A_130 = vector.shape_cast %swap3A_129 : vector<1x16xf32> to vector<16xf32>
          %swap3A_131 = vector.shape_cast %bitcast_convert_type3A_124 : vector<16xf32> to vector<1x16xf32>
          tpu.vector_store %arg12[%swap3A_127, %swap3A_128], %swap3A_131 {strides = array<i32>} : memref<128x128xf32, #tpu.memory_space<vmem>>, vector<1x16xf32>,
          %swap3A_132 = arith.index_cast %scan3A_98 : i32 to index
          %swap3A_133 = arith.constant 80 : index
          %swap3A_134 = tpu.vector_load %arg12[%swap3A_132, %swap3A_133] {strides = array<i32>} : memref<128x128xf32, #tpu.memory_space<vmem>>, vector<1x16xf32>,
          %swap3A_135 = vector.shape_cast %swap3A_134 : vector<1x16xf32> to vector<16xf32>
          %swap3A_136 = vector.shape_cast %bitcast_convert_type3A_126 : vector<16xf32> to vector<1x16xf32>
          tpu.vector_store %arg12[%swap3A_132, %swap3A_133], %swap3A_136 {strides = array<i32>} : memref<128x128xf32, #tpu.memory_space<vmem>>, vector<1x16xf32>,
          %add3A_137 = arith.constant 0 : i32
          %add3A_138 = arith.addi %add3A_137, %scan3A_98 : i32
          %get3A_139 = arith.index_cast %add3A_138 : i32 to index
          %get3A_140 = arith.constant 32 : index
          %get3A_141 = tpu.vector_load %arg11[%get3A_139, %get3A_140] {strides = array<i32>} : memref<256x64xi32, #tpu.memory_space<vmem>>, vector<1x16xi32>,
          %get3A_142 = vector.shape_cast %get3A_141 : vector<1x16xi32> to vector<16xi32>
          %shift_left3A_143 = arith.shli %get3A_142, %broadcast_in_dim3A_101 : vector<16xi32>
          %bitcast_convert_type3A_144 = tpu.bitcast %shift_left3A_143 : vector<16xi32> -> vector<16xf32>
          %and3A_145 = arith.andi %get3A_142, %broadcast_in_dim3A_99 : vector<16xi32>
          %bitcast_convert_type3A_146 = tpu.bitcast %and3A_145 : vector<16xi32> -> vector<16xf32>
          %swap3A_147 = arith.index_cast %scan3A_98 : i32 to index
          %swap3A_148 = arith.constant 32 : index
          %swap3A_149 = tpu.vector_load %arg12[%swap3A_147, %swap3A_148] {strides = array<i32>} : memref<128x128xf32, #tpu.memory_space<vmem>>, vector<1x16xf32>,
          %swap3A_150 = vector.shape_cast %swap3A_149 : vector<1x16xf32> to vector<16xf32>
          %swap3A_151 = vector.shape_cast %bitcast_convert_type3A_144 : vector<16xf32> to vector<1x16xf32>
          tpu.vector_store %arg12[%swap3A_147, %swap3A_148], %swap3A_151 {strides = array<i32>} : memref<128x128xf32, #tpu.memory_space<vmem>>, vector<1x16xf32>,
          %swap3A_152 = arith.index_cast %scan3A_98 : i32 to index
          %swap3A_153 = arith.constant 96 : index
          %swap3A_154 = tpu.vector_load %arg12[%swap3A_152, %swap3A_153] {strides = array<i32>} : memref<128x128xf32, #tpu.memory_space<vmem>>, vector<1x16xf32>,
          %swap3A_155 = vector.shape_cast %swap3A_154 : vector<1x16xf32> to vector<16xf32>
          %swap3A_156 = vector.shape_cast %bitcast_convert_type3A_146 : vector<16xf32> to vector<1x16xf32>
          tpu.vector_store %arg12[%swap3A_152, %swap3A_153], %swap3A_156 {strides = array<i32>} : memref<128x128xf32, #tpu.memory_space<vmem>>, vector<1x16xf32>,
          %add3A_157 = arith.constant 0 : i32
          %add3A_158 = arith.addi %add3A_157, %scan3A_98 : i32
          %get3A_159 = arith.index_cast %add3A_158 : i32 to index
          %get3A_160 = arith.constant 48 : index
          %get3A_161 = tpu.vector_load %arg11[%get3A_159, %get3A_160] {strides = array<i32>} : memref<256x64xi32, #tpu.memory_space<vmem>>, vector<1x16xi32>,
          %get3A_162 = vector.shape_cast %get3A_161 : vector<1x16xi32> to vector<16xi32>
          %shift_left3A_163 = arith.shli %get3A_162, %broadcast_in_dim3A_101 : vector<16xi32>
          %bitcast_convert_type3A_164 = tpu.bitcast %shift_left3A_163 : vector<16xi32> -> vector<16xf32>
          %and3A_165 = arith.andi %get3A_162, %broadcast_in_dim3A_99 : vector<16xi32>
          %bitcast_convert_type3A_166 = tpu.bitcast %and3A_165 : vector<16xi32> -> vector<16xf32>
          %swap3A_167 = arith.index_cast %scan3A_98 : i32 to index
          %swap3A_168 = arith.constant 48 : index
          %swap3A_169 = tpu.vector_load %arg12[%swap3A_167, %swap3A_168] {strides = array<i32>} : memref<128x128xf32, #tpu.memory_space<vmem>>, vector<1x16xf32>,
          %swap3A_170 = vector.shape_cast %swap3A_169 : vector<1x16xf32> to vector<16xf32>
          %swap3A_171 = vector.shape_cast %bitcast_convert_type3A_164 : vector<16xf32> to vector<1x16xf32>
          tpu.vector_store %arg12[%swap3A_167, %swap3A_168], %swap3A_171 {strides = array<i32>} : memref<128x128xf32, #tpu.memory_space<vmem>>, vector<1x16xf32>,
          %swap3A_172 = arith.index_cast %scan3A_98 : i32 to index
          %swap3A_173 = arith.constant 112 : index
          %swap3A_174 = tpu.vector_load %arg12[%swap3A_172, %swap3A_173] {strides = array<i32>} : memref<128x128xf32, #tpu.memory_space<vmem>>, vector<1x16xf32>,
          %swap3A_175 = vector.shape_cast %swap3A_174 : vector<1x16xf32> to vector<16xf32>
          %swap3A_176 = vector.shape_cast %bitcast_convert_type3A_166 : vector<16xf32> to vector<1x16xf32>
          tpu.vector_store %arg12[%swap3A_172, %swap3A_173], %swap3A_176 {strides = array<i32>} : memref<128x128xf32, #tpu.memory_space<vmem>>, vector<1x16xf32>,
        }
        %scan3A_69 = arith.constant 128 : i32
        "tpu.region"() ({
          %run_scoped3A = tpu.sem_alloc : memref<!tpu.dma_semaphore, #tpu.memory_space<semaphore_mem>>
          %dma_start3A_98 = arith.constant 0 : i32
          %dma_start3A_99 = tpu.memref_slice %arg10[%add3A_48, %dma_start3A_98] : memref<40x128xi32, #tpu.memory_space<vmem>> -> memref<1x128xi32, #tpu.memory_space<vmem>>
          %dma_start3A_100 = tpu.memref_squeeze %dma_start3A_99 : memref<1x128xi32, #tpu.memory_space<vmem>> -> memref<128xi32, #tpu.memory_space<vmem>>
          %dma_start3A_101 = arith.constant 0 : i32
          %dma_start3A_102 = arith.constant 0 : i32
          %dma_start3A_103 = tpu.memref_slice %arg13[%dma_start3A_101, %dma_start3A_102] : memref<10240x128xf32, #tpu.memory_space<vmem_shared>> -> memref<10240x128xf32, #tpu.memory_space<vmem_shared>>
          tpu.enqueue_indirect_dma source(%arg12 : memref<128x128xf32, #tpu.memory_space<vmem>>) target(%dma_start3A_103 : memref<10240x128xf32, #tpu.memory_space<vmem_shared>>) offsets(%dma_start3A_100 : memref<128xi32, #tpu.memory_space<vmem>>) semaphore(%run_scoped3A : memref<!tpu.dma_semaphore, #tpu.memory_space<semaphore_mem>>) {add = true}
          %dma_wait3A_104 = arith.constant 0 : i32
          %dma_wait3A_105 = tpu.memref_slice %arg10[%add3A_48, %dma_wait3A_104] : memref<40x128xi32, #tpu.memory_space<vmem>> -> memref<1x128xi32, #tpu.memory_space<vmem>>
          %dma_wait3A_106 = tpu.memref_squeeze %dma_wait3A_105 : memref<1x128xi32, #tpu.memory_space<vmem>> -> memref<128xi32, #tpu.memory_space<vmem>>
          %dma_wait3A_107 = arith.constant 0 : i32
          %dma_wait3A_108 = arith.constant 0 : i32
          %dma_wait3A_109 = tpu.memref_slice %arg13[%dma_wait3A_107, %dma_wait3A_108] : memref<10240x128xf32, #tpu.memory_space<vmem_shared>> -> memref<10240x128xf32, #tpu.memory_space<vmem_shared>>
          tpu.wait_indirect_dma semaphore(%run_scoped3A : memref<!tpu.dma_semaphore, #tpu.memory_space<semaphore_mem>>) src(%arg12 : memref<128x128xf32, #tpu.memory_space<vmem>>) dst(%dma_wait3A_109 : memref<10240x128xf32, #tpu.memory_space<vmem_shared>>)
          tpu.yield
        }) : () -> ()
        %mul3A_70 = arith.constant 2 : i32
        %mul3A_71 = arith.muli %mul3A_70, %scan3A_45 : i32
        %add3A_72 = arith.constant 1 : i32
        %add3A_73 = arith.addi %mul3A_71, %add3A_72 : i32
        %dma_wait3A_74 = arith.constant 128 : i32
        %dma_wait3A_75 = arith.constant 0 : i32
        %dma_wait3A_76 = tpu.memref_slice %arg11[%dma_wait3A_74, %dma_wait3A_75] : memref<256x64xi32, #tpu.memory_space<vmem>> -> memref<128x64xi32, #tpu.memory_space<vmem>>
        %dma_wait3A_77 = arith.constant 0 : i32
        %dma_wait3A_78 = tpu.memref_slice %arg9[%add3A_73, %dma_wait3A_77] : memref<40x128xi32, #tpu.memory_space<vmem>> -> memref<1x128xi32, #tpu.memory_space<vmem>>
        %dma_wait3A_79 = tpu.memref_squeeze %dma_wait3A_78 : memref<1x128xi32, #tpu.memory_space<vmem>> -> memref<128xi32, #tpu.memory_space<vmem>>
        %dma_wait3A_80 = arith.constant 0 : i32
        %dma_wait3A_81 = arith.constant 0 : i32
        %dma_wait3A_82 = tpu.memref_slice %arg3[%dma_wait3A_80, %dma_wait3A_81] : memref<10240x64xi32, #tpu.memory_space<hbm>> -> memref<10240x64xi32, #tpu.memory_space<hbm>>
        tpu.wait_indirect_dma semaphore(%arg15 : memref<!tpu.dma_semaphore, #tpu.memory_space<semaphore_mem>>) src(%dma_wait3A_82 : memref<10240x64xi32, #tpu.memory_space<hbm>>) dst(%dma_wait3A_76 : memref<128x64xi32, #tpu.memory_space<vmem>>)
        %add3A_83 = arith.constant 2 : i32
        %add3A_84 = arith.addi %add3A_73, %add3A_83 : i32
        %sub3A_85 = arith.constant 1 : i32
        %sub3A_86 = arith.subi %add3A_84, %sub3A_85 : i32
        %lt3A_87 = arith.constant 40 : i32
        %lt3A_88 = arith.cmpi slt, %sub3A_86, %lt3A_87 : i32
        %convert_element_type3A_89 = arith.extui %lt3A_88 : i1 to i32
        %cond3A_90 = arith.constant 0 : i32
        %cond3A_91 = arith.cmpi ne, %convert_element_type3A_89, %cond3A_90 : i32
        scf.if %cond3A_91 {
          %dma_start3A_98 = arith.constant 0 : i32
          %dma_start3A_99 = arith.constant 0 : i32
          %dma_start3A_100 = tpu.memref_slice %arg11[%dma_start3A_98, %dma_start3A_99] : memref<256x64xi32, #tpu.memory_space<vmem>> -> memref<128x64xi32, #tpu.memory_space<vmem>>
          %dma_start3A_101 = arith.constant 0 : i32
          %dma_start3A_102 = tpu.memref_slice %arg9[%sub3A_86, %dma_start3A_101] : memref<40x128xi32, #tpu.memory_space<vmem>> -> memref<1x128xi32, #tpu.memory_space<vmem>>
          %dma_start3A_103 = tpu.memref_squeeze %dma_start3A_102 : memref<1x128xi32, #tpu.memory_space<vmem>> -> memref<128xi32, #tpu.memory_space<vmem>>
          %dma_start3A_104 = arith.constant 0 : i32
          %dma_start3A_105 = arith.constant 0 : i32
          %dma_start3A_106 = tpu.memref_slice %arg3[%dma_start3A_104, %dma_start3A_105] : memref<10240x64xi32, #tpu.memory_space<hbm>> -> memref<10240x64xi32, #tpu.memory_space<hbm>>
          tpu.enqueue_indirect_dma source(%dma_start3A_106 : memref<10240x64xi32, #tpu.memory_space<hbm>>) target(%dma_start3A_100 : memref<128x64xi32, #tpu.memory_space<vmem>>) offsets(%dma_start3A_103 : memref<128xi32, #tpu.memory_space<vmem>>) semaphore(%arg14 : memref<!tpu.dma_semaphore, #tpu.memory_space<semaphore_mem>>)
        } else {
        }
        %scan3A_92 = arith.constant 0 : i32
        %scan3A_93 = arith.constant 0 : i32
        %scan3A_94 = arith.constant 128 : i32
        %scan3A_95 = arith.addi %scan3A_93, %scan3A_94 : i32
        %scan3A_96 = arith.constant 1 : i32
        scf.for %scan3A_98 = %scan3A_93 to %scan3A_95 step %scan3A_96  : i32 {
          %broadcast_in_dim3A = arith.constant -65536 : i32
          %broadcast_in_dim3A_99 = vector.broadcast %broadcast_in_dim3A : i32 to vector<16xi32>
          %broadcast_in_dim3A_100 = arith.constant 16 : i32
          %broadcast_in_dim3A_101 = vector.broadcast %broadcast_in_dim3A_100 : i32 to vector<16xi32>
          %add3A_102 = arith.constant 128 : i32
          %add3A_103 = arith.addi %add3A_102, %scan3A_98 : i32
          %get3A = arith.index_cast %add3A_103 : i32 to index
          %get3A_104 = arith.constant 0 : index
          %get3A_105 = tpu.vector_load %arg11[%get3A, %get3A_104] {strides = array<i32>} : memref<256x64xi32, #tpu.memory_space<vmem>>, vector<1x16xi32>,
          %get3A_106 = vector.shape_cast %get3A_105 : vector<1x16xi32> to vector<16xi32>
          %shift_left3A = arith.shli %get3A_106, %broadcast_in_dim3A_101 : vector<16xi32>
          %bitcast_convert_type3A = tpu.bitcast %shift_left3A : vector<16xi32> -> vector<16xf32>
          %and3A = arith.andi %get3A_106, %broadcast_in_dim3A_99 : vector<16xi32>
          %bitcast_convert_type3A_107 = tpu.bitcast %and3A : vector<16xi32> -> vector<16xf32>
          %swap3A = arith.index_cast %scan3A_98 : i32 to index
          %swap3A_108 = arith.constant 0 : index
          %swap3A_109 = tpu.vector_load %arg12[%swap3A, %swap3A_108] {strides = array<i32>} : memref<128x128xf32, #tpu.memory_space<vmem>>, vector<1x16xf32>,
          %swap3A_110 = vector.shape_cast %swap3A_109 : vector<1x16xf32> to vector<16xf32>
          %swap3A_111 = vector.shape_cast %bitcast_convert_type3A : vector<16xf32> to vector<1x16xf32>
          tpu.vector_store %arg12[%swap3A, %swap3A_108], %swap3A_111 {strides = array<i32>} : memref<128x128xf32, #tpu.memory_space<vmem>>, vector<1x16xf32>,
          %swap3A_112 = arith.index_cast %scan3A_98 : i32 to index
          %swap3A_113 = arith.constant 64 : index
          %swap3A_114 = tpu.vector_load %arg12[%swap3A_112, %swap3A_113] {strides = array<i32>} : memref<128x128xf32, #tpu.memory_space<vmem>>, vector<1x16xf32>,
          %swap3A_115 = vector.shape_cast %swap3A_114 : vector<1x16xf32> to vector<16xf32>
          %swap3A_116 = vector.shape_cast %bitcast_convert_type3A_107 : vector<16xf32> to vector<1x16xf32>
          tpu.vector_store %arg12[%swap3A_112, %swap3A_113], %swap3A_116 {strides = array<i32>} : memref<128x128xf32, #tpu.memory_space<vmem>>, vector<1x16xf32>,
          %add3A_117 = arith.constant 128 : i32
          %add3A_118 = arith.addi %add3A_117, %scan3A_98 : i32
          %get3A_119 = arith.index_cast %add3A_118 : i32 to index
          %get3A_120 = arith.constant 16 : index
          %get3A_121 = tpu.vector_load %arg11[%get3A_119, %get3A_120] {strides = array<i32>} : memref<256x64xi32, #tpu.memory_space<vmem>>, vector<1x16xi32>,
          %get3A_122 = vector.shape_cast %get3A_121 : vector<1x16xi32> to vector<16xi32>
          %shift_left3A_123 = arith.shli %get3A_122, %broadcast_in_dim3A_101 : vector<16xi32>
          %bitcast_convert_type3A_124 = tpu.bitcast %shift_left3A_123 : vector<16xi32> -> vector<16xf32>
          %and3A_125 = arith.andi %get3A_122, %broadcast_in_dim3A_99 : vector<16xi32>
          %bitcast_convert_type3A_126 = tpu.bitcast %and3A_125 : vector<16xi32> -> vector<16xf32>
          %swap3A_127 = arith.index_cast %scan3A_98 : i32 to index
          %swap3A_128 = arith.constant 16 : index
          %swap3A_129 = tpu.vector_load %arg12[%swap3A_127, %swap3A_128] {strides = array<i32>} : memref<128x128xf32, #tpu.memory_space<vmem>>, vector<1x16xf32>,
          %swap3A_130 = vector.shape_cast %swap3A_129 : vector<1x16xf32> to vector<16xf32>
          %swap3A_131 = vector.shape_cast %bitcast_convert_type3A_124 : vector<16xf32> to vector<1x16xf32>
          tpu.vector_store %arg12[%swap3A_127, %swap3A_128], %swap3A_131 {strides = array<i32>} : memref<128x128xf32, #tpu.memory_space<vmem>>, vector<1x16xf32>,
          %swap3A_132 = arith.index_cast %scan3A_98 : i32 to index
          %swap3A_133 = arith.constant 80 : index
          %swap3A_134 = tpu.vector_load %arg12[%swap3A_132, %swap3A_133] {strides = array<i32>} : memref<128x128xf32, #tpu.memory_space<vmem>>, vector<1x16xf32>,
          %swap3A_135 = vector.shape_cast %swap3A_134 : vector<1x16xf32> to vector<16xf32>
          %swap3A_136 = vector.shape_cast %bitcast_convert_type3A_126 : vector<16xf32> to vector<1x16xf32>
          tpu.vector_store %arg12[%swap3A_132, %swap3A_133], %swap3A_136 {strides = array<i32>} : memref<128x128xf32, #tpu.memory_space<vmem>>, vector<1x16xf32>,
          %add3A_137 = arith.constant 128 : i32
          %add3A_138 = arith.addi %add3A_137, %scan3A_98 : i32
          %get3A_139 = arith.index_cast %add3A_138 : i32 to index
          %get3A_140 = arith.constant 32 : index
          %get3A_141 = tpu.vector_load %arg11[%get3A_139, %get3A_140] {strides = array<i32>} : memref<256x64xi32, #tpu.memory_space<vmem>>, vector<1x16xi32>,
          %get3A_142 = vector.shape_cast %get3A_141 : vector<1x16xi32> to vector<16xi32>
          %shift_left3A_143 = arith.shli %get3A_142, %broadcast_in_dim3A_101 : vector<16xi32>
          %bitcast_convert_type3A_144 = tpu.bitcast %shift_left3A_143 : vector<16xi32> -> vector<16xf32>
          %and3A_145 = arith.andi %get3A_142, %broadcast_in_dim3A_99 : vector<16xi32>
          %bitcast_convert_type3A_146 = tpu.bitcast %and3A_145 : vector<16xi32> -> vector<16xf32>
          %swap3A_147 = arith.index_cast %scan3A_98 : i32 to index
          %swap3A_148 = arith.constant 32 : index
          %swap3A_149 = tpu.vector_load %arg12[%swap3A_147, %swap3A_148] {strides = array<i32>} : memref<128x128xf32, #tpu.memory_space<vmem>>, vector<1x16xf32>,
          %swap3A_150 = vector.shape_cast %swap3A_149 : vector<1x16xf32> to vector<16xf32>
          %swap3A_151 = vector.shape_cast %bitcast_convert_type3A_144 : vector<16xf32> to vector<1x16xf32>
          tpu.vector_store %arg12[%swap3A_147, %swap3A_148], %swap3A_151 {strides = array<i32>} : memref<128x128xf32, #tpu.memory_space<vmem>>, vector<1x16xf32>,
          %swap3A_152 = arith.index_cast %scan3A_98 : i32 to index
          %swap3A_153 = arith.constant 96 : index
          %swap3A_154 = tpu.vector_load %arg12[%swap3A_152, %swap3A_153] {strides = array<i32>} : memref<128x128xf32, #tpu.memory_space<vmem>>, vector<1x16xf32>,
          %swap3A_155 = vector.shape_cast %swap3A_154 : vector<1x16xf32> to vector<16xf32>
          %swap3A_156 = vector.shape_cast %bitcast_convert_type3A_146 : vector<16xf32> to vector<1x16xf32>
          tpu.vector_store %arg12[%swap3A_152, %swap3A_153], %swap3A_156 {strides = array<i32>} : memref<128x128xf32, #tpu.memory_space<vmem>>, vector<1x16xf32>,
          %add3A_157 = arith.constant 128 : i32
          %add3A_158 = arith.addi %add3A_157, %scan3A_98 : i32
          %get3A_159 = arith.index_cast %add3A_158 : i32 to index
          %get3A_160 = arith.constant 48 : index
          %get3A_161 = tpu.vector_load %arg11[%get3A_159, %get3A_160] {strides = array<i32>} : memref<256x64xi32, #tpu.memory_space<vmem>>, vector<1x16xi32>,
          %get3A_162 = vector.shape_cast %get3A_161 : vector<1x16xi32> to vector<16xi32>
          %shift_left3A_163 = arith.shli %get3A_162, %broadcast_in_dim3A_101 : vector<16xi32>
          %bitcast_convert_type3A_164 = tpu.bitcast %shift_left3A_163 : vector<16xi32> -> vector<16xf32>
          %and3A_165 = arith.andi %get3A_162, %broadcast_in_dim3A_99 : vector<16xi32>
          %bitcast_convert_type3A_166 = tpu.bitcast %and3A_165 : vector<16xi32> -> vector<16xf32>
          %swap3A_167 = arith.index_cast %scan3A_98 : i32 to index
          %swap3A_168 = arith.constant 48 : index
          %swap3A_169 = tpu.vector_load %arg12[%swap3A_167, %swap3A_168] {strides = array<i32>} : memref<128x128xf32, #tpu.memory_space<vmem>>, vector<1x16xf32>,
          %swap3A_170 = vector.shape_cast %swap3A_169 : vector<1x16xf32> to vector<16xf32>
          %swap3A_171 = vector.shape_cast %bitcast_convert_type3A_164 : vector<16xf32> to vector<1x16xf32>
          tpu.vector_store %arg12[%swap3A_167, %swap3A_168], %swap3A_171 {strides = array<i32>} : memref<128x128xf32, #tpu.memory_space<vmem>>, vector<1x16xf32>,
          %swap3A_172 = arith.index_cast %scan3A_98 : i32 to index
          %swap3A_173 = arith.constant 112 : index
          %swap3A_174 = tpu.vector_load %arg12[%swap3A_172, %swap3A_173] {strides = array<i32>} : memref<128x128xf32, #tpu.memory_space<vmem>>, vector<1x16xf32>,
          %swap3A_175 = vector.shape_cast %swap3A_174 : vector<1x16xf32> to vector<16xf32>
          %swap3A_176 = vector.shape_cast %bitcast_convert_type3A_166 : vector<16xf32> to vector<1x16xf32>
          tpu.vector_store %arg12[%swap3A_172, %swap3A_173], %swap3A_176 {strides = array<i32>} : memref<128x128xf32, #tpu.memory_space<vmem>>, vector<1x16xf32>,
        }
        %scan3A_97 = arith.constant 128 : i32
        "tpu.region"() ({
          %run_scoped3A = tpu.sem_alloc : memref<!tpu.dma_semaphore, #tpu.memory_space<semaphore_mem>>
          %dma_start3A_98 = arith.constant 0 : i32
          %dma_start3A_99 = tpu.memref_slice %arg10[%add3A_73, %dma_start3A_98] : memref<40x128xi32, #tpu.memory_space<vmem>> -> memref<1x128xi32, #tpu.memory_space<vmem>>
          %dma_start3A_100 = tpu.memref_squeeze %dma_start3A_99 : memref<1x128xi32, #tpu.memory_space<vmem>> -> memref<128xi32, #tpu.memory_space<vmem>>
          %dma_start3A_101 = arith.constant 0 : i32
          %dma_start3A_102 = arith.constant 0 : i32
          %dma_start3A_103 = tpu.memref_slice %arg13[%dma_start3A_101, %dma_start3A_102] : memref<10240x128xf32, #tpu.memory_space<vmem_shared>> -> memref<10240x128xf32, #tpu.memory_space<vmem_shared>>
          tpu.enqueue_indirect_dma source(%arg12 : memref<128x128xf32, #tpu.memory_space<vmem>>) target(%dma_start3A_103 : memref<10240x128xf32, #tpu.memory_space<vmem_shared>>) offsets(%dma_start3A_100 : memref<128xi32, #tpu.memory_space<vmem>>) semaphore(%run_scoped3A : memref<!tpu.dma_semaphore, #tpu.memory_space<semaphore_mem>>) {add = true}
          %dma_wait3A_104 = arith.constant 0 : i32
          %dma_wait3A_105 = tpu.memref_slice %arg10[%add3A_73, %dma_wait3A_104] : memref<40x128xi32, #tpu.memory_space<vmem>> -> memref<1x128xi32, #tpu.memory_space<vmem>>
          %dma_wait3A_106 = tpu.memref_squeeze %dma_wait3A_105 : memref<1x128xi32, #tpu.memory_space<vmem>> -> memref<128xi32, #tpu.memory_space<vmem>>
          %dma_wait3A_107 = arith.constant 0 : i32
          %dma_wait3A_108 = arith.constant 0 : i32
          %dma_wait3A_109 = tpu.memref_slice %arg13[%dma_wait3A_107, %dma_wait3A_108] : memref<10240x128xf32, #tpu.memory_space<vmem_shared>> -> memref<10240x128xf32, #tpu.memory_space<vmem_shared>>
          tpu.wait_indirect_dma semaphore(%run_scoped3A : memref<!tpu.dma_semaphore, #tpu.memory_space<semaphore_mem>>) src(%arg12 : memref<128x128xf32, #tpu.memory_space<vmem>>) dst(%dma_wait3A_109 : memref<10240x128xf32, #tpu.memory_space<vmem_shared>>)
          tpu.yield
        }) : () -> ()
      }
      %scan3A_23 = arith.constant 20 : i32
      "tpu.region"() ({
        %run_scoped3A = tpu.sem_alloc : memref<!tpu.dma_semaphore, #tpu.memory_space<semaphore_mem>>
        %dma_start3A_45 = arith.constant 40 : i32
        %dma_start3A_46 = arith.constant 0 : i32
        %dma_start3A_47 = tpu.memref_slice %arg4[%arg1, %dma_start3A_45, %dma_start3A_46] : memref<16x80x128xi32, #tpu.memory_space<hbm>> -> memref<1x40x128xi32, #tpu.memory_space<hbm>>
        %dma_start3A_48 = tpu.memref_squeeze %dma_start3A_47 : memref<1x40x128xi32, #tpu.memory_space<hbm>> -> memref<40x128xi32, #tpu.memory_space<hbm>>
        %dma_start3A_49 = arith.constant 40 : i32
        %dma_start3A_50 = arith.constant 0 : i32
        %dma_start3A_51 = tpu.memref_slice %arg4[%arg1, %dma_start3A_49, %dma_start3A_50] : memref<16x80x128xi32, #tpu.memory_space<hbm>> -> memref<1x40x128xi32, #tpu.memory_space<hbm>>
        %dma_start3A_52 = tpu.memref_squeeze %dma_start3A_51 : memref<1x40x128xi32, #tpu.memory_space<hbm>> -> memref<40x128xi32, #tpu.memory_space<hbm>>
        tpu.enqueue_dma source(%dma_start3A_52 : memref<40x128xi32, #tpu.memory_space<hbm>>) target(%arg9 : memref<40x128xi32, #tpu.memory_space<vmem>>) target_semaphore(%run_scoped3A : memref<!tpu.dma_semaphore, #tpu.memory_space<semaphore_mem>>)
        %dma_wait3A = arith.constant 40 : i32
        %dma_wait3A_53 = arith.constant 0 : i32
        %dma_wait3A_54 = tpu.memref_slice %arg4[%arg1, %dma_wait3A, %dma_wait3A_53] : memref<16x80x128xi32, #tpu.memory_space<hbm>> -> memref<1x40x128xi32, #tpu.memory_space<hbm>>
        %dma_wait3A_55 = tpu.memref_squeeze %dma_wait3A_54 : memref<1x40x128xi32, #tpu.memory_space<hbm>> -> memref<40x128xi32, #tpu.memory_space<hbm>>
        %dma_wait3A_56 = arith.constant 40 : i32
        %dma_wait3A_57 = arith.constant 0 : i32
        %dma_wait3A_58 = tpu.memref_slice %arg4[%arg1, %dma_wait3A_56, %dma_wait3A_57] : memref<16x80x128xi32, #tpu.memory_space<hbm>> -> memref<1x40x128xi32, #tpu.memory_space<hbm>>
        %dma_wait3A_59 = tpu.memref_squeeze %dma_wait3A_58 : memref<1x40x128xi32, #tpu.memory_space<hbm>> -> memref<40x128xi32, #tpu.memory_space<hbm>>
        tpu.wait_dma2 semaphore(%run_scoped3A : memref<!tpu.dma_semaphore, #tpu.memory_space<semaphore_mem>>) src(%dma_wait3A_59 : memref<40x128xi32, #tpu.memory_space<hbm>>) dst(%arg9 : memref<40x128xi32, #tpu.memory_space<vmem>>)
        tpu.yield
      }) : () -> ()
      "tpu.region"() ({
        %run_scoped3A = tpu.sem_alloc : memref<!tpu.dma_semaphore, #tpu.memory_space<semaphore_mem>>
        %dma_start3A_45 = arith.constant 40 : i32
        %dma_start3A_46 = arith.constant 0 : i32
        %dma_start3A_47 = tpu.memref_slice %arg5[%arg1, %dma_start3A_45, %dma_start3A_46] : memref<16x80x128xi32, #tpu.memory_space<hbm>> -> memref<1x40x128xi32, #tpu.memory_space<hbm>>
        %dma_start3A_48 = tpu.memref_squeeze %dma_start3A_47 : memref<1x40x128xi32, #tpu.memory_space<hbm>> -> memref<40x128xi32, #tpu.memory_space<hbm>>
        %dma_start3A_49 = arith.constant 40 : i32
        %dma_start3A_50 = arith.constant 0 : i32
        %dma_start3A_51 = tpu.memref_slice %arg5[%arg1, %dma_start3A_49, %dma_start3A_50] : memref<16x80x128xi32, #tpu.memory_space<hbm>> -> memref<1x40x128xi32, #tpu.memory_space<hbm>>
        %dma_start3A_52 = tpu.memref_squeeze %dma_start3A_51 : memref<1x40x128xi32, #tpu.memory_space<hbm>> -> memref<40x128xi32, #tpu.memory_space<hbm>>
        tpu.enqueue_dma source(%dma_start3A_52 : memref<40x128xi32, #tpu.memory_space<hbm>>) target(%arg10 : memref<40x128xi32, #tpu.memory_space<vmem>>) target_semaphore(%run_scoped3A : memref<!tpu.dma_semaphore, #tpu.memory_space<semaphore_mem>>)
        %dma_wait3A = arith.constant 40 : i32
        %dma_wait3A_53 = arith.constant 0 : i32
        %dma_wait3A_54 = tpu.memref_slice %arg5[%arg1, %dma_wait3A, %dma_wait3A_53] : memref<16x80x128xi32, #tpu.memory_space<hbm>> -> memref<1x40x128xi32, #tpu.memory_space<hbm>>
        %dma_wait3A_55 = tpu.memref_squeeze %dma_wait3A_54 : memref<1x40x128xi32, #tpu.memory_space<hbm>> -> memref<40x128xi32, #tpu.memory_space<hbm>>
        %dma_wait3A_56 = arith.constant 40 : i32
        %dma_wait3A_57 = arith.constant 0 : i32
        %dma_wait3A_58 = tpu.memref_slice %arg5[%arg1, %dma_wait3A_56, %dma_wait3A_57] : memref<16x80x128xi32, #tpu.memory_space<hbm>> -> memref<1x40x128xi32, #tpu.memory_space<hbm>>
        %dma_wait3A_59 = tpu.memref_squeeze %dma_wait3A_58 : memref<1x40x128xi32, #tpu.memory_space<hbm>> -> memref<40x128xi32, #tpu.memory_space<hbm>>
        tpu.wait_dma2 semaphore(%run_scoped3A : memref<!tpu.dma_semaphore, #tpu.memory_space<semaphore_mem>>) src(%dma_wait3A_59 : memref<40x128xi32, #tpu.memory_space<hbm>>) dst(%arg10 : memref<40x128xi32, #tpu.memory_space<vmem>>)
        tpu.yield
      }) : () -> ()
      %dma_start3A_24 = arith.constant 0 : i32
      %dma_start3A_25 = arith.constant 0 : i32
      %dma_start3A_26 = arith.constant 0 : i32
      %dma_start3A_27 = tpu.memref_slice %arg11[%dma_start3A_25, %dma_start3A_26] : memref<256x64xi32, #tpu.memory_space<vmem>> -> memref<128x64xi32, #tpu.memory_space<vmem>>
      %dma_start3A_28 = arith.constant 0 : i32
      %dma_start3A_29 = tpu.memref_slice %arg9[%dma_start3A_24, %dma_start3A_28] : memref<40x128xi32, #tpu.memory_space<vmem>> -> memref<1x128xi32, #tpu.memory_space<vmem>>
      %dma_start3A_30 = tpu.memref_squeeze %dma_start3A_29 : memref<1x128xi32, #tpu.memory_space<vmem>> -> memref<128xi32, #tpu.memory_space<vmem>>
      %dma_start3A_31 = arith.constant 0 : i32
      %dma_start3A_32 = arith.constant 0 : i32
      %dma_start3A_33 = tpu.memref_slice %arg3[%dma_start3A_31, %dma_start3A_32] : memref<10240x64xi32, #tpu.memory_space<hbm>> -> memref<10240x64xi32, #tpu.memory_space<hbm>>
      tpu.enqueue_indirect_dma source(%dma_start3A_33 : memref<10240x64xi32, #tpu.memory_space<hbm>>) target(%dma_start3A_27 : memref<128x64xi32, #tpu.memory_space<vmem>>) offsets(%dma_start3A_30 : memref<128xi32, #tpu.memory_space<vmem>>) semaphore(%arg14 : memref<!tpu.dma_semaphore, #tpu.memory_space<semaphore_mem>>)
      %scan3A_34 = arith.constant 0 : i32
      %scan3A_35 = arith.constant 0 : i32
      %scan3A_36 = arith.constant 20 : i32
      %scan3A_37 = arith.addi %scan3A_35, %scan3A_36 : i32
      %scan3A_38 = arith.constant 1 : i32
      scf.for %scan3A_45 = %scan3A_35 to %scan3A_37 step %scan3A_38  : i32 {
        %mul3A_46 = arith.constant 2 : i32
        %mul3A_47 = arith.muli %mul3A_46, %scan3A_45 : i32
        %add3A = arith.constant 0 : i32
        %add3A_48 = arith.addi %mul3A_47, %add3A : i32
        %dma_wait3A = arith.constant 0 : i32
        %dma_wait3A_49 = arith.constant 0 : i32
        %dma_wait3A_50 = tpu.memref_slice %arg11[%dma_wait3A, %dma_wait3A_49] : memref<256x64xi32, #tpu.memory_space<vmem>> -> memref<128x64xi32, #tpu.memory_space<vmem>>
        %dma_wait3A_51 = arith.constant 0 : i32
        %dma_wait3A_52 = tpu.memref_slice %arg9[%add3A_48, %dma_wait3A_51] : memref<40x128xi32, #tpu.memory_space<vmem>> -> memref<1x128xi32, #tpu.memory_space<vmem>>
        %dma_wait3A_53 = tpu.memref_squeeze %dma_wait3A_52 : memref<1x128xi32, #tpu.memory_space<vmem>> -> memref<128xi32, #tpu.memory_space<vmem>>
        %dma_wait3A_54 = arith.constant 0 : i32
        %dma_wait3A_55 = arith.constant 0 : i32
        %dma_wait3A_56 = tpu.memref_slice %arg3[%dma_wait3A_54, %dma_wait3A_55] : memref<10240x64xi32, #tpu.memory_space<hbm>> -> memref<10240x64xi32, #tpu.memory_space<hbm>>
        tpu.wait_indirect_dma semaphore(%arg14 : memref<!tpu.dma_semaphore, #tpu.memory_space<semaphore_mem>>) src(%dma_wait3A_56 : memref<10240x64xi32, #tpu.memory_space<hbm>>) dst(%dma_wait3A_50 : memref<128x64xi32, #tpu.memory_space<vmem>>)
        %add3A_57 = arith.constant 2 : i32
        %add3A_58 = arith.addi %add3A_48, %add3A_57 : i32
        %sub3A = arith.constant 1 : i32
        %sub3A_59 = arith.subi %add3A_58, %sub3A : i32
        %lt3A = arith.constant 40 : i32
        %lt3A_60 = arith.cmpi slt, %sub3A_59, %lt3A : i32
        %convert_element_type3A_61 = arith.extui %lt3A_60 : i1 to i32
        %cond3A_62 = arith.constant 0 : i32
        %cond3A_63 = arith.cmpi ne, %convert_element_type3A_61, %cond3A_62 : i32
        scf.if %cond3A_63 {
          %dma_start3A_98 = arith.constant 128 : i32
          %dma_start3A_99 = arith.constant 0 : i32
          %dma_start3A_100 = tpu.memref_slice %arg11[%dma_start3A_98, %dma_start3A_99] : memref<256x64xi32, #tpu.memory_space<vmem>> -> memref<128x64xi32, #tpu.memory_space<vmem>>
          %dma_start3A_101 = arith.constant 0 : i32
          %dma_start3A_102 = tpu.memref_slice %arg9[%sub3A_59, %dma_start3A_101] : memref<40x128xi32, #tpu.memory_space<vmem>> -> memref<1x128xi32, #tpu.memory_space<vmem>>
          %dma_start3A_103 = tpu.memref_squeeze %dma_start3A_102 : memref<1x128xi32, #tpu.memory_space<vmem>> -> memref<128xi32, #tpu.memory_space<vmem>>
          %dma_start3A_104 = arith.constant 0 : i32
          %dma_start3A_105 = arith.constant 0 : i32
          %dma_start3A_106 = tpu.memref_slice %arg3[%dma_start3A_104, %dma_start3A_105] : memref<10240x64xi32, #tpu.memory_space<hbm>> -> memref<10240x64xi32, #tpu.memory_space<hbm>>
          tpu.enqueue_indirect_dma source(%dma_start3A_106 : memref<10240x64xi32, #tpu.memory_space<hbm>>) target(%dma_start3A_100 : memref<128x64xi32, #tpu.memory_space<vmem>>) offsets(%dma_start3A_103 : memref<128xi32, #tpu.memory_space<vmem>>) semaphore(%arg15 : memref<!tpu.dma_semaphore, #tpu.memory_space<semaphore_mem>>)
        } else {
        }
        %scan3A_64 = arith.constant 0 : i32
        %scan3A_65 = arith.constant 0 : i32
        %scan3A_66 = arith.constant 128 : i32
        %scan3A_67 = arith.addi %scan3A_65, %scan3A_66 : i32
        %scan3A_68 = arith.constant 1 : i32
        scf.for %scan3A_98 = %scan3A_65 to %scan3A_67 step %scan3A_68  : i32 {
          %broadcast_in_dim3A = arith.constant -65536 : i32
          %broadcast_in_dim3A_99 = vector.broadcast %broadcast_in_dim3A : i32 to vector<16xi32>
          %broadcast_in_dim3A_100 = arith.constant 16 : i32
          %broadcast_in_dim3A_101 = vector.broadcast %broadcast_in_dim3A_100 : i32 to vector<16xi32>
          %add3A_102 = arith.constant 0 : i32
          %add3A_103 = arith.addi %add3A_102, %scan3A_98 : i32
          %get3A = arith.index_cast %add3A_103 : i32 to index
          %get3A_104 = arith.constant 0 : index
          %get3A_105 = tpu.vector_load %arg11[%get3A, %get3A_104] {strides = array<i32>} : memref<256x64xi32, #tpu.memory_space<vmem>>, vector<1x16xi32>,
          %get3A_106 = vector.shape_cast %get3A_105 : vector<1x16xi32> to vector<16xi32>
          %shift_left3A = arith.shli %get3A_106, %broadcast_in_dim3A_101 : vector<16xi32>
          %bitcast_convert_type3A = tpu.bitcast %shift_left3A : vector<16xi32> -> vector<16xf32>
          %and3A = arith.andi %get3A_106, %broadcast_in_dim3A_99 : vector<16xi32>
          %bitcast_convert_type3A_107 = tpu.bitcast %and3A : vector<16xi32> -> vector<16xf32>
          %swap3A = arith.index_cast %scan3A_98 : i32 to index
          %swap3A_108 = arith.constant 0 : index
          %swap3A_109 = tpu.vector_load %arg12[%swap3A, %swap3A_108] {strides = array<i32>} : memref<128x128xf32, #tpu.memory_space<vmem>>, vector<1x16xf32>,
          %swap3A_110 = vector.shape_cast %swap3A_109 : vector<1x16xf32> to vector<16xf32>
          %swap3A_111 = vector.shape_cast %bitcast_convert_type3A : vector<16xf32> to vector<1x16xf32>
          tpu.vector_store %arg12[%swap3A, %swap3A_108], %swap3A_111 {strides = array<i32>} : memref<128x128xf32, #tpu.memory_space<vmem>>, vector<1x16xf32>,
          %swap3A_112 = arith.index_cast %scan3A_98 : i32 to index
          %swap3A_113 = arith.constant 64 : index
          %swap3A_114 = tpu.vector_load %arg12[%swap3A_112, %swap3A_113] {strides = array<i32>} : memref<128x128xf32, #tpu.memory_space<vmem>>, vector<1x16xf32>,
          %swap3A_115 = vector.shape_cast %swap3A_114 : vector<1x16xf32> to vector<16xf32>
          %swap3A_116 = vector.shape_cast %bitcast_convert_type3A_107 : vector<16xf32> to vector<1x16xf32>
          tpu.vector_store %arg12[%swap3A_112, %swap3A_113], %swap3A_116 {strides = array<i32>} : memref<128x128xf32, #tpu.memory_space<vmem>>, vector<1x16xf32>,
          %add3A_117 = arith.constant 0 : i32
          %add3A_118 = arith.addi %add3A_117, %scan3A_98 : i32
          %get3A_119 = arith.index_cast %add3A_118 : i32 to index
          %get3A_120 = arith.constant 16 : index
          %get3A_121 = tpu.vector_load %arg11[%get3A_119, %get3A_120] {strides = array<i32>} : memref<256x64xi32, #tpu.memory_space<vmem>>, vector<1x16xi32>,
          %get3A_122 = vector.shape_cast %get3A_121 : vector<1x16xi32> to vector<16xi32>
          %shift_left3A_123 = arith.shli %get3A_122, %broadcast_in_dim3A_101 : vector<16xi32>
          %bitcast_convert_type3A_124 = tpu.bitcast %shift_left3A_123 : vector<16xi32> -> vector<16xf32>
          %and3A_125 = arith.andi %get3A_122, %broadcast_in_dim3A_99 : vector<16xi32>
          %bitcast_convert_type3A_126 = tpu.bitcast %and3A_125 : vector<16xi32> -> vector<16xf32>
          %swap3A_127 = arith.index_cast %scan3A_98 : i32 to index
          %swap3A_128 = arith.constant 16 : index
          %swap3A_129 = tpu.vector_load %arg12[%swap3A_127, %swap3A_128] {strides = array<i32>} : memref<128x128xf32, #tpu.memory_space<vmem>>, vector<1x16xf32>,
          %swap3A_130 = vector.shape_cast %swap3A_129 : vector<1x16xf32> to vector<16xf32>
          %swap3A_131 = vector.shape_cast %bitcast_convert_type3A_124 : vector<16xf32> to vector<1x16xf32>
          tpu.vector_store %arg12[%swap3A_127, %swap3A_128], %swap3A_131 {strides = array<i32>} : memref<128x128xf32, #tpu.memory_space<vmem>>, vector<1x16xf32>,
          %swap3A_132 = arith.index_cast %scan3A_98 : i32 to index
          %swap3A_133 = arith.constant 80 : index
          %swap3A_134 = tpu.vector_load %arg12[%swap3A_132, %swap3A_133] {strides = array<i32>} : memref<128x128xf32, #tpu.memory_space<vmem>>, vector<1x16xf32>,
          %swap3A_135 = vector.shape_cast %swap3A_134 : vector<1x16xf32> to vector<16xf32>
          %swap3A_136 = vector.shape_cast %bitcast_convert_type3A_126 : vector<16xf32> to vector<1x16xf32>
          tpu.vector_store %arg12[%swap3A_132, %swap3A_133], %swap3A_136 {strides = array<i32>} : memref<128x128xf32, #tpu.memory_space<vmem>>, vector<1x16xf32>,
          %add3A_137 = arith.constant 0 : i32
          %add3A_138 = arith.addi %add3A_137, %scan3A_98 : i32
          %get3A_139 = arith.index_cast %add3A_138 : i32 to index
          %get3A_140 = arith.constant 32 : index
          %get3A_141 = tpu.vector_load %arg11[%get3A_139, %get3A_140] {strides = array<i32>} : memref<256x64xi32, #tpu.memory_space<vmem>>, vector<1x16xi32>,
          %get3A_142 = vector.shape_cast %get3A_141 : vector<1x16xi32> to vector<16xi32>
          %shift_left3A_143 = arith.shli %get3A_142, %broadcast_in_dim3A_101 : vector<16xi32>
          %bitcast_convert_type3A_144 = tpu.bitcast %shift_left3A_143 : vector<16xi32> -> vector<16xf32>
          %and3A_145 = arith.andi %get3A_142, %broadcast_in_dim3A_99 : vector<16xi32>
          %bitcast_convert_type3A_146 = tpu.bitcast %and3A_145 : vector<16xi32> -> vector<16xf32>
          %swap3A_147 = arith.index_cast %scan3A_98 : i32 to index
          %swap3A_148 = arith.constant 32 : index
          %swap3A_149 = tpu.vector_load %arg12[%swap3A_147, %swap3A_148] {strides = array<i32>} : memref<128x128xf32, #tpu.memory_space<vmem>>, vector<1x16xf32>,
          %swap3A_150 = vector.shape_cast %swap3A_149 : vector<1x16xf32> to vector<16xf32>
          %swap3A_151 = vector.shape_cast %bitcast_convert_type3A_144 : vector<16xf32> to vector<1x16xf32>
          tpu.vector_store %arg12[%swap3A_147, %swap3A_148], %swap3A_151 {strides = array<i32>} : memref<128x128xf32, #tpu.memory_space<vmem>>, vector<1x16xf32>,
          %swap3A_152 = arith.index_cast %scan3A_98 : i32 to index
          %swap3A_153 = arith.constant 96 : index
          %swap3A_154 = tpu.vector_load %arg12[%swap3A_152, %swap3A_153] {strides = array<i32>} : memref<128x128xf32, #tpu.memory_space<vmem>>, vector<1x16xf32>,
          %swap3A_155 = vector.shape_cast %swap3A_154 : vector<1x16xf32> to vector<16xf32>
          %swap3A_156 = vector.shape_cast %bitcast_convert_type3A_146 : vector<16xf32> to vector<1x16xf32>
          tpu.vector_store %arg12[%swap3A_152, %swap3A_153], %swap3A_156 {strides = array<i32>} : memref<128x128xf32, #tpu.memory_space<vmem>>, vector<1x16xf32>,
          %add3A_157 = arith.constant 0 : i32
          %add3A_158 = arith.addi %add3A_157, %scan3A_98 : i32
          %get3A_159 = arith.index_cast %add3A_158 : i32 to index
          %get3A_160 = arith.constant 48 : index
          %get3A_161 = tpu.vector_load %arg11[%get3A_159, %get3A_160] {strides = array<i32>} : memref<256x64xi32, #tpu.memory_space<vmem>>, vector<1x16xi32>,
          %get3A_162 = vector.shape_cast %get3A_161 : vector<1x16xi32> to vector<16xi32>
          %shift_left3A_163 = arith.shli %get3A_162, %broadcast_in_dim3A_101 : vector<16xi32>
          %bitcast_convert_type3A_164 = tpu.bitcast %shift_left3A_163 : vector<16xi32> -> vector<16xf32>
          %and3A_165 = arith.andi %get3A_162, %broadcast_in_dim3A_99 : vector<16xi32>
          %bitcast_convert_type3A_166 = tpu.bitcast %and3A_165 : vector<16xi32> -> vector<16xf32>
          %swap3A_167 = arith.index_cast %scan3A_98 : i32 to index
          %swap3A_168 = arith.constant 48 : index
          %swap3A_169 = tpu.vector_load %arg12[%swap3A_167, %swap3A_168] {strides = array<i32>} : memref<128x128xf32, #tpu.memory_space<vmem>>, vector<1x16xf32>,
          %swap3A_170 = vector.shape_cast %swap3A_169 : vector<1x16xf32> to vector<16xf32>
          %swap3A_171 = vector.shape_cast %bitcast_convert_type3A_164 : vector<16xf32> to vector<1x16xf32>
          tpu.vector_store %arg12[%swap3A_167, %swap3A_168], %swap3A_171 {strides = array<i32>} : memref<128x128xf32, #tpu.memory_space<vmem>>, vector<1x16xf32>,
          %swap3A_172 = arith.index_cast %scan3A_98 : i32 to index
          %swap3A_173 = arith.constant 112 : index
          %swap3A_174 = tpu.vector_load %arg12[%swap3A_172, %swap3A_173] {strides = array<i32>} : memref<128x128xf32, #tpu.memory_space<vmem>>, vector<1x16xf32>,
          %swap3A_175 = vector.shape_cast %swap3A_174 : vector<1x16xf32> to vector<16xf32>
          %swap3A_176 = vector.shape_cast %bitcast_convert_type3A_166 : vector<16xf32> to vector<1x16xf32>
          tpu.vector_store %arg12[%swap3A_172, %swap3A_173], %swap3A_176 {strides = array<i32>} : memref<128x128xf32, #tpu.memory_space<vmem>>, vector<1x16xf32>,
        }
        %scan3A_69 = arith.constant 128 : i32
        "tpu.region"() ({
          %run_scoped3A = tpu.sem_alloc : memref<!tpu.dma_semaphore, #tpu.memory_space<semaphore_mem>>
          %dma_start3A_98 = arith.constant 0 : i32
          %dma_start3A_99 = tpu.memref_slice %arg10[%add3A_48, %dma_start3A_98] : memref<40x128xi32, #tpu.memory_space<vmem>> -> memref<1x128xi32, #tpu.memory_space<vmem>>
          %dma_start3A_100 = tpu.memref_squeeze %dma_start3A_99 : memref<1x128xi32, #tpu.memory_space<vmem>> -> memref<128xi32, #tpu.memory_space<vmem>>
          %dma_start3A_101 = arith.constant 0 : i32
          %dma_start3A_102 = arith.constant 0 : i32
          %dma_start3A_103 = tpu.memref_slice %arg13[%dma_start3A_101, %dma_start3A_102] : memref<10240x128xf32, #tpu.memory_space<vmem_shared>> -> memref<10240x128xf32, #tpu.memory_space<vmem_shared>>
          tpu.enqueue_indirect_dma source(%arg12 : memref<128x128xf32, #tpu.memory_space<vmem>>) target(%dma_start3A_103 : memref<10240x128xf32, #tpu.memory_space<vmem_shared>>) offsets(%dma_start3A_100 : memref<128xi32, #tpu.memory_space<vmem>>) semaphore(%run_scoped3A : memref<!tpu.dma_semaphore, #tpu.memory_space<semaphore_mem>>) {add = true}
          %dma_wait3A_104 = arith.constant 0 : i32
          %dma_wait3A_105 = tpu.memref_slice %arg10[%add3A_48, %dma_wait3A_104] : memref<40x128xi32, #tpu.memory_space<vmem>> -> memref<1x128xi32, #tpu.memory_space<vmem>>
          %dma_wait3A_106 = tpu.memref_squeeze %dma_wait3A_105 : memref<1x128xi32, #tpu.memory_space<vmem>> -> memref<128xi32, #tpu.memory_space<vmem>>
          %dma_wait3A_107 = arith.constant 0 : i32
          %dma_wait3A_108 = arith.constant 0 : i32
          %dma_wait3A_109 = tpu.memref_slice %arg13[%dma_wait3A_107, %dma_wait3A_108] : memref<10240x128xf32, #tpu.memory_space<vmem_shared>> -> memref<10240x128xf32, #tpu.memory_space<vmem_shared>>
          tpu.wait_indirect_dma semaphore(%run_scoped3A : memref<!tpu.dma_semaphore, #tpu.memory_space<semaphore_mem>>) src(%arg12 : memref<128x128xf32, #tpu.memory_space<vmem>>) dst(%dma_wait3A_109 : memref<10240x128xf32, #tpu.memory_space<vmem_shared>>)
          tpu.yield
        }) : () -> ()
        %mul3A_70 = arith.constant 2 : i32
        %mul3A_71 = arith.muli %mul3A_70, %scan3A_45 : i32
        %add3A_72 = arith.constant 1 : i32
        %add3A_73 = arith.addi %mul3A_71, %add3A_72 : i32
        %dma_wait3A_74 = arith.constant 128 : i32
        %dma_wait3A_75 = arith.constant 0 : i32
        %dma_wait3A_76 = tpu.memref_slice %arg11[%dma_wait3A_74, %dma_wait3A_75] : memref<256x64xi32, #tpu.memory_space<vmem>> -> memref<128x64xi32, #tpu.memory_space<vmem>>
        %dma_wait3A_77 = arith.constant 0 : i32
        %dma_wait3A_78 = tpu.memref_slice %arg9[%add3A_73, %dma_wait3A_77] : memref<40x128xi32, #tpu.memory_space<vmem>> -> memref<1x128xi32, #tpu.memory_space<vmem>>
        %dma_wait3A_79 = tpu.memref_squeeze %dma_wait3A_78 : memref<1x128xi32, #tpu.memory_space<vmem>> -> memref<128xi32, #tpu.memory_space<vmem>>
        %dma_wait3A_80 = arith.constant 0 : i32
        %dma_wait3A_81 = arith.constant 0 : i32
        %dma_wait3A_82 = tpu.memref_slice %arg3[%dma_wait3A_80, %dma_wait3A_81] : memref<10240x64xi32, #tpu.memory_space<hbm>> -> memref<10240x64xi32, #tpu.memory_space<hbm>>
        tpu.wait_indirect_dma semaphore(%arg15 : memref<!tpu.dma_semaphore, #tpu.memory_space<semaphore_mem>>) src(%dma_wait3A_82 : memref<10240x64xi32, #tpu.memory_space<hbm>>) dst(%dma_wait3A_76 : memref<128x64xi32, #tpu.memory_space<vmem>>)
        %add3A_83 = arith.constant 2 : i32
        %add3A_84 = arith.addi %add3A_73, %add3A_83 : i32
        %sub3A_85 = arith.constant 1 : i32
        %sub3A_86 = arith.subi %add3A_84, %sub3A_85 : i32
        %lt3A_87 = arith.constant 40 : i32
        %lt3A_88 = arith.cmpi slt, %sub3A_86, %lt3A_87 : i32
        %convert_element_type3A_89 = arith.extui %lt3A_88 : i1 to i32
        %cond3A_90 = arith.constant 0 : i32
        %cond3A_91 = arith.cmpi ne, %convert_element_type3A_89, %cond3A_90 : i32
        scf.if %cond3A_91 {
          %dma_start3A_98 = arith.constant 0 : i32
          %dma_start3A_99 = arith.constant 0 : i32
          %dma_start3A_100 = tpu.memref_slice %arg11[%dma_start3A_98, %dma_start3A_99] : memref<256x64xi32, #tpu.memory_space<vmem>> -> memref<128x64xi32, #tpu.memory_space<vmem>>
          %dma_start3A_101 = arith.constant 0 : i32
          %dma_start3A_102 = tpu.memref_slice %arg9[%sub3A_86, %dma_start3A_101] : memref<40x128xi32, #tpu.memory_space<vmem>> -> memref<1x128xi32, #tpu.memory_space<vmem>>
          %dma_start3A_103 = tpu.memref_squeeze %dma_start3A_102 : memref<1x128xi32, #tpu.memory_space<vmem>> -> memref<128xi32, #tpu.memory_space<vmem>>
          %dma_start3A_104 = arith.constant 0 : i32
          %dma_start3A_105 = arith.constant 0 : i32
          %dma_start3A_106 = tpu.memref_slice %arg3[%dma_start3A_104, %dma_start3A_105] : memref<10240x64xi32, #tpu.memory_space<hbm>> -> memref<10240x64xi32, #tpu.memory_space<hbm>>
          tpu.enqueue_indirect_dma source(%dma_start3A_106 : memref<10240x64xi32, #tpu.memory_space<hbm>>) target(%dma_start3A_100 : memref<128x64xi32, #tpu.memory_space<vmem>>) offsets(%dma_start3A_103 : memref<128xi32, #tpu.memory_space<vmem>>) semaphore(%arg14 : memref<!tpu.dma_semaphore, #tpu.memory_space<semaphore_mem>>)
        } else {
        }
        %scan3A_92 = arith.constant 0 : i32
        %scan3A_93 = arith.constant 0 : i32
        %scan3A_94 = arith.constant 128 : i32
        %scan3A_95 = arith.addi %scan3A_93, %scan3A_94 : i32
        %scan3A_96 = arith.constant 1 : i32
        scf.for %scan3A_98 = %scan3A_93 to %scan3A_95 step %scan3A_96  : i32 {
          %broadcast_in_dim3A = arith.constant -65536 : i32
          %broadcast_in_dim3A_99 = vector.broadcast %broadcast_in_dim3A : i32 to vector<16xi32>
          %broadcast_in_dim3A_100 = arith.constant 16 : i32
          %broadcast_in_dim3A_101 = vector.broadcast %broadcast_in_dim3A_100 : i32 to vector<16xi32>
          %add3A_102 = arith.constant 128 : i32
          %add3A_103 = arith.addi %add3A_102, %scan3A_98 : i32
          %get3A = arith.index_cast %add3A_103 : i32 to index
          %get3A_104 = arith.constant 0 : index
          %get3A_105 = tpu.vector_load %arg11[%get3A, %get3A_104] {strides = array<i32>} : memref<256x64xi32, #tpu.memory_space<vmem>>, vector<1x16xi32>,
          %get3A_106 = vector.shape_cast %get3A_105 : vector<1x16xi32> to vector<16xi32>
          %shift_left3A = arith.shli %get3A_106, %broadcast_in_dim3A_101 : vector<16xi32>
          %bitcast_convert_type3A = tpu.bitcast %shift_left3A : vector<16xi32> -> vector<16xf32>
          %and3A = arith.andi %get3A_106, %broadcast_in_dim3A_99 : vector<16xi32>
          %bitcast_convert_type3A_107 = tpu.bitcast %and3A : vector<16xi32> -> vector<16xf32>
          %swap3A = arith.index_cast %scan3A_98 : i32 to index
          %swap3A_108 = arith.constant 0 : index
          %swap3A_109 = tpu.vector_load %arg12[%swap3A, %swap3A_108] {strides = array<i32>} : memref<128x128xf32, #tpu.memory_space<vmem>>, vector<1x16xf32>,
          %swap3A_110 = vector.shape_cast %swap3A_109 : vector<1x16xf32> to vector<16xf32>
          %swap3A_111 = vector.shape_cast %bitcast_convert_type3A : vector<16xf32> to vector<1x16xf32>
          tpu.vector_store %arg12[%swap3A, %swap3A_108], %swap3A_111 {strides = array<i32>} : memref<128x128xf32, #tpu.memory_space<vmem>>, vector<1x16xf32>,
          %swap3A_112 = arith.index_cast %scan3A_98 : i32 to index
          %swap3A_113 = arith.constant 64 : index
          %swap3A_114 = tpu.vector_load %arg12[%swap3A_112, %swap3A_113] {strides = array<i32>} : memref<128x128xf32, #tpu.memory_space<vmem>>, vector<1x16xf32>,
          %swap3A_115 = vector.shape_cast %swap3A_114 : vector<1x16xf32> to vector<16xf32>
          %swap3A_116 = vector.shape_cast %bitcast_convert_type3A_107 : vector<16xf32> to vector<1x16xf32>
          tpu.vector_store %arg12[%swap3A_112, %swap3A_113], %swap3A_116 {strides = array<i32>} : memref<128x128xf32, #tpu.memory_space<vmem>>, vector<1x16xf32>,
          %add3A_117 = arith.constant 128 : i32
          %add3A_118 = arith.addi %add3A_117, %scan3A_98 : i32
          %get3A_119 = arith.index_cast %add3A_118 : i32 to index
          %get3A_120 = arith.constant 16 : index
          %get3A_121 = tpu.vector_load %arg11[%get3A_119, %get3A_120] {strides = array<i32>} : memref<256x64xi32, #tpu.memory_space<vmem>>, vector<1x16xi32>,
          %get3A_122 = vector.shape_cast %get3A_121 : vector<1x16xi32> to vector<16xi32>
          %shift_left3A_123 = arith.shli %get3A_122, %broadcast_in_dim3A_101 : vector<16xi32>
          %bitcast_convert_type3A_124 = tpu.bitcast %shift_left3A_123 : vector<16xi32> -> vector<16xf32>
          %and3A_125 = arith.andi %get3A_122, %broadcast_in_dim3A_99 : vector<16xi32>
          %bitcast_convert_type3A_126 = tpu.bitcast %and3A_125 : vector<16xi32> -> vector<16xf32>
          %swap3A_127 = arith.index_cast %scan3A_98 : i32 to index
          %swap3A_128 = arith.constant 16 : index
          %swap3A_129 = tpu.vector_load %arg12[%swap3A_127, %swap3A_128] {strides = array<i32>} : memref<128x128xf32, #tpu.memory_space<vmem>>, vector<1x16xf32>,
          %swap3A_130 = vector.shape_cast %swap3A_129 : vector<1x16xf32> to vector<16xf32>
          %swap3A_131 = vector.shape_cast %bitcast_convert_type3A_124 : vector<16xf32> to vector<1x16xf32>
          tpu.vector_store %arg12[%swap3A_127, %swap3A_128], %swap3A_131 {strides = array<i32>} : memref<128x128xf32, #tpu.memory_space<vmem>>, vector<1x16xf32>,
          %swap3A_132 = arith.index_cast %scan3A_98 : i32 to index
          %swap3A_133 = arith.constant 80 : index
          %swap3A_134 = tpu.vector_load %arg12[%swap3A_132, %swap3A_133] {strides = array<i32>} : memref<128x128xf32, #tpu.memory_space<vmem>>, vector<1x16xf32>,
          %swap3A_135 = vector.shape_cast %swap3A_134 : vector<1x16xf32> to vector<16xf32>
          %swap3A_136 = vector.shape_cast %bitcast_convert_type3A_126 : vector<16xf32> to vector<1x16xf32>
          tpu.vector_store %arg12[%swap3A_132, %swap3A_133], %swap3A_136 {strides = array<i32>} : memref<128x128xf32, #tpu.memory_space<vmem>>, vector<1x16xf32>,
          %add3A_137 = arith.constant 128 : i32
          %add3A_138 = arith.addi %add3A_137, %scan3A_98 : i32
          %get3A_139 = arith.index_cast %add3A_138 : i32 to index
          %get3A_140 = arith.constant 32 : index
          %get3A_141 = tpu.vector_load %arg11[%get3A_139, %get3A_140] {strides = array<i32>} : memref<256x64xi32, #tpu.memory_space<vmem>>, vector<1x16xi32>,
          %get3A_142 = vector.shape_cast %get3A_141 : vector<1x16xi32> to vector<16xi32>
          %shift_left3A_143 = arith.shli %get3A_142, %broadcast_in_dim3A_101 : vector<16xi32>
          %bitcast_convert_type3A_144 = tpu.bitcast %shift_left3A_143 : vector<16xi32> -> vector<16xf32>
          %and3A_145 = arith.andi %get3A_142, %broadcast_in_dim3A_99 : vector<16xi32>
          %bitcast_convert_type3A_146 = tpu.bitcast %and3A_145 : vector<16xi32> -> vector<16xf32>
          %swap3A_147 = arith.index_cast %scan3A_98 : i32 to index
          %swap3A_148 = arith.constant 32 : index
          %swap3A_149 = tpu.vector_load %arg12[%swap3A_147, %swap3A_148] {strides = array<i32>} : memref<128x128xf32, #tpu.memory_space<vmem>>, vector<1x16xf32>,
          %swap3A_150 = vector.shape_cast %swap3A_149 : vector<1x16xf32> to vector<16xf32>
          %swap3A_151 = vector.shape_cast %bitcast_convert_type3A_144 : vector<16xf32> to vector<1x16xf32>
          tpu.vector_store %arg12[%swap3A_147, %swap3A_148], %swap3A_151 {strides = array<i32>} : memref<128x128xf32, #tpu.memory_space<vmem>>, vector<1x16xf32>,
          %swap3A_152 = arith.index_cast %scan3A_98 : i32 to index
          %swap3A_153 = arith.constant 96 : index
          %swap3A_154 = tpu.vector_load %arg12[%swap3A_152, %swap3A_153] {strides = array<i32>} : memref<128x128xf32, #tpu.memory_space<vmem>>, vector<1x16xf32>,
          %swap3A_155 = vector.shape_cast %swap3A_154 : vector<1x16xf32> to vector<16xf32>
          %swap3A_156 = vector.shape_cast %bitcast_convert_type3A_146 : vector<16xf32> to vector<1x16xf32>
          tpu.vector_store %arg12[%swap3A_152, %swap3A_153], %swap3A_156 {strides = array<i32>} : memref<128x128xf32, #tpu.memory_space<vmem>>, vector<1x16xf32>,
          %add3A_157 = arith.constant 128 : i32
          %add3A_158 = arith.addi %add3A_157, %scan3A_98 : i32
          %get3A_159 = arith.index_cast %add3A_158 : i32 to index
          %get3A_160 = arith.constant 48 : index
          %get3A_161 = tpu.vector_load %arg11[%get3A_159, %get3A_160] {strides = array<i32>} : memref<256x64xi32, #tpu.memory_space<vmem>>, vector<1x16xi32>,
          %get3A_162 = vector.shape_cast %get3A_161 : vector<1x16xi32> to vector<16xi32>
          %shift_left3A_163 = arith.shli %get3A_162, %broadcast_in_dim3A_101 : vector<16xi32>
          %bitcast_convert_type3A_164 = tpu.bitcast %shift_left3A_163 : vector<16xi32> -> vector<16xf32>
          %and3A_165 = arith.andi %get3A_162, %broadcast_in_dim3A_99 : vector<16xi32>
          %bitcast_convert_type3A_166 = tpu.bitcast %and3A_165 : vector<16xi32> -> vector<16xf32>
          %swap3A_167 = arith.index_cast %scan3A_98 : i32 to index
          %swap3A_168 = arith.constant 48 : index
          %swap3A_169 = tpu.vector_load %arg12[%swap3A_167, %swap3A_168] {strides = array<i32>} : memref<128x128xf32, #tpu.memory_space<vmem>>, vector<1x16xf32>,
          %swap3A_170 = vector.shape_cast %swap3A_169 : vector<1x16xf32> to vector<16xf32>
          %swap3A_171 = vector.shape_cast %bitcast_convert_type3A_164 : vector<16xf32> to vector<1x16xf32>
          tpu.vector_store %arg12[%swap3A_167, %swap3A_168], %swap3A_171 {strides = array<i32>} : memref<128x128xf32, #tpu.memory_space<vmem>>, vector<1x16xf32>,
          %swap3A_172 = arith.index_cast %scan3A_98 : i32 to index
          %swap3A_173 = arith.constant 112 : index
          %swap3A_174 = tpu.vector_load %arg12[%swap3A_172, %swap3A_173] {strides = array<i32>} : memref<128x128xf32, #tpu.memory_space<vmem>>, vector<1x16xf32>,
          %swap3A_175 = vector.shape_cast %swap3A_174 : vector<1x16xf32> to vector<16xf32>
          %swap3A_176 = vector.shape_cast %bitcast_convert_type3A_166 : vector<16xf32> to vector<1x16xf32>
          tpu.vector_store %arg12[%swap3A_172, %swap3A_173], %swap3A_176 {strides = array<i32>} : memref<128x128xf32, #tpu.memory_space<vmem>>, vector<1x16xf32>,
        }
        %scan3A_97 = arith.constant 128 : i32
        "tpu.region"() ({
          %run_scoped3A = tpu.sem_alloc : memref<!tpu.dma_semaphore, #tpu.memory_space<semaphore_mem>>
          %dma_start3A_98 = arith.constant 0 : i32
          %dma_start3A_99 = tpu.memref_slice %arg10[%add3A_73, %dma_start3A_98] : memref<40x128xi32, #tpu.memory_space<vmem>> -> memref<1x128xi32, #tpu.memory_space<vmem>>
          %dma_start3A_100 = tpu.memref_squeeze %dma_start3A_99 : memref<1x128xi32, #tpu.memory_space<vmem>> -> memref<128xi32, #tpu.memory_space<vmem>>
          %dma_start3A_101 = arith.constant 0 : i32
          %dma_start3A_102 = arith.constant 0 : i32
          %dma_start3A_103 = tpu.memref_slice %arg13[%dma_start3A_101, %dma_start3A_102] : memref<10240x128xf32, #tpu.memory_space<vmem_shared>> -> memref<10240x128xf32, #tpu.memory_space<vmem_shared>>
          tpu.enqueue_indirect_dma source(%arg12 : memref<128x128xf32, #tpu.memory_space<vmem>>) target(%dma_start3A_103 : memref<10240x128xf32, #tpu.memory_space<vmem_shared>>) offsets(%dma_start3A_100 : memref<128xi32, #tpu.memory_space<vmem>>) semaphore(%run_scoped3A : memref<!tpu.dma_semaphore, #tpu.memory_space<semaphore_mem>>) {add = true}
          %dma_wait3A_104 = arith.constant 0 : i32
          %dma_wait3A_105 = tpu.memref_slice %arg10[%add3A_73, %dma_wait3A_104] : memref<40x128xi32, #tpu.memory_space<vmem>> -> memref<1x128xi32, #tpu.memory_space<vmem>>
          %dma_wait3A_106 = tpu.memref_squeeze %dma_wait3A_105 : memref<1x128xi32, #tpu.memory_space<vmem>> -> memref<128xi32, #tpu.memory_space<vmem>>
          %dma_wait3A_107 = arith.constant 0 : i32
          %dma_wait3A_108 = arith.constant 0 : i32
          %dma_wait3A_109 = tpu.memref_slice %arg13[%dma_wait3A_107, %dma_wait3A_108] : memref<10240x128xf32, #tpu.memory_space<vmem_shared>> -> memref<10240x128xf32, #tpu.memory_space<vmem_shared>>
          tpu.wait_indirect_dma semaphore(%run_scoped3A : memref<!tpu.dma_semaphore, #tpu.memory_space<semaphore_mem>>) src(%arg12 : memref<128x128xf32, #tpu.memory_space<vmem>>) dst(%dma_wait3A_109 : memref<10240x128xf32, #tpu.memory_space<vmem_shared>>)
          tpu.yield
        }) : () -> ()
      }
      %scan3A_39 = arith.constant 20 : i32
      %barrier3A_40 = arith.constant 0 : index
      tpu.barrier barrier_id(%barrier3A_40)
      %mul3A_41 = arith.constant 640 : i32
      %mul3A_42 = arith.muli %arg1, %mul3A_41 : i32
      %mul3A_43 = arith.constant 640 : i32
      %mul3A_44 = arith.muli %arg1, %mul3A_43 : i32
      "tpu.region"() ({
        %run_scoped3A = tpu.sem_alloc : memref<!tpu.dma_semaphore, #tpu.memory_space<semaphore_mem>>
        %dma_start3A_45 = arith.constant 0 : i32
        %dma_start3A_46 = tpu.memref_slice %arg8[%mul3A_44, %dma_start3A_45] : memref<10240x128xf32, #tpu.memory_space<hbm>> -> memref<640x128xf32, #tpu.memory_space<hbm>>
        %dma_start3A_47 = arith.constant 0 : i32
        %dma_start3A_48 = tpu.memref_slice %arg13[%mul3A_42, %dma_start3A_47] : memref<10240x128xf32, #tpu.memory_space<vmem_shared>> -> memref<640x128xf32, #tpu.memory_space<vmem_shared>>
        tpu.enqueue_dma source(%dma_start3A_48 : memref<640x128xf32, #tpu.memory_space<vmem_shared>>) target(%dma_start3A_46 : memref<640x128xf32, #tpu.memory_space<hbm>>) target_semaphore(%run_scoped3A : memref<!tpu.dma_semaphore, #tpu.memory_space<semaphore_mem>>)
        %dma_wait3A = arith.constant 0 : i32
        %dma_wait3A_49 = tpu.memref_slice %arg8[%mul3A_44, %dma_wait3A] : memref<10240x128xf32, #tpu.memory_space<hbm>> -> memref<640x128xf32, #tpu.memory_space<hbm>>
        %dma_wait3A_50 = arith.constant 0 : i32
        %dma_wait3A_51 = tpu.memref_slice %arg13[%mul3A_42, %dma_wait3A_50] : memref<10240x128xf32, #tpu.memory_space<vmem_shared>> -> memref<640x128xf32, #tpu.memory_space<vmem_shared>>
        tpu.wait_dma2 semaphore(%run_scoped3A : memref<!tpu.dma_semaphore, #tpu.memory_space<semaphore_mem>>) src(%dma_wait3A_51 : memref<640x128xf32, #tpu.memory_space<vmem_shared>>) dst(%dma_wait3A_49 : memref<640x128xf32, #tpu.memory_space<hbm>>)
        tpu.yield
      }) : () -> ()
    } else {
    }
    return
  }
}

module attributes {stable_mosaic.version = 14 : i64} {
  func.func @_mm1_body(%arg0: i32, %arg1: memref<512x256xf32, #tpu.memory_space<vmem>>, %arg2: memref<256x256xf32, #tpu.memory_space<vmem>>, %arg3: memref<2x512x16xf32, #tpu.memory_space<vmem>>, %arg4: memref<512x64xi32, #tpu.memory_space<vmem>>, %arg5: memref<512x64xi32, #tpu.memory_space<vmem>>, %arg6: memref<512x128xf32, #tpu.memory_space<vmem>>) attributes {dimension_semantics = [#tpu.dimension_semantics<arbitrary>], iteration_bounds = array<i64: 20>, scalar_prefetch = 0 : i64, scratch_operands = 0 : i64, tpu.core_type = #tpu.core_type<tc>, window_params = [{transform_indices = @transform_0, window_bounds = array<i64: 512, 256>}, {pipeline_mode = #tpu.pipeline_mode<synchronous>, transform_indices = @transform_1, window_bounds = array<i64: 256, 256>}, {transform_indices = @transform_2, window_bounds = array<i64: 2, 512, 16>}, {transform_indices = @transform_3, window_bounds = array<i64: 512, 64>}, {transform_indices = @transform_4, window_bounds = array<i64: 512, 64>}, {transform_indices = @transform_5, window_bounds = array<i64: 512, 128>}]} {
    %get3A = arith.constant 0 : index
    %get3A_0 = arith.constant 0 : index
    %get3A_1 = arith.constant 0 : index
    %get3A_2 = vector.load %arg3[%get3A, %get3A_0, %get3A_1] : memref<2x512x16xf32, #tpu.memory_space<vmem>>, vector<1x512x16xf32>
    %get3A_3 = vector.shape_cast %get3A_2 : vector<1x512x16xf32> to vector<512x16xf32>
    %slice3A = vector.extract_strided_slice %get3A_3 {offsets = [0, 0], sizes = [512, 1], strides = [1, 1]} : vector<512x16xf32> to vector<512x1xf32>
    %get3A_4 = arith.constant 1 : index
    %get3A_5 = arith.constant 0 : index
    %get3A_6 = arith.constant 0 : index
    %get3A_7 = vector.load %arg3[%get3A_4, %get3A_5, %get3A_6] : memref<2x512x16xf32, #tpu.memory_space<vmem>>, vector<1x512x16xf32>
    %get3A_8 = vector.shape_cast %get3A_7 : vector<1x512x16xf32> to vector<512x16xf32>
    %slice3A_9 = vector.extract_strided_slice %get3A_8 {offsets = [0, 0], sizes = [512, 1], strides = [1, 1]} : vector<512x16xf32> to vector<512x1xf32>
    %add3A = arith.addf %slice3A, %slice3A_9 : vector<512x1xf32>
    %add3A_10 = arith.constant 1.000000e+00 : f32
    %add3A_11 = vector.broadcast %add3A_10 : f32 to vector<512x1xf32>
    %add3A_12 = arith.addf %add3A, %add3A_11 : vector<512x1xf32>
    %rsqrt3A = math.rsqrt %add3A_12 : vector<512x1xf32>
    %get3A_13 = arith.constant 0 : index
    %get3A_14 = arith.constant 0 : index
    %get3A_15 = vector.load %arg1[%get3A_13, %get3A_14] : memref<512x256xf32, #tpu.memory_space<vmem>>, vector<512x256xf32>
    %get3A_16 = arith.constant 0 : index
    %get3A_17 = arith.constant 0 : index
    %get3A_18 = vector.load %arg2[%get3A_16, %get3A_17] : memref<256x256xf32, #tpu.memory_space<vmem>>, vector<256x256xf32>
    %dot_general3A = arith.constant dense<0.000000e+00> : vector<512x256xf32>
    %dot_general3A_19 = tpu.matmul %get3A_15, %get3A_18, %dot_general3A {dimension_numbers = #tpu.dot_dimension_numbers<[1], [0], [0], [1], [0, 0, 1, 1], [], []>, transpose_lhs_hint = false} : vector<512x256xf32>, vector<256x256xf32>, vector<512x256xf32> -> vector<512x256xf32>
    %mul3A = vector.broadcast %rsqrt3A : vector<512x1xf32> to vector<512x256xf32>
    %mul3A_20 = arith.mulf %dot_general3A_19, %mul3A : vector<512x256xf32>
    %slice3A_21 = vector.extract_strided_slice %mul3A_20 {offsets = [0, 0], sizes = [512, 128], strides = [1, 1]} : vector<512x256xf32> to vector<512x128xf32>
    %slice3A_22 = vector.extract_strided_slice %slice3A_21 {offsets = [0, 0], sizes = [512, 64], strides = [1, 1]} : vector<512x128xf32> to vector<512x64xf32>
    %bitcast_convert_type3A = tpu.bitcast %slice3A_22 : vector<512x64xf32> -> vector<512x64xi32>
    %add3A_23 = arith.constant 32767 : i32
    %add3A_24 = vector.broadcast %add3A_23 : i32 to vector<512x64xi32>
    %add3A_25 = arith.addi %bitcast_convert_type3A, %add3A_24 : vector<512x64xi32>
    %shift_right_logical3A = arith.constant 16 : i32
    %shift_right_logical3A_26 = vector.broadcast %shift_right_logical3A : i32 to vector<512x64xi32>
    %shift_right_logical3A_27 = arith.shrui %bitcast_convert_type3A, %shift_right_logical3A_26 : vector<512x64xi32>
    %and3A = arith.constant 1 : i32
    %and3A_28 = vector.broadcast %and3A : i32 to vector<512x64xi32>
    %and3A_29 = arith.andi %shift_right_logical3A_27, %and3A_28 : vector<512x64xi32>
    %add3A_30 = arith.addi %add3A_25, %and3A_29 : vector<512x64xi32>
    %shift_right_logical3A_31 = arith.constant 16 : i32
    %shift_right_logical3A_32 = vector.broadcast %shift_right_logical3A_31 : i32 to vector<512x64xi32>
    %shift_right_logical3A_33 = arith.shrui %add3A_30, %shift_right_logical3A_32 : vector<512x64xi32>
    %slice3A_34 = vector.extract_strided_slice %slice3A_21 {offsets = [0, 64], sizes = [512, 64], strides = [1, 1]} : vector<512x128xf32> to vector<512x64xf32>
    %bitcast_convert_type3A_35 = tpu.bitcast %slice3A_34 : vector<512x64xf32> -> vector<512x64xi32>
    %add3A_36 = arith.constant 32767 : i32
    %add3A_37 = vector.broadcast %add3A_36 : i32 to vector<512x64xi32>
    %add3A_38 = arith.addi %bitcast_convert_type3A_35, %add3A_37 : vector<512x64xi32>
    %shift_right_logical3A_39 = arith.constant 16 : i32
    %shift_right_logical3A_40 = vector.broadcast %shift_right_logical3A_39 : i32 to vector<512x64xi32>
    %shift_right_logical3A_41 = arith.shrui %bitcast_convert_type3A_35, %shift_right_logical3A_40 : vector<512x64xi32>
    %and3A_42 = arith.constant 1 : i32
    %and3A_43 = vector.broadcast %and3A_42 : i32 to vector<512x64xi32>
    %and3A_44 = arith.andi %shift_right_logical3A_41, %and3A_43 : vector<512x64xi32>
    %add3A_45 = arith.addi %add3A_38, %and3A_44 : vector<512x64xi32>
    %shift_right_logical3A_46 = arith.constant 16 : i32
    %shift_right_logical3A_47 = vector.broadcast %shift_right_logical3A_46 : i32 to vector<512x64xi32>
    %shift_right_logical3A_48 = arith.shrui %add3A_45, %shift_right_logical3A_47 : vector<512x64xi32>
    %shift_left3A = arith.constant 16 : i32
    %shift_left3A_49 = vector.broadcast %shift_left3A : i32 to vector<512x64xi32>
    %shift_left3A_50 = arith.shli %shift_right_logical3A_48, %shift_left3A_49 : vector<512x64xi32>
    %or3A = arith.ori %shift_right_logical3A_33, %shift_left3A_50 : vector<512x64xi32>
    %bitcast_convert_type3A_51 = tpu.bitcast %or3A : vector<512x64xi32> -> vector<512x64xi32>
    %swap3A = arith.constant 0 : index
    %swap3A_52 = arith.constant 0 : index
    %swap3A_53 = vector.load %arg4[%swap3A, %swap3A_52] : memref<512x64xi32, #tpu.memory_space<vmem>>, vector<512x64xi32>
    tpu.vector_store %arg4[%swap3A, %swap3A_52], %bitcast_convert_type3A_51 {strides = array<i32>} : memref<512x64xi32, #tpu.memory_space<vmem>>, vector<512x64xi32>,
    %slice3A_54 = vector.extract_strided_slice %mul3A_20 {offsets = [0, 128], sizes = [512, 128], strides = [1, 1]} : vector<512x256xf32> to vector<512x128xf32>
    %slice3A_55 = vector.extract_strided_slice %slice3A_54 {offsets = [0, 0], sizes = [512, 64], strides = [1, 1]} : vector<512x128xf32> to vector<512x64xf32>
    %bitcast_convert_type3A_56 = tpu.bitcast %slice3A_55 : vector<512x64xf32> -> vector<512x64xi32>
    %add3A_57 = arith.constant 32767 : i32
    %add3A_58 = vector.broadcast %add3A_57 : i32 to vector<512x64xi32>
    %add3A_59 = arith.addi %bitcast_convert_type3A_56, %add3A_58 : vector<512x64xi32>
    %shift_right_logical3A_60 = arith.constant 16 : i32
    %shift_right_logical3A_61 = vector.broadcast %shift_right_logical3A_60 : i32 to vector<512x64xi32>
    %shift_right_logical3A_62 = arith.shrui %bitcast_convert_type3A_56, %shift_right_logical3A_61 : vector<512x64xi32>
    %and3A_63 = arith.constant 1 : i32
    %and3A_64 = vector.broadcast %and3A_63 : i32 to vector<512x64xi32>
    %and3A_65 = arith.andi %shift_right_logical3A_62, %and3A_64 : vector<512x64xi32>
    %add3A_66 = arith.addi %add3A_59, %and3A_65 : vector<512x64xi32>
    %shift_right_logical3A_67 = arith.constant 16 : i32
    %shift_right_logical3A_68 = vector.broadcast %shift_right_logical3A_67 : i32 to vector<512x64xi32>
    %shift_right_logical3A_69 = arith.shrui %add3A_66, %shift_right_logical3A_68 : vector<512x64xi32>
    %slice3A_70 = vector.extract_strided_slice %slice3A_54 {offsets = [0, 64], sizes = [512, 64], strides = [1, 1]} : vector<512x128xf32> to vector<512x64xf32>
    %bitcast_convert_type3A_71 = tpu.bitcast %slice3A_70 : vector<512x64xf32> -> vector<512x64xi32>
    %add3A_72 = arith.constant 32767 : i32
    %add3A_73 = vector.broadcast %add3A_72 : i32 to vector<512x64xi32>
    %add3A_74 = arith.addi %bitcast_convert_type3A_71, %add3A_73 : vector<512x64xi32>
    %shift_right_logical3A_75 = arith.constant 16 : i32
    %shift_right_logical3A_76 = vector.broadcast %shift_right_logical3A_75 : i32 to vector<512x64xi32>
    %shift_right_logical3A_77 = arith.shrui %bitcast_convert_type3A_71, %shift_right_logical3A_76 : vector<512x64xi32>
    %and3A_78 = arith.constant 1 : i32
    %and3A_79 = vector.broadcast %and3A_78 : i32 to vector<512x64xi32>
    %and3A_80 = arith.andi %shift_right_logical3A_77, %and3A_79 : vector<512x64xi32>
    %add3A_81 = arith.addi %add3A_74, %and3A_80 : vector<512x64xi32>
    %shift_right_logical3A_82 = arith.constant 16 : i32
    %shift_right_logical3A_83 = vector.broadcast %shift_right_logical3A_82 : i32 to vector<512x64xi32>
    %shift_right_logical3A_84 = arith.shrui %add3A_81, %shift_right_logical3A_83 : vector<512x64xi32>
    %shift_left3A_85 = arith.constant 16 : i32
    %shift_left3A_86 = vector.broadcast %shift_left3A_85 : i32 to vector<512x64xi32>
    %shift_left3A_87 = arith.shli %shift_right_logical3A_84, %shift_left3A_86 : vector<512x64xi32>
    %or3A_88 = arith.ori %shift_right_logical3A_69, %shift_left3A_87 : vector<512x64xi32>
    %bitcast_convert_type3A_89 = tpu.bitcast %or3A_88 : vector<512x64xi32> -> vector<512x64xi32>
    %swap3A_90 = arith.constant 0 : index
    %swap3A_91 = arith.constant 0 : index
    %swap3A_92 = vector.load %arg5[%swap3A_90, %swap3A_91] : memref<512x64xi32, #tpu.memory_space<vmem>>, vector<512x64xi32>
    tpu.vector_store %arg5[%swap3A_90, %swap3A_91], %bitcast_convert_type3A_89 {strides = array<i32>} : memref<512x64xi32, #tpu.memory_space<vmem>>, vector<512x64xi32>,
    %broadcast_in_dim3A = vector.shape_cast %rsqrt3A : vector<512x1xf32> to vector<512x1xf32>
    %broadcast_in_dim3A_93 = vector.broadcast %broadcast_in_dim3A : vector<512x1xf32> to vector<512x128xf32>
    %swap3A_94 = arith.constant 0 : index
    %swap3A_95 = arith.constant 0 : index
    %swap3A_96 = vector.load %arg6[%swap3A_94, %swap3A_95] : memref<512x128xf32, #tpu.memory_space<vmem>>, vector<512x128xf32>
    tpu.vector_store %arg6[%swap3A_94, %swap3A_95], %broadcast_in_dim3A_93 {strides = array<i32>} : memref<512x128xf32, #tpu.memory_space<vmem>>, vector<512x128xf32>,
    return
  }
  func.func @transform_0(%arg0: i32) -> (i32, i32) {
    %c0_i32 = arith.constant 0 : i32
    %c0_i32_0 = arith.constant 0 : i32
    return %arg0, %c0_i32 : i32, i32
  }
  func.func @transform_1(%arg0: i32) -> (i32, i32) {
    %c0_i32 = arith.constant 0 : i32
    %c0_i32_0 = arith.constant 0 : i32
    %c0_i32_1 = arith.constant 0 : i32
    return %c0_i32, %c0_i32_0 : i32, i32
  }
  func.func @transform_2(%arg0: i32) -> (i32, i32, i32) {
    %c0_i32 = arith.constant 0 : i32
    %c0_i32_0 = arith.constant 0 : i32
    %c0_i32_1 = arith.constant 0 : i32
    return %c0_i32, %arg0, %c0_i32_0 : i32, i32, i32
  }
  func.func @transform_3(%arg0: i32) -> (i32, i32) {
    %c0_i32 = arith.constant 0 : i32
    %c0_i32_0 = arith.constant 0 : i32
    return %arg0, %c0_i32 : i32, i32
  }
  func.func @transform_4(%arg0: i32) -> (i32, i32) {
    %c0_i32 = arith.constant 0 : i32
    %c0_i32_0 = arith.constant 0 : i32
    return %arg0, %c0_i32 : i32, i32
  }
  func.func @transform_5(%arg0: i32) -> (i32, i32) {
    %c0_i32 = arith.constant 0 : i32
    %c0_i32_0 = arith.constant 0 : i32
    return %arg0, %c0_i32 : i32, i32
  }
}

module attributes {stable_mosaic.version = 14 : i64} {
  func.func @_mm2_body(%arg0: i32, %arg1: memref<512x128xf32, #tpu.memory_space<vmem>>, %arg2: memref<512x128xf32, #tpu.memory_space<vmem>>, %arg3: memref<512x64xi32, #tpu.memory_space<vmem>>, %arg4: memref<512x64xi32, #tpu.memory_space<vmem>>, %arg5: memref<512x128xf32, #tpu.memory_space<vmem>>, %arg6: memref<1x256xf32, #tpu.memory_space<vmem>>, %arg7: memref<256x256xf32, #tpu.memory_space<vmem>>, %arg8: memref<512x64xi32, #tpu.memory_space<vmem>>, %arg9: memref<512x64xi32, #tpu.memory_space<vmem>>) attributes {dimension_semantics = [#tpu.dimension_semantics<arbitrary>], iteration_bounds = array<i64: 20>, scalar_prefetch = 0 : i64, scratch_operands = 0 : i64, tpu.core_type = #tpu.core_type<tc>, window_params = [{transform_indices = @transform_0, window_bounds = array<i64: 512, 128>}, {transform_indices = @transform_1, window_bounds = array<i64: 512, 128>}, {transform_indices = @transform_2, window_bounds = array<i64: 512, 64>}, {transform_indices = @transform_3, window_bounds = array<i64: 512, 64>}, {transform_indices = @transform_4, window_bounds = array<i64: 512, 128>}, {pipeline_mode = #tpu.pipeline_mode<synchronous>, transform_indices = @transform_5, window_bounds = array<i64: 1, 256>}, {pipeline_mode = #tpu.pipeline_mode<synchronous>, transform_indices = @transform_6, window_bounds = array<i64: 256, 256>}, {transform_indices = @transform_7, window_bounds = array<i64: 512, 64>}, {transform_indices = @transform_8, window_bounds = array<i64: 512, 64>}]} {
    %get3A = arith.constant 0 : index
    %get3A_0 = arith.constant 0 : index
    %get3A_1 = vector.load %arg5[%get3A, %get3A_0] : memref<512x128xf32, #tpu.memory_space<vmem>>, vector<512x128xf32>
    %get3A_2 = arith.constant 0 : index
    %get3A_3 = arith.constant 0 : index
    %get3A_4 = vector.load %arg1[%get3A_2, %get3A_3] : memref<512x128xf32, #tpu.memory_space<vmem>>, vector<512x128xf32>
    %get3A_5 = arith.constant 0 : index
    %get3A_6 = arith.constant 0 : index
    %get3A_7 = vector.load %arg3[%get3A_5, %get3A_6] : memref<512x64xi32, #tpu.memory_space<vmem>>, vector<512x64xi32>
    %bitcast_convert_type3A = tpu.bitcast %get3A_7 : vector<512x64xi32> -> vector<512x64xi32>
    %shift_left3A = arith.constant 16 : i32
    %shift_left3A_8 = vector.broadcast %shift_left3A : i32 to vector<512x64xi32>
    %shift_left3A_9 = arith.shli %bitcast_convert_type3A, %shift_left3A_8 : vector<512x64xi32>
    %bitcast_convert_type3A_10 = tpu.bitcast %shift_left3A_9 : vector<512x64xi32> -> vector<512x64xf32>
    %and3A = arith.constant -65536 : i32
    %and3A_11 = vector.broadcast %and3A : i32 to vector<512x64xi32>
    %and3A_12 = arith.andi %bitcast_convert_type3A, %and3A_11 : vector<512x64xi32>
    %bitcast_convert_type3A_13 = tpu.bitcast %and3A_12 : vector<512x64xi32> -> vector<512x64xf32>
    %concatenate3A = tpu.concatenate %bitcast_convert_type3A_10, %bitcast_convert_type3A_13 in 1 : vector<512x64xf32>, vector<512x64xf32> -> vector<512x128xf32>
    %add3A = arith.addf %get3A_4, %concatenate3A : vector<512x128xf32>
    %mul3A = arith.mulf %add3A, %get3A_1 : vector<512x128xf32>
    %get3A_14 = arith.constant 0 : index
    %get3A_15 = arith.constant 0 : index
    %get3A_16 = vector.load %arg2[%get3A_14, %get3A_15] : memref<512x128xf32, #tpu.memory_space<vmem>>, vector<512x128xf32>
    %get3A_17 = arith.constant 0 : index
    %get3A_18 = arith.constant 0 : index
    %get3A_19 = vector.load %arg4[%get3A_17, %get3A_18] : memref<512x64xi32, #tpu.memory_space<vmem>>, vector<512x64xi32>
    %bitcast_convert_type3A_20 = tpu.bitcast %get3A_19 : vector<512x64xi32> -> vector<512x64xi32>
    %shift_left3A_21 = arith.constant 16 : i32
    %shift_left3A_22 = vector.broadcast %shift_left3A_21 : i32 to vector<512x64xi32>
    %shift_left3A_23 = arith.shli %bitcast_convert_type3A_20, %shift_left3A_22 : vector<512x64xi32>
    %bitcast_convert_type3A_24 = tpu.bitcast %shift_left3A_23 : vector<512x64xi32> -> vector<512x64xf32>
    %and3A_25 = arith.constant -65536 : i32
    %and3A_26 = vector.broadcast %and3A_25 : i32 to vector<512x64xi32>
    %and3A_27 = arith.andi %bitcast_convert_type3A_20, %and3A_26 : vector<512x64xi32>
    %bitcast_convert_type3A_28 = tpu.bitcast %and3A_27 : vector<512x64xi32> -> vector<512x64xf32>
    %concatenate3A_29 = tpu.concatenate %bitcast_convert_type3A_24, %bitcast_convert_type3A_28 in 1 : vector<512x64xf32>, vector<512x64xf32> -> vector<512x128xf32>
    %add3A_30 = arith.addf %get3A_16, %concatenate3A_29 : vector<512x128xf32>
    %mul3A_31 = arith.mulf %add3A_30, %get3A_1 : vector<512x128xf32>
    %concatenate3A_32 = tpu.concatenate %mul3A, %mul3A_31 in 1 : vector<512x128xf32>, vector<512x128xf32> -> vector<512x256xf32>
    %get3A_33 = arith.constant 0 : index
    %get3A_34 = arith.constant 0 : index
    %get3A_35 = vector.load %arg6[%get3A_33, %get3A_34] : memref<1x256xf32, #tpu.memory_space<vmem>>, vector<1x256xf32>
    %add3A_36 = vector.broadcast %get3A_35 : vector<1x256xf32> to vector<512x256xf32>
    %add3A_37 = arith.addf %concatenate3A_32, %add3A_36 : vector<512x256xf32>
    %max3A = arith.constant 0.000000e+00 : f32
    %max3A_38 = vector.broadcast %max3A : f32 to vector<512x256xf32>
    %max3A_39 = arith.maximumf %add3A_37, %max3A_38 : vector<512x256xf32>
    %get3A_40 = arith.constant 0 : index
    %get3A_41 = arith.constant 0 : index
    %get3A_42 = vector.load %arg7[%get3A_40, %get3A_41] : memref<256x256xf32, #tpu.memory_space<vmem>>, vector<256x256xf32>
    %dot_general3A = arith.constant dense<0.000000e+00> : vector<512x256xf32>
    %dot_general3A_43 = tpu.matmul %max3A_39, %get3A_42, %dot_general3A {dimension_numbers = #tpu.dot_dimension_numbers<[1], [0], [0], [1], [0, 0, 1, 1], [], []>, transpose_lhs_hint = false} : vector<512x256xf32>, vector<256x256xf32>, vector<512x256xf32> -> vector<512x256xf32>
    %slice3A = vector.extract_strided_slice %dot_general3A_43 {offsets = [0, 0], sizes = [512, 128], strides = [1, 1]} : vector<512x256xf32> to vector<512x128xf32>
    %mul3A_44 = arith.mulf %slice3A, %get3A_1 : vector<512x128xf32>
    %slice3A_45 = vector.extract_strided_slice %mul3A_44 {offsets = [0, 0], sizes = [512, 64], strides = [1, 1]} : vector<512x128xf32> to vector<512x64xf32>
    %bitcast_convert_type3A_46 = tpu.bitcast %slice3A_45 : vector<512x64xf32> -> vector<512x64xi32>
    %add3A_47 = arith.constant 32767 : i32
    %add3A_48 = vector.broadcast %add3A_47 : i32 to vector<512x64xi32>
    %add3A_49 = arith.addi %bitcast_convert_type3A_46, %add3A_48 : vector<512x64xi32>
    %shift_right_logical3A = arith.constant 16 : i32
    %shift_right_logical3A_50 = vector.broadcast %shift_right_logical3A : i32 to vector<512x64xi32>
    %shift_right_logical3A_51 = arith.shrui %bitcast_convert_type3A_46, %shift_right_logical3A_50 : vector<512x64xi32>
    %and3A_52 = arith.constant 1 : i32
    %and3A_53 = vector.broadcast %and3A_52 : i32 to vector<512x64xi32>
    %and3A_54 = arith.andi %shift_right_logical3A_51, %and3A_53 : vector<512x64xi32>
    %add3A_55 = arith.addi %add3A_49, %and3A_54 : vector<512x64xi32>
    %shift_right_logical3A_56 = arith.constant 16 : i32
    %shift_right_logical3A_57 = vector.broadcast %shift_right_logical3A_56 : i32 to vector<512x64xi32>
    %shift_right_logical3A_58 = arith.shrui %add3A_55, %shift_right_logical3A_57 : vector<512x64xi32>
    %slice3A_59 = vector.extract_strided_slice %mul3A_44 {offsets = [0, 64], sizes = [512, 64], strides = [1, 1]} : vector<512x128xf32> to vector<512x64xf32>
    %bitcast_convert_type3A_60 = tpu.bitcast %slice3A_59 : vector<512x64xf32> -> vector<512x64xi32>
    %add3A_61 = arith.constant 32767 : i32
    %add3A_62 = vector.broadcast %add3A_61 : i32 to vector<512x64xi32>
    %add3A_63 = arith.addi %bitcast_convert_type3A_60, %add3A_62 : vector<512x64xi32>
    %shift_right_logical3A_64 = arith.constant 16 : i32
    %shift_right_logical3A_65 = vector.broadcast %shift_right_logical3A_64 : i32 to vector<512x64xi32>
    %shift_right_logical3A_66 = arith.shrui %bitcast_convert_type3A_60, %shift_right_logical3A_65 : vector<512x64xi32>
    %and3A_67 = arith.constant 1 : i32
    %and3A_68 = vector.broadcast %and3A_67 : i32 to vector<512x64xi32>
    %and3A_69 = arith.andi %shift_right_logical3A_66, %and3A_68 : vector<512x64xi32>
    %add3A_70 = arith.addi %add3A_63, %and3A_69 : vector<512x64xi32>
    %shift_right_logical3A_71 = arith.constant 16 : i32
    %shift_right_logical3A_72 = vector.broadcast %shift_right_logical3A_71 : i32 to vector<512x64xi32>
    %shift_right_logical3A_73 = arith.shrui %add3A_70, %shift_right_logical3A_72 : vector<512x64xi32>
    %shift_left3A_74 = arith.constant 16 : i32
    %shift_left3A_75 = vector.broadcast %shift_left3A_74 : i32 to vector<512x64xi32>
    %shift_left3A_76 = arith.shli %shift_right_logical3A_73, %shift_left3A_75 : vector<512x64xi32>
    %or3A = arith.ori %shift_right_logical3A_58, %shift_left3A_76 : vector<512x64xi32>
    %bitcast_convert_type3A_77 = tpu.bitcast %or3A : vector<512x64xi32> -> vector<512x64xi32>
    %swap3A = arith.constant 0 : index
    %swap3A_78 = arith.constant 0 : index
    %swap3A_79 = vector.load %arg8[%swap3A, %swap3A_78] : memref<512x64xi32, #tpu.memory_space<vmem>>, vector<512x64xi32>
    tpu.vector_store %arg8[%swap3A, %swap3A_78], %bitcast_convert_type3A_77 {strides = array<i32>} : memref<512x64xi32, #tpu.memory_space<vmem>>, vector<512x64xi32>,
    %slice3A_80 = vector.extract_strided_slice %dot_general3A_43 {offsets = [0, 128], sizes = [512, 128], strides = [1, 1]} : vector<512x256xf32> to vector<512x128xf32>
    %mul3A_81 = arith.mulf %slice3A_80, %get3A_1 : vector<512x128xf32>
    %slice3A_82 = vector.extract_strided_slice %mul3A_81 {offsets = [0, 0], sizes = [512, 64], strides = [1, 1]} : vector<512x128xf32> to vector<512x64xf32>
    %bitcast_convert_type3A_83 = tpu.bitcast %slice3A_82 : vector<512x64xf32> -> vector<512x64xi32>
    %add3A_84 = arith.constant 32767 : i32
    %add3A_85 = vector.broadcast %add3A_84 : i32 to vector<512x64xi32>
    %add3A_86 = arith.addi %bitcast_convert_type3A_83, %add3A_85 : vector<512x64xi32>
    %shift_right_logical3A_87 = arith.constant 16 : i32
    %shift_right_logical3A_88 = vector.broadcast %shift_right_logical3A_87 : i32 to vector<512x64xi32>
    %shift_right_logical3A_89 = arith.shrui %bitcast_convert_type3A_83, %shift_right_logical3A_88 : vector<512x64xi32>
    %and3A_90 = arith.constant 1 : i32
    %and3A_91 = vector.broadcast %and3A_90 : i32 to vector<512x64xi32>
    %and3A_92 = arith.andi %shift_right_logical3A_89, %and3A_91 : vector<512x64xi32>
    %add3A_93 = arith.addi %add3A_86, %and3A_92 : vector<512x64xi32>
    %shift_right_logical3A_94 = arith.constant 16 : i32
    %shift_right_logical3A_95 = vector.broadcast %shift_right_logical3A_94 : i32 to vector<512x64xi32>
    %shift_right_logical3A_96 = arith.shrui %add3A_93, %shift_right_logical3A_95 : vector<512x64xi32>
    %slice3A_97 = vector.extract_strided_slice %mul3A_81 {offsets = [0, 64], sizes = [512, 64], strides = [1, 1]} : vector<512x128xf32> to vector<512x64xf32>
    %bitcast_convert_type3A_98 = tpu.bitcast %slice3A_97 : vector<512x64xf32> -> vector<512x64xi32>
    %add3A_99 = arith.constant 32767 : i32
    %add3A_100 = vector.broadcast %add3A_99 : i32 to vector<512x64xi32>
    %add3A_101 = arith.addi %bitcast_convert_type3A_98, %add3A_100 : vector<512x64xi32>
    %shift_right_logical3A_102 = arith.constant 16 : i32
    %shift_right_logical3A_103 = vector.broadcast %shift_right_logical3A_102 : i32 to vector<512x64xi32>
    %shift_right_logical3A_104 = arith.shrui %bitcast_convert_type3A_98, %shift_right_logical3A_103 : vector<512x64xi32>
    %and3A_105 = arith.constant 1 : i32
    %and3A_106 = vector.broadcast %and3A_105 : i32 to vector<512x64xi32>
    %and3A_107 = arith.andi %shift_right_logical3A_104, %and3A_106 : vector<512x64xi32>
    %add3A_108 = arith.addi %add3A_101, %and3A_107 : vector<512x64xi32>
    %shift_right_logical3A_109 = arith.constant 16 : i32
    %shift_right_logical3A_110 = vector.broadcast %shift_right_logical3A_109 : i32 to vector<512x64xi32>
    %shift_right_logical3A_111 = arith.shrui %add3A_108, %shift_right_logical3A_110 : vector<512x64xi32>
    %shift_left3A_112 = arith.constant 16 : i32
    %shift_left3A_113 = vector.broadcast %shift_left3A_112 : i32 to vector<512x64xi32>
    %shift_left3A_114 = arith.shli %shift_right_logical3A_111, %shift_left3A_113 : vector<512x64xi32>
    %or3A_115 = arith.ori %shift_right_logical3A_96, %shift_left3A_114 : vector<512x64xi32>
    %bitcast_convert_type3A_116 = tpu.bitcast %or3A_115 : vector<512x64xi32> -> vector<512x64xi32>
    %swap3A_117 = arith.constant 0 : index
    %swap3A_118 = arith.constant 0 : index
    %swap3A_119 = vector.load %arg9[%swap3A_117, %swap3A_118] : memref<512x64xi32, #tpu.memory_space<vmem>>, vector<512x64xi32>
    tpu.vector_store %arg9[%swap3A_117, %swap3A_118], %bitcast_convert_type3A_116 {strides = array<i32>} : memref<512x64xi32, #tpu.memory_space<vmem>>, vector<512x64xi32>,
    return
  }
  func.func @transform_0(%arg0: i32) -> (i32, i32) {
    %c0_i32 = arith.constant 0 : i32
    %c0_i32_0 = arith.constant 0 : i32
    return %arg0, %c0_i32 : i32, i32
  }
  func.func @transform_1(%arg0: i32) -> (i32, i32) {
    %c0_i32 = arith.constant 0 : i32
    %c0_i32_0 = arith.constant 0 : i32
    return %arg0, %c0_i32 : i32, i32
  }
  func.func @transform_2(%arg0: i32) -> (i32, i32) {
    %c0_i32 = arith.constant 0 : i32
    %c0_i32_0 = arith.constant 0 : i32
    return %arg0, %c0_i32 : i32, i32
  }
  func.func @transform_3(%arg0: i32) -> (i32, i32) {
    %c0_i32 = arith.constant 0 : i32
    %c0_i32_0 = arith.constant 0 : i32
    return %arg0, %c0_i32 : i32, i32
  }
  func.func @transform_4(%arg0: i32) -> (i32, i32) {
    %c0_i32 = arith.constant 0 : i32
    %c0_i32_0 = arith.constant 0 : i32
    return %arg0, %c0_i32 : i32, i32
  }
  func.func @transform_5(%arg0: i32) -> (i32, i32) {
    %c0_i32 = arith.constant 0 : i32
    %c0_i32_0 = arith.constant 0 : i32
    %c0_i32_1 = arith.constant 0 : i32
    return %c0_i32, %c0_i32_0 : i32, i32
  }
  func.func @transform_6(%arg0: i32) -> (i32, i32) {
    %c0_i32 = arith.constant 0 : i32
    %c0_i32_0 = arith.constant 0 : i32
    %c0_i32_1 = arith.constant 0 : i32
    return %c0_i32, %c0_i32_0 : i32, i32
  }
  func.func @transform_7(%arg0: i32) -> (i32, i32) {
    %c0_i32 = arith.constant 0 : i32
    %c0_i32_0 = arith.constant 0 : i32
    return %arg0, %c0_i32 : i32, i32
  }
  func.func @transform_8(%arg0: i32) -> (i32, i32) {
    %c0_i32 = arith.constant 0 : i32
    %c0_i32_0 = arith.constant 0 : i32
    return %arg0, %c0_i32 : i32, i32
  }
}

module attributes {stable_mosaic.version = 14 : i64} {
  func.func @_fin_body(%arg0: i32, %arg1: memref<512x128xf32, #tpu.memory_space<vmem>>, %arg2: memref<512x128xf32, #tpu.memory_space<vmem>>, %arg3: memref<512x64xi32, #tpu.memory_space<vmem>>, %arg4: memref<512x64xi32, #tpu.memory_space<vmem>>, %arg5: memref<512x128xf32, #tpu.memory_space<vmem>>, %arg6: memref<1x256xf32, #tpu.memory_space<vmem>>, %arg7: memref<1x512xi32, #tpu.memory_space<vmem>>, %arg8: memref<256x128xf32, #tpu.memory_space<vmem>>, %arg9: memref<1x128xf32, #tpu.memory_space<vmem>>, %arg10: memref<64x128xf32, #tpu.memory_space<vmem>>, %arg11: memref<64x256xf32, #tpu.memory_space<vmem>>, %arg12: memref<64x256xf32, #tpu.memory_space<vmem>>) attributes {dimension_semantics = [#tpu.dimension_semantics<arbitrary>], iteration_bounds = array<i64: 20>, scalar_prefetch = 0 : i64, scratch_operands = 2 : i64, tpu.core_type = #tpu.core_type<tc>, window_params = [{transform_indices = @transform_0, window_bounds = array<i64: 512, 128>}, {transform_indices = @transform_1, window_bounds = array<i64: 512, 128>}, {transform_indices = @transform_2, window_bounds = array<i64: 512, 64>}, {transform_indices = @transform_3, window_bounds = array<i64: 512, 64>}, {transform_indices = @transform_4, window_bounds = array<i64: 512, 128>}, {pipeline_mode = #tpu.pipeline_mode<synchronous>, transform_indices = @transform_5, window_bounds = array<i64: 1, 256>}, {transform_indices = @transform_6, window_bounds = array<i64: 1, 512>}, {pipeline_mode = #tpu.pipeline_mode<synchronous>, transform_indices = @transform_7, window_bounds = array<i64: 256, 128>}, {pipeline_mode = #tpu.pipeline_mode<synchronous>, transform_indices = @transform_8, window_bounds = array<i64: 1, 128>}, {pipeline_mode = #tpu.pipeline_mode<synchronous>, transform_indices = @transform_9, window_bounds = array<i64: 64, 128>}]} {
    %eq3A = arith.constant 0 : i32
    %eq3A_0 = arith.cmpi eq, %arg0, %eq3A : i32
    %convert_element_type3A = arith.extui %eq3A_0 : i1 to i32
    %cond3A = arith.constant 0 : i32
    %cond3A_1 = arith.cmpi ne, %convert_element_type3A, %cond3A : i32
    scf.if %cond3A_1 {
      %broadcast_in_dim3A_71 = arith.constant 0.000000e+00 : f32
      %broadcast_in_dim3A_72 = vector.broadcast %broadcast_in_dim3A_71 : f32 to vector<64x256xf32>
      %swap3A_73 = arith.constant 0 : index
      %swap3A_74 = arith.constant 0 : index
      %swap3A_75 = vector.load %arg11[%swap3A_73, %swap3A_74] : memref<64x256xf32, #tpu.memory_space<vmem>>, vector<64x256xf32>
      tpu.vector_store %arg11[%swap3A_73, %swap3A_74], %broadcast_in_dim3A_72 {strides = array<i32>} : memref<64x256xf32, #tpu.memory_space<vmem>>, vector<64x256xf32>,
      %broadcast_in_dim3A_76 = arith.constant 0.000000e+00 : f32
      %broadcast_in_dim3A_77 = vector.broadcast %broadcast_in_dim3A_76 : f32 to vector<64x256xf32>
      %swap3A_78 = arith.constant 0 : index
      %swap3A_79 = arith.constant 0 : index
      %swap3A_80 = vector.load %arg12[%swap3A_78, %swap3A_79] : memref<64x256xf32, #tpu.memory_space<vmem>>, vector<64x256xf32>
      tpu.vector_store %arg12[%swap3A_78, %swap3A_79], %broadcast_in_dim3A_77 {strides = array<i32>} : memref<64x256xf32, #tpu.memory_space<vmem>>, vector<64x256xf32>,
    } else {
    }
    %get3A = arith.constant 0 : index
    %get3A_2 = arith.constant 0 : index
    %get3A_3 = vector.load %arg5[%get3A, %get3A_2] : memref<512x128xf32, #tpu.memory_space<vmem>>, vector<512x128xf32>
    %get3A_4 = arith.constant 0 : index
    %get3A_5 = arith.constant 0 : index
    %get3A_6 = vector.load %arg1[%get3A_4, %get3A_5] : memref<512x128xf32, #tpu.memory_space<vmem>>, vector<512x128xf32>
    %get3A_7 = arith.constant 0 : index
    %get3A_8 = arith.constant 0 : index
    %get3A_9 = vector.load %arg3[%get3A_7, %get3A_8] : memref<512x64xi32, #tpu.memory_space<vmem>>, vector<512x64xi32>
    %bitcast_convert_type3A = tpu.bitcast %get3A_9 : vector<512x64xi32> -> vector<512x64xi32>
    %shift_left3A = arith.constant 16 : i32
    %shift_left3A_10 = vector.broadcast %shift_left3A : i32 to vector<512x64xi32>
    %shift_left3A_11 = arith.shli %bitcast_convert_type3A, %shift_left3A_10 : vector<512x64xi32>
    %bitcast_convert_type3A_12 = tpu.bitcast %shift_left3A_11 : vector<512x64xi32> -> vector<512x64xf32>
    %and3A = arith.constant -65536 : i32
    %and3A_13 = vector.broadcast %and3A : i32 to vector<512x64xi32>
    %and3A_14 = arith.andi %bitcast_convert_type3A, %and3A_13 : vector<512x64xi32>
    %bitcast_convert_type3A_15 = tpu.bitcast %and3A_14 : vector<512x64xi32> -> vector<512x64xf32>
    %concatenate3A = tpu.concatenate %bitcast_convert_type3A_12, %bitcast_convert_type3A_15 in 1 : vector<512x64xf32>, vector<512x64xf32> -> vector<512x128xf32>
    %add3A = arith.addf %get3A_6, %concatenate3A : vector<512x128xf32>
    %mul3A = arith.mulf %add3A, %get3A_3 : vector<512x128xf32>
    %get3A_16 = arith.constant 0 : index
    %get3A_17 = arith.constant 0 : index
    %get3A_18 = vector.load %arg2[%get3A_16, %get3A_17] : memref<512x128xf32, #tpu.memory_space<vmem>>, vector<512x128xf32>
    %get3A_19 = arith.constant 0 : index
    %get3A_20 = arith.constant 0 : index
    %get3A_21 = vector.load %arg4[%get3A_19, %get3A_20] : memref<512x64xi32, #tpu.memory_space<vmem>>, vector<512x64xi32>
    %bitcast_convert_type3A_22 = tpu.bitcast %get3A_21 : vector<512x64xi32> -> vector<512x64xi32>
    %shift_left3A_23 = arith.constant 16 : i32
    %shift_left3A_24 = vector.broadcast %shift_left3A_23 : i32 to vector<512x64xi32>
    %shift_left3A_25 = arith.shli %bitcast_convert_type3A_22, %shift_left3A_24 : vector<512x64xi32>
    %bitcast_convert_type3A_26 = tpu.bitcast %shift_left3A_25 : vector<512x64xi32> -> vector<512x64xf32>
    %and3A_27 = arith.constant -65536 : i32
    %and3A_28 = vector.broadcast %and3A_27 : i32 to vector<512x64xi32>
    %and3A_29 = arith.andi %bitcast_convert_type3A_22, %and3A_28 : vector<512x64xi32>
    %bitcast_convert_type3A_30 = tpu.bitcast %and3A_29 : vector<512x64xi32> -> vector<512x64xf32>
    %concatenate3A_31 = tpu.concatenate %bitcast_convert_type3A_26, %bitcast_convert_type3A_30 in 1 : vector<512x64xf32>, vector<512x64xf32> -> vector<512x128xf32>
    %add3A_32 = arith.addf %get3A_18, %concatenate3A_31 : vector<512x128xf32>
    %mul3A_33 = arith.mulf %add3A_32, %get3A_3 : vector<512x128xf32>
    %concatenate3A_34 = tpu.concatenate %mul3A, %mul3A_33 in 1 : vector<512x128xf32>, vector<512x128xf32> -> vector<512x256xf32>
    %get3A_35 = arith.constant 0 : index
    %get3A_36 = arith.constant 0 : index
    %get3A_37 = vector.load %arg6[%get3A_35, %get3A_36] : memref<1x256xf32, #tpu.memory_space<vmem>>, vector<1x256xf32>
    %add3A_38 = vector.broadcast %get3A_37 : vector<1x256xf32> to vector<512x256xf32>
    %add3A_39 = arith.addf %concatenate3A_34, %add3A_38 : vector<512x256xf32>
    %max3A = arith.constant 0.000000e+00 : f32
    %max3A_40 = vector.broadcast %max3A : f32 to vector<512x256xf32>
    %max3A_41 = arith.maximumf %add3A_39, %max3A_40 : vector<512x256xf32>
    %iota3A = tpu.iota {dimensions = array<i32: 0>} : vector<64x512xi32>
    %get3A_42 = arith.constant 0 : index
    %get3A_43 = arith.constant 0 : index
    %get3A_44 = vector.load %arg7[%get3A_42, %get3A_43] : memref<1x512xi32, #tpu.memory_space<vmem>>, vector<1x512xi32>
    %eq3A_45 = vector.broadcast %get3A_44 : vector<1x512xi32> to vector<64x512xi32>
    %eq3A_46 = arith.cmpi eq, %iota3A, %eq3A_45 : vector<64x512xi32>
    %convert_element_type3A_47 = arith.extui %eq3A_46 : vector<64x512xi1> to vector<64x512xi32>
    %convert_element_type3A_48 = arith.sitofp %convert_element_type3A_47 : vector<64x512xi32> to vector<64x512xf32>
    %get3A_49 = arith.constant 0 : index
    %get3A_50 = arith.constant 0 : index
    %get3A_51 = vector.load %arg11[%get3A_49, %get3A_50] : memref<64x256xf32, #tpu.memory_space<vmem>>, vector<64x256xf32>
    %dot_general3A = arith.constant dense<0.000000e+00> : vector<64x256xf32>
    %dot_general3A_52 = tpu.matmul %convert_element_type3A_48, %max3A_41, %dot_general3A {dimension_numbers = #tpu.dot_dimension_numbers<[1], [0], [0], [1], [0, 0, 1, 1], [], []>, transpose_lhs_hint = false} : vector<64x512xf32>, vector<512x256xf32>, vector<64x256xf32> -> vector<64x256xf32>
    %add3A_53 = arith.addf %get3A_51, %dot_general3A_52 : vector<64x256xf32>
    %swap3A = arith.constant 0 : index
    %swap3A_54 = arith.constant 0 : index
    %swap3A_55 = vector.load %arg11[%swap3A, %swap3A_54] : memref<64x256xf32, #tpu.memory_space<vmem>>, vector<64x256xf32>
    tpu.vector_store %arg11[%swap3A, %swap3A_54], %add3A_53 {strides = array<i32>} : memref<64x256xf32, #tpu.memory_space<vmem>>, vector<64x256xf32>,
    %get3A_56 = arith.constant 0 : index
    %get3A_57 = arith.constant 0 : index
    %get3A_58 = vector.load %arg12[%get3A_56, %get3A_57] : memref<64x256xf32, #tpu.memory_space<vmem>>, vector<64x256xf32>
    %reduce_sum3A = arith.constant dense<0.000000e+00> : vector<64xf32>
    %reduce_sum3A_59 = vector.multi_reduction <add>, %convert_element_type3A_48, %reduce_sum3A [1] : vector<64x512xf32> to vector<64xf32>
    %broadcast_in_dim3A = vector.shape_cast %reduce_sum3A_59 : vector<64xf32> to vector<64x1xf32>
    %broadcast_in_dim3A_60 = vector.shape_cast %broadcast_in_dim3A : vector<64x1xf32> to vector<64x1xf32>
    %broadcast_in_dim3A_61 = vector.broadcast %broadcast_in_dim3A_60 : vector<64x1xf32> to vector<64x256xf32>
    %add3A_62 = arith.addf %get3A_58, %broadcast_in_dim3A_61 : vector<64x256xf32>
    %swap3A_63 = arith.constant 0 : index
    %swap3A_64 = arith.constant 0 : index
    %swap3A_65 = vector.load %arg12[%swap3A_63, %swap3A_64] : memref<64x256xf32, #tpu.memory_space<vmem>>, vector<64x256xf32>
    tpu.vector_store %arg12[%swap3A_63, %swap3A_64], %add3A_62 {strides = array<i32>} : memref<64x256xf32, #tpu.memory_space<vmem>>, vector<64x256xf32>,
    %eq3A_66 = arith.constant 19 : i32
    %eq3A_67 = arith.cmpi eq, %arg0, %eq3A_66 : i32
    %convert_element_type3A_68 = arith.extui %eq3A_67 : i1 to i32
    %cond3A_69 = arith.constant 0 : i32
    %cond3A_70 = arith.cmpi ne, %convert_element_type3A_68, %cond3A_69 : i32
    scf.if %cond3A_70 {
      %get3A_71 = arith.constant 0 : index
      %get3A_72 = arith.constant 0 : index
      %get3A_73 = vector.load %arg11[%get3A_71, %get3A_72] : memref<64x256xf32, #tpu.memory_space<vmem>>, vector<64x256xf32>
      %get3A_74 = arith.constant 0 : index
      %get3A_75 = arith.constant 0 : index
      %get3A_76 = vector.load %arg12[%get3A_74, %get3A_75] : memref<64x256xf32, #tpu.memory_space<vmem>>, vector<64x256xf32>
      %max3A_77 = arith.constant 1.000000e+00 : f32
      %max3A_78 = vector.broadcast %max3A_77 : f32 to vector<64x256xf32>
      %max3A_79 = arith.maximumf %get3A_76, %max3A_78 : vector<64x256xf32>
      %div3A = arith.divf %get3A_73, %max3A_79 : vector<64x256xf32>
      %get3A_80 = arith.constant 0 : index
      %get3A_81 = arith.constant 0 : index
      %get3A_82 = vector.load %arg8[%get3A_80, %get3A_81] : memref<256x128xf32, #tpu.memory_space<vmem>>, vector<256x128xf32>
      %dot_general3A_83 = arith.constant dense<0.000000e+00> : vector<64x128xf32>
      %dot_general3A_84 = tpu.matmul %div3A, %get3A_82, %dot_general3A_83 {dimension_numbers = #tpu.dot_dimension_numbers<[1], [0], [0], [1], [0, 0, 1, 1], [], []>, transpose_lhs_hint = false} : vector<64x256xf32>, vector<256x128xf32>, vector<64x128xf32> -> vector<64x128xf32>
      %get3A_85 = arith.constant 0 : index
      %get3A_86 = arith.constant 0 : index
      %get3A_87 = vector.load %arg9[%get3A_85, %get3A_86] : memref<1x128xf32, #tpu.memory_space<vmem>>, vector<1x128xf32>
      %add3A_88 = vector.broadcast %get3A_87 : vector<1x128xf32> to vector<64x128xf32>
      %add3A_89 = arith.addf %dot_general3A_84, %add3A_88 : vector<64x128xf32>
      %swap3A_90 = arith.constant 0 : index
      %swap3A_91 = arith.constant 0 : index
      %swap3A_92 = vector.load %arg10[%swap3A_90, %swap3A_91] : memref<64x128xf32, #tpu.memory_space<vmem>>, vector<64x128xf32>
      tpu.vector_store %arg10[%swap3A_90, %swap3A_91], %add3A_89 {strides = array<i32>} : memref<64x128xf32, #tpu.memory_space<vmem>>, vector<64x128xf32>,
    } else {
    }
    return
  }
  func.func @transform_0(%arg0: i32) -> (i32, i32) {
    %c0_i32 = arith.constant 0 : i32
    %c0_i32_0 = arith.constant 0 : i32
    return %arg0, %c0_i32 : i32, i32
  }
  func.func @transform_1(%arg0: i32) -> (i32, i32) {
    %c0_i32 = arith.constant 0 : i32
    %c0_i32_0 = arith.constant 0 : i32
    return %arg0, %c0_i32 : i32, i32
  }
  func.func @transform_2(%arg0: i32) -> (i32, i32) {
    %c0_i32 = arith.constant 0 : i32
    %c0_i32_0 = arith.constant 0 : i32
    return %arg0, %c0_i32 : i32, i32
  }
  func.func @transform_3(%arg0: i32) -> (i32, i32) {
    %c0_i32 = arith.constant 0 : i32
    %c0_i32_0 = arith.constant 0 : i32
    return %arg0, %c0_i32 : i32, i32
  }
  func.func @transform_4(%arg0: i32) -> (i32, i32) {
    %c0_i32 = arith.constant 0 : i32
    %c0_i32_0 = arith.constant 0 : i32
    return %arg0, %c0_i32 : i32, i32
  }
  func.func @transform_5(%arg0: i32) -> (i32, i32) {
    %c0_i32 = arith.constant 0 : i32
    %c0_i32_0 = arith.constant 0 : i32
    %c0_i32_1 = arith.constant 0 : i32
    return %c0_i32, %c0_i32_0 : i32, i32
  }
  func.func @transform_6(%arg0: i32) -> (i32, i32) {
    %c0_i32 = arith.constant 0 : i32
    %c0_i32_0 = arith.constant 0 : i32
    return %c0_i32, %arg0 : i32, i32
  }
  func.func @transform_7(%arg0: i32) -> (i32, i32) {
    %c0_i32 = arith.constant 0 : i32
    %c0_i32_0 = arith.constant 0 : i32
    %c0_i32_1 = arith.constant 0 : i32
    return %c0_i32, %c0_i32_0 : i32, i32
  }
  func.func @transform_8(%arg0: i32) -> (i32, i32) {
    %c0_i32 = arith.constant 0 : i32
    %c0_i32_0 = arith.constant 0 : i32
    %c0_i32_1 = arith.constant 0 : i32
    return %c0_i32, %c0_i32_0 : i32, i32
  }
  func.func @transform_9(%arg0: i32) -> (i32, i32) {
    %c0_i32 = arith.constant 0 : i32
    %c0_i32_0 = arith.constant 0 : i32
    %c0_i32_1 = arith.constant 0 : i32
    return %c0_i32, %c0_i32_0 : i32, i32
  }
}

</mosaic_0001>

<sc_bundles>
// kernel: kernel.11.cloned.1.call-start
scs
__scs_entry_jumppad:
0x0: {  	(pc) =	sbr.rel $0x88, $3  }
0x1: {  	(tag) =	ssettag $0x0;
	lr =	simm.s32 $0x1  }
0x2: {  	[smem:$0x3F98] =	sst lr;
	_ =	strace $0xD0000000  }
0x3: {  	_ = 	snop  }
0x4: {  	_ = 	snop  }
0x5: {  	_ = 	snop  }
0x6: {  	_ = 	snop  }
0x7: {  	_ = 	snop  }
__scs_overlays_trampoline_lowered:
0x8: {  	[smem:$0x3FA7] =	sst s0  }
0x9: {  	[smem:$0x3FA8] =	sst s1  }
0xa: {  	[smem:$0x3FA9] =	sst s2  }
0xb: {  	[smem:$0x3FAA] =	sst s3  }
0xc: {  	[smem:$0x3FAB] =	sst s4  }
0xd: {  	[smem:$0x3FAC] =	sst s5  }
0xe: {  	[smem:$0x3FAD] =	sst s6  }
0xf: {  	[smem:$0x3FAE] =	sst s7  }
0x10: {  	[smem:$0x3FAF] =	sst s8  }
0x11: {  	[smem:$0x3FB0] =	sst s9;
	s0 =	simm.s32 @!p0 $0x0  }
0x12: {  	s1 =	sld [smem:$0x3F96];
	s0 =	simm.s32 @p0 $0x1  }
0x13: {  	[smem:$0x3FB1] =	sst s0;
	s0 =	simm.s32 @!p1 $0x0  }
0x14: {  	s2 =	sld [smem:$0x3F95];
	s0 =	simm.s32 @p1 $0x1  }
0x15: {  	[smem:$0x3FB2] =	sst s0;
	s0 =	simm.s32 @!p2 $0x0  }
0x16: {  	s3 =	sld [smem:$0x3FDB];
	s0 =	simm.s32 @p2 $0x1  }
0x17: {  	s4 =	simm.s32 $0x1BF5;
	[smem:$0x3FB4] =	sst s0  }
0x18: {  	s0 =	sld [smem:$0x3F97];
	_ =	swait.ge [sflag:s4], $0x0  }
0x19: {  	s7 =	sld [smem:$0x3F98]  }
0x1a: {  	s8 =	sadd.s32 $0xFFFFE003, lr  }
0x1b: {  	s9 =	sadd.s32 $0xFFFFFEF7, lr;
	s5 =	simm.s32 $0xFFFFFFFF;
	p2 =	slt.u32 s8, $0xFFFFF086  }
0x1c: {  	p1 =	slt.u32 s9, $0xF7A;
	s5 =	simm.s32 @!p2 $0x0  }
0x1d: {  	s5 =	simm.s32 @p1 $0x1;
	p0 =	seq.s32 s7, s2  }
0x1e: {  	s7 =	smul.u32 @!p0 $0xF7A, s2;
	p2 =	seq.s32 @!p0 s5, $0x0  }
0x1f: {  	s9 =	smul.u32 $0xF7A, s1;
	s8 =	simm.s32 @!p0 $0x1BF5;
	p2 =	por !p2, p0  }
0x20: {  	[sflag:s8] =	ssyncset.s32 @!p0 $0xFFFFF086;
	s6 =	sadd.s32 @!p0 s3, s7;
	s7 =	simm.s32 @!p0 $0x108  }
0x21: {  	s3 =	sadd.s32 s3, s9;
	s6 =	sadd.s32 @!p0 $0x88, s6;
	s7 =	simm.s32 @p2 $0x1082  }
0x22: {  	[simem:s7], [sflag:s8] =	dma.local @!p0 [hbm:s6], $0xF7A  }
0x23: {  	s9 =	sor.u32 $0xD0000000, s2;
	s6 =	simm.s32 $0x108;
	_ =	swait.ge @!p0 [sflag:s8], $0x0  }
0x24: {  	s3 =	sadd.s32 $0x88, s3;
	s6 =	simm.s32 @!p1 $0x1082;
	[sflag:s4] =	ssyncset.s32 $0xFFFFF086  }
0x25: {  	[simem:s6], [sflag:s4] =	dma.local [hbm:s3], $0xF7A  }
0x26: {  	[smem:$0x3F98] =	sst s1;
	(tag) =	ssettag s2;
	_ =	strace s9  }
0x27: {  	s1 =	sld [smem:$0x3FA8]  }
0x28: {  	s2 =	sld [smem:$0x3FA9]  }
0x29: {  	s4 =	sld [smem:$0x3FAB]  }
0x2a: {  	p0 =	seq.s32 s5, $0x0;
	s5 =	sld [smem:$0x3FAC]  }
0x2b: {  	s6 =	sld [smem:$0x3FAD]  }
0x2c: {  	s7 =	sld [smem:$0x3FAE]  }
0x2d: {  	s3 =	simm.s32 $0x108;
	s8 =	sld [smem:$0x3FAF]  }
0x2e: {  	s3 =	simm.s32 @!p0 $0x1082;
	s9 =	sld [smem:$0x3FB0]  }
0x2f: {  	lr =	sadd.s32 s0, s3;
	s0 =	sld [smem:$0x3FA7]  }
0x30: {  	s3 =	sld [smem:$0x3FAA]  }
0x31: {  	[smem:$0x3FB3] =	sst s10  }
0x32: {  	s10 =	sld [smem:$0x3FB1];
	_ =	sdelay $0x3  }
0x33: {  	p0 =	seq.s32 s10, $0x1;
	s10 =	sld [smem:$0x3FB3];
	_ =	sdelay $0x3  }
0x34: {  	[smem:$0x3FB3] =	sst s10  }
0x35: {  	s10 =	sld [smem:$0x3FB2];
	_ =	sdelay $0x3  }
0x36: {  	p1 =	seq.s32 s10, $0x1;
	s10 =	sld [smem:$0x3FB3];
	_ =	sdelay $0x3  }
0x37: {  	[smem:$0x3FB3] =	sst s10  }
0x38: {  	s10 =	sld [smem:$0x3FB4]  }
0x39: {  	_ = 	snop;
	(pc) =	sbr.ind lr, $3  }
0x3a: {  	_ = 	snop  }
0x3b: {  	_ = 	snop  }
0x3c: {  	p2 =	seq.s32 s10, $0x1;
	s10 =	sld [smem:$0x3FB3]  }
0x3d: {  	_ =	shalt  }
0x3e: {  	_ =	shalt  }
0x3f: {  	_ =	shalt  }
0x40: {  	_ =	shalt  }
0x41: {  	_ =	shalt  }
0x42: {  	_ =	shalt  }
0x43: {  	_ =	shalt  }
0x44: {  	_ =	shalt  }
0x45: {  	_ =	shalt  }
0x46: {  	_ =	shalt  }
0x47: {  	_ =	shalt  }
0x48: {  	_ =	shalt  }
0x49: {  	_ =	shalt  }
0x4a: {  	_ =	shalt  }
0x4b: {  	_ =	shalt  }
0x4c: {  	_ =	shalt  }
0x4d: {  	_ =	shalt  }
0x4e: {  	_ =	shalt  }
0x4f: {  	_ =	shalt  }
0x50: {  	_ =	shalt  }
0x51: {  	_ =	shalt  }
0x52: {  	_ =	shalt  }
0x53: {  	_ =	shalt  }
0x54: {  	_ =	shalt  }
0x55: {  	_ =	shalt  }
0x56: {  	_ =	shalt  }
0x57: {  	_ =	shalt  }
0x58: {  	_ =	shalt  }
0x59: {  	_ =	shalt  }
0x5a: {  	_ =	shalt  }
0x5b: {  	_ =	shalt  }
0x5c: {  	_ =	shalt  }
0x5d: {  	_ =	shalt  }
0x5e: {  	_ =	shalt  }
0x5f: {  	_ =	shalt  }
0x60: {  	_ =	shalt  }
0x61: {  	_ =	shalt  }
0x62: {  	_ =	shalt  }
0x63: {  	_ =	shalt  }
0x64: {  	_ =	shalt  }
0x65: {  	_ =	shalt  }
0x66: {  	_ =	shalt  }
0x67: {  	_ =	shalt  }
0x68: {  	_ =	shalt  }
0x69: {  	_ =	shalt  }
0x6a: {  	_ =	shalt  }
0x6b: {  	_ =	shalt  }
0x6c: {  	_ =	shalt  }
0x6d: {  	_ =	shalt  }
0x6e: {  	_ =	shalt  }
0x6f: {  	_ =	shalt  }
0x70: {  	_ =	shalt  }
0x71: {  	_ =	shalt  }
0x72: {  	_ =	shalt  }
0x73: {  	_ =	shalt  }
0x74: {  	_ =	shalt  }
0x75: {  	_ =	shalt  }
0x76: {  	_ =	shalt  }
0x77: {  	_ =	shalt  }
0x78: {  	_ =	shalt  }
0x79: {  	_ =	shalt  }
0x7a: {  	_ =	shalt  }
0x7b: {  	_ =	shalt  }
0x7c: {  	_ =	shalt  }
0x7d: {  	_ =	shalt  }
0x7e: {  	_ =	shalt  }
0x7f: {  	_ =	shalt  }
0x80: {  	_ =	shalt  }
0x81: {  	_ =	shalt  }
0x82: {  	_ =	shalt  }
0x83: {  	_ =	shalt  }
0x84: {  	_ =	shalt  }
0x85: {  	_ =	shalt  }
0x86: {  	_ =	shalt  }
0x87: {  	_ =	shalt  }
.Lfunc_end0:
.L_simem_size_0:
called_computation.1_lowered:
.L_overlay_start_0:
0x88: {  	s2 =	sld [smem:$0x3FD9]  }
0x89: {  	s3 =	sld [smem:$0x3FFE];
	_ =	sdelay $0x1  }
0x8a: {  	s1 =	srdreg.scid  }
0x8b: {  	s0 =	sand.u32 $0x1, s1  }
0x8c: {  	s16 =	sshll.u32 s0, $0xA;
	s2 =	sadd.s32 s3, s2  }
0x8d: {  	s2 =	sadd.s32 s2, s16  }
0x8e: {  	[smem:$0x3FBF] =	sst s2  }
0x8f: {  	_ = 	snop  }
0x90: {  	(tm) =	ssettm $0x1  }
0x91: {  	s17 =	sld [smem:$0x3FFB];
	_ =	sdelay $0x3  }
0x92: {  	_ =	strace s17  }
0x93: {  	s2 =	sld [smem:$0x3FFC];
	_ =	sdelay $0x3  }
0x94: {  	_ =	strace s2  }
0x95: {  	s2 =	sld [smem:$0x3FFD];
	_ =	sdelay $0x3  }
0x96: {  	_ =	strace s2  }
0x97: {  	_ =	strace $0x8FFFFFFF  }
0x98: {  	s18 =	sld [smem:$0x3FDB];
	_ =	sdelay $0x1  }
0x99: {  	s19 =	simm.s32 $_scs_section_size  }
0x9a: {  	s4 =	simm.s32 $_size__tile_overlayer_lowered;
	s5 =	simm.s32 $_tile_overlayer_lowered  }
0x9b: {  	s22 =	simm.s32 $0x1BFF;
	s21 =	sshll.u32 s5, $0x1;
	s2 =	sadd.s32 s19, s18  }
0x9c: {  	s6 =	simm.s32 $0x0;
	s20 =	sshll.u32 s4, $0x1;
	s4 =	sadd.s32 s21, s2  }
0x9d: {  	[timem:s6], [sflag:s22] =	dma.local [hbm:s4], s20  }
0x9e: {  	_ =	swait.ge [sflag:s22], s20  }
0x9f: {  	s3 =	ssub.s32 $0x0, s20;
	[sflag:s22] =	ssyncset.done $0x0  }
0xa0: {  	[sflag:s22] =	ssyncadd.s32 s3;
	_ =	sdelay $0x1  }
0xa1: {  	s23 =	simm.s32 $0x1B8B  }
0xa2: {  	_ =	swait.ge [sflag:s23], $0x1  }
0xa3: {  	[sflag:s23] =	ssyncset.done $0x0  }
0xa4: {  	s25 =	simm.s32 $0x1B8E;
	s24 =	sld [smem:$0x3FFE];
	[sflag:s23] =	ssyncadd.s32 $0xFFFFFFFF  }
0xa5: {  	s26 =	simm.s32 $execute0_lowered;
	[smem:$0x3FD2] =	sst s25  }
0xa6: {  	s4 =	sshll.u32 s26, $0x1;
	_ =	strace $0x80000049;
	[dreg:$0x1] =	wrdreg $0xFFFFFFFF  }
0xa7: {  	s28 =	simm.s32 $_size_execute0_lowered;
	s2 =	sadd.s32 s2, s4;
	[dreg:$0x0] =	wrdreg $0x0  }
0xa8: {  	s4 =	sshll.u32 s28, $0x1;
	[dreg:$0x2] =	wrdreg s2  }
0xa9: {  	[dreg:$0x3] =	wrdreg s4  }
0xaa: {  	[dreg:$0x4] =	wrdreg $0xC0  }
0xab: {  	_ =	task [dreg:s6], $0x5FFFF  }
0xac: {  	[dreg:$0x1] =	wrdreg $0xFFFFFFFF  }
0xad: {  	[dreg:$0x0] =	wrdreg $0x60  }
0xae: {  	[dreg:$0x2] =	wrdreg s24  }
0xaf: {  	[dreg:$0x3] =	wrdreg $0xA8000  }
0xb0: {  	[dreg:$0x4] =	wrdreg $0x9  }
0xb1: {  	_ =	task.clear_ibuf [dreg:s6], $0x5FFFF;
	_ =	strace $0x90000049  }
0xb2: {  	s29 =	simm.s32 $0x9;
	_ =	strace $0x8000004B  }
0xb3: {  	_ =	swait.ge [sflag:s29], $0x1  }
0xb4: {  	[sflag:s29] =	ssyncadd.s32 $0xFFFFFFFF  }
0xb5: {  	_ =	strace $0x9000004B  }
0xb6: {  	_ =	sfence  }
0xb7: {  	s30 =	sld [smem:$0x0];
	_ =	sdelay $0x2  }
0xb8: {  	s31 =	sshll.u32 s1, $0xD;
	s1 =	sshrl.u32 s1, $0x2  }
0xb9: {  	s3 =	sand.u32 $0x4000, s31;
	s1 =	sadd.s32 s1, s30  }
0xba: {  	s0 =	sor.u32 s3, s0;
	s1 =	sshll.u32 s1, $0x11  }
0xbb: {  	s0 =	sor.u32 s1, s0  }
0xbc: {  	s0 =	sadd.s32 $0x8F2B, s0  }
0xbd: {  	[sflag:s0] =	ssyncadd.remote.s32 $0x1  }
0xbe: {  	_ =	sfence.sel $0xFFFF  }
0xbf: {  	[dreg:$0x0] =	wrdreg $0xFFFFFFFF;
	(pc) =	sbr.abs _section_cstart, $3  }
0xc0: {  	[dreg:$0x1] =	wrdreg $0xFFFFFFFF  }
0xc1: {  	_ =	task.clear_ibuf [dreg:s6], $0x2FFFF;
	_ =	strace $0x9FFFFFFF  }
0xc2: {  	(tm) =	ssettm $0x7FFFFFFF  }
0xc3: {  	_ =	shalt  }
tec
execute0_lowered:
.L_overlay_start_1:
0x0: {  	(tag) =	ssettag $0x1  }
0x1: {  	s0 =	rddreg [dreg:$0x0]  }
0x2: {  	s2 =	rddreg [dreg:$0x1]  }
0x3: {  	s3 =	simm.s32 $0x0;
	s1 =	stileid.u32;
	s7 =	srdreg.scid  }
0x4: {  	s18 =	simm.s32 $0x1400;
	s19 =	simm.s32 $0x80;
	s20 =	simm.s32 $0x2800  }
0x5: {  	s21 =	simm.s32 $0x1;
	s22 =	simm.s32 $0x4800;
	s23 =	simm.s32 $0x6800  }
0x6: {  	s24 =	simm.s32 $0x2;
	s25 =	simm.s32 $0x0;
	[smem:$0x7FF] =	sst s3  }
0x7: {  	s9 =	smul.u32 $0x14000, s1;
	s4 =	sadd.s32 $0xA7200, s0;
	s5 =	sadd.s32 $0x93200, s0  }
0x8: {  	s13 =	sadd.s32 $0x66200, s0;
	s11 =	sand.u32 $0x1, s7;
	s14 =	sadd.s32 $0x2200, s0  }
0x9: {  	s7 =	sadd.s32 $0xE3200, s0;
	s16 =	smul.u32 $0x2800, s1;
	s8 =	sadd.s32 $0x10B200, s0  }
0xa: {  	s29 =	sshll.u32 s1, $0x6;
	_ =	strace $0x8000004A;
	s12 =	ssub.s32 $0x2, s11  }
0xb: {  	p0 =	seq.s32 s11, $0x1;
	s6 =	sshrl.u32 s9, $0x3;
	s15 =	sshrl.u32 s12, $0x1  }
.Ltmp0:
0xc: {  	s17 =	sadd.s32 s9, s2;
	s30 =	sshrl.u32 s16, $0x3;
	(pc) =	sbr.rel .LBB2_1-.Ltmp0, $4  }
0xd: {  	s10 =	sadd.s32 s6, s0;
	s28 =	ssub.s32 s12, s15;
	s31 =	sadd.s32 $0x280, s30  }
0xe: {  	s11 =	sadd.s32 s13, s30;
	s12 =	sadd.s32 s14, s30;
	s16 =	sshrl.u32 s17, $0x3  }
0xf: {  	s17 =	simm.s32 $0x3;
	s9 =	sadd.s32 $0xBB200, s10;
	s10 =	sor.u32 $0x1C03, s29  }
0x10: {  	s13 =	sadd.s32 s13, s31;
	s14 =	sadd.s32 s14, s31;
	s15 =	smax.u32 s28, $0x1  }
.LBB2_28:
0x11: {  	s25 =	sadd.s32 $0x1, s25  }
0x12: {  	p1 =	sne.s32 s25, s15  }
.Ltmp1:
0x13: {  	s0 =	sadd.s32 s0, s6;
	[bflag:$0x0] =	sbarrier.arrive $0xFFFF;
	(pc) =	sbr.rel @!p1 .LBB2_29-.Ltmp1, $4  }
0x14: {  	[hbm:s0], [sflag:s10] =	dma.local [spmem:s16], $0x2800  }
0x15: {  	_ =	swait.ge [sflag:s17], $0x2800  }
0x16: {  	[sflag:s17] =	ssyncset.done $0x0  }
0x17: {  	[sflag:s17] =	ssyncadd.s32 $0xFFFFD800  }
.LBB2_1:
0x18: {  	[spmem:s16], [sflag:s10] =	dma.local [hbm:s9], $0x2800  }
0x19: {  	_ =	swait.ge [sflag:s17], $0x2800  }
0x1a: {  	[sflag:s17] =	ssyncset.done $0x0  }
0x1b: {  	[sflag:s17] =	ssyncadd.s32 $0xFFFFD800  }
0x1c: {  	[bflag:$0x0] =	sbarrier.arrive $0xFFFF  }
0x1d: {  	[tilespmem:s3], [sflag:$0x3] =	stream.linear.gather [hbm4b:s11+s3], $0x1400, $0x38;
	[tilespmem:$0x1E800] =	vst v63  }
0x1e: {  	_ =	swait.ge [sflag:s17], $0x1400  }
0x1f: {  	[sflag:s17] =	ssyncset.done $0x0  }
.Ltmp2:
0x20: {  	[sflag:s17] =	ssyncadd.s32 $0xFFFFEC00;
	(pc) =	sbr.rel @!p0 .LBB2_2-.Ltmp2, $4  }
0x21: {  	[tilespmem:s18], [sflag:$0x3] =	stream.linear.gather [hbm4b:s12+s3], $0x1400, $0x38;
	[tilespmem:$0x1E800] =	vst v63  }
0x22: {  	_ =	swait.ge [sflag:s17], $0x1400  }
0x23: {  	[sflag:s17] =	ssyncset.done $0x0  }
0x24: {  	s26 =	simm.s32 $0x0;
	[sflag:s17] =	ssyncadd.s32 $0xFFFFEC00  }
0x25: {  	[tilespmem:s20], [sflag:$0x1] =	stream.indirect.gather [hbm4b:s5+s19], $0x40, s26, s19, $0xb8;
	[tilespmem:$0x1E800] =	vst v63  }
.LBB2_16:
0x26: {  	s29 =	sshll.u32 s26, $0xA;
	_ =	swait.ge [sflag:s21], $0x2000  }
0x27: {  	[sflag:s21] =	ssyncset.done $0x0;
	s0 =	sor.u32 $0x200, s29  }
0x28: {  	[sflag:s21] =	ssyncadd.s32 $0xFFFFE000;
	s28 =	sshrl.u32 s0, $0x2;
	s0 =	simm.s32 $0x0  }
0x29: {  	[tilespmem:s22], [sflag:$0x2] =	stream.indirect.gather [hbm4b:s5+s19], $0x40, s28, s19, $0xb8;
	[tilespmem:$0x1E800] =	vst v63  }
0x2a: {  	v0 =	vld [tilespmem:s0+$0x2800];
	_ =	sdelay $0x4  }
0x2b: {  	s30 =	simm.s32 $0x6840;
	v1 =	vshll.u32 v0, $0x10  }
0x2c: {  	v0 =	vand.u32 $0xFFFF0000, v0;
	[tilespmem:s30+$0xFFFFFFC0] =	vst v1  }
0x2d: {  	[tilespmem:s30+$0x0] =	vst v0  }
0x2e: {  	v0 =	vld [tilespmem:s0+$0x2810];
	_ =	sdelay $0x4  }
0x2f: {  	v1 =	vshll.u32 v0, $0x10  }
0x30: {  	v0 =	vand.u32 $0xFFFF0000, v0;
	[tilespmem:s30+$0xFFFFFFD0] =	vst v1  }
0x31: {  	[tilespmem:s30+$0x10] =	vst v0  }
0x32: {  	v0 =	vld [tilespmem:s0+$0x2820];
	_ =	sdelay $0x4  }
0x33: {  	v1 =	vand.u32 $0xFFFF0000, v0  }
0x34: {  	v0 =	vshll.u32 v0, $0x10;
	[tilespmem:s30+$0x20] =	vst v1  }
0x35: {  	[tilespmem:s30+$0xFFFFFFE0] =	vst v0  }
0x36: {  	v0 =	vld [tilespmem:s0+$0x2830];
	_ =	sdelay $0x4  }
0x37: {  	v1 =	vshll.u32 v0, $0x10  }
0x38: {  	v0 =	vand.u32 $0xFFFF0000, v0;
	[tilespmem:s30+$0xFFFFFFF0] =	vst v1  }
0x39: {  	s31 =	simm.s32 $0x40;
	[tilespmem:s30+$0x30] =	vst v0  }
0x3a: {  	v0 =	vld [tilespmem:s31+$0x2800]  }
0x3b: {  	s0 =	simm.s32 $0x200  }
.LBB2_17:
0x3c: {  	p1 =	sne.s32 s0, $0x7F00;
	_ =	sdelay $0x2  }
0x3d: {  	s30 =	sadd.s32 $0x80, s30;
	v1 =	vshll.u32 v0, $0x10  }
0x3e: {  	v0 =	vand.u32 $0xFFFF0000, v0;
	[tilespmem:s30+$0xFFFFFFC0] =	vst v1  }
0x3f: {  	[tilespmem:s30+$0x0] =	vst v0  }
0x40: {  	v0 =	vld [tilespmem:s31+$0x2810];
	_ =	sdelay $0x4  }
0x41: {  	v1 =	vshll.u32 v0, $0x10  }
0x42: {  	v0 =	vand.u32 $0xFFFF0000, v0;
	[tilespmem:s30+$0xFFFFFFD0] =	vst v1  }
0x43: {  	[tilespmem:s30+$0x10] =	vst v0  }
0x44: {  	v0 =	vld [tilespmem:s31+$0x2820];
	_ =	sdelay $0x4  }
0x45: {  	v1 =	vshll.u32 v0, $0x10;
	v0 =	vand.u32 $0xFFFF0000, v0  }
0x46: {  	[tilespmem:s30+$0x20] =	vst v0  }
0x47: {  	[tilespmem:s30+$0xFFFFFFE0] =	vst v1  }
0x48: {  	v0 =	vld [tilespmem:s31+$0x2830];
	_ =	sdelay $0x4  }
.Ltmp3:
0x49: {  	v1 =	vshll.u32 v0, $0x10;
	v0 =	vand.u32 $0xFFFF0000, v0;
	(pc) =	sbr.rel @p1 .LBB2_17-.Ltmp3, $4  }
0x4a: {  	[tilespmem:s30+$0xFFFFFFF0] =	vst v1  }
0x4b: {  	s31 =	sshra.s32 s0, $0x2;
	[tilespmem:s30+$0x30] =	vst v0  }
0x4c: {  	v0 =	vld [tilespmem:s31+$0x2800]  }
0x4d: {  	s0 =	sadd.s32 $0x100, s0  }
0x4e: {  	_ =	sdelay $0x2  }
0x4f: {  	s0 =	sadd.s32 $0x80, s30;
	v1 =	vshll.u32 v0, $0x10  }
0x50: {  	v0 =	vand.u32 $0xFFFF0000, v0;
	[tilespmem:s0+$0xFFFFFFC0] =	vst v1  }
0x51: {  	[tilespmem:s0+$0x0] =	vst v0  }
0x52: {  	v0 =	vld [tilespmem:s31+$0x2810];
	_ =	sdelay $0x4  }
0x53: {  	v1 =	vshll.u32 v0, $0x10  }
0x54: {  	v0 =	vand.u32 $0xFFFF0000, v0;
	[tilespmem:s0+$0xFFFFFFD0] =	vst v1  }
0x55: {  	[tilespmem:s0+$0x10] =	vst v0  }
0x56: {  	v0 =	vld [tilespmem:s31+$0x2820];
	_ =	sdelay $0x4  }
0x57: {  	v1 =	vand.u32 $0xFFFF0000, v0  }
0x58: {  	v0 =	vshll.u32 v0, $0x10;
	[tilespmem:s0+$0x20] =	vst v1  }
0x59: {  	[tilespmem:s0+$0xFFFFFFE0] =	vst v0  }
0x5a: {  	v0 =	vld [tilespmem:s31+$0x2830];
	_ =	sdelay $0x4  }
0x5b: {  	v1 =	vshll.u32 v0, $0x10  }
0x5c: {  	s30 =	sshrl.u32 s29, $0x2;
	v0 =	vand.u32 $0xFFFF0000, v0;
	[tilespmem:s0+$0xFFFFFFF0] =	vst v1  }
0x5d: {  	s31 =	sadd.s32 $0x1400, s30;
	[tilespmem:s0+$0x30] =	vst v0  }
0x5e: {  	[spmem:s2] =	stream.indirect.scatter.add.f32 [tilespmem:s23], [sflag:$0x3], $0x80, s31, s19, $0xb8;
	[tilespmem:$0x1E800] =	vst v63  }
0x5f: {  	_ =	swait.ge [sflag:s17], $0x4000  }
0x60: {  	[sflag:s17] =	ssyncset.done $0x0  }
0x61: {  	p1 =	seq.s32 s26, $0x13;
	[sflag:s17] =	ssyncadd.s32 $0xFFFFC000  }
0x62: {  	s30 =	simm.s32 @!p1 $0x2800;
	_ =	swait.ge [sflag:s24], $0x2000  }
0x63: {  	s0 =	sshrl.u32 @!p1 s29, $0x2;
	s29 =	simm.s32 @!p1 $0x80;
	[sflag:s24] =	ssyncset.done $0x0  }
0x64: {  	s0 =	sadd.s32 @!p1 $0x100, s0;
	s31 =	simm.s32 $0x0;
	[sflag:s24] =	ssyncadd.s32 $0xFFFFE000  }
0x65: {  	[tilespmem:s30], [sflag:$0x1] =	stream.indirect.gather @!p1 [hbm4b:s5+s29], $0x40, s0, s29, $0xb8;
	[tilespmem:$0x1E800] =	vst v63  }
0x66: {  	v0 =	vld [tilespmem:s31+$0x4800];
	_ =	sdelay $0x4  }
0x67: {  	s29 =	simm.s32 $0x6840;
	v1 =	vshll.u32 v0, $0x10  }
0x68: {  	v0 =	vand.u32 $0xFFFF0000, v0;
	[tilespmem:s29+$0xFFFFFFC0] =	vst v1  }
0x69: {  	[tilespmem:s29+$0x0] =	vst v0  }
0x6a: {  	v0 =	vld [tilespmem:s31+$0x4810];
	_ =	sdelay $0x4  }
0x6b: {  	v1 =	vshll.u32 v0, $0x10  }
0x6c: {  	v0 =	vand.u32 $0xFFFF0000, v0;
	[tilespmem:s29+$0xFFFFFFD0] =	vst v1  }
0x6d: {  	[tilespmem:s29+$0x10] =	vst v0  }
0x6e: {  	v0 =	vld [tilespmem:s31+$0x4820];
	_ =	sdelay $0x4  }
0x6f: {  	v1 =	vand.u32 $0xFFFF0000, v0  }
0x70: {  	v0 =	vshll.u32 v0, $0x10;
	[tilespmem:s29+$0x20] =	vst v1  }
0x71: {  	[tilespmem:s29+$0xFFFFFFE0] =	vst v0  }
0x72: {  	v0 =	vld [tilespmem:s31+$0x4830];
	_ =	sdelay $0x4  }
0x73: {  	v1 =	vshll.u32 v0, $0x10  }
0x74: {  	v0 =	vand.u32 $0xFFFF0000, v0;
	[tilespmem:s29+$0xFFFFFFF0] =	vst v1  }
0x75: {  	s30 =	simm.s32 $0x40;
	[tilespmem:s29+$0x30] =	vst v0  }
0x76: {  	v0 =	vld [tilespmem:s30+$0x4800]  }
0x77: {  	s0 =	simm.s32 $0x200  }
.LBB2_19:
0x78: {  	p1 =	sne.s32 s0, $0x7F00;
	_ =	sdelay $0x2  }
0x79: {  	s29 =	sadd.s32 $0x80, s29;
	v1 =	vshll.u32 v0, $0x10  }
0x7a: {  	v0 =	vand.u32 $0xFFFF0000, v0;
	[tilespmem:s29+$0xFFFFFFC0] =	vst v1  }
0x7b: {  	[tilespmem:s29+$0x0] =	vst v0  }
0x7c: {  	v0 =	vld [tilespmem:s30+$0x4810];
	_ =	sdelay $0x4  }
0x7d: {  	v1 =	vshll.u32 v0, $0x10  }
0x7e: {  	v0 =	vand.u32 $0xFFFF0000, v0;
	[tilespmem:s29+$0xFFFFFFD0] =	vst v1  }
0x7f: {  	[tilespmem:s29+$0x10] =	vst v0  }
0x80: {  	v0 =	vld [tilespmem:s30+$0x4820];
	_ =	sdelay $0x4  }
0x81: {  	v1 =	vshll.u32 v0, $0x10;
	v0 =	vand.u32 $0xFFFF0000, v0  }
0x82: {  	[tilespmem:s29+$0x20] =	vst v0  }
0x83: {  	[tilespmem:s29+$0xFFFFFFE0] =	vst v1  }
0x84: {  	v0 =	vld [tilespmem:s30+$0x4830];
	_ =	sdelay $0x4  }
.Ltmp4:
0x85: {  	v1 =	vshll.u32 v0, $0x10;
	v0 =	vand.u32 $0xFFFF0000, v0;
	(pc) =	sbr.rel @p1 .LBB2_19-.Ltmp4, $4  }
0x86: {  	[tilespmem:s29+$0xFFFFFFF0] =	vst v1  }
0x87: {  	s30 =	sshra.s32 s0, $0x2;
	[tilespmem:s29+$0x30] =	vst v0  }
0x88: {  	v0 =	vld [tilespmem:s30+$0x4800]  }
0x89: {  	s0 =	sadd.s32 $0x100, s0  }
0x8a: {  	_ =	sdelay $0x2  }
0x8b: {  	s0 =	sadd.s32 $0x80, s29;
	v1 =	vshll.u32 v0, $0x10  }
0x8c: {  	v60 =	vand.u32 $0xFFFF0000, v0;
	[tilespmem:s0+$0xFFFFFFC0] =	vst v1  }
0x8d: {  	[tilespmem:s0+$0x0] =	vst v60  }
0x8e: {  	v0 =	vld [tilespmem:s30+$0x4810];
	_ =	sdelay $0x4  }
0x8f: {  	v61 =	vshll.u32 v0, $0x10  }
0x90: {  	v0 =	vand.u32 $0xFFFF0000, v0;
	[tilespmem:s0+$0xFFFFFFD0] =	vst v61  }
0x91: {  	[tilespmem:s0+$0x10] =	vst v0  }
0x92: {  	v0 =	vld [tilespmem:s30+$0x4820];
	_ =	sdelay $0x4  }
0x93: {  	v62 =	vand.u32 $0xFFFF0000, v0  }
0x94: {  	v0 =	vshll.u32 v0, $0x10;
	[tilespmem:s0+$0x20] =	vst v62  }
0x95: {  	[tilespmem:s0+$0xFFFFFFE0] =	vst v0  }
0x96: {  	v0 =	vld [tilespmem:s30+$0x4830];
	_ =	sdelay $0x4  }
0x97: {  	s26 =	sadd.s32 $0x1, s26;
	v63 =	vshll.u32 v0, $0x10  }
0x98: {  	p1 =	sne.s32 s26, $0x14;
	v0 =	vand.u32 $0xFFFF0000, v0;
	[tilespmem:s0+$0xFFFFFFF0] =	vst v63  }
.Ltmp5:
0x99: {  	s31 =	sadd.s32 $0x1400, s28;
	[tilespmem:s0+$0x30] =	vst v0;
	(pc) =	sbr.rel @p1 .LBB2_16-.Ltmp5, $4  }
0x9a: {  	[spmem:s2] =	stream.indirect.scatter.add.f32 [tilespmem:s23], [sflag:$0x3], $0x80, s31, s19, $0xb8;
	[tilespmem:$0x1E800] =	vst v63  }
0x9b: {  	_ =	swait.ge [sflag:s17], $0x4000  }
0x9c: {  	[sflag:s17] =	ssyncset.done $0x0  }
0x9d: {  	[sflag:s17] =	ssyncadd.s32 $0xFFFFC000  }
0x9e: {  	s26 =	simm.s32 $0x0  }
0x9f: {  	[tilespmem:s26], [sflag:$0x3] =	stream.linear.gather [hbm4b:s13+s26], $0x1400, $0x38;
	[tilespmem:$0x1E800] =	vst v63  }
0xa0: {  	_ =	swait.ge [sflag:s17], $0x1400  }
0xa1: {  	[sflag:s17] =	ssyncset.done $0x0  }
0xa2: {  	[sflag:s17] =	ssyncadd.s32 $0xFFFFEC00  }
0xa3: {  	[tilespmem:s18], [sflag:$0x3] =	stream.linear.gather [hbm4b:s14+s26], $0x1400, $0x38;
	[tilespmem:$0x1E800] =	vst v63  }
0xa4: {  	_ =	swait.ge [sflag:s17], $0x1400  }
0xa5: {  	[sflag:s17] =	ssyncset.done $0x0  }
0xa6: {  	[sflag:s17] =	ssyncadd.s32 $0xFFFFEC00  }
0xa7: {  	[tilespmem:s20], [sflag:$0x1] =	stream.indirect.gather [hbm4b:s5+s19], $0x40, s26, s19, $0xb8;
	[tilespmem:$0x1E800] =	vst v63  }
.LBB2_22:
0xa8: {  	s29 =	sshll.u32 s26, $0xA;
	_ =	swait.ge [sflag:s21], $0x2000  }
0xa9: {  	[sflag:s21] =	ssyncset.done $0x0;
	s0 =	sor.u32 $0x200, s29  }
0xaa: {  	[sflag:s21] =	ssyncadd.s32 $0xFFFFE000;
	s28 =	sshrl.u32 s0, $0x2;
	s0 =	simm.s32 $0x0  }
0xab: {  	[tilespmem:s22], [sflag:$0x2] =	stream.indirect.gather [hbm4b:s5+s19], $0x40, s28, s19, $0xb8;
	[tilespmem:$0x1E800] =	vst v63  }
0xac: {  	v0 =	vld [tilespmem:s0+$0x2800];
	_ =	sdelay $0x4  }
0xad: {  	s30 =	simm.s32 $0x6840;
	v1 =	vshll.u32 v0, $0x10  }
0xae: {  	v0 =	vand.u32 $0xFFFF0000, v0;
	[tilespmem:s30+$0xFFFFFFC0] =	vst v1  }
0xaf: {  	[tilespmem:s30+$0x0] =	vst v0  }
0xb0: {  	v0 =	vld [tilespmem:s0+$0x2810];
	_ =	sdelay $0x4  }
0xb1: {  	v1 =	vshll.u32 v0, $0x10  }
0xb2: {  	v0 =	vand.u32 $0xFFFF0000, v0;
	[tilespmem:s30+$0xFFFFFFD0] =	vst v1  }
0xb3: {  	[tilespmem:s30+$0x10] =	vst v0  }
0xb4: {  	v0 =	vld [tilespmem:s0+$0x2820];
	_ =	sdelay $0x4  }
0xb5: {  	v1 =	vand.u32 $0xFFFF0000, v0  }
0xb6: {  	v0 =	vshll.u32 v0, $0x10;
	[tilespmem:s30+$0x20] =	vst v1  }
0xb7: {  	[tilespmem:s30+$0xFFFFFFE0] =	vst v0  }
0xb8: {  	v0 =	vld [tilespmem:s0+$0x2830];
	_ =	sdelay $0x4  }
0xb9: {  	v1 =	vshll.u32 v0, $0x10  }
0xba: {  	v0 =	vand.u32 $0xFFFF0000, v0;
	[tilespmem:s30+$0xFFFFFFF0] =	vst v1  }
0xbb: {  	s31 =	simm.s32 $0x40;
	[tilespmem:s30+$0x30] =	vst v0  }
0xbc: {  	v0 =	vld [tilespmem:s31+$0x2800]  }
0xbd: {  	s0 =	simm.s32 $0x200  }
.LBB2_23:
0xbe: {  	p1 =	sne.s32 s0, $0x7F00;
	_ =	sdelay $0x2  }
0xbf: {  	s30 =	sadd.s32 $0x80, s30;
	v1 =	vshll.u32 v0, $0x10  }
0xc0: {  	v0 =	vand.u32 $0xFFFF0000, v0;
	[tilespmem:s30+$0xFFFFFFC0] =	vst v1  }
0xc1: {  	[tilespmem:s30+$0x0] =	vst v0  }
0xc2: {  	v0 =	vld [tilespmem:s31+$0x2810];
	_ =	sdelay $0x4  }
0xc3: {  	v1 =	vshll.u32 v0, $0x10  }
0xc4: {  	v0 =	vand.u32 $0xFFFF0000, v0;
	[tilespmem:s30+$0xFFFFFFD0] =	vst v1  }
0xc5: {  	[tilespmem:s30+$0x10] =	vst v0  }
0xc6: {  	v0 =	vld [tilespmem:s31+$0x2820];
	_ =	sdelay $0x4  }
0xc7: {  	v1 =	vshll.u32 v0, $0x10;
	v0 =	vand.u32 $0xFFFF0000, v0  }
0xc8: {  	[tilespmem:s30+$0x20] =	vst v0  }
0xc9: {  	[tilespmem:s30+$0xFFFFFFE0] =	vst v1  }
0xca: {  	v0 =	vld [tilespmem:s31+$0x2830];
	_ =	sdelay $0x4  }
.Ltmp6:
0xcb: {  	v1 =	vshll.u32 v0, $0x10;
	v0 =	vand.u32 $0xFFFF0000, v0;
	(pc) =	sbr.rel @p1 .LBB2_23-.Ltmp6, $4  }
0xcc: {  	[tilespmem:s30+$0xFFFFFFF0] =	vst v1  }
0xcd: {  	s31 =	sshra.s32 s0, $0x2;
	[tilespmem:s30+$0x30] =	vst v0  }
0xce: {  	v0 =	vld [tilespmem:s31+$0x2800]  }
0xcf: {  	s0 =	sadd.s32 $0x100, s0  }
0xd0: {  	_ =	sdelay $0x2  }
0xd1: {  	s0 =	sadd.s32 $0x80, s30;
	v1 =	vshll.u32 v0, $0x10  }
0xd2: {  	v0 =	vand.u32 $0xFFFF0000, v0;
	[tilespmem:s0+$0xFFFFFFC0] =	vst v1  }
0xd3: {  	[tilespmem:s0+$0x0] =	vst v0  }
0xd4: {  	v0 =	vld [tilespmem:s31+$0x2810];
	_ =	sdelay $0x4  }
0xd5: {  	v1 =	vshll.u32 v0, $0x10  }
0xd6: {  	v0 =	vand.u32 $0xFFFF0000, v0;
	[tilespmem:s0+$0xFFFFFFD0] =	vst v1  }
0xd7: {  	[tilespmem:s0+$0x10] =	vst v0  }
0xd8: {  	v0 =	vld [tilespmem:s31+$0x2820];
	_ =	sdelay $0x4  }
0xd9: {  	v1 =	vand.u32 $0xFFFF0000, v0  }
0xda: {  	v0 =	vshll.u32 v0, $0x10;
	[tilespmem:s0+$0x20] =	vst v1  }
0xdb: {  	[tilespmem:s0+$0xFFFFFFE0] =	vst v0  }
0xdc: {  	v0 =	vld [tilespmem:s31+$0x2830];
	_ =	sdelay $0x4  }
0xdd: {  	v1 =	vshll.u32 v0, $0x10  }
0xde: {  	s30 =	sshrl.u32 s29, $0x2;
	v0 =	vand.u32 $0xFFFF0000, v0;
	[tilespmem:s0+$0xFFFFFFF0] =	vst v1  }
0xdf: {  	s31 =	sadd.s32 $0x1400, s30;
	[tilespmem:s0+$0x30] =	vst v0  }
0xe0: {  	[spmem:s2] =	stream.indirect.scatter.add.f32 [tilespmem:s23], [sflag:$0x3], $0x80, s31, s19, $0xb8;
	[tilespmem:$0x1E800] =	vst v63  }
0xe1: {  	_ =	swait.ge [sflag:s17], $0x4000  }
0xe2: {  	[sflag:s17] =	ssyncset.done $0x0  }
0xe3: {  	p1 =	seq.s32 s26, $0x13;
	[sflag:s17] =	ssyncadd.s32 $0xFFFFC000  }
0xe4: {  	s30 =	simm.s32 @!p1 $0x2800;
	_ =	swait.ge [sflag:s24], $0x2000  }
0xe5: {  	s0 =	sshrl.u32 @!p1 s29, $0x2;
	s29 =	simm.s32 @!p1 $0x80;
	[sflag:s24] =	ssyncset.done $0x0  }
0xe6: {  	s0 =	sadd.s32 @!p1 $0x100, s0;
	s31 =	simm.s32 $0x0;
	[sflag:s24] =	ssyncadd.s32 $0xFFFFE000  }
0xe7: {  	[tilespmem:s30], [sflag:$0x1] =	stream.indirect.gather @!p1 [hbm4b:s5+s29], $0x40, s0, s29, $0xb8;
	[tilespmem:$0x1E800] =	vst v63  }
0xe8: {  	v0 =	vld [tilespmem:s31+$0x4800];
	_ =	sdelay $0x4  }
0xe9: {  	s29 =	simm.s32 $0x6840;
	v1 =	vshll.u32 v0, $0x10  }
0xea: {  	v0 =	vand.u32 $0xFFFF0000, v0;
	[tilespmem:s29+$0xFFFFFFC0] =	vst v1  }
0xeb: {  	[tilespmem:s29+$0x0] =	vst v0  }
0xec: {  	v0 =	vld [tilespmem:s31+$0x4810];
	_ =	sdelay $0x4  }
0xed: {  	v1 =	vshll.u32 v0, $0x10  }
0xee: {  	v0 =	vand.u32 $0xFFFF0000, v0;
	[tilespmem:s29+$0xFFFFFFD0] =	vst v1  }
0xef: {  	[tilespmem:s29+$0x10] =	vst v0  }
0xf0: {  	v0 =	vld [tilespmem:s31+$0x4820];
	_ =	sdelay $0x4  }
0xf1: {  	v1 =	vand.u32 $0xFFFF0000, v0  }
0xf2: {  	v0 =	vshll.u32 v0, $0x10;
	[tilespmem:s29+$0x20] =	vst v1  }
0xf3: {  	[tilespmem:s29+$0xFFFFFFE0] =	vst v0  }
0xf4: {  	v0 =	vld [tilespmem:s31+$0x4830];
	_ =	sdelay $0x4  }
0xf5: {  	v1 =	vshll.u32 v0, $0x10  }
0xf6: {  	v0 =	vand.u32 $0xFFFF0000, v0;
	[tilespmem:s29+$0xFFFFFFF0] =	vst v1  }
0xf7: {  	s30 =	simm.s32 $0x40;
	[tilespmem:s29+$0x30] =	vst v0  }
0xf8: {  	v0 =	vld [tilespmem:s30+$0x4800]  }
0xf9: {  	s0 =	simm.s32 $0x200  }
.LBB2_25:
0xfa: {  	p1 =	sne.s32 s0, $0x7F00;
	_ =	sdelay $0x2  }
0xfb: {  	s29 =	sadd.s32 $0x80, s29;
	v1 =	vshll.u32 v0, $0x10  }
0xfc: {  	v0 =	vand.u32 $0xFFFF0000, v0;
	[tilespmem:s29+$0xFFFFFFC0] =	vst v1  }
0xfd: {  	[tilespmem:s29+$0x0] =	vst v0  }
0xfe: {  	v0 =	vld [tilespmem:s30+$0x4810];
	_ =	sdelay $0x4  }
0xff: {  	v1 =	vshll.u32 v0, $0x10  }
0x100: {  	v0 =	vand.u32 $0xFFFF0000, v0;
	[tilespmem:s29+$0xFFFFFFD0] =	vst v1  }
0x101: {  	[tilespmem:s29+$0x10] =	vst v0  }
0x102: {  	v0 =	vld [tilespmem:s30+$0x4820];
	_ =	sdelay $0x4  }
0x103: {  	v1 =	vshll.u32 v0, $0x10;
	v0 =	vand.u32 $0xFFFF0000, v0  }
0x104: {  	[tilespmem:s29+$0x20] =	vst v0  }
0x105: {  	[tilespmem:s29+$0xFFFFFFE0] =	vst v1  }
0x106: {  	v0 =	vld [tilespmem:s30+$0x4830];
	_ =	sdelay $0x4  }
.Ltmp7:
0x107: {  	v1 =	vshll.u32 v0, $0x10;
	v0 =	vand.u32 $0xFFFF0000, v0;
	(pc) =	sbr.rel @p1 .LBB2_25-.Ltmp7, $4  }
0x108: {  	[tilespmem:s29+$0xFFFFFFF0] =	vst v1  }
0x109: {  	s30 =	sshra.s32 s0, $0x2;
	[tilespmem:s29+$0x30] =	vst v0  }
0x10a: {  	v0 =	vld [tilespmem:s30+$0x4800]  }
0x10b: {  	s0 =	sadd.s32 $0x100, s0  }
0x10c: {  	_ =	sdelay $0x2  }
0x10d: {  	s0 =	sadd.s32 $0x80, s29;
	v1 =	vshll.u32 v0, $0x10  }
0x10e: {  	v60 =	vand.u32 $0xFFFF0000, v0;
	[tilespmem:s0+$0xFFFFFFC0] =	vst v1  }
0x10f: {  	[tilespmem:s0+$0x0] =	vst v60  }
0x110: {  	v0 =	vld [tilespmem:s30+$0x4810];
	_ =	sdelay $0x4  }
0x111: {  	v61 =	vshll.u32 v0, $0x10  }
0x112: {  	v0 =	vand.u32 $0xFFFF0000, v0;
	[tilespmem:s0+$0xFFFFFFD0] =	vst v61  }
0x113: {  	[tilespmem:s0+$0x10] =	vst v0  }
0x114: {  	v0 =	vld [tilespmem:s30+$0x4820];
	_ =	sdelay $0x4  }
0x115: {  	v62 =	vand.u32 $0xFFFF0000, v0  }
0x116: {  	v0 =	vshll.u32 v0, $0x10;
	[tilespmem:s0+$0x20] =	vst v62  }
0x117: {  	[tilespmem:s0+$0xFFFFFFE0] =	vst v0  }
0x118: {  	v0 =	vld [tilespmem:s30+$0x4830];
	_ =	sdelay $0x4  }
0x119: {  	s26 =	sadd.s32 $0x1, s26;
	v63 =	vshll.u32 v0, $0x10  }
0x11a: {  	p1 =	sne.s32 s26, $0x14;
	v0 =	vand.u32 $0xFFFF0000, v0;
	[tilespmem:s0+$0xFFFFFFF0] =	vst v63  }
.Ltmp8:
0x11b: {  	s31 =	sadd.s32 $0x1400, s28;
	[tilespmem:s0+$0x30] =	vst v0;
	(pc) =	sbr.rel @p1 .LBB2_22-.Ltmp8, $4  }
0x11c: {  	[spmem:s2] =	stream.indirect.scatter.add.f32 [tilespmem:s23], [sflag:$0x3], $0x80, s31, s19, $0xb8;
	[tilespmem:$0x1E800] =	vst v63  }
0x11d: {  	_ =	swait.ge [sflag:s17], $0x4000  }
0x11e: {  	[sflag:s17] =	ssyncset.done $0x0  }
0x11f: {  	[sflag:s17] =	ssyncadd.s32 $0xFFFFC000  }
.Ltmp9:
0x120: {  	(pc) =	sbr.rel .LBB2_28-.Ltmp9, $2  }
0x121: {  	_ =	sdelay $0x2  }
0x122: {  	s0 =	smov.u32 s8  }
.LBB2_2:
0x123: {  	[tilespmem:s20], [sflag:$0x1] =	stream.indirect.gather [hbm4b:s4+s19], $0x40, s26, s19, $0xb8;
	[tilespmem:$0x1E800] =	vst v63  }
.LBB2_3:
0x124: {  	s29 =	sshll.u32 s26, $0xA;
	_ =	swait.ge [sflag:s21], $0x2000  }
0x125: {  	[sflag:s21] =	ssyncset.done $0x0;
	s0 =	sor.u32 $0x200, s29  }
0x126: {  	[sflag:s21] =	ssyncadd.s32 $0xFFFFE000;
	s28 =	sshrl.u32 s0, $0x2;
	s0 =	simm.s32 $0x0  }
0x127: {  	[tilespmem:s22], [sflag:$0x2] =	stream.indirect.gather [hbm4b:s4+s19], $0x40, s28, s19, $0xb8;
	[tilespmem:$0x1E800] =	vst v63  }
0x128: {  	v0 =	vld [tilespmem:s0+$0x2800];
	_ =	sdelay $0x4  }
0x129: {  	s30 =	simm.s32 $0x6840;
	v1 =	vshll.u32 v0, $0x10  }
0x12a: {  	v0 =	vand.u32 $0xFFFF0000, v0;
	[tilespmem:s30+$0xFFFFFFC0] =	vst v1  }
0x12b: {  	[tilespmem:s30+$0x0] =	vst v0  }
0x12c: {  	v0 =	vld [tilespmem:s0+$0x2810];
	_ =	sdelay $0x4  }
0x12d: {  	v1 =	vshll.u32 v0, $0x10  }
0x12e: {  	v0 =	vand.u32 $0xFFFF0000, v0;
	[tilespmem:s30+$0xFFFFFFD0] =	vst v1  }
0x12f: {  	[tilespmem:s30+$0x10] =	vst v0  }
0x130: {  	v0 =	vld [tilespmem:s0+$0x2820];
	_ =	sdelay $0x4  }
0x131: {  	v1 =	vand.u32 $0xFFFF0000, v0  }
0x132: {  	v0 =	vshll.u32 v0, $0x10;
	[tilespmem:s30+$0x20] =	vst v1  }
0x133: {  	[tilespmem:s30+$0xFFFFFFE0] =	vst v0  }
0x134: {  	v0 =	vld [tilespmem:s0+$0x2830];
	_ =	sdelay $0x4  }
0x135: {  	v1 =	vshll.u32 v0, $0x10  }
0x136: {  	v0 =	vand.u32 $0xFFFF0000, v0;
	[tilespmem:s30+$0xFFFFFFF0] =	vst v1  }
0x137: {  	s31 =	simm.s32 $0x40;
	[tilespmem:s30+$0x30] =	vst v0  }
0x138: {  	v0 =	vld [tilespmem:s31+$0x2800]  }
0x139: {  	s0 =	simm.s32 $0x200  }
.LBB2_4:
0x13a: {  	p1 =	sne.s32 s0, $0x7F00;
	_ =	sdelay $0x2  }
0x13b: {  	s30 =	sadd.s32 $0x80, s30;
	v1 =	vshll.u32 v0, $0x10  }
0x13c: {  	v0 =	vand.u32 $0xFFFF0000, v0;
	[tilespmem:s30+$0xFFFFFFC0] =	vst v1  }
0x13d: {  	[tilespmem:s30+$0x0] =	vst v0  }
0x13e: {  	v0 =	vld [tilespmem:s31+$0x2810];
	_ =	sdelay $0x4  }
0x13f: {  	v1 =	vshll.u32 v0, $0x10  }
0x140: {  	v0 =	vand.u32 $0xFFFF0000, v0;
	[tilespmem:s30+$0xFFFFFFD0] =	vst v1  }
0x141: {  	[tilespmem:s30+$0x10] =	vst v0  }
0x142: {  	v0 =	vld [tilespmem:s31+$0x2820];
	_ =	sdelay $0x4  }
0x143: {  	v1 =	vshll.u32 v0, $0x10;
	v0 =	vand.u32 $0xFFFF0000, v0  }
0x144: {  	[tilespmem:s30+$0x20] =	vst v0  }
0x145: {  	[tilespmem:s30+$0xFFFFFFE0] =	vst v1  }
0x146: {  	v0 =	vld [tilespmem:s31+$0x2830];
	_ =	sdelay $0x4  }
.Ltmp10:
0x147: {  	v1 =	vshll.u32 v0, $0x10;
	v0 =	vand.u32 $0xFFFF0000, v0;
	(pc) =	sbr.rel @p1 .LBB2_4-.Ltmp10, $4  }
0x148: {  	[tilespmem:s30+$0xFFFFFFF0] =	vst v1  }
0x149: {  	s31 =	sshra.s32 s0, $0x2;
	[tilespmem:s30+$0x30] =	vst v0  }
0x14a: {  	v0 =	vld [tilespmem:s31+$0x2800]  }
0x14b: {  	s0 =	sadd.s32 $0x100, s0  }
0x14c: {  	_ =	sdelay $0x2  }
0x14d: {  	s0 =	sadd.s32 $0x80, s30;
	v1 =	vshll.u32 v0, $0x10  }
0x14e: {  	v0 =	vand.u32 $0xFFFF0000, v0;
	[tilespmem:s0+$0xFFFFFFC0] =	vst v1  }
0x14f: {  	[tilespmem:s0+$0x0] =	vst v0  }
0x150: {  	v0 =	vld [tilespmem:s31+$0x2810];
	_ =	sdelay $0x4  }
0x151: {  	v1 =	vshll.u32 v0, $0x10  }
0x152: {  	v0 =	vand.u32 $0xFFFF0000, v0;
	[tilespmem:s0+$0xFFFFFFD0] =	vst v1  }
0x153: {  	[tilespmem:s0+$0x10] =	vst v0  }
0x154: {  	v0 =	vld [tilespmem:s31+$0x2820];
	_ =	sdelay $0x4  }
0x155: {  	v1 =	vand.u32 $0xFFFF0000, v0  }
0x156: {  	v0 =	vshll.u32 v0, $0x10;
	[tilespmem:s0+$0x20] =	vst v1  }
0x157: {  	[tilespmem:s0+$0xFFFFFFE0] =	vst v0  }
0x158: {  	v0 =	vld [tilespmem:s31+$0x2830];
	_ =	sdelay $0x4  }
0x159: {  	v1 =	vshll.u32 v0, $0x10  }
0x15a: {  	s30 =	sshrl.u32 s29, $0x2;
	v0 =	vand.u32 $0xFFFF0000, v0;
	[tilespmem:s0+$0xFFFFFFF0] =	vst v1  }
0x15b: {  	s31 =	sadd.s32 $0x1400, s30;
	[tilespmem:s0+$0x30] =	vst v0  }
0x15c: {  	[spmem:s2] =	stream.indirect.scatter.add.f32 [tilespmem:s23], [sflag:$0x3], $0x80, s31, s19, $0xb8;
	[tilespmem:$0x1E800] =	vst v63  }
0x15d: {  	_ =	swait.ge [sflag:s17], $0x4000  }
0x15e: {  	[sflag:s17] =	ssyncset.done $0x0  }
0x15f: {  	p1 =	seq.s32 s26, $0x13;
	[sflag:s17] =	ssyncadd.s32 $0xFFFFC000  }
0x160: {  	s30 =	simm.s32 @!p1 $0x2800;
	_ =	swait.ge [sflag:s24], $0x2000  }
0x161: {  	s0 =	sshrl.u32 @!p1 s29, $0x2;
	s29 =	simm.s32 @!p1 $0x80;
	[sflag:s24] =	ssyncset.done $0x0  }
0x162: {  	s0 =	sadd.s32 @!p1 $0x100, s0;
	s31 =	simm.s32 $0x0;
	[sflag:s24] =	ssyncadd.s32 $0xFFFFE000  }
0x163: {  	[tilespmem:s30], [sflag:$0x1] =	stream.indirect.gather @!p1 [hbm4b:s4+s29], $0x40, s0, s29, $0xb8;
	[tilespmem:$0x1E800] =	vst v63  }
0x164: {  	v0 =	vld [tilespmem:s31+$0x4800];
	_ =	sdelay $0x4  }
0x165: {  	s29 =	simm.s32 $0x6840;
	v1 =	vshll.u32 v0, $0x10  }
0x166: {  	v0 =	vand.u32 $0xFFFF0000, v0;
	[tilespmem:s29+$0xFFFFFFC0] =	vst v1  }
0x167: {  	[tilespmem:s29+$0x0] =	vst v0  }
0x168: {  	v0 =	vld [tilespmem:s31+$0x4810];
	_ =	sdelay $0x4  }
0x169: {  	v1 =	vshll.u32 v0, $0x10  }
0x16a: {  	v0 =	vand.u32 $0xFFFF0000, v0;
	[tilespmem:s29+$0xFFFFFFD0] =	vst v1  }
0x16b: {  	[tilespmem:s29+$0x10] =	vst v0  }
0x16c: {  	v0 =	vld [tilespmem:s31+$0x4820];
	_ =	sdelay $0x4  }
0x16d: {  	v1 =	vand.u32 $0xFFFF0000, v0  }
0x16e: {  	v0 =	vshll.u32 v0, $0x10;
	[tilespmem:s29+$0x20] =	vst v1  }
0x16f: {  	[tilespmem:s29+$0xFFFFFFE0] =	vst v0  }
0x170: {  	v0 =	vld [tilespmem:s31+$0x4830];
	_ =	sdelay $0x4  }
0x171: {  	v1 =	vshll.u32 v0, $0x10  }
0x172: {  	v0 =	vand.u32 $0xFFFF0000, v0;
	[tilespmem:s29+$0xFFFFFFF0] =	vst v1  }
0x173: {  	s30 =	simm.s32 $0x40;
	[tilespmem:s29+$0x30] =	vst v0  }
0x174: {  	v0 =	vld [tilespmem:s30+$0x4800]  }
0x175: {  	s0 =	simm.s32 $0x200  }
.LBB2_6:
0x176: {  	p1 =	sne.s32 s0, $0x7F00;
	_ =	sdelay $0x2  }
0x177: {  	s29 =	sadd.s32 $0x80, s29;
	v1 =	vshll.u32 v0, $0x10  }
0x178: {  	v0 =	vand.u32 $0xFFFF0000, v0;
	[tilespmem:s29+$0xFFFFFFC0] =	vst v1  }
0x179: {  	[tilespmem:s29+$0x0] =	vst v0  }
0x17a: {  	v0 =	vld [tilespmem:s30+$0x4810];
	_ =	sdelay $0x4  }
0x17b: {  	v1 =	vshll.u32 v0, $0x10  }
0x17c: {  	v0 =	vand.u32 $0xFFFF0000, v0;
	[tilespmem:s29+$0xFFFFFFD0] =	vst v1  }
0x17d: {  	[tilespmem:s29+$0x10] =	vst v0  }
0x17e: {  	v0 =	vld [tilespmem:s30+$0x4820];
	_ =	sdelay $0x4  }
0x17f: {  	v1 =	vshll.u32 v0, $0x10;
	v0 =	vand.u32 $0xFFFF0000, v0  }
0x180: {  	[tilespmem:s29+$0x20] =	vst v0  }
0x181: {  	[tilespmem:s29+$0xFFFFFFE0] =	vst v1  }
0x182: {  	v0 =	vld [tilespmem:s30+$0x4830];
	_ =	sdelay $0x4  }
.Ltmp11:
0x183: {  	v1 =	vshll.u32 v0, $0x10;
	v0 =	vand.u32 $0xFFFF0000, v0;
	(pc) =	sbr.rel @p1 .LBB2_6-.Ltmp11, $4  }
0x184: {  	[tilespmem:s29+$0xFFFFFFF0] =	vst v1  }
0x185: {  	s30 =	sshra.s32 s0, $0x2;
	[tilespmem:s29+$0x30] =	vst v0  }
0x186: {  	v0 =	vld [tilespmem:s30+$0x4800]  }
0x187: {  	s0 =	sadd.s32 $0x100, s0  }
0x188: {  	_ =	sdelay $0x2  }
0x189: {  	s0 =	sadd.s32 $0x80, s29;
	v1 =	vshll.u32 v0, $0x10  }
0x18a: {  	v60 =	vand.u32 $0xFFFF0000, v0;
	[tilespmem:s0+$0xFFFFFFC0] =	vst v1  }
0x18b: {  	[tilespmem:s0+$0x0] =	vst v60  }
0x18c: {  	v0 =	vld [tilespmem:s30+$0x4810];
	_ =	sdelay $0x4  }
0x18d: {  	v61 =	vshll.u32 v0, $0x10  }
0x18e: {  	v0 =	vand.u32 $0xFFFF0000, v0;
	[tilespmem:s0+$0xFFFFFFD0] =	vst v61  }
0x18f: {  	[tilespmem:s0+$0x10] =	vst v0  }
0x190: {  	v0 =	vld [tilespmem:s30+$0x4820];
	_ =	sdelay $0x4  }
0x191: {  	v62 =	vand.u32 $0xFFFF0000, v0  }
0x192: {  	v0 =	vshll.u32 v0, $0x10;
	[tilespmem:s0+$0x20] =	vst v62  }
0x193: {  	[tilespmem:s0+$0xFFFFFFE0] =	vst v0  }
0x194: {  	v0 =	vld [tilespmem:s30+$0x4830];
	_ =	sdelay $0x4  }
0x195: {  	s26 =	sadd.s32 $0x1, s26;
	v63 =	vshll.u32 v0, $0x10  }
0x196: {  	p1 =	sne.s32 s26, $0x14;
	v0 =	vand.u32 $0xFFFF0000, v0;
	[tilespmem:s0+$0xFFFFFFF0] =	vst v63  }
.Ltmp12:
0x197: {  	s31 =	sadd.s32 $0x1400, s28;
	[tilespmem:s0+$0x30] =	vst v0;
	(pc) =	sbr.rel @p1 .LBB2_3-.Ltmp12, $4  }
0x198: {  	[spmem:s2] =	stream.indirect.scatter.add.f32 [tilespmem:s23], [sflag:$0x3], $0x80, s31, s19, $0xb8;
	[tilespmem:$0x1E800] =	vst v63  }
0x199: {  	_ =	swait.ge [sflag:s17], $0x4000  }
0x19a: {  	[sflag:s17] =	ssyncset.done $0x0  }
0x19b: {  	[sflag:s17] =	ssyncadd.s32 $0xFFFFC000  }
0x19c: {  	s26 =	simm.s32 $0x0  }
0x19d: {  	[tilespmem:s26], [sflag:$0x3] =	stream.linear.gather [hbm4b:s13+s26], $0x1400, $0x38;
	[tilespmem:$0x1E800] =	vst v63  }
0x19e: {  	_ =	swait.ge [sflag:s17], $0x1400  }
0x19f: {  	[sflag:s17] =	ssyncset.done $0x0  }
0x1a0: {  	[sflag:s17] =	ssyncadd.s32 $0xFFFFEC00  }
0x1a1: {  	[tilespmem:s18], [sflag:$0x3] =	stream.linear.gather [hbm4b:s14+s26], $0x1400, $0x38;
	[tilespmem:$0x1E800] =	vst v63  }
0x1a2: {  	_ =	swait.ge [sflag:s17], $0x1400  }
0x1a3: {  	[sflag:s17] =	ssyncset.done $0x0  }
0x1a4: {  	[sflag:s17] =	ssyncadd.s32 $0xFFFFEC00  }
0x1a5: {  	[tilespmem:s20], [sflag:$0x1] =	stream.indirect.gather [hbm4b:s4+s19], $0x40, s26, s19, $0xb8;
	[tilespmem:$0x1E800] =	vst v63  }
.LBB2_9:
0x1a6: {  	s29 =	sshll.u32 s26, $0xA;
	_ =	swait.ge [sflag:s21], $0x2000  }
0x1a7: {  	[sflag:s21] =	ssyncset.done $0x0;
	s0 =	sor.u32 $0x200, s29  }
0x1a8: {  	[sflag:s21] =	ssyncadd.s32 $0xFFFFE000;
	s28 =	sshrl.u32 s0, $0x2;
	s0 =	simm.s32 $0x0  }
0x1a9: {  	[tilespmem:s22], [sflag:$0x2] =	stream.indirect.gather [hbm4b:s4+s19], $0x40, s28, s19, $0xb8;
	[tilespmem:$0x1E800] =	vst v63  }
0x1aa: {  	v0 =	vld [tilespmem:s0+$0x2800];
	_ =	sdelay $0x4  }
0x1ab: {  	s30 =	simm.s32 $0x6840;
	v1 =	vshll.u32 v0, $0x10  }
0x1ac: {  	v0 =	vand.u32 $0xFFFF0000, v0;
	[tilespmem:s30+$0xFFFFFFC0] =	vst v1  }
0x1ad: {  	[tilespmem:s30+$0x0] =	vst v0  }
0x1ae: {  	v0 =	vld [tilespmem:s0+$0x2810];
	_ =	sdelay $0x4  }
0x1af: {  	v1 =	vshll.u32 v0, $0x10  }
0x1b0: {  	v0 =	vand.u32 $0xFFFF0000, v0;
	[tilespmem:s30+$0xFFFFFFD0] =	vst v1  }
0x1b1: {  	[tilespmem:s30+$0x10] =	vst v0  }
0x1b2: {  	v0 =	vld [tilespmem:s0+$0x2820];
	_ =	sdelay $0x4  }
0x1b3: {  	v1 =	vand.u32 $0xFFFF0000, v0  }
0x1b4: {  	v0 =	vshll.u32 v0, $0x10;
	[tilespmem:s30+$0x20] =	vst v1  }
0x1b5: {  	[tilespmem:s30+$0xFFFFFFE0] =	vst v0  }
0x1b6: {  	v0 =	vld [tilespmem:s0+$0x2830];
	_ =	sdelay $0x4  }
0x1b7: {  	v1 =	vshll.u32 v0, $0x10  }
0x1b8: {  	v0 =	vand.u32 $0xFFFF0000, v0;
	[tilespmem:s30+$0xFFFFFFF0] =	vst v1  }
0x1b9: {  	s31 =	simm.s32 $0x40;
	[tilespmem:s30+$0x30] =	vst v0  }
0x1ba: {  	v0 =	vld [tilespmem:s31+$0x2800]  }
0x1bb: {  	s0 =	simm.s32 $0x200  }
.LBB2_10:
0x1bc: {  	p1 =	sne.s32 s0, $0x7F00;
	_ =	sdelay $0x2  }
0x1bd: {  	s30 =	sadd.s32 $0x80, s30;
	v1 =	vshll.u32 v0, $0x10  }
0x1be: {  	v0 =	vand.u32 $0xFFFF0000, v0;
	[tilespmem:s30+$0xFFFFFFC0] =	vst v1  }
0x1bf: {  	[tilespmem:s30+$0x0] =	vst v0  }
0x1c0: {  	v0 =	vld [tilespmem:s31+$0x2810];
	_ =	sdelay $0x4  }
0x1c1: {  	v1 =	vshll.u32 v0, $0x10  }
0x1c2: {  	v0 =	vand.u32 $0xFFFF0000, v0;
	[tilespmem:s30+$0xFFFFFFD0] =	vst v1  }
0x1c3: {  	[tilespmem:s30+$0x10] =	vst v0  }
0x1c4: {  	v0 =	vld [tilespmem:s31+$0x2820];
	_ =	sdelay $0x4  }
0x1c5: {  	v1 =	vshll.u32 v0, $0x10;
	v0 =	vand.u32 $0xFFFF0000, v0  }
0x1c6: {  	[tilespmem:s30+$0x20] =	vst v0  }
0x1c7: {  	[tilespmem:s30+$0xFFFFFFE0] =	vst v1  }
0x1c8: {  	v0 =	vld [tilespmem:s31+$0x2830];
	_ =	sdelay $0x4  }
.Ltmp13:
0x1c9: {  	v1 =	vshll.u32 v0, $0x10;
	v0 =	vand.u32 $0xFFFF0000, v0;
	(pc) =	sbr.rel @p1 .LBB2_10-.Ltmp13, $4  }
0x1ca: {  	[tilespmem:s30+$0xFFFFFFF0] =	vst v1  }
0x1cb: {  	s31 =	sshra.s32 s0, $0x2;
	[tilespmem:s30+$0x30] =	vst v0  }
0x1cc: {  	v0 =	vld [tilespmem:s31+$0x2800]  }
0x1cd: {  	s0 =	sadd.s32 $0x100, s0  }
0x1ce: {  	_ =	sdelay $0x2  }
0x1cf: {  	s0 =	sadd.s32 $0x80, s30;
	v1 =	vshll.u32 v0, $0x10  }
0x1d0: {  	v0 =	vand.u32 $0xFFFF0000, v0;
	[tilespmem:s0+$0xFFFFFFC0] =	vst v1  }
0x1d1: {  	[tilespmem:s0+$0x0] =	vst v0  }
0x1d2: {  	v0 =	vld [tilespmem:s31+$0x2810];
	_ =	sdelay $0x4  }
0x1d3: {  	v1 =	vshll.u32 v0, $0x10  }
0x1d4: {  	v0 =	vand.u32 $0xFFFF0000, v0;
	[tilespmem:s0+$0xFFFFFFD0] =	vst v1  }
0x1d5: {  	[tilespmem:s0+$0x10] =	vst v0  }
0x1d6: {  	v0 =	vld [tilespmem:s31+$0x2820];
	_ =	sdelay $0x4  }
0x1d7: {  	v1 =	vand.u32 $0xFFFF0000, v0  }
0x1d8: {  	v0 =	vshll.u32 v0, $0x10;
	[tilespmem:s0+$0x20] =	vst v1  }
0x1d9: {  	[tilespmem:s0+$0xFFFFFFE0] =	vst v0  }
0x1da: {  	v0 =	vld [tilespmem:s31+$0x2830];
	_ =	sdelay $0x4  }
0x1db: {  	v1 =	vshll.u32 v0, $0x10  }
0x1dc: {  	s30 =	sshrl.u32 s29, $0x2;
	v0 =	vand.u32 $0xFFFF0000, v0;
	[tilespmem:s0+$0xFFFFFFF0] =	vst v1  }
0x1dd: {  	s31 =	sadd.s32 $0x1400, s30;
	[tilespmem:s0+$0x30] =	vst v0  }
0x1de: {  	[spmem:s2] =	stream.indirect.scatter.add.f32 [tilespmem:s23], [sflag:$0x3], $0x80, s31, s19, $0xb8;
	[tilespmem:$0x1E800] =	vst v63  }
0x1df: {  	_ =	swait.ge [sflag:s17], $0x4000  }
0x1e0: {  	[sflag:s17] =	ssyncset.done $0x0  }
0x1e1: {  	p1 =	seq.s32 s26, $0x13;
	[sflag:s17] =	ssyncadd.s32 $0xFFFFC000  }
0x1e2: {  	s30 =	simm.s32 @!p1 $0x2800;
	_ =	swait.ge [sflag:s24], $0x2000  }
0x1e3: {  	s0 =	sshrl.u32 @!p1 s29, $0x2;
	s29 =	simm.s32 @!p1 $0x80;
	[sflag:s24] =	ssyncset.done $0x0  }
0x1e4: {  	s0 =	sadd.s32 @!p1 $0x100, s0;
	s31 =	simm.s32 $0x0;
	[sflag:s24] =	ssyncadd.s32 $0xFFFFE000  }
0x1e5: {  	[tilespmem:s30], [sflag:$0x1] =	stream.indirect.gather @!p1 [hbm4b:s4+s29], $0x40, s0, s29, $0xb8;
	[tilespmem:$0x1E800] =	vst v63  }
0x1e6: {  	v0 =	vld [tilespmem:s31+$0x4800];
	_ =	sdelay $0x4  }
0x1e7: {  	s29 =	simm.s32 $0x6840;
	v1 =	vshll.u32 v0, $0x10  }
0x1e8: {  	v0 =	vand.u32 $0xFFFF0000, v0;
	[tilespmem:s29+$0xFFFFFFC0] =	vst v1  }
0x1e9: {  	[tilespmem:s29+$0x0] =	vst v0  }
0x1ea: {  	v0 =	vld [tilespmem:s31+$0x4810];
	_ =	sdelay $0x4  }
0x1eb: {  	v1 =	vshll.u32 v0, $0x10  }
0x1ec: {  	v0 =	vand.u32 $0xFFFF0000, v0;
	[tilespmem:s29+$0xFFFFFFD0] =	vst v1  }
0x1ed: {  	[tilespmem:s29+$0x10] =	vst v0  }
0x1ee: {  	v0 =	vld [tilespmem:s31+$0x4820];
	_ =	sdelay $0x4  }
0x1ef: {  	v1 =	vand.u32 $0xFFFF0000, v0  }
0x1f0: {  	v0 =	vshll.u32 v0, $0x10;
	[tilespmem:s29+$0x20] =	vst v1  }
0x1f1: {  	[tilespmem:s29+$0xFFFFFFE0] =	vst v0  }
0x1f2: {  	v0 =	vld [tilespmem:s31+$0x4830];
	_ =	sdelay $0x4  }
0x1f3: {  	v1 =	vshll.u32 v0, $0x10  }
0x1f4: {  	v0 =	vand.u32 $0xFFFF0000, v0;
	[tilespmem:s29+$0xFFFFFFF0] =	vst v1  }
0x1f5: {  	s30 =	simm.s32 $0x40;
	[tilespmem:s29+$0x30] =	vst v0  }
0x1f6: {  	v0 =	vld [tilespmem:s30+$0x4800]  }
0x1f7: {  	s0 =	simm.s32 $0x200  }
.LBB2_12:
0x1f8: {  	p1 =	sne.s32 s0, $0x7F00;
	_ =	sdelay $0x2  }
0x1f9: {  	s29 =	sadd.s32 $0x80, s29;
	v1 =	vshll.u32 v0, $0x10  }
0x1fa: {  	v0 =	vand.u32 $0xFFFF0000, v0;
	[tilespmem:s29+$0xFFFFFFC0] =	vst v1  }
0x1fb: {  	[tilespmem:s29+$0x0] =	vst v0  }
0x1fc: {  	v0 =	vld [tilespmem:s30+$0x4810];
	_ =	sdelay $0x4  }
0x1fd: {  	v1 =	vshll.u32 v0, $0x10  }
0x1fe: {  	v0 =	vand.u32 $0xFFFF0000, v0;
	[tilespmem:s29+$0xFFFFFFD0] =	vst v1  }
0x1ff: {  	[tilespmem:s29+$0x10] =	vst v0  }
0x200: {  	v0 =	vld [tilespmem:s30+$0x4820];
	_ =	sdelay $0x4  }
0x201: {  	v1 =	vshll.u32 v0, $0x10;
	v0 =	vand.u32 $0xFFFF0000, v0  }
0x202: {  	[tilespmem:s29+$0x20] =	vst v0  }
0x203: {  	[tilespmem:s29+$0xFFFFFFE0] =	vst v1  }
0x204: {  	v0 =	vld [tilespmem:s30+$0x4830];
	_ =	sdelay $0x4  }
.Ltmp14:
0x205: {  	v1 =	vshll.u32 v0, $0x10;
	v0 =	vand.u32 $0xFFFF0000, v0;
	(pc) =	sbr.rel @p1 .LBB2_12-.Ltmp14, $4  }
0x206: {  	[tilespmem:s29+$0xFFFFFFF0] =	vst v1  }
0x207: {  	s30 =	sshra.s32 s0, $0x2;
	[tilespmem:s29+$0x30] =	vst v0  }
0x208: {  	v0 =	vld [tilespmem:s30+$0x4800]  }
0x209: {  	s0 =	sadd.s32 $0x100, s0  }
0x20a: {  	_ =	sdelay $0x2  }
0x20b: {  	s0 =	sadd.s32 $0x80, s29;
	v1 =	vshll.u32 v0, $0x10  }
0x20c: {  	v60 =	vand.u32 $0xFFFF0000, v0;
	[tilespmem:s0+$0xFFFFFFC0] =	vst v1  }
0x20d: {  	[tilespmem:s0+$0x0] =	vst v60  }
0x20e: {  	v0 =	vld [tilespmem:s30+$0x4810];
	_ =	sdelay $0x4  }
0x20f: {  	v61 =	vshll.u32 v0, $0x10  }
0x210: {  	v0 =	vand.u32 $0xFFFF0000, v0;
	[tilespmem:s0+$0xFFFFFFD0] =	vst v61  }
0x211: {  	[tilespmem:s0+$0x10] =	vst v0  }
0x212: {  	v0 =	vld [tilespmem:s30+$0x4820];
	_ =	sdelay $0x4  }
0x213: {  	v62 =	vand.u32 $0xFFFF0000, v0  }
0x214: {  	v0 =	vshll.u32 v0, $0x10;
	[tilespmem:s0+$0x20] =	vst v62  }
0x215: {  	[tilespmem:s0+$0xFFFFFFE0] =	vst v0  }
0x216: {  	v0 =	vld [tilespmem:s30+$0x4830];
	_ =	sdelay $0x4  }
0x217: {  	s26 =	sadd.s32 $0x1, s26;
	v63 =	vshll.u32 v0, $0x10  }
0x218: {  	p1 =	seq.s32 s26, $0x14;
	v0 =	vand.u32 $0xFFFF0000, v0;
	[tilespmem:s0+$0xFFFFFFF0] =	vst v63  }
.Ltmp15:
0x219: {  	s31 =	sadd.s32 $0x1400, s28;
	[tilespmem:s0+$0x30] =	vst v0;
	(pc) =	sbr.rel @!p1 .LBB2_9-.Ltmp15, $4  }
0x21a: {  	[spmem:s2] =	stream.indirect.scatter.add.f32 [tilespmem:s23], [sflag:$0x3], $0x80, s31, s19, $0xb8;
	[tilespmem:$0x1E800] =	vst v63  }
0x21b: {  	_ =	swait.ge [sflag:s17], $0x4000  }
0x21c: {  	[sflag:s17] =	ssyncset.done $0x0  }
0x21d: {  	[sflag:s17] =	ssyncadd.s32 $0xFFFFC000  }
.Ltmp16:
0x21e: {  	(pc) =	sbr.rel .LBB2_28-.Ltmp16, $2  }
0x21f: {  	_ =	sdelay $0x2  }
0x220: {  	s0 =	smov.u32 s7  }
.LBB2_29:
0x221: {  	_ =	sfence.sel $0x180000  }
0x222: {  	[bflag:$0x0] =	sbarrier.arrive $0xFFFF  }
0x223: {  	_ =	strace $0x9000004A  }
0x224: {  	[bflag:$0x2] =	sbarrier.arrive $0xFFFF  }
0x225: {  	p0 =	sne.s32 s1, $0x0;
	s0 =	rddreg [dreg:$0x2]  }
0x226: {  	s0 =	sadd.s32 @!p0 $0x100000, s0  }
0x227: {  	[sflag:s0] =	ssyncadd.tile.s32 @!p0 $0x1;
	_ =	shalt  }
.Lfunc_end2:
_tile_overlayer_lowered:
.L_overlay_start_2:
0x228: {  	(tag) =	ssettag $0x2  }
0x229: {  	s0 =	rddreg [dreg:$0x0];
	s2 =	stileid.u32  }
0x22a: {  	s1 =	rddreg [dreg:$0x1];
	p0 =	sne.s32 s2, $0x0  }
0x22b: {  	s3 =	rddreg [dreg:$0x2];
	[bflag:$0x3] =	sbarrier.arrive $0xFFFF;
	s2 =	simm.s32 @!p0 $0x1C03  }
0x22c: {  	[timem:s3], [sflag:s2] =	dma.local @!p0 [hbm:s0], s1  }
0x22d: {  	s0 =	simm.s32 @!p0 $0x3  }
0x22e: {  	_ =	swait.ge @!p0 [sflag:s0], s1  }
0x22f: {  	s1 =	ssub.s32 @!p0 $0x0, s1;
	[sflag:s0] =	ssyncset.done @!p0 $0x0  }
0x230: {  	[sflag:s0] =	ssyncadd.s32 @!p0 s1  }
0x231: {  	[bflag:$0x3] =	sbarrier.arrive $0xFFFF  }
0x232: {  	_ =	shalt  }

// kernel: kernel.14.cloned.1.call-start
scs
__scs_entry_jumppad:
0x0: {  	(pc) =	sbr.rel $0x88, $3  }
0x1: {  	(tag) =	ssettag $0x0;
	lr =	simm.s32 $0x1  }
0x2: {  	[smem:$0x3F98] =	sst lr;
	_ =	strace $0xD0000000  }
0x3: {  	_ = 	snop  }
0x4: {  	_ = 	snop  }
0x5: {  	_ = 	snop  }
0x6: {  	_ = 	snop  }
0x7: {  	_ = 	snop  }
__scs_overlays_trampoline_lowered:
0x8: {  	[smem:$0x3FA7] =	sst s0  }
0x9: {  	[smem:$0x3FA8] =	sst s1  }
0xa: {  	[smem:$0x3FA9] =	sst s2  }
0xb: {  	[smem:$0x3FAA] =	sst s3  }
0xc: {  	[smem:$0x3FAB] =	sst s4  }
0xd: {  	[smem:$0x3FAC] =	sst s5  }
0xe: {  	[smem:$0x3FAD] =	sst s6  }
0xf: {  	[smem:$0x3FAE] =	sst s7  }
0x10: {  	[smem:$0x3FAF] =	sst s8  }
0x11: {  	[smem:$0x3FB0] =	sst s9;
	s0 =	simm.s32 @!p0 $0x0  }
0x12: {  	s1 =	sld [smem:$0x3F96];
	s0 =	simm.s32 @p0 $0x1  }
0x13: {  	[smem:$0x3FB1] =	sst s0;
	s0 =	simm.s32 @!p1 $0x0  }
0x14: {  	s2 =	sld [smem:$0x3F95];
	s0 =	simm.s32 @p1 $0x1  }
0x15: {  	[smem:$0x3FB2] =	sst s0;
	s0 =	simm.s32 @!p2 $0x0  }
0x16: {  	s3 =	sld [smem:$0x3FDB];
	s0 =	simm.s32 @p2 $0x1  }
0x17: {  	s4 =	simm.s32 $0x1BF5;
	[smem:$0x3FB4] =	sst s0  }
0x18: {  	s0 =	sld [smem:$0x3F97];
	_ =	swait.ge [sflag:s4], $0x0  }
0x19: {  	s7 =	sld [smem:$0x3F98]  }
0x1a: {  	s8 =	sadd.s32 $0xFFFFE003, lr  }
0x1b: {  	s9 =	sadd.s32 $0xFFFFFEF7, lr;
	s5 =	simm.s32 $0xFFFFFFFF;
	p2 =	slt.u32 s8, $0xFFFFF086  }
0x1c: {  	p1 =	slt.u32 s9, $0xF7A;
	s5 =	simm.s32 @!p2 $0x0  }
0x1d: {  	s5 =	simm.s32 @p1 $0x1;
	p0 =	seq.s32 s7, s2  }
0x1e: {  	s7 =	smul.u32 @!p0 $0xF7A, s2;
	p2 =	seq.s32 @!p0 s5, $0x0  }
0x1f: {  	s9 =	smul.u32 $0xF7A, s1;
	s8 =	simm.s32 @!p0 $0x1BF5;
	p2 =	por !p2, p0  }
0x20: {  	[sflag:s8] =	ssyncset.s32 @!p0 $0xFFFFF086;
	s6 =	sadd.s32 @!p0 s3, s7;
	s7 =	simm.s32 @!p0 $0x108  }
0x21: {  	s3 =	sadd.s32 s3, s9;
	s6 =	sadd.s32 @!p0 $0x88, s6;
	s7 =	simm.s32 @p2 $0x1082  }
0x22: {  	[simem:s7], [sflag:s8] =	dma.local @!p0 [hbm:s6], $0xF7A  }
0x23: {  	s9 =	sor.u32 $0xD0000000, s2;
	s6 =	simm.s32 $0x108;
	_ =	swait.ge @!p0 [sflag:s8], $0x0  }
0x24: {  	s3 =	sadd.s32 $0x88, s3;
	s6 =	simm.s32 @!p1 $0x1082;
	[sflag:s4] =	ssyncset.s32 $0xFFFFF086  }
0x25: {  	[simem:s6], [sflag:s4] =	dma.local [hbm:s3], $0xF7A  }
0x26: {  	[smem:$0x3F98] =	sst s1;
	(tag) =	ssettag s2;
	_ =	strace s9  }
0x27: {  	s1 =	sld [smem:$0x3FA8]  }
0x28: {  	s2 =	sld [smem:$0x3FA9]  }
0x29: {  	s4 =	sld [smem:$0x3FAB]  }
0x2a: {  	p0 =	seq.s32 s5, $0x0;
	s5 =	sld [smem:$0x3FAC]  }
0x2b: {  	s6 =	sld [smem:$0x3FAD]  }
0x2c: {  	s7 =	sld [smem:$0x3FAE]  }
0x2d: {  	s3 =	simm.s32 $0x108;
	s8 =	sld [smem:$0x3FAF]  }
0x2e: {  	s3 =	simm.s32 @!p0 $0x1082;
	s9 =	sld [smem:$0x3FB0]  }
0x2f: {  	lr =	sadd.s32 s0, s3;
	s0 =	sld [smem:$0x3FA7]  }
0x30: {  	s3 =	sld [smem:$0x3FAA]  }
0x31: {  	[smem:$0x3FB3] =	sst s10  }
0x32: {  	s10 =	sld [smem:$0x3FB1];
	_ =	sdelay $0x3  }
0x33: {  	p0 =	seq.s32 s10, $0x1;
	s10 =	sld [smem:$0x3FB3];
	_ =	sdelay $0x3  }
0x34: {  	[smem:$0x3FB3] =	sst s10  }
0x35: {  	s10 =	sld [smem:$0x3FB2];
	_ =	sdelay $0x3  }
0x36: {  	p1 =	seq.s32 s10, $0x1;
	s10 =	sld [smem:$0x3FB3];
	_ =	sdelay $0x3  }
0x37: {  	[smem:$0x3FB3] =	sst s10  }
0x38: {  	s10 =	sld [smem:$0x3FB4]  }
0x39: {  	_ = 	snop;
	(pc) =	sbr.ind lr, $3  }
0x3a: {  	_ = 	snop  }
0x3b: {  	_ = 	snop  }
0x3c: {  	p2 =	seq.s32 s10, $0x1;
	s10 =	sld [smem:$0x3FB3]  }
0x3d: {  	_ =	shalt  }
0x3e: {  	_ =	shalt  }
0x3f: {  	_ =	shalt  }
0x40: {  	_ =	shalt  }
0x41: {  	_ =	shalt  }
0x42: {  	_ =	shalt  }
0x43: {  	_ =	shalt  }
0x44: {  	_ =	shalt  }
0x45: {  	_ =	shalt  }
0x46: {  	_ =	shalt  }
0x47: {  	_ =	shalt  }
0x48: {  	_ =	shalt  }
0x49: {  	_ =	shalt  }
0x4a: {  	_ =	shalt  }
0x4b: {  	_ =	shalt  }
0x4c: {  	_ =	shalt  }
0x4d: {  	_ =	shalt  }
0x4e: {  	_ =	shalt  }
0x4f: {  	_ =	shalt  }
0x50: {  	_ =	shalt  }
0x51: {  	_ =	shalt  }
0x52: {  	_ =	shalt  }
0x53: {  	_ =	shalt  }
0x54: {  	_ =	shalt  }
0x55: {  	_ =	shalt  }
0x56: {  	_ =	shalt  }
0x57: {  	_ =	shalt  }
0x58: {  	_ =	shalt  }
0x59: {  	_ =	shalt  }
0x5a: {  	_ =	shalt  }
0x5b: {  	_ =	shalt  }
0x5c: {  	_ =	shalt  }
0x5d: {  	_ =	shalt  }
0x5e: {  	_ =	shalt  }
0x5f: {  	_ =	shalt  }
0x60: {  	_ =	shalt  }
0x61: {  	_ =	shalt  }
0x62: {  	_ =	shalt  }
0x63: {  	_ =	shalt  }
0x64: {  	_ =	shalt  }
0x65: {  	_ =	shalt  }
0x66: {  	_ =	shalt  }
0x67: {  	_ =	shalt  }
0x68: {  	_ =	shalt  }
0x69: {  	_ =	shalt  }
0x6a: {  	_ =	shalt  }
0x6b: {  	_ =	shalt  }
0x6c: {  	_ =	shalt  }
0x6d: {  	_ =	shalt  }
0x6e: {  	_ =	shalt  }
0x6f: {  	_ =	shalt  }
0x70: {  	_ =	shalt  }
0x71: {  	_ =	shalt  }
0x72: {  	_ =	shalt  }
0x73: {  	_ =	shalt  }
0x74: {  	_ =	shalt  }
0x75: {  	_ =	shalt  }
0x76: {  	_ =	shalt  }
0x77: {  	_ =	shalt  }
0x78: {  	_ =	shalt  }
0x79: {  	_ =	shalt  }
0x7a: {  	_ =	shalt  }
0x7b: {  	_ =	shalt  }
0x7c: {  	_ =	shalt  }
0x7d: {  	_ =	shalt  }
0x7e: {  	_ =	shalt  }
0x7f: {  	_ =	shalt  }
0x80: {  	_ =	shalt  }
0x81: {  	_ =	shalt  }
0x82: {  	_ =	shalt  }
0x83: {  	_ =	shalt  }
0x84: {  	_ =	shalt  }
0x85: {  	_ =	shalt  }
0x86: {  	_ =	shalt  }
0x87: {  	_ =	shalt  }
.Lfunc_end0:
.L_simem_size_0:
called_computation.2_lowered:
.L_overlay_start_0:
0x88: {  	s2 =	sld [smem:$0x3FD9]  }
0x89: {  	s3 =	sld [smem:$0x3FFE];
	_ =	sdelay $0x1  }
0x8a: {  	s1 =	srdreg.scid  }
0x8b: {  	s0 =	sand.u32 $0x1, s1  }
0x8c: {  	s16 =	sshll.u32 s0, $0xA;
	s2 =	sadd.s32 s3, s2  }
0x8d: {  	s2 =	sadd.s32 s2, s16  }
0x8e: {  	[smem:$0x3FBF] =	sst s2  }
0x8f: {  	_ = 	snop  }
0x90: {  	(tm) =	ssettm $0x1  }
0x91: {  	s17 =	sld [smem:$0x3FFB];
	_ =	sdelay $0x3  }
0x92: {  	_ =	strace s17  }
0x93: {  	s2 =	sld [smem:$0x3FFC];
	_ =	sdelay $0x3  }
0x94: {  	_ =	strace s2  }
0x95: {  	s2 =	sld [smem:$0x3FFD];
	_ =	sdelay $0x3  }
0x96: {  	_ =	strace s2  }
0x97: {  	_ =	strace $0x8FFFFFFF  }
0x98: {  	s18 =	sld [smem:$0x3FDB];
	_ =	sdelay $0x1  }
0x99: {  	s19 =	simm.s32 $_scs_section_size  }
0x9a: {  	s4 =	simm.s32 $_size__tile_overlayer_lowered;
	s5 =	simm.s32 $_tile_overlayer_lowered  }
0x9b: {  	s22 =	simm.s32 $0x1BFF;
	s21 =	sshll.u32 s5, $0x1;
	s2 =	sadd.s32 s19, s18  }
0x9c: {  	s6 =	simm.s32 $0x0;
	s20 =	sshll.u32 s4, $0x1;
	s4 =	sadd.s32 s21, s2  }
0x9d: {  	[timem:s6], [sflag:s22] =	dma.local [hbm:s4], s20  }
0x9e: {  	_ =	swait.ge [sflag:s22], s20  }
0x9f: {  	s3 =	ssub.s32 $0x0, s20;
	[sflag:s22] =	ssyncset.done $0x0  }
0xa0: {  	[sflag:s22] =	ssyncadd.s32 s3;
	_ =	sdelay $0x1  }
0xa1: {  	s23 =	simm.s32 $0x1B8B  }
0xa2: {  	_ =	swait.ge [sflag:s23], $0x1  }
0xa3: {  	[sflag:s23] =	ssyncset.done $0x0  }
0xa4: {  	s25 =	simm.s32 $0x1B8E;
	s24 =	sld [smem:$0x3FFE];
	[sflag:s23] =	ssyncadd.s32 $0xFFFFFFFF  }
0xa5: {  	s26 =	simm.s32 $execute0_lowered;
	[smem:$0x3FD2] =	sst s25  }
0xa6: {  	s4 =	sshll.u32 s26, $0x1;
	_ =	strace $0x8000004C;
	[dreg:$0x1] =	wrdreg $0xFFFFFFFF  }
0xa7: {  	s28 =	simm.s32 $_size_execute0_lowered;
	s2 =	sadd.s32 s2, s4;
	[dreg:$0x0] =	wrdreg $0x0  }
0xa8: {  	s4 =	sshll.u32 s28, $0x1;
	[dreg:$0x2] =	wrdreg s2  }
0xa9: {  	[dreg:$0x3] =	wrdreg s4  }
0xaa: {  	[dreg:$0x4] =	wrdreg $0xC0  }
0xab: {  	_ =	task [dreg:s6], $0x5FFFF  }
0xac: {  	[dreg:$0x1] =	wrdreg $0xFFFFFFFF  }
0xad: {  	[dreg:$0x0] =	wrdreg $0x60  }
0xae: {  	[dreg:$0x2] =	wrdreg s24  }
0xaf: {  	[dreg:$0x3] =	wrdreg $0xA8000  }
0xb0: {  	[dreg:$0x4] =	wrdreg $0x9  }
0xb1: {  	_ =	task.clear_ibuf [dreg:s6], $0x5FFFF;
	_ =	strace $0x9000004C  }
0xb2: {  	s29 =	simm.s32 $0x9;
	_ =	strace $0x8000004E  }
0xb3: {  	_ =	swait.ge [sflag:s29], $0x1  }
0xb4: {  	[sflag:s29] =	ssyncadd.s32 $0xFFFFFFFF  }
0xb5: {  	_ =	strace $0x9000004E  }
0xb6: {  	_ =	sfence  }
0xb7: {  	s30 =	sld [smem:$0x0];
	_ =	sdelay $0x2  }
0xb8: {  	s31 =	sshll.u32 s1, $0xD;
	s1 =	sshrl.u32 s1, $0x2  }
0xb9: {  	s3 =	sand.u32 $0x4000, s31;
	s1 =	sadd.s32 s1, s30  }
0xba: {  	s0 =	sor.u32 s3, s0;
	s1 =	sshll.u32 s1, $0x11  }
0xbb: {  	s0 =	sor.u32 s1, s0  }
0xbc: {  	s0 =	sadd.s32 $0x8F2B, s0  }
0xbd: {  	[sflag:s0] =	ssyncadd.remote.s32 $0x1  }
0xbe: {  	_ =	sfence.sel $0xFFFF  }
0xbf: {  	[dreg:$0x0] =	wrdreg $0xFFFFFFFF;
	(pc) =	sbr.abs _section_cstart, $3  }
0xc0: {  	[dreg:$0x1] =	wrdreg $0xFFFFFFFF  }
0xc1: {  	_ =	task.clear_ibuf [dreg:s6], $0x2FFFF;
	_ =	strace $0x9FFFFFFF  }
0xc2: {  	(tm) =	ssettm $0x7FFFFFFF  }
0xc3: {  	_ =	shalt  }
tec
execute0_lowered:
.L_overlay_start_1:
0x0: {  	(tag) =	ssettag $0x1  }
0x1: {  	s0 =	rddreg [dreg:$0x0]  }
0x2: {  	s2 =	rddreg [dreg:$0x1]  }
0x3: {  	s3 =	simm.s32 $0x0;
	s1 =	stileid.u32;
	s7 =	srdreg.scid  }
0x4: {  	s18 =	simm.s32 $0x1400;
	s19 =	simm.s32 $0x80;
	s20 =	simm.s32 $0x2800  }
0x5: {  	s21 =	simm.s32 $0x1;
	s22 =	simm.s32 $0x4800;
	s23 =	simm.s32 $0x6800  }
0x6: {  	s24 =	simm.s32 $0x2;
	s25 =	simm.s32 $0x0;
	[smem:$0x7FF] =	sst s3  }
0x7: {  	s9 =	smul.u32 $0x14000, s1;
	s4 =	sadd.s32 $0x43200, s0;
	s5 =	sadd.s32 $0x2F200, s0  }
0x8: {  	s13 =	sadd.s32 $0x66200, s0;
	s11 =	sand.u32 $0x1, s7;
	s14 =	sadd.s32 $0x2200, s0  }
0x9: {  	s7 =	sadd.s32 $0x6B200, s0;
	s16 =	smul.u32 $0x2800, s1;
	s8 =	sadd.s32 $0x93200, s0  }
0xa: {  	s29 =	sshll.u32 s1, $0x6;
	_ =	strace $0x8000004D;
	s12 =	ssub.s32 $0x2, s11  }
0xb: {  	p0 =	seq.s32 s11, $0x1;
	s6 =	sshrl.u32 s9, $0x3;
	s15 =	sshrl.u32 s12, $0x1  }
.Ltmp0:
0xc: {  	s17 =	sadd.s32 s9, s2;
	s30 =	sshrl.u32 s16, $0x3;
	(pc) =	sbr.rel .LBB2_1-.Ltmp0, $4  }
0xd: {  	s10 =	sadd.s32 s6, s0;
	s28 =	ssub.s32 s12, s15;
	s31 =	sadd.s32 $0x280, s30  }
0xe: {  	s11 =	sadd.s32 s13, s30;
	s12 =	sadd.s32 s14, s30;
	s16 =	sshrl.u32 s17, $0x3  }
0xf: {  	s17 =	simm.s32 $0x3;
	s9 =	sadd.s32 $0xBB200, s10;
	s10 =	sor.u32 $0x1C03, s29  }
0x10: {  	s13 =	sadd.s32 s13, s31;
	s14 =	sadd.s32 s14, s31;
	s15 =	smax.u32 s28, $0x1  }
.LBB2_28:
0x11: {  	s25 =	sadd.s32 $0x1, s25  }
0x12: {  	p1 =	sne.s32 s25, s15  }
.Ltmp1:
0x13: {  	s0 =	sadd.s32 s0, s6;
	[bflag:$0x0] =	sbarrier.arrive $0xFFFF;
	(pc) =	sbr.rel @!p1 .LBB2_29-.Ltmp1, $4  }
0x14: {  	[hbm:s0], [sflag:s10] =	dma.local [spmem:s16], $0x2800  }
0x15: {  	_ =	swait.ge [sflag:s17], $0x2800  }
0x16: {  	[sflag:s17] =	ssyncset.done $0x0  }
0x17: {  	[sflag:s17] =	ssyncadd.s32 $0xFFFFD800  }
.LBB2_1:
0x18: {  	[spmem:s16], [sflag:s10] =	dma.local [hbm:s9], $0x2800  }
0x19: {  	_ =	swait.ge [sflag:s17], $0x2800  }
0x1a: {  	[sflag:s17] =	ssyncset.done $0x0  }
0x1b: {  	[sflag:s17] =	ssyncadd.s32 $0xFFFFD800  }
0x1c: {  	[bflag:$0x0] =	sbarrier.arrive $0xFFFF  }
0x1d: {  	[tilespmem:s3], [sflag:$0x3] =	stream.linear.gather [hbm4b:s11+s3], $0x1400, $0x38;
	[tilespmem:$0x1E800] =	vst v63  }
0x1e: {  	_ =	swait.ge [sflag:s17], $0x1400  }
0x1f: {  	[sflag:s17] =	ssyncset.done $0x0  }
.Ltmp2:
0x20: {  	[sflag:s17] =	ssyncadd.s32 $0xFFFFEC00;
	(pc) =	sbr.rel @!p0 .LBB2_2-.Ltmp2, $4  }
0x21: {  	[tilespmem:s18], [sflag:$0x3] =	stream.linear.gather [hbm4b:s12+s3], $0x1400, $0x38;
	[tilespmem:$0x1E800] =	vst v63  }
0x22: {  	_ =	swait.ge [sflag:s17], $0x1400  }
0x23: {  	[sflag:s17] =	ssyncset.done $0x0  }
0x24: {  	s26 =	simm.s32 $0x0;
	[sflag:s17] =	ssyncadd.s32 $0xFFFFEC00  }
0x25: {  	[tilespmem:s20], [sflag:$0x1] =	stream.indirect.gather [hbm4b:s5+s19], $0x40, s26, s19, $0xb8;
	[tilespmem:$0x1E800] =	vst v63  }
.LBB2_16:
0x26: {  	s29 =	sshll.u32 s26, $0xA;
	_ =	swait.ge [sflag:s21], $0x2000  }
0x27: {  	[sflag:s21] =	ssyncset.done $0x0;
	s0 =	sor.u32 $0x200, s29  }
0x28: {  	[sflag:s21] =	ssyncadd.s32 $0xFFFFE000;
	s28 =	sshrl.u32 s0, $0x2;
	s0 =	simm.s32 $0x0  }
0x29: {  	[tilespmem:s22], [sflag:$0x2] =	stream.indirect.gather [hbm4b:s5+s19], $0x40, s28, s19, $0xb8;
	[tilespmem:$0x1E800] =	vst v63  }
0x2a: {  	v0 =	vld [tilespmem:s0+$0x2800];
	_ =	sdelay $0x4  }
0x2b: {  	s30 =	simm.s32 $0x6840;
	v1 =	vshll.u32 v0, $0x10  }
0x2c: {  	v0 =	vand.u32 $0xFFFF0000, v0;
	[tilespmem:s30+$0xFFFFFFC0] =	vst v1  }
0x2d: {  	[tilespmem:s30+$0x0] =	vst v0  }
0x2e: {  	v0 =	vld [tilespmem:s0+$0x2810];
	_ =	sdelay $0x4  }
0x2f: {  	v1 =	vshll.u32 v0, $0x10  }
0x30: {  	v0 =	vand.u32 $0xFFFF0000, v0;
	[tilespmem:s30+$0xFFFFFFD0] =	vst v1  }
0x31: {  	[tilespmem:s30+$0x10] =	vst v0  }
0x32: {  	v0 =	vld [tilespmem:s0+$0x2820];
	_ =	sdelay $0x4  }
0x33: {  	v1 =	vand.u32 $0xFFFF0000, v0  }
0x34: {  	v0 =	vshll.u32 v0, $0x10;
	[tilespmem:s30+$0x20] =	vst v1  }
0x35: {  	[tilespmem:s30+$0xFFFFFFE0] =	vst v0  }
0x36: {  	v0 =	vld [tilespmem:s0+$0x2830];
	_ =	sdelay $0x4  }
0x37: {  	v1 =	vshll.u32 v0, $0x10  }
0x38: {  	v0 =	vand.u32 $0xFFFF0000, v0;
	[tilespmem:s30+$0xFFFFFFF0] =	vst v1  }
0x39: {  	s31 =	simm.s32 $0x40;
	[tilespmem:s30+$0x30] =	vst v0  }
0x3a: {  	v0 =	vld [tilespmem:s31+$0x2800]  }
0x3b: {  	s0 =	simm.s32 $0x200  }
.LBB2_17:
0x3c: {  	p1 =	sne.s32 s0, $0x7F00;
	_ =	sdelay $0x2  }
0x3d: {  	s30 =	sadd.s32 $0x80, s30;
	v1 =	vshll.u32 v0, $0x10  }
0x3e: {  	v0 =	vand.u32 $0xFFFF0000, v0;
	[tilespmem:s30+$0xFFFFFFC0] =	vst v1  }
0x3f: {  	[tilespmem:s30+$0x0] =	vst v0  }
0x40: {  	v0 =	vld [tilespmem:s31+$0x2810];
	_ =	sdelay $0x4  }
0x41: {  	v1 =	vshll.u32 v0, $0x10  }
0x42: {  	v0 =	vand.u32 $0xFFFF0000, v0;
	[tilespmem:s30+$0xFFFFFFD0] =	vst v1  }
0x43: {  	[tilespmem:s30+$0x10] =	vst v0  }
0x44: {  	v0 =	vld [tilespmem:s31+$0x2820];
	_ =	sdelay $0x4  }
0x45: {  	v1 =	vshll.u32 v0, $0x10;
	v0 =	vand.u32 $0xFFFF0000, v0  }
0x46: {  	[tilespmem:s30+$0x20] =	vst v0  }
0x47: {  	[tilespmem:s30+$0xFFFFFFE0] =	vst v1  }
0x48: {  	v0 =	vld [tilespmem:s31+$0x2830];
	_ =	sdelay $0x4  }
.Ltmp3:
0x49: {  	v1 =	vshll.u32 v0, $0x10;
	v0 =	vand.u32 $0xFFFF0000, v0;
	(pc) =	sbr.rel @p1 .LBB2_17-.Ltmp3, $4  }
0x4a: {  	[tilespmem:s30+$0xFFFFFFF0] =	vst v1  }
0x4b: {  	s31 =	sshra.s32 s0, $0x2;
	[tilespmem:s30+$0x30] =	vst v0  }
0x4c: {  	v0 =	vld [tilespmem:s31+$0x2800]  }
0x4d: {  	s0 =	sadd.s32 $0x100, s0  }
0x4e: {  	_ =	sdelay $0x2  }
0x4f: {  	s0 =	sadd.s32 $0x80, s30;
	v1 =	vshll.u32 v0, $0x10  }
0x50: {  	v0 =	vand.u32 $0xFFFF0000, v0;
	[tilespmem:s0+$0xFFFFFFC0] =	vst v1  }
0x51: {  	[tilespmem:s0+$0x0] =	vst v0  }
0x52: {  	v0 =	vld [tilespmem:s31+$0x2810];
	_ =	sdelay $0x4  }
0x53: {  	v1 =	vshll.u32 v0, $0x10  }
0x54: {  	v0 =	vand.u32 $0xFFFF0000, v0;
	[tilespmem:s0+$0xFFFFFFD0] =	vst v1  }
0x55: {  	[tilespmem:s0+$0x10] =	vst v0  }
0x56: {  	v0 =	vld [tilespmem:s31+$0x2820];
	_ =	sdelay $0x4  }
0x57: {  	v1 =	vand.u32 $0xFFFF0000, v0  }
0x58: {  	v0 =	vshll.u32 v0, $0x10;
	[tilespmem:s0+$0x20] =	vst v1  }
0x59: {  	[tilespmem:s0+$0xFFFFFFE0] =	vst v0  }
0x5a: {  	v0 =	vld [tilespmem:s31+$0x2830];
	_ =	sdelay $0x4  }
0x5b: {  	v1 =	vshll.u32 v0, $0x10  }
0x5c: {  	s30 =	sshrl.u32 s29, $0x2;
	v0 =	vand.u32 $0xFFFF0000, v0;
	[tilespmem:s0+$0xFFFFFFF0] =	vst v1  }
0x5d: {  	s31 =	sadd.s32 $0x1400, s30;
	[tilespmem:s0+$0x30] =	vst v0  }
0x5e: {  	[spmem:s2] =	stream.indirect.scatter.add.f32 [tilespmem:s23], [sflag:$0x3], $0x80, s31, s19, $0xb8;
	[tilespmem:$0x1E800] =	vst v63  }
0x5f: {  	_ =	swait.ge [sflag:s17], $0x4000  }
0x60: {  	[sflag:s17] =	ssyncset.done $0x0  }
0x61: {  	p1 =	seq.s32 s26, $0x13;
	[sflag:s17] =	ssyncadd.s32 $0xFFFFC000  }
0x62: {  	s30 =	simm.s32 @!p1 $0x2800;
	_ =	swait.ge [sflag:s24], $0x2000  }
0x63: {  	s0 =	sshrl.u32 @!p1 s29, $0x2;
	s29 =	simm.s32 @!p1 $0x80;
	[sflag:s24] =	ssyncset.done $0x0  }
0x64: {  	s0 =	sadd.s32 @!p1 $0x100, s0;
	s31 =	simm.s32 $0x0;
	[sflag:s24] =	ssyncadd.s32 $0xFFFFE000  }
0x65: {  	[tilespmem:s30], [sflag:$0x1] =	stream.indirect.gather @!p1 [hbm4b:s5+s29], $0x40, s0, s29, $0xb8;
	[tilespmem:$0x1E800] =	vst v63  }
0x66: {  	v0 =	vld [tilespmem:s31+$0x4800];
	_ =	sdelay $0x4  }
0x67: {  	s29 =	simm.s32 $0x6840;
	v1 =	vshll.u32 v0, $0x10  }
0x68: {  	v0 =	vand.u32 $0xFFFF0000, v0;
	[tilespmem:s29+$0xFFFFFFC0] =	vst v1  }
0x69: {  	[tilespmem:s29+$0x0] =	vst v0  }
0x6a: {  	v0 =	vld [tilespmem:s31+$0x4810];
	_ =	sdelay $0x4  }
0x6b: {  	v1 =	vshll.u32 v0, $0x10  }
0x6c: {  	v0 =	vand.u32 $0xFFFF0000, v0;
	[tilespmem:s29+$0xFFFFFFD0] =	vst v1  }
0x6d: {  	[tilespmem:s29+$0x10] =	vst v0  }
0x6e: {  	v0 =	vld [tilespmem:s31+$0x4820];
	_ =	sdelay $0x4  }
0x6f: {  	v1 =	vand.u32 $0xFFFF0000, v0  }
0x70: {  	v0 =	vshll.u32 v0, $0x10;
	[tilespmem:s29+$0x20] =	vst v1  }
0x71: {  	[tilespmem:s29+$0xFFFFFFE0] =	vst v0  }
0x72: {  	v0 =	vld [tilespmem:s31+$0x4830];
	_ =	sdelay $0x4  }
0x73: {  	v1 =	vshll.u32 v0, $0x10  }
0x74: {  	v0 =	vand.u32 $0xFFFF0000, v0;
	[tilespmem:s29+$0xFFFFFFF0] =	vst v1  }
0x75: {  	s30 =	simm.s32 $0x40;
	[tilespmem:s29+$0x30] =	vst v0  }
0x76: {  	v0 =	vld [tilespmem:s30+$0x4800]  }
0x77: {  	s0 =	simm.s32 $0x200  }
.LBB2_19:
0x78: {  	p1 =	sne.s32 s0, $0x7F00;
	_ =	sdelay $0x2  }
0x79: {  	s29 =	sadd.s32 $0x80, s29;
	v1 =	vshll.u32 v0, $0x10  }
0x7a: {  	v0 =	vand.u32 $0xFFFF0000, v0;
	[tilespmem:s29+$0xFFFFFFC0] =	vst v1  }
0x7b: {  	[tilespmem:s29+$0x0] =	vst v0  }
0x7c: {  	v0 =	vld [tilespmem:s30+$0x4810];
	_ =	sdelay $0x4  }
0x7d: {  	v1 =	vshll.u32 v0, $0x10  }
0x7e: {  	v0 =	vand.u32 $0xFFFF0000, v0;
	[tilespmem:s29+$0xFFFFFFD0] =	vst v1  }
0x7f: {  	[tilespmem:s29+$0x10] =	vst v0  }
0x80: {  	v0 =	vld [tilespmem:s30+$0x4820];
	_ =	sdelay $0x4  }
0x81: {  	v1 =	vshll.u32 v0, $0x10;
	v0 =	vand.u32 $0xFFFF0000, v0  }
0x82: {  	[tilespmem:s29+$0x20] =	vst v0  }
0x83: {  	[tilespmem:s29+$0xFFFFFFE0] =	vst v1  }
0x84: {  	v0 =	vld [tilespmem:s30+$0x4830];
	_ =	sdelay $0x4  }
.Ltmp4:
0x85: {  	v1 =	vshll.u32 v0, $0x10;
	v0 =	vand.u32 $0xFFFF0000, v0;
	(pc) =	sbr.rel @p1 .LBB2_19-.Ltmp4, $4  }
0x86: {  	[tilespmem:s29+$0xFFFFFFF0] =	vst v1  }
0x87: {  	s30 =	sshra.s32 s0, $0x2;
	[tilespmem:s29+$0x30] =	vst v0  }
0x88: {  	v0 =	vld [tilespmem:s30+$0x4800]  }
0x89: {  	s0 =	sadd.s32 $0x100, s0  }
0x8a: {  	_ =	sdelay $0x2  }
0x8b: {  	s0 =	sadd.s32 $0x80, s29;
	v1 =	vshll.u32 v0, $0x10  }
0x8c: {  	v60 =	vand.u32 $0xFFFF0000, v0;
	[tilespmem:s0+$0xFFFFFFC0] =	vst v1  }
0x8d: {  	[tilespmem:s0+$0x0] =	vst v60  }
0x8e: {  	v0 =	vld [tilespmem:s30+$0x4810];
	_ =	sdelay $0x4  }
0x8f: {  	v61 =	vshll.u32 v0, $0x10  }
0x90: {  	v0 =	vand.u32 $0xFFFF0000, v0;
	[tilespmem:s0+$0xFFFFFFD0] =	vst v61  }
0x91: {  	[tilespmem:s0+$0x10] =	vst v0  }
0x92: {  	v0 =	vld [tilespmem:s30+$0x4820];
	_ =	sdelay $0x4  }
0x93: {  	v62 =	vand.u32 $0xFFFF0000, v0  }
0x94: {  	v0 =	vshll.u32 v0, $0x10;
	[tilespmem:s0+$0x20] =	vst v62  }
0x95: {  	[tilespmem:s0+$0xFFFFFFE0] =	vst v0  }
0x96: {  	v0 =	vld [tilespmem:s30+$0x4830];
	_ =	sdelay $0x4  }
0x97: {  	s26 =	sadd.s32 $0x1, s26;
	v63 =	vshll.u32 v0, $0x10  }
0x98: {  	p1 =	sne.s32 s26, $0x14;
	v0 =	vand.u32 $0xFFFF0000, v0;
	[tilespmem:s0+$0xFFFFFFF0] =	vst v63  }
.Ltmp5:
0x99: {  	s31 =	sadd.s32 $0x1400, s28;
	[tilespmem:s0+$0x30] =	vst v0;
	(pc) =	sbr.rel @p1 .LBB2_16-.Ltmp5, $4  }
0x9a: {  	[spmem:s2] =	stream.indirect.scatter.add.f32 [tilespmem:s23], [sflag:$0x3], $0x80, s31, s19, $0xb8;
	[tilespmem:$0x1E800] =	vst v63  }
0x9b: {  	_ =	swait.ge [sflag:s17], $0x4000  }
0x9c: {  	[sflag:s17] =	ssyncset.done $0x0  }
0x9d: {  	[sflag:s17] =	ssyncadd.s32 $0xFFFFC000  }
0x9e: {  	s26 =	simm.s32 $0x0  }
0x9f: {  	[tilespmem:s26], [sflag:$0x3] =	stream.linear.gather [hbm4b:s13+s26], $0x1400, $0x38;
	[tilespmem:$0x1E800] =	vst v63  }
0xa0: {  	_ =	swait.ge [sflag:s17], $0x1400  }
0xa1: {  	[sflag:s17] =	ssyncset.done $0x0  }
0xa2: {  	[sflag:s17] =	ssyncadd.s32 $0xFFFFEC00  }
0xa3: {  	[tilespmem:s18], [sflag:$0x3] =	stream.linear.gather [hbm4b:s14+s26], $0x1400, $0x38;
	[tilespmem:$0x1E800] =	vst v63  }
0xa4: {  	_ =	swait.ge [sflag:s17], $0x1400  }
0xa5: {  	[sflag:s17] =	ssyncset.done $0x0  }
0xa6: {  	[sflag:s17] =	ssyncadd.s32 $0xFFFFEC00  }
0xa7: {  	[tilespmem:s20], [sflag:$0x1] =	stream.indirect.gather [hbm4b:s5+s19], $0x40, s26, s19, $0xb8;
	[tilespmem:$0x1E800] =	vst v63  }
.LBB2_22:
0xa8: {  	s29 =	sshll.u32 s26, $0xA;
	_ =	swait.ge [sflag:s21], $0x2000  }
0xa9: {  	[sflag:s21] =	ssyncset.done $0x0;
	s0 =	sor.u32 $0x200, s29  }
0xaa: {  	[sflag:s21] =	ssyncadd.s32 $0xFFFFE000;
	s28 =	sshrl.u32 s0, $0x2;
	s0 =	simm.s32 $0x0  }
0xab: {  	[tilespmem:s22], [sflag:$0x2] =	stream.indirect.gather [hbm4b:s5+s19], $0x40, s28, s19, $0xb8;
	[tilespmem:$0x1E800] =	vst v63  }
0xac: {  	v0 =	vld [tilespmem:s0+$0x2800];
	_ =	sdelay $0x4  }
0xad: {  	s30 =	simm.s32 $0x6840;
	v1 =	vshll.u32 v0, $0x10  }
0xae: {  	v0 =	vand.u32 $0xFFFF0000, v0;
	[tilespmem:s30+$0xFFFFFFC0] =	vst v1  }
0xaf: {  	[tilespmem:s30+$0x0] =	vst v0  }
0xb0: {  	v0 =	vld [tilespmem:s0+$0x2810];
	_ =	sdelay $0x4  }
0xb1: {  	v1 =	vshll.u32 v0, $0x10  }
0xb2: {  	v0 =	vand.u32 $0xFFFF0000, v0;
	[tilespmem:s30+$0xFFFFFFD0] =	vst v1  }
0xb3: {  	[tilespmem:s30+$0x10] =	vst v0  }
0xb4: {  	v0 =	vld [tilespmem:s0+$0x2820];
	_ =	sdelay $0x4  }
0xb5: {  	v1 =	vand.u32 $0xFFFF0000, v0  }
0xb6: {  	v0 =	vshll.u32 v0, $0x10;
	[tilespmem:s30+$0x20] =	vst v1  }
0xb7: {  	[tilespmem:s30+$0xFFFFFFE0] =	vst v0  }
0xb8: {  	v0 =	vld [tilespmem:s0+$0x2830];
	_ =	sdelay $0x4  }
0xb9: {  	v1 =	vshll.u32 v0, $0x10  }
0xba: {  	v0 =	vand.u32 $0xFFFF0000, v0;
	[tilespmem:s30+$0xFFFFFFF0] =	vst v1  }
0xbb: {  	s31 =	simm.s32 $0x40;
	[tilespmem:s30+$0x30] =	vst v0  }
0xbc: {  	v0 =	vld [tilespmem:s31+$0x2800]  }
0xbd: {  	s0 =	simm.s32 $0x200  }
.LBB2_23:
0xbe: {  	p1 =	sne.s32 s0, $0x7F00;
	_ =	sdelay $0x2  }
0xbf: {  	s30 =	sadd.s32 $0x80, s30;
	v1 =	vshll.u32 v0, $0x10  }
0xc0: {  	v0 =	vand.u32 $0xFFFF0000, v0;
	[tilespmem:s30+$0xFFFFFFC0] =	vst v1  }
0xc1: {  	[tilespmem:s30+$0x0] =	vst v0  }
0xc2: {  	v0 =	vld [tilespmem:s31+$0x2810];
	_ =	sdelay $0x4  }
0xc3: {  	v1 =	vshll.u32 v0, $0x10  }
0xc4: {  	v0 =	vand.u32 $0xFFFF0000, v0;
	[tilespmem:s30+$0xFFFFFFD0] =	vst v1  }
0xc5: {  	[tilespmem:s30+$0x10] =	vst v0  }
0xc6: {  	v0 =	vld [tilespmem:s31+$0x2820];
	_ =	sdelay $0x4  }
0xc7: {  	v1 =	vshll.u32 v0, $0x10;
	v0 =	vand.u32 $0xFFFF0000, v0  }
0xc8: {  	[tilespmem:s30+$0x20] =	vst v0  }
0xc9: {  	[tilespmem:s30+$0xFFFFFFE0] =	vst v1  }
0xca: {  	v0 =	vld [tilespmem:s31+$0x2830];
	_ =	sdelay $0x4  }
.Ltmp6:
0xcb: {  	v1 =	vshll.u32 v0, $0x10;
	v0 =	vand.u32 $0xFFFF0000, v0;
	(pc) =	sbr.rel @p1 .LBB2_23-.Ltmp6, $4  }
0xcc: {  	[tilespmem:s30+$0xFFFFFFF0] =	vst v1  }
0xcd: {  	s31 =	sshra.s32 s0, $0x2;
	[tilespmem:s30+$0x30] =	vst v0  }
0xce: {  	v0 =	vld [tilespmem:s31+$0x2800]  }
0xcf: {  	s0 =	sadd.s32 $0x100, s0  }
0xd0: {  	_ =	sdelay $0x2  }
0xd1: {  	s0 =	sadd.s32 $0x80, s30;
	v1 =	vshll.u32 v0, $0x10  }
0xd2: {  	v0 =	vand.u32 $0xFFFF0000, v0;
	[tilespmem:s0+$0xFFFFFFC0] =	vst v1  }
0xd3: {  	[tilespmem:s0+$0x0] =	vst v0  }
0xd4: {  	v0 =	vld [tilespmem:s31+$0x2810];
	_ =	sdelay $0x4  }
0xd5: {  	v1 =	vshll.u32 v0, $0x10  }
0xd6: {  	v0 =	vand.u32 $0xFFFF0000, v0;
	[tilespmem:s0+$0xFFFFFFD0] =	vst v1  }
0xd7: {  	[tilespmem:s0+$0x10] =	vst v0  }
0xd8: {  	v0 =	vld [tilespmem:s31+$0x2820];
	_ =	sdelay $0x4  }
0xd9: {  	v1 =	vand.u32 $0xFFFF0000, v0  }
0xda: {  	v0 =	vshll.u32 v0, $0x10;
	[tilespmem:s0+$0x20] =	vst v1  }
0xdb: {  	[tilespmem:s0+$0xFFFFFFE0] =	vst v0  }
0xdc: {  	v0 =	vld [tilespmem:s31+$0x2830];
	_ =	sdelay $0x4  }
0xdd: {  	v1 =	vshll.u32 v0, $0x10  }
0xde: {  	s30 =	sshrl.u32 s29, $0x2;
	v0 =	vand.u32 $0xFFFF0000, v0;
	[tilespmem:s0+$0xFFFFFFF0] =	vst v1  }
0xdf: {  	s31 =	sadd.s32 $0x1400, s30;
	[tilespmem:s0+$0x30] =	vst v0  }
0xe0: {  	[spmem:s2] =	stream.indirect.scatter.add.f32 [tilespmem:s23], [sflag:$0x3], $0x80, s31, s19, $0xb8;
	[tilespmem:$0x1E800] =	vst v63  }
0xe1: {  	_ =	swait.ge [sflag:s17], $0x4000  }
0xe2: {  	[sflag:s17] =	ssyncset.done $0x0  }
0xe3: {  	p1 =	seq.s32 s26, $0x13;
	[sflag:s17] =	ssyncadd.s32 $0xFFFFC000  }
0xe4: {  	s30 =	simm.s32 @!p1 $0x2800;
	_ =	swait.ge [sflag:s24], $0x2000  }
0xe5: {  	s0 =	sshrl.u32 @!p1 s29, $0x2;
	s29 =	simm.s32 @!p1 $0x80;
	[sflag:s24] =	ssyncset.done $0x0  }
0xe6: {  	s0 =	sadd.s32 @!p1 $0x100, s0;
	s31 =	simm.s32 $0x0;
	[sflag:s24] =	ssyncadd.s32 $0xFFFFE000  }
0xe7: {  	[tilespmem:s30], [sflag:$0x1] =	stream.indirect.gather @!p1 [hbm4b:s5+s29], $0x40, s0, s29, $0xb8;
	[tilespmem:$0x1E800] =	vst v63  }
0xe8: {  	v0 =	vld [tilespmem:s31+$0x4800];
	_ =	sdelay $0x4  }
0xe9: {  	s29 =	simm.s32 $0x6840;
	v1 =	vshll.u32 v0, $0x10  }
0xea: {  	v0 =	vand.u32 $0xFFFF0000, v0;
	[tilespmem:s29+$0xFFFFFFC0] =	vst v1  }
0xeb: {  	[tilespmem:s29+$0x0] =	vst v0  }
0xec: {  	v0 =	vld [tilespmem:s31+$0x4810];
	_ =	sdelay $0x4  }
0xed: {  	v1 =	vshll.u32 v0, $0x10  }
0xee: {  	v0 =	vand.u32 $0xFFFF0000, v0;
	[tilespmem:s29+$0xFFFFFFD0] =	vst v1  }
0xef: {  	[tilespmem:s29+$0x10] =	vst v0  }
0xf0: {  	v0 =	vld [tilespmem:s31+$0x4820];
	_ =	sdelay $0x4  }
0xf1: {  	v1 =	vand.u32 $0xFFFF0000, v0  }
0xf2: {  	v0 =	vshll.u32 v0, $0x10;
	[tilespmem:s29+$0x20] =	vst v1  }
0xf3: {  	[tilespmem:s29+$0xFFFFFFE0] =	vst v0  }
0xf4: {  	v0 =	vld [tilespmem:s31+$0x4830];
	_ =	sdelay $0x4  }
0xf5: {  	v1 =	vshll.u32 v0, $0x10  }
0xf6: {  	v0 =	vand.u32 $0xFFFF0000, v0;
	[tilespmem:s29+$0xFFFFFFF0] =	vst v1  }
0xf7: {  	s30 =	simm.s32 $0x40;
	[tilespmem:s29+$0x30] =	vst v0  }
0xf8: {  	v0 =	vld [tilespmem:s30+$0x4800]  }
0xf9: {  	s0 =	simm.s32 $0x200  }
.LBB2_25:
0xfa: {  	p1 =	sne.s32 s0, $0x7F00;
	_ =	sdelay $0x2  }
0xfb: {  	s29 =	sadd.s32 $0x80, s29;
	v1 =	vshll.u32 v0, $0x10  }
0xfc: {  	v0 =	vand.u32 $0xFFFF0000, v0;
	[tilespmem:s29+$0xFFFFFFC0] =	vst v1  }
0xfd: {  	[tilespmem:s29+$0x0] =	vst v0  }
0xfe: {  	v0 =	vld [tilespmem:s30+$0x4810];
	_ =	sdelay $0x4  }
0xff: {  	v1 =	vshll.u32 v0, $0x10  }
0x100: {  	v0 =	vand.u32 $0xFFFF0000, v0;
	[tilespmem:s29+$0xFFFFFFD0] =	vst v1  }
0x101: {  	[tilespmem:s29+$0x10] =	vst v0  }
0x102: {  	v0 =	vld [tilespmem:s30+$0x4820];
	_ =	sdelay $0x4  }
0x103: {  	v1 =	vshll.u32 v0, $0x10;
	v0 =	vand.u32 $0xFFFF0000, v0  }
0x104: {  	[tilespmem:s29+$0x20] =	vst v0  }
0x105: {  	[tilespmem:s29+$0xFFFFFFE0] =	vst v1  }
0x106: {  	v0 =	vld [tilespmem:s30+$0x4830];
	_ =	sdelay $0x4  }
.Ltmp7:
0x107: {  	v1 =	vshll.u32 v0, $0x10;
	v0 =	vand.u32 $0xFFFF0000, v0;
	(pc) =	sbr.rel @p1 .LBB2_25-.Ltmp7, $4  }
0x108: {  	[tilespmem:s29+$0xFFFFFFF0] =	vst v1  }
0x109: {  	s30 =	sshra.s32 s0, $0x2;
	[tilespmem:s29+$0x30] =	vst v0  }
0x10a: {  	v0 =	vld [tilespmem:s30+$0x4800]  }
0x10b: {  	s0 =	sadd.s32 $0x100, s0  }
0x10c: {  	_ =	sdelay $0x2  }
0x10d: {  	s0 =	sadd.s32 $0x80, s29;
	v1 =	vshll.u32 v0, $0x10  }
0x10e: {  	v60 =	vand.u32 $0xFFFF0000, v0;
	[tilespmem:s0+$0xFFFFFFC0] =	vst v1  }
0x10f: {  	[tilespmem:s0+$0x0] =	vst v60  }
0x110: {  	v0 =	vld [tilespmem:s30+$0x4810];
	_ =	sdelay $0x4  }
0x111: {  	v61 =	vshll.u32 v0, $0x10  }
0x112: {  	v0 =	vand.u32 $0xFFFF0000, v0;
	[tilespmem:s0+$0xFFFFFFD0] =	vst v61  }
0x113: {  	[tilespmem:s0+$0x10] =	vst v0  }
0x114: {  	v0 =	vld [tilespmem:s30+$0x4820];
	_ =	sdelay $0x4  }
0x115: {  	v62 =	vand.u32 $0xFFFF0000, v0  }
0x116: {  	v0 =	vshll.u32 v0, $0x10;
	[tilespmem:s0+$0x20] =	vst v62  }
0x117: {  	[tilespmem:s0+$0xFFFFFFE0] =	vst v0  }
0x118: {  	v0 =	vld [tilespmem:s30+$0x4830];
	_ =	sdelay $0x4  }
0x119: {  	s26 =	sadd.s32 $0x1, s26;
	v63 =	vshll.u32 v0, $0x10  }
0x11a: {  	p1 =	sne.s32 s26, $0x14;
	v0 =	vand.u32 $0xFFFF0000, v0;
	[tilespmem:s0+$0xFFFFFFF0] =	vst v63  }
.Ltmp8:
0x11b: {  	s31 =	sadd.s32 $0x1400, s28;
	[tilespmem:s0+$0x30] =	vst v0;
	(pc) =	sbr.rel @p1 .LBB2_22-.Ltmp8, $4  }
0x11c: {  	[spmem:s2] =	stream.indirect.scatter.add.f32 [tilespmem:s23], [sflag:$0x3], $0x80, s31, s19, $0xb8;
	[tilespmem:$0x1E800] =	vst v63  }
0x11d: {  	_ =	swait.ge [sflag:s17], $0x4000  }
0x11e: {  	[sflag:s17] =	ssyncset.done $0x0  }
0x11f: {  	[sflag:s17] =	ssyncadd.s32 $0xFFFFC000  }
.Ltmp9:
0x120: {  	(pc) =	sbr.rel .LBB2_28-.Ltmp9, $2  }
0x121: {  	_ =	sdelay $0x2  }
0x122: {  	s0 =	smov.u32 s8  }
.LBB2_2:
0x123: {  	[tilespmem:s20], [sflag:$0x1] =	stream.indirect.gather [hbm4b:s4+s19], $0x40, s26, s19, $0xb8;
	[tilespmem:$0x1E800] =	vst v63  }
.LBB2_3:
0x124: {  	s29 =	sshll.u32 s26, $0xA;
	_ =	swait.ge [sflag:s21], $0x2000  }
0x125: {  	[sflag:s21] =	ssyncset.done $0x0;
	s0 =	sor.u32 $0x200, s29  }
0x126: {  	[sflag:s21] =	ssyncadd.s32 $0xFFFFE000;
	s28 =	sshrl.u32 s0, $0x2;
	s0 =	simm.s32 $0x0  }
0x127: {  	[tilespmem:s22], [sflag:$0x2] =	stream.indirect.gather [hbm4b:s4+s19], $0x40, s28, s19, $0xb8;
	[tilespmem:$0x1E800] =	vst v63  }
0x128: {  	v0 =	vld [tilespmem:s0+$0x2800];
	_ =	sdelay $0x4  }
0x129: {  	s30 =	simm.s32 $0x6840;
	v1 =	vshll.u32 v0, $0x10  }
0x12a: {  	v0 =	vand.u32 $0xFFFF0000, v0;
	[tilespmem:s30+$0xFFFFFFC0] =	vst v1  }
0x12b: {  	[tilespmem:s30+$0x0] =	vst v0  }
0x12c: {  	v0 =	vld [tilespmem:s0+$0x2810];
	_ =	sdelay $0x4  }
0x12d: {  	v1 =	vshll.u32 v0, $0x10  }
0x12e: {  	v0 =	vand.u32 $0xFFFF0000, v0;
	[tilespmem:s30+$0xFFFFFFD0] =	vst v1  }
0x12f: {  	[tilespmem:s30+$0x10] =	vst v0  }
0x130: {  	v0 =	vld [tilespmem:s0+$0x2820];
	_ =	sdelay $0x4  }
0x131: {  	v1 =	vand.u32 $0xFFFF0000, v0  }
0x132: {  	v0 =	vshll.u32 v0, $0x10;
	[tilespmem:s30+$0x20] =	vst v1  }
0x133: {  	[tilespmem:s30+$0xFFFFFFE0] =	vst v0  }
0x134: {  	v0 =	vld [tilespmem:s0+$0x2830];
	_ =	sdelay $0x4  }
0x135: {  	v1 =	vshll.u32 v0, $0x10  }
0x136: {  	v0 =	vand.u32 $0xFFFF0000, v0;
	[tilespmem:s30+$0xFFFFFFF0] =	vst v1  }
0x137: {  	s31 =	simm.s32 $0x40;
	[tilespmem:s30+$0x30] =	vst v0  }
0x138: {  	v0 =	vld [tilespmem:s31+$0x2800]  }
0x139: {  	s0 =	simm.s32 $0x200  }
.LBB2_4:
0x13a: {  	p1 =	sne.s32 s0, $0x7F00;
	_ =	sdelay $0x2  }
0x13b: {  	s30 =	sadd.s32 $0x80, s30;
	v1 =	vshll.u32 v0, $0x10  }
0x13c: {  	v0 =	vand.u32 $0xFFFF0000, v0;
	[tilespmem:s30+$0xFFFFFFC0] =	vst v1  }
0x13d: {  	[tilespmem:s30+$0x0] =	vst v0  }
0x13e: {  	v0 =	vld [tilespmem:s31+$0x2810];
	_ =	sdelay $0x4  }
0x13f: {  	v1 =	vshll.u32 v0, $0x10  }
0x140: {  	v0 =	vand.u32 $0xFFFF0000, v0;
	[tilespmem:s30+$0xFFFFFFD0] =	vst v1  }
0x141: {  	[tilespmem:s30+$0x10] =	vst v0  }
0x142: {  	v0 =	vld [tilespmem:s31+$0x2820];
	_ =	sdelay $0x4  }
0x143: {  	v1 =	vshll.u32 v0, $0x10;
	v0 =	vand.u32 $0xFFFF0000, v0  }
0x144: {  	[tilespmem:s30+$0x20] =	vst v0  }
0x145: {  	[tilespmem:s30+$0xFFFFFFE0] =	vst v1  }
0x146: {  	v0 =	vld [tilespmem:s31+$0x2830];
	_ =	sdelay $0x4  }
.Ltmp10:
0x147: {  	v1 =	vshll.u32 v0, $0x10;
	v0 =	vand.u32 $0xFFFF0000, v0;
	(pc) =	sbr.rel @p1 .LBB2_4-.Ltmp10, $4  }
0x148: {  	[tilespmem:s30+$0xFFFFFFF0] =	vst v1  }
0x149: {  	s31 =	sshra.s32 s0, $0x2;
	[tilespmem:s30+$0x30] =	vst v0  }
0x14a: {  	v0 =	vld [tilespmem:s31+$0x2800]  }
0x14b: {  	s0 =	sadd.s32 $0x100, s0  }
0x14c: {  	_ =	sdelay $0x2  }
0x14d: {  	s0 =	sadd.s32 $0x80, s30;
	v1 =	vshll.u32 v0, $0x10  }
0x14e: {  	v0 =	vand.u32 $0xFFFF0000, v0;
	[tilespmem:s0+$0xFFFFFFC0] =	vst v1  }
0x14f: {  	[tilespmem:s0+$0x0] =	vst v0  }
0x150: {  	v0 =	vld [tilespmem:s31+$0x2810];
	_ =	sdelay $0x4  }
0x151: {  	v1 =	vshll.u32 v0, $0x10  }
0x152: {  	v0 =	vand.u32 $0xFFFF0000, v0;
	[tilespmem:s0+$0xFFFFFFD0] =	vst v1  }
0x153: {  	[tilespmem:s0+$0x10] =	vst v0  }
0x154: {  	v0 =	vld [tilespmem:s31+$0x2820];
	_ =	sdelay $0x4  }
0x155: {  	v1 =	vand.u32 $0xFFFF0000, v0  }
0x156: {  	v0 =	vshll.u32 v0, $0x10;
	[tilespmem:s0+$0x20] =	vst v1  }
0x157: {  	[tilespmem:s0+$0xFFFFFFE0] =	vst v0  }
0x158: {  	v0 =	vld [tilespmem:s31+$0x2830];
	_ =	sdelay $0x4  }
0x159: {  	v1 =	vshll.u32 v0, $0x10  }
0x15a: {  	s30 =	sshrl.u32 s29, $0x2;
	v0 =	vand.u32 $0xFFFF0000, v0;
	[tilespmem:s0+$0xFFFFFFF0] =	vst v1  }
0x15b: {  	s31 =	sadd.s32 $0x1400, s30;
	[tilespmem:s0+$0x30] =	vst v0  }
0x15c: {  	[spmem:s2] =	stream.indirect.scatter.add.f32 [tilespmem:s23], [sflag:$0x3], $0x80, s31, s19, $0xb8;
	[tilespmem:$0x1E800] =	vst v63  }
0x15d: {  	_ =	swait.ge [sflag:s17], $0x4000  }
0x15e: {  	[sflag:s17] =	ssyncset.done $0x0  }
0x15f: {  	p1 =	seq.s32 s26, $0x13;
	[sflag:s17] =	ssyncadd.s32 $0xFFFFC000  }
0x160: {  	s30 =	simm.s32 @!p1 $0x2800;
	_ =	swait.ge [sflag:s24], $0x2000  }
0x161: {  	s0 =	sshrl.u32 @!p1 s29, $0x2;
	s29 =	simm.s32 @!p1 $0x80;
	[sflag:s24] =	ssyncset.done $0x0  }
0x162: {  	s0 =	sadd.s32 @!p1 $0x100, s0;
	s31 =	simm.s32 $0x0;
	[sflag:s24] =	ssyncadd.s32 $0xFFFFE000  }
0x163: {  	[tilespmem:s30], [sflag:$0x1] =	stream.indirect.gather @!p1 [hbm4b:s4+s29], $0x40, s0, s29, $0xb8;
	[tilespmem:$0x1E800] =	vst v63  }
0x164: {  	v0 =	vld [tilespmem:s31+$0x4800];
	_ =	sdelay $0x4  }
0x165: {  	s29 =	simm.s32 $0x6840;
	v1 =	vshll.u32 v0, $0x10  }
0x166: {  	v0 =	vand.u32 $0xFFFF0000, v0;
	[tilespmem:s29+$0xFFFFFFC0] =	vst v1  }
0x167: {  	[tilespmem:s29+$0x0] =	vst v0  }
0x168: {  	v0 =	vld [tilespmem:s31+$0x4810];
	_ =	sdelay $0x4  }
0x169: {  	v1 =	vshll.u32 v0, $0x10  }
0x16a: {  	v0 =	vand.u32 $0xFFFF0000, v0;
	[tilespmem:s29+$0xFFFFFFD0] =	vst v1  }
0x16b: {  	[tilespmem:s29+$0x10] =	vst v0  }
0x16c: {  	v0 =	vld [tilespmem:s31+$0x4820];
	_ =	sdelay $0x4  }
0x16d: {  	v1 =	vand.u32 $0xFFFF0000, v0  }
0x16e: {  	v0 =	vshll.u32 v0, $0x10;
	[tilespmem:s29+$0x20] =	vst v1  }
0x16f: {  	[tilespmem:s29+$0xFFFFFFE0] =	vst v0  }
0x170: {  	v0 =	vld [tilespmem:s31+$0x4830];
	_ =	sdelay $0x4  }
0x171: {  	v1 =	vshll.u32 v0, $0x10  }
0x172: {  	v0 =	vand.u32 $0xFFFF0000, v0;
	[tilespmem:s29+$0xFFFFFFF0] =	vst v1  }
0x173: {  	s30 =	simm.s32 $0x40;
	[tilespmem:s29+$0x30] =	vst v0  }
0x174: {  	v0 =	vld [tilespmem:s30+$0x4800]  }
0x175: {  	s0 =	simm.s32 $0x200  }
.LBB2_6:
0x176: {  	p1 =	sne.s32 s0, $0x7F00;
	_ =	sdelay $0x2  }
0x177: {  	s29 =	sadd.s32 $0x80, s29;
	v1 =	vshll.u32 v0, $0x10  }
0x178: {  	v0 =	vand.u32 $0xFFFF0000, v0;
	[tilespmem:s29+$0xFFFFFFC0] =	vst v1  }
0x179: {  	[tilespmem:s29+$0x0] =	vst v0  }
0x17a: {  	v0 =	vld [tilespmem:s30+$0x4810];
	_ =	sdelay $0x4  }
0x17b: {  	v1 =	vshll.u32 v0, $0x10  }
0x17c: {  	v0 =	vand.u32 $0xFFFF0000, v0;
	[tilespmem:s29+$0xFFFFFFD0] =	vst v1  }
0x17d: {  	[tilespmem:s29+$0x10] =	vst v0  }
0x17e: {  	v0 =	vld [tilespmem:s30+$0x4820];
	_ =	sdelay $0x4  }
0x17f: {  	v1 =	vshll.u32 v0, $0x10;
	v0 =	vand.u32 $0xFFFF0000, v0  }
0x180: {  	[tilespmem:s29+$0x20] =	vst v0  }
0x181: {  	[tilespmem:s29+$0xFFFFFFE0] =	vst v1  }
0x182: {  	v0 =	vld [tilespmem:s30+$0x4830];
	_ =	sdelay $0x4  }
.Ltmp11:
0x183: {  	v1 =	vshll.u32 v0, $0x10;
	v0 =	vand.u32 $0xFFFF0000, v0;
	(pc) =	sbr.rel @p1 .LBB2_6-.Ltmp11, $4  }
0x184: {  	[tilespmem:s29+$0xFFFFFFF0] =	vst v1  }
0x185: {  	s30 =	sshra.s32 s0, $0x2;
	[tilespmem:s29+$0x30] =	vst v0  }
0x186: {  	v0 =	vld [tilespmem:s30+$0x4800]  }
0x187: {  	s0 =	sadd.s32 $0x100, s0  }
0x188: {  	_ =	sdelay $0x2  }
0x189: {  	s0 =	sadd.s32 $0x80, s29;
	v1 =	vshll.u32 v0, $0x10  }
0x18a: {  	v60 =	vand.u32 $0xFFFF0000, v0;
	[tilespmem:s0+$0xFFFFFFC0] =	vst v1  }
0x18b: {  	[tilespmem:s0+$0x0] =	vst v60  }
0x18c: {  	v0 =	vld [tilespmem:s30+$0x4810];
	_ =	sdelay $0x4  }
0x18d: {  	v61 =	vshll.u32 v0, $0x10  }
0x18e: {  	v0 =	vand.u32 $0xFFFF0000, v0;
	[tilespmem:s0+$0xFFFFFFD0] =	vst v61  }
0x18f: {  	[tilespmem:s0+$0x10] =	vst v0  }
0x190: {  	v0 =	vld [tilespmem:s30+$0x4820];
	_ =	sdelay $0x4  }
0x191: {  	v62 =	vand.u32 $0xFFFF0000, v0  }
0x192: {  	v0 =	vshll.u32 v0, $0x10;
	[tilespmem:s0+$0x20] =	vst v62  }
0x193: {  	[tilespmem:s0+$0xFFFFFFE0] =	vst v0  }
0x194: {  	v0 =	vld [tilespmem:s30+$0x4830];
	_ =	sdelay $0x4  }
0x195: {  	s26 =	sadd.s32 $0x1, s26;
	v63 =	vshll.u32 v0, $0x10  }
0x196: {  	p1 =	sne.s32 s26, $0x14;
	v0 =	vand.u32 $0xFFFF0000, v0;
	[tilespmem:s0+$0xFFFFFFF0] =	vst v63  }
.Ltmp12:
0x197: {  	s31 =	sadd.s32 $0x1400, s28;
	[tilespmem:s0+$0x30] =	vst v0;
	(pc) =	sbr.rel @p1 .LBB2_3-.Ltmp12, $4  }
0x198: {  	[spmem:s2] =	stream.indirect.scatter.add.f32 [tilespmem:s23], [sflag:$0x3], $0x80, s31, s19, $0xb8;
	[tilespmem:$0x1E800] =	vst v63  }
0x199: {  	_ =	swait.ge [sflag:s17], $0x4000  }
0x19a: {  	[sflag:s17] =	ssyncset.done $0x0  }
0x19b: {  	[sflag:s17] =	ssyncadd.s32 $0xFFFFC000  }
0x19c: {  	s26 =	simm.s32 $0x0  }
0x19d: {  	[tilespmem:s26], [sflag:$0x3] =	stream.linear.gather [hbm4b:s13+s26], $0x1400, $0x38;
	[tilespmem:$0x1E800] =	vst v63  }
0x19e: {  	_ =	swait.ge [sflag:s17], $0x1400  }
0x19f: {  	[sflag:s17] =	ssyncset.done $0x0  }
0x1a0: {  	[sflag:s17] =	ssyncadd.s32 $0xFFFFEC00  }
0x1a1: {  	[tilespmem:s18], [sflag:$0x3] =	stream.linear.gather [hbm4b:s14+s26], $0x1400, $0x38;
	[tilespmem:$0x1E800] =	vst v63  }
0x1a2: {  	_ =	swait.ge [sflag:s17], $0x1400  }
0x1a3: {  	[sflag:s17] =	ssyncset.done $0x0  }
0x1a4: {  	[sflag:s17] =	ssyncadd.s32 $0xFFFFEC00  }
0x1a5: {  	[tilespmem:s20], [sflag:$0x1] =	stream.indirect.gather [hbm4b:s4+s19], $0x40, s26, s19, $0xb8;
	[tilespmem:$0x1E800] =	vst v63  }
.LBB2_9:
0x1a6: {  	s29 =	sshll.u32 s26, $0xA;
	_ =	swait.ge [sflag:s21], $0x2000  }
0x1a7: {  	[sflag:s21] =	ssyncset.done $0x0;
	s0 =	sor.u32 $0x200, s29  }
0x1a8: {  	[sflag:s21] =	ssyncadd.s32 $0xFFFFE000;
	s28 =	sshrl.u32 s0, $0x2;
	s0 =	simm.s32 $0x0  }
0x1a9: {  	[tilespmem:s22], [sflag:$0x2] =	stream.indirect.gather [hbm4b:s4+s19], $0x40, s28, s19, $0xb8;
	[tilespmem:$0x1E800] =	vst v63  }
0x1aa: {  	v0 =	vld [tilespmem:s0+$0x2800];
	_ =	sdelay $0x4  }
0x1ab: {  	s30 =	simm.s32 $0x6840;
	v1 =	vshll.u32 v0, $0x10  }
0x1ac: {  	v0 =	vand.u32 $0xFFFF0000, v0;
	[tilespmem:s30+$0xFFFFFFC0] =	vst v1  }
0x1ad: {  	[tilespmem:s30+$0x0] =	vst v0  }
0x1ae: {  	v0 =	vld [tilespmem:s0+$0x2810];
	_ =	sdelay $0x4  }
0x1af: {  	v1 =	vshll.u32 v0, $0x10  }
0x1b0: {  	v0 =	vand.u32 $0xFFFF0000, v0;
	[tilespmem:s30+$0xFFFFFFD0] =	vst v1  }
0x1b1: {  	[tilespmem:s30+$0x10] =	vst v0  }
0x1b2: {  	v0 =	vld [tilespmem:s0+$0x2820];
	_ =	sdelay $0x4  }
0x1b3: {  	v1 =	vand.u32 $0xFFFF0000, v0  }
0x1b4: {  	v0 =	vshll.u32 v0, $0x10;
	[tilespmem:s30+$0x20] =	vst v1  }
0x1b5: {  	[tilespmem:s30+$0xFFFFFFE0] =	vst v0  }
0x1b6: {  	v0 =	vld [tilespmem:s0+$0x2830];
	_ =	sdelay $0x4  }
0x1b7: {  	v1 =	vshll.u32 v0, $0x10  }
0x1b8: {  	v0 =	vand.u32 $0xFFFF0000, v0;
	[tilespmem:s30+$0xFFFFFFF0] =	vst v1  }
0x1b9: {  	s31 =	simm.s32 $0x40;
	[tilespmem:s30+$0x30] =	vst v0  }
0x1ba: {  	v0 =	vld [tilespmem:s31+$0x2800]  }
0x1bb: {  	s0 =	simm.s32 $0x200  }
.LBB2_10:
0x1bc: {  	p1 =	sne.s32 s0, $0x7F00;
	_ =	sdelay $0x2  }
0x1bd: {  	s30 =	sadd.s32 $0x80, s30;
	v1 =	vshll.u32 v0, $0x10  }
0x1be: {  	v0 =	vand.u32 $0xFFFF0000, v0;
	[tilespmem:s30+$0xFFFFFFC0] =	vst v1  }
0x1bf: {  	[tilespmem:s30+$0x0] =	vst v0  }
0x1c0: {  	v0 =	vld [tilespmem:s31+$0x2810];
	_ =	sdelay $0x4  }
0x1c1: {  	v1 =	vshll.u32 v0, $0x10  }
0x1c2: {  	v0 =	vand.u32 $0xFFFF0000, v0;
	[tilespmem:s30+$0xFFFFFFD0] =	vst v1  }
0x1c3: {  	[tilespmem:s30+$0x10] =	vst v0  }
0x1c4: {  	v0 =	vld [tilespmem:s31+$0x2820];
	_ =	sdelay $0x4  }
0x1c5: {  	v1 =	vshll.u32 v0, $0x10;
	v0 =	vand.u32 $0xFFFF0000, v0  }
0x1c6: {  	[tilespmem:s30+$0x20] =	vst v0  }
0x1c7: {  	[tilespmem:s30+$0xFFFFFFE0] =	vst v1  }
0x1c8: {  	v0 =	vld [tilespmem:s31+$0x2830];
	_ =	sdelay $0x4  }
.Ltmp13:
0x1c9: {  	v1 =	vshll.u32 v0, $0x10;
	v0 =	vand.u32 $0xFFFF0000, v0;
	(pc) =	sbr.rel @p1 .LBB2_10-.Ltmp13, $4  }
0x1ca: {  	[tilespmem:s30+$0xFFFFFFF0] =	vst v1  }
0x1cb: {  	s31 =	sshra.s32 s0, $0x2;
	[tilespmem:s30+$0x30] =	vst v0  }
0x1cc: {  	v0 =	vld [tilespmem:s31+$0x2800]  }
0x1cd: {  	s0 =	sadd.s32 $0x100, s0  }
0x1ce: {  	_ =	sdelay $0x2  }
0x1cf: {  	s0 =	sadd.s32 $0x80, s30;
	v1 =	vshll.u32 v0, $0x10  }
0x1d0: {  	v0 =	vand.u32 $0xFFFF0000, v0;
	[tilespmem:s0+$0xFFFFFFC0] =	vst v1  }
0x1d1: {  	[tilespmem:s0+$0x0] =	vst v0  }
0x1d2: {  	v0 =	vld [tilespmem:s31+$0x2810];
	_ =	sdelay $0x4  }
0x1d3: {  	v1 =	vshll.u32 v0, $0x10  }
0x1d4: {  	v0 =	vand.u32 $0xFFFF0000, v0;
	[tilespmem:s0+$0xFFFFFFD0] =	vst v1  }
0x1d5: {  	[tilespmem:s0+$0x10] =	vst v0  }
0x1d6: {  	v0 =	vld [tilespmem:s31+$0x2820];
	_ =	sdelay $0x4  }
0x1d7: {  	v1 =	vand.u32 $0xFFFF0000, v0  }
0x1d8: {  	v0 =	vshll.u32 v0, $0x10;
	[tilespmem:s0+$0x20] =	vst v1  }
0x1d9: {  	[tilespmem:s0+$0xFFFFFFE0] =	vst v0  }
0x1da: {  	v0 =	vld [tilespmem:s31+$0x2830];
	_ =	sdelay $0x4  }
0x1db: {  	v1 =	vshll.u32 v0, $0x10  }
0x1dc: {  	s30 =	sshrl.u32 s29, $0x2;
	v0 =	vand.u32 $0xFFFF0000, v0;
	[tilespmem:s0+$0xFFFFFFF0] =	vst v1  }
0x1dd: {  	s31 =	sadd.s32 $0x1400, s30;
	[tilespmem:s0+$0x30] =	vst v0  }
0x1de: {  	[spmem:s2] =	stream.indirect.scatter.add.f32 [tilespmem:s23], [sflag:$0x3], $0x80, s31, s19, $0xb8;
	[tilespmem:$0x1E800] =	vst v63  }
0x1df: {  	_ =	swait.ge [sflag:s17], $0x4000  }
0x1e0: {  	[sflag:s17] =	ssyncset.done $0x0  }
0x1e1: {  	p1 =	seq.s32 s26, $0x13;
	[sflag:s17] =	ssyncadd.s32 $0xFFFFC000  }
0x1e2: {  	s30 =	simm.s32 @!p1 $0x2800;
	_ =	swait.ge [sflag:s24], $0x2000  }
0x1e3: {  	s0 =	sshrl.u32 @!p1 s29, $0x2;
	s29 =	simm.s32 @!p1 $0x80;
	[sflag:s24] =	ssyncset.done $0x0  }
0x1e4: {  	s0 =	sadd.s32 @!p1 $0x100, s0;
	s31 =	simm.s32 $0x0;
	[sflag:s24] =	ssyncadd.s32 $0xFFFFE000  }
0x1e5: {  	[tilespmem:s30], [sflag:$0x1] =	stream.indirect.gather @!p1 [hbm4b:s4+s29], $0x40, s0, s29, $0xb8;
	[tilespmem:$0x1E800] =	vst v63  }
0x1e6: {  	v0 =	vld [tilespmem:s31+$0x4800];
	_ =	sdelay $0x4  }
0x1e7: {  	s29 =	simm.s32 $0x6840;
	v1 =	vshll.u32 v0, $0x10  }
0x1e8: {  	v0 =	vand.u32 $0xFFFF0000, v0;
	[tilespmem:s29+$0xFFFFFFC0] =	vst v1  }
0x1e9: {  	[tilespmem:s29+$0x0] =	vst v0  }
0x1ea: {  	v0 =	vld [tilespmem:s31+$0x4810];
	_ =	sdelay $0x4  }
0x1eb: {  	v1 =	vshll.u32 v0, $0x10  }
0x1ec: {  	v0 =	vand.u32 $0xFFFF0000, v0;
	[tilespmem:s29+$0xFFFFFFD0] =	vst v1  }
0x1ed: {  	[tilespmem:s29+$0x10] =	vst v0  }
0x1ee: {  	v0 =	vld [tilespmem:s31+$0x4820];
	_ =	sdelay $0x4  }
0x1ef: {  	v1 =	vand.u32 $0xFFFF0000, v0  }
0x1f0: {  	v0 =	vshll.u32 v0, $0x10;
	[tilespmem:s29+$0x20] =	vst v1  }
0x1f1: {  	[tilespmem:s29+$0xFFFFFFE0] =	vst v0  }
0x1f2: {  	v0 =	vld [tilespmem:s31+$0x4830];
	_ =	sdelay $0x4  }
0x1f3: {  	v1 =	vshll.u32 v0, $0x10  }
0x1f4: {  	v0 =	vand.u32 $0xFFFF0000, v0;
	[tilespmem:s29+$0xFFFFFFF0] =	vst v1  }
0x1f5: {  	s30 =	simm.s32 $0x40;
	[tilespmem:s29+$0x30] =	vst v0  }
0x1f6: {  	v0 =	vld [tilespmem:s30+$0x4800]  }
0x1f7: {  	s0 =	simm.s32 $0x200  }
.LBB2_12:
0x1f8: {  	p1 =	sne.s32 s0, $0x7F00;
	_ =	sdelay $0x2  }
0x1f9: {  	s29 =	sadd.s32 $0x80, s29;
	v1 =	vshll.u32 v0, $0x10  }
0x1fa: {  	v0 =	vand.u32 $0xFFFF0000, v0;
	[tilespmem:s29+$0xFFFFFFC0] =	vst v1  }
0x1fb: {  	[tilespmem:s29+$0x0] =	vst v0  }
0x1fc: {  	v0 =	vld [tilespmem:s30+$0x4810];
	_ =	sdelay $0x4  }
0x1fd: {  	v1 =	vshll.u32 v0, $0x10  }
0x1fe: {  	v0 =	vand.u32 $0xFFFF0000, v0;
	[tilespmem:s29+$0xFFFFFFD0] =	vst v1  }
0x1ff: {  	[tilespmem:s29+$0x10] =	vst v0  }
0x200: {  	v0 =	vld [tilespmem:s30+$0x4820];
	_ =	sdelay $0x4  }
0x201: {  	v1 =	vshll.u32 v0, $0x10;
	v0 =	vand.u32 $0xFFFF0000, v0  }
0x202: {  	[tilespmem:s29+$0x20] =	vst v0  }
0x203: {  	[tilespmem:s29+$0xFFFFFFE0] =	vst v1  }
0x204: {  	v0 =	vld [tilespmem:s30+$0x4830];
	_ =	sdelay $0x4  }
.Ltmp14:
0x205: {  	v1 =	vshll.u32 v0, $0x10;
	v0 =	vand.u32 $0xFFFF0000, v0;
	(pc) =	sbr.rel @p1 .LBB2_12-.Ltmp14, $4  }
0x206: {  	[tilespmem:s29+$0xFFFFFFF0] =	vst v1  }
0x207: {  	s30 =	sshra.s32 s0, $0x2;
	[tilespmem:s29+$0x30] =	vst v0  }
0x208: {  	v0 =	vld [tilespmem:s30+$0x4800]  }
0x209: {  	s0 =	sadd.s32 $0x100, s0  }
0x20a: {  	_ =	sdelay $0x2  }
0x20b: {  	s0 =	sadd.s32 $0x80, s29;
	v1 =	vshll.u32 v0, $0x10  }
0x20c: {  	v60 =	vand.u32 $0xFFFF0000, v0;
	[tilespmem:s0+$0xFFFFFFC0] =	vst v1  }
0x20d: {  	[tilespmem:s0+$0x0] =	vst v60  }
0x20e: {  	v0 =	vld [tilespmem:s30+$0x4810];
	_ =	sdelay $0x4  }
0x20f: {  	v61 =	vshll.u32 v0, $0x10  }
0x210: {  	v0 =	vand.u32 $0xFFFF0000, v0;
	[tilespmem:s0+$0xFFFFFFD0] =	vst v61  }
0x211: {  	[tilespmem:s0+$0x10] =	vst v0  }
0x212: {  	v0 =	vld [tilespmem:s30+$0x4820];
	_ =	sdelay $0x4  }
0x213: {  	v62 =	vand.u32 $0xFFFF0000, v0  }
0x214: {  	v0 =	vshll.u32 v0, $0x10;
	[tilespmem:s0+$0x20] =	vst v62  }
0x215: {  	[tilespmem:s0+$0xFFFFFFE0] =	vst v0  }
0x216: {  	v0 =	vld [tilespmem:s30+$0x4830];
	_ =	sdelay $0x4  }
0x217: {  	s26 =	sadd.s32 $0x1, s26;
	v63 =	vshll.u32 v0, $0x10  }
0x218: {  	p1 =	seq.s32 s26, $0x14;
	v0 =	vand.u32 $0xFFFF0000, v0;
	[tilespmem:s0+$0xFFFFFFF0] =	vst v63  }
.Ltmp15:
0x219: {  	s31 =	sadd.s32 $0x1400, s28;
	[tilespmem:s0+$0x30] =	vst v0;
	(pc) =	sbr.rel @!p1 .LBB2_9-.Ltmp15, $4  }
0x21a: {  	[spmem:s2] =	stream.indirect.scatter.add.f32 [tilespmem:s23], [sflag:$0x3], $0x80, s31, s19, $0xb8;
	[tilespmem:$0x1E800] =	vst v63  }
0x21b: {  	_ =	swait.ge [sflag:s17], $0x4000  }
0x21c: {  	[sflag:s17] =	ssyncset.done $0x0  }
0x21d: {  	[sflag:s17] =	ssyncadd.s32 $0xFFFFC000  }
.Ltmp16:
0x21e: {  	(pc) =	sbr.rel .LBB2_28-.Ltmp16, $2  }
0x21f: {  	_ =	sdelay $0x2  }
0x220: {  	s0 =	smov.u32 s7  }
.LBB2_29:
0x221: {  	_ =	sfence.sel $0x180000  }
0x222: {  	[bflag:$0x0] =	sbarrier.arrive $0xFFFF  }
0x223: {  	_ =	strace $0x9000004D  }
0x224: {  	[bflag:$0x2] =	sbarrier.arrive $0xFFFF  }
0x225: {  	p0 =	sne.s32 s1, $0x0;
	s0 =	rddreg [dreg:$0x2]  }
0x226: {  	s0 =	sadd.s32 @!p0 $0x100000, s0  }
0x227: {  	[sflag:s0] =	ssyncadd.tile.s32 @!p0 $0x1;
	_ =	shalt  }
.Lfunc_end2:
_tile_overlayer_lowered:
.L_overlay_start_2:
0x228: {  	(tag) =	ssettag $0x2  }
0x229: {  	s0 =	rddreg [dreg:$0x0];
	s2 =	stileid.u32  }
0x22a: {  	s1 =	rddreg [dreg:$0x1];
	p0 =	sne.s32 s2, $0x0  }
0x22b: {  	s3 =	rddreg [dreg:$0x2];
	[bflag:$0x3] =	sbarrier.arrive $0xFFFF;
	s2 =	simm.s32 @!p0 $0x1C03  }
0x22c: {  	[timem:s3], [sflag:s2] =	dma.local @!p0 [hbm:s0], s1  }
0x22d: {  	s0 =	simm.s32 @!p0 $0x3  }
0x22e: {  	_ =	swait.ge @!p0 [sflag:s0], s1  }
0x22f: {  	s1 =	ssub.s32 @!p0 $0x0, s1;
	[sflag:s0] =	ssyncset.done @!p0 $0x0  }
0x230: {  	[sflag:s0] =	ssyncadd.s32 @!p0 s1  }
0x231: {  	[bflag:$0x3] =	sbarrier.arrive $0xFFFF  }
0x232: {  	_ =	shalt  }

// kernel: kernel.8.cloned.1.call-start
scs
__scs_entry_jumppad:
0x0: {  	(pc) =	sbr.rel $0x88, $3  }
0x1: {  	(tag) =	ssettag $0x0;
	lr =	simm.s32 $0x1  }
0x2: {  	[smem:$0x3F98] =	sst lr;
	_ =	strace $0xD0000000  }
0x3: {  	_ = 	snop  }
0x4: {  	_ = 	snop  }
0x5: {  	_ = 	snop  }
0x6: {  	_ = 	snop  }
0x7: {  	_ = 	snop  }
__scs_overlays_trampoline_lowered:
0x8: {  	[smem:$0x3FA7] =	sst s0  }
0x9: {  	[smem:$0x3FA8] =	sst s1  }
0xa: {  	[smem:$0x3FA9] =	sst s2  }
0xb: {  	[smem:$0x3FAA] =	sst s3  }
0xc: {  	[smem:$0x3FAB] =	sst s4  }
0xd: {  	[smem:$0x3FAC] =	sst s5  }
0xe: {  	[smem:$0x3FAD] =	sst s6  }
0xf: {  	[smem:$0x3FAE] =	sst s7  }
0x10: {  	[smem:$0x3FAF] =	sst s8  }
0x11: {  	[smem:$0x3FB0] =	sst s9;
	s0 =	simm.s32 @!p0 $0x0  }
0x12: {  	s1 =	sld [smem:$0x3F96];
	s0 =	simm.s32 @p0 $0x1  }
0x13: {  	[smem:$0x3FB1] =	sst s0;
	s0 =	simm.s32 @!p1 $0x0  }
0x14: {  	s2 =	sld [smem:$0x3F95];
	s0 =	simm.s32 @p1 $0x1  }
0x15: {  	[smem:$0x3FB2] =	sst s0;
	s0 =	simm.s32 @!p2 $0x0  }
0x16: {  	s3 =	sld [smem:$0x3FDB];
	s0 =	simm.s32 @p2 $0x1  }
0x17: {  	s4 =	simm.s32 $0x1BF5;
	[smem:$0x3FB4] =	sst s0  }
0x18: {  	s0 =	sld [smem:$0x3F97];
	_ =	swait.ge [sflag:s4], $0x0  }
0x19: {  	s7 =	sld [smem:$0x3F98]  }
0x1a: {  	s8 =	sadd.s32 $0xFFFFE003, lr  }
0x1b: {  	s9 =	sadd.s32 $0xFFFFFEF7, lr;
	s5 =	simm.s32 $0xFFFFFFFF;
	p2 =	slt.u32 s8, $0xFFFFF086  }
0x1c: {  	p1 =	slt.u32 s9, $0xF7A;
	s5 =	simm.s32 @!p2 $0x0  }
0x1d: {  	s5 =	simm.s32 @p1 $0x1;
	p0 =	seq.s32 s7, s2  }
0x1e: {  	s7 =	smul.u32 @!p0 $0xF7A, s2;
	p2 =	seq.s32 @!p0 s5, $0x0  }
0x1f: {  	s9 =	smul.u32 $0xF7A, s1;
	s8 =	simm.s32 @!p0 $0x1BF5;
	p2 =	por !p2, p0  }
0x20: {  	[sflag:s8] =	ssyncset.s32 @!p0 $0xFFFFF086;
	s6 =	sadd.s32 @!p0 s3, s7;
	s7 =	simm.s32 @!p0 $0x108  }
0x21: {  	s3 =	sadd.s32 s3, s9;
	s6 =	sadd.s32 @!p0 $0x88, s6;
	s7 =	simm.s32 @p2 $0x1082  }
0x22: {  	[simem:s7], [sflag:s8] =	dma.local @!p0 [hbm:s6], $0xF7A  }
0x23: {  	s9 =	sor.u32 $0xD0000000, s2;
	s6 =	simm.s32 $0x108;
	_ =	swait.ge @!p0 [sflag:s8], $0x0  }
0x24: {  	s3 =	sadd.s32 $0x88, s3;
	s6 =	simm.s32 @!p1 $0x1082;
	[sflag:s4] =	ssyncset.s32 $0xFFFFF086  }
0x25: {  	[simem:s6], [sflag:s4] =	dma.local [hbm:s3], $0xF7A  }
0x26: {  	[smem:$0x3F98] =	sst s1;
	(tag) =	ssettag s2;
	_ =	strace s9  }
0x27: {  	s1 =	sld [smem:$0x3FA8]  }
0x28: {  	s2 =	sld [smem:$0x3FA9]  }
0x29: {  	s4 =	sld [smem:$0x3FAB]  }
0x2a: {  	p0 =	seq.s32 s5, $0x0;
	s5 =	sld [smem:$0x3FAC]  }
0x2b: {  	s6 =	sld [smem:$0x3FAD]  }
0x2c: {  	s7 =	sld [smem:$0x3FAE]  }
0x2d: {  	s3 =	simm.s32 $0x108;
	s8 =	sld [smem:$0x3FAF]  }
0x2e: {  	s3 =	simm.s32 @!p0 $0x1082;
	s9 =	sld [smem:$0x3FB0]  }
0x2f: {  	lr =	sadd.s32 s0, s3;
	s0 =	sld [smem:$0x3FA7]  }
0x30: {  	s3 =	sld [smem:$0x3FAA]  }
0x31: {  	[smem:$0x3FB3] =	sst s10  }
0x32: {  	s10 =	sld [smem:$0x3FB1];
	_ =	sdelay $0x3  }
0x33: {  	p0 =	seq.s32 s10, $0x1;
	s10 =	sld [smem:$0x3FB3];
	_ =	sdelay $0x3  }
0x34: {  	[smem:$0x3FB3] =	sst s10  }
0x35: {  	s10 =	sld [smem:$0x3FB2];
	_ =	sdelay $0x3  }
0x36: {  	p1 =	seq.s32 s10, $0x1;
	s10 =	sld [smem:$0x3FB3];
	_ =	sdelay $0x3  }
0x37: {  	[smem:$0x3FB3] =	sst s10  }
0x38: {  	s10 =	sld [smem:$0x3FB4]  }
0x39: {  	_ = 	snop;
	(pc) =	sbr.ind lr, $3  }
0x3a: {  	_ = 	snop  }
0x3b: {  	_ = 	snop  }
0x3c: {  	p2 =	seq.s32 s10, $0x1;
	s10 =	sld [smem:$0x3FB3]  }
0x3d: {  	_ =	shalt  }
0x3e: {  	_ =	shalt  }
0x3f: {  	_ =	shalt  }
0x40: {  	_ =	shalt  }
0x41: {  	_ =	shalt  }
0x42: {  	_ =	shalt  }
0x43: {  	_ =	shalt  }
0x44: {  	_ =	shalt  }
0x45: {  	_ =	shalt  }
0x46: {  	_ =	shalt  }
0x47: {  	_ =	shalt  }
0x48: {  	_ =	shalt  }
0x49: {  	_ =	shalt  }
0x4a: {  	_ =	shalt  }
0x4b: {  	_ =	shalt  }
0x4c: {  	_ =	shalt  }
0x4d: {  	_ =	shalt  }
0x4e: {  	_ =	shalt  }
0x4f: {  	_ =	shalt  }
0x50: {  	_ =	shalt  }
0x51: {  	_ =	shalt  }
0x52: {  	_ =	shalt  }
0x53: {  	_ =	shalt  }
0x54: {  	_ =	shalt  }
0x55: {  	_ =	shalt  }
0x56: {  	_ =	shalt  }
0x57: {  	_ =	shalt  }
0x58: {  	_ =	shalt  }
0x59: {  	_ =	shalt  }
0x5a: {  	_ =	shalt  }
0x5b: {  	_ =	shalt  }
0x5c: {  	_ =	shalt  }
0x5d: {  	_ =	shalt  }
0x5e: {  	_ =	shalt  }
0x5f: {  	_ =	shalt  }
0x60: {  	_ =	shalt  }
0x61: {  	_ =	shalt  }
0x62: {  	_ =	shalt  }
0x63: {  	_ =	shalt  }
0x64: {  	_ =	shalt  }
0x65: {  	_ =	shalt  }
0x66: {  	_ =	shalt  }
0x67: {  	_ =	shalt  }
0x68: {  	_ =	shalt  }
0x69: {  	_ =	shalt  }
0x6a: {  	_ =	shalt  }
0x6b: {  	_ =	shalt  }
0x6c: {  	_ =	shalt  }
0x6d: {  	_ =	shalt  }
0x6e: {  	_ =	shalt  }
0x6f: {  	_ =	shalt  }
0x70: {  	_ =	shalt  }
0x71: {  	_ =	shalt  }
0x72: {  	_ =	shalt  }
0x73: {  	_ =	shalt  }
0x74: {  	_ =	shalt  }
0x75: {  	_ =	shalt  }
0x76: {  	_ =	shalt  }
0x77: {  	_ =	shalt  }
0x78: {  	_ =	shalt  }
0x79: {  	_ =	shalt  }
0x7a: {  	_ =	shalt  }
0x7b: {  	_ =	shalt  }
0x7c: {  	_ =	shalt  }
0x7d: {  	_ =	shalt  }
0x7e: {  	_ =	shalt  }
0x7f: {  	_ =	shalt  }
0x80: {  	_ =	shalt  }
0x81: {  	_ =	shalt  }
0x82: {  	_ =	shalt  }
0x83: {  	_ =	shalt  }
0x84: {  	_ =	shalt  }
0x85: {  	_ =	shalt  }
0x86: {  	_ =	shalt  }
0x87: {  	_ =	shalt  }
.Lfunc_end0:
.L_simem_size_0:
called_computation_lowered:
.L_overlay_start_0:
0x88: {  	s2 =	sld [smem:$0x3FD9]  }
0x89: {  	s3 =	sld [smem:$0x3FFE];
	_ =	sdelay $0x1  }
0x8a: {  	s1 =	srdreg.scid  }
0x8b: {  	s0 =	sand.u32 $0x1, s1  }
0x8c: {  	s17 =	sshll.u32 s0, $0xA;
	s2 =	sadd.s32 s3, s2  }
0x8d: {  	s2 =	sadd.s32 s2, s17  }
0x8e: {  	[smem:$0x3FBF] =	sst s2  }
0x8f: {  	_ = 	snop  }
0x90: {  	s2 =	sld [smem:$0x3FD0];
	(tm) =	ssettm $0x1  }
0x91: {  	s18 =	sld [smem:$0x3FFB];
	_ =	sdelay $0x3  }
0x92: {  	_ =	strace s18  }
0x93: {  	s3 =	sld [smem:$0x3FFC];
	_ =	sdelay $0x3  }
0x94: {  	_ =	strace s3  }
0x95: {  	s3 =	sld [smem:$0x3FFD];
	_ =	sdelay $0x3  }
0x96: {  	_ =	strace s3  }
0x97: {  	_ =	strace $0x8FFFFFFF  }
0x98: {  	s19 =	sld [smem:$0x3FDB];
	_ =	sdelay $0x1  }
0x99: {  	s4 =	simm.s32 $_scs_section_size  }
0x9a: {  	s5 =	simm.s32 $_size__tile_overlayer_lowered;
	s6 =	simm.s32 $_tile_overlayer_lowered  }
0x9b: {  	s22 =	simm.s32 $0x1BFF;
	s21 =	sshll.u32 s6, $0x1;
	s3 =	sadd.s32 s4, s19  }
0x9c: {  	s7 =	simm.s32 $0x0;
	s20 =	sshll.u32 s5, $0x1;
	s5 =	sadd.s32 s21, s3  }
0x9d: {  	[timem:s7], [sflag:s22] =	dma.local [hbm:s5], s20  }
0x9e: {  	_ =	swait.ge [sflag:s22], s20  }
0x9f: {  	s4 =	ssub.s32 $0x0, s20;
	[sflag:s22] =	ssyncset.done $0x0  }
0xa0: {  	[sflag:s22] =	ssyncadd.s32 s4;
	_ =	sdelay $0x1  }
0xa1: {  	s23 =	simm.s32 $0x1B8B  }
0xa2: {  	_ =	swait.ge [sflag:s23], $0x1  }
0xa3: {  	[sflag:s23] =	ssyncset.done $0x0  }
0xa4: {  	s25 =	simm.s32 $0x1B8E;
	s24 =	sld [smem:$0x3FFE];
	[sflag:s23] =	ssyncadd.s32 $0xFFFFFFFF  }
0xa5: {  	s26 =	simm.s32 $execute0_lowered;
	[smem:$0x3FD2] =	sst s25  }
0xa6: {  	s5 =	sshll.u32 s26, $0x1;
	_ =	strace $0x80000046;
	[dreg:$0x1] =	wrdreg $0xFFFFFFFF  }
0xa7: {  	s28 =	simm.s32 $_size_execute0_lowered;
	s3 =	sadd.s32 s3, s5;
	[dreg:$0x0] =	wrdreg $0x0  }
0xa8: {  	s5 =	sshll.u32 s28, $0x1;
	[dreg:$0x2] =	wrdreg s3  }
0xa9: {  	[dreg:$0x3] =	wrdreg s5  }
0xaa: {  	[dreg:$0x4] =	wrdreg $0xC0  }
0xab: {  	_ =	task [dreg:s7], $0x5FFFF  }
0xac: {  	[dreg:$0x1] =	wrdreg $0xFFFFFFFF  }
0xad: {  	[dreg:$0x0] =	wrdreg $0x60  }
0xae: {  	[dreg:$0x2] =	wrdreg s24  }
0xaf: {  	[dreg:$0x3] =	wrdreg s2  }
0xb0: {  	[dreg:$0x4] =	wrdreg $0x1C000  }
0xb1: {  	[dreg:$0x5] =	wrdreg $0x9  }
0xb2: {  	_ =	task.clear_ibuf [dreg:s7], $0x6FFFF;
	_ =	strace $0x90000046  }
0xb3: {  	s29 =	simm.s32 $0x9;
	_ =	strace $0x80000048  }
0xb4: {  	_ =	swait.ge [sflag:s29], $0x1  }
0xb5: {  	[sflag:s29] =	ssyncadd.s32 $0xFFFFFFFF  }
0xb6: {  	_ =	strace $0x90000048  }
0xb7: {  	_ =	sfence  }
0xb8: {  	s30 =	sld [smem:$0x0];
	_ =	sdelay $0x2  }
0xb9: {  	s31 =	sshll.u32 s1, $0xD;
	s1 =	sshrl.u32 s1, $0x2  }
0xba: {  	s3 =	sand.u32 $0x4000, s31;
	s1 =	sadd.s32 s1, s30  }
0xbb: {  	s0 =	sor.u32 s3, s0;
	s1 =	sshll.u32 s1, $0x11  }
0xbc: {  	s0 =	sor.u32 s1, s0  }
0xbd: {  	s0 =	sadd.s32 $0x8F2B, s0  }
0xbe: {  	[sflag:s0] =	ssyncadd.remote.s32 $0x1  }
0xbf: {  	_ =	sfence.sel $0xFFFF  }
0xc0: {  	[dreg:$0x0] =	wrdreg $0xFFFFFFFF;
	(pc) =	sbr.abs _section_cstart, $3  }
0xc1: {  	[dreg:$0x1] =	wrdreg $0xFFFFFFFF  }
0xc2: {  	_ =	task.clear_ibuf [dreg:s7], $0x2FFFF;
	_ =	strace $0x9FFFFFFF  }
0xc3: {  	(tm) =	ssettm $0x7FFFFFFF  }
tec
execute0_lowered:
.L_overlay_start_1:
0x0: {  	(tag) =	ssettag $0x1  }
0x1: {  	s6 =	rddreg [dreg:$0x0]  }
0x2: {  	s0 =	srdreg.scid;
	s2 =	rddreg [dreg:$0x1]  }
0x3: {  	s3 =	rddreg [dreg:$0x2];
	s4 =	simm.s32 $0x0;
	s13 =	simm.s32 $0x80  }
0x4: {  	s14 =	simm.s32 $0x0;
	s5 =	sand.u32 $0x1, s0;
	s0 =	stileid.u32  }
0x5: {  	[smem:$0x7FF] =	sst s4;
	s1 =	sshll.u32 s5, $0x4;
	s8 =	smul.u32 $0x2800, s0  }
0x6: {  	s9 =	smul.u32 $0x28000, s5;
	s5 =	ssub.s32 $0x2, s5;
	s1 =	sor.u32 s0, s1  }
0x7: {  	s31 =	sshll.u32 s0, $0x6;
	s11 =	sshrl.u32 s5, $0x1;
	s7 =	smul.u32 $0x280, s1  }
0x8: {  	s1 =	rddreg [dreg:$0x3];
	_ =	strace $0x80000047;
	s9 =	sadd.s32 s8, s9  }
0x9: {  	s10 =	sshrl.u32 s8, $0x3;
	s11 =	ssub.s32 s5, s11;
	s12 =	sadd.s32 s8, s3  }
0xa: {  	s9 =	sshrl.u32 s9, $0x3;
	s10 =	sadd.s32 s10, s6;
	s8 =	smax.u32 s11, $0x1  }
0xb: {  	s11 =	sor.u32 $0x1C01, s31;
	s12 =	sshrl.u32 s12, $0x3;
	s7 =	sadd.s32 s7, s6  }
0xc: {  	s9 =	sadd.s32 s9, s6;
	s5 =	sadd.s32 $0x7200, s10;
	s10 =	simm.s32 $0x1  }
0xd: {  	s6 =	sadd.s32 $0x2200, s7;
	s7 =	sadd.s32 $0xC200, s9;
	s9 =	simm.s32 $0x1400  }
.LBB2_1:
0xe: {  	[tilespmem:s9], [sflag:$0x1] =	stream.linear.gather [hbm4b:s2+s4], $0x800, $0x38;
	[tilespmem:$0x4400] =	vst v63  }
0xf: {  	_ =	swait.ge [sflag:s10], $0x800  }
0x10: {  	[sflag:s10] =	ssyncset.done $0x0  }
0x11: {  	[sflag:s10] =	ssyncadd.s32 $0xFFFFF800  }
0x12: {  	[spmem:s12], [sflag:s11] =	dma.local [hbm:s5], $0x500  }
0x13: {  	_ =	swait.ge [sflag:s10], $0x500  }
0x14: {  	[sflag:s10] =	ssyncset.done $0x0  }
0x15: {  	[sflag:s10] =	ssyncadd.s32 $0xFFFFFB00  }
0x16: {  	[tilespmem:s4], [sflag:$0x1] =	stream.linear.gather [hbm4b:s6+s4], $0x1400, $0x38;
	[tilespmem:$0x4400] =	vst v63  }
0x17: {  	_ =	swait.ge [sflag:s10], $0x1400  }
0x18: {  	[sflag:s10] =	ssyncset.done $0x0  }
0x19: {  	[sflag:s10] =	ssyncadd.s32 $0xFFFFEC00  }
0x1a: {  	s15 =	simm.s32 $0x0;
	[bflag:$0x0] =	sbarrier.arrive $0xFFFF  }
0x1b: {  	[spmem:s3] =	stream.indirect.scatter.add.f32 [tilespmem:s9], [sflag:$0x1], $0x10, s15, s13, $0xb8;
	[tilespmem:$0x4400] =	vst v63  }
0x1c: {  	_ =	swait.ge [sflag:s10], $0x800  }
0x1d: {  	s15 =	simm.s32 $0x200;
	[sflag:s10] =	ssyncset.done $0x0  }
.LBB2_2:
0x1e: {  	s16 =	sshra.s32 s15, $0x2;
	[sflag:s10] =	ssyncadd.s32 $0xFFFFF800;
	p0 =	sne.s32 s15, $0x4E00  }
0x1f: {  	[spmem:s3] =	stream.indirect.scatter.add.f32 [tilespmem:s9], [sflag:$0x1], $0x10, s16, s13, $0xb8;
	[tilespmem:$0x4400] =	vst v63  }
.Ltmp0:
0x20: {  	_ = 	snop;
	(pc) =	sbr.rel @p0 .LBB2_2-.Ltmp0, $4  }
0x21: {  	_ = 	snop  }
0x22: {  	s15 =	sadd.s32 $0x200, s15  }
0x23: {  	_ =	swait.ge [sflag:s10], $0x800  }
0x24: {  	[sflag:s10] =	ssyncset.done $0x0  }
0x25: {  	s14 =	sadd.s32 $0x1, s14  }
0x26: {  	[sflag:s10] =	ssyncadd.s32 $0xFFFFF800;
	p0 =	sne.s32 s14, s8  }
.Ltmp1:
0x27: {  	[bflag:$0x0] =	sbarrier.arrive $0xFFFF;
	(pc) =	sbr.rel @p0 .LBB2_1-.Ltmp1, $4  }
0x28: {  	[hbm:s7], [sflag:s11] =	dma.local [spmem:s12], $0x500  }
0x29: {  	_ =	swait.ge [sflag:s10], $0x500  }
0x2a: {  	[sflag:s10] =	ssyncset.done $0x0  }
0x2b: {  	[sflag:s10] =	ssyncadd.s32 $0xFFFFFB00  }
0x2c: {  	_ =	sfence.sel $0x180000  }
0x2d: {  	[bflag:$0x0] =	sbarrier.arrive $0xFFFF  }
0x2e: {  	p0 =	sne.s32 s0, $0x0;
	_ =	strace $0x90000047  }
0x2f: {  	s0 =	sadd.s32 @!p0 $0x100000, s1;
	[bflag:$0x2] =	sbarrier.arrive $0xFFFF  }
0x30: {  	[sflag:s0] =	ssyncadd.tile.s32 @!p0 $0x1;
	_ =	shalt  }
.Lfunc_end2:
_tile_overlayer_lowered:
.L_overlay_start_2:
0x31: {  	(tag) =	ssettag $0x2  }
0x32: {  	s0 =	rddreg [dreg:$0x0];
	s2 =	stileid.u32  }
0x33: {  	s1 =	rddreg [dreg:$0x1];
	p0 =	sne.s32 s2, $0x0  }
0x34: {  	s3 =	rddreg [dreg:$0x2];
	[bflag:$0x3] =	sbarrier.arrive $0xFFFF;
	s2 =	simm.s32 @!p0 $0x1C01  }
0x35: {  	[timem:s3], [sflag:s2] =	dma.local @!p0 [hbm:s0], s1  }
0x36: {  	s0 =	simm.s32 @!p0 $0x1  }
0x37: {  	_ =	swait.ge @!p0 [sflag:s0], s1  }
0x38: {  	s1 =	ssub.s32 @!p0 $0x0, s1;
	[sflag:s0] =	ssyncset.done @!p0 $0x0  }
0x39: {  	[sflag:s0] =	ssyncadd.s32 @!p0 s1  }
0x3a: {  	[bflag:$0x3] =	sbarrier.arrive $0xFFFF  }
0x3b: {  	_ =	shalt  }

</sc_bundles>
